<compile_context>
chip_gen: v7x
topology: tpu7x:2x2x1
jax: 0.10.2.dev20260603
libtpu: 0.0.44.dev20260713+nightly
codegen_flags: <defaults>
</compile_context>

<pallas_src>
import functools
import jax
import jax.numpy as jnp
from jax import lax
from jax.experimental import pallas as pl
from jax.experimental.pallas import tpu as pltpu
from jax.experimental.pallas import tpu_sc as plsc

N = 10000
E = 160000
EMB = 300
NL = 5
TEMP = 0.04
SH = 128
NSH = 3
PF = NSH * SH
NT = 16
EBLK = 128
EPAD = 163840
NBLK = EPAD // NT // EBLK
NBLK2 = EPAD // (2 * NT) // EBLK
AR = 10240
DUMMY = N
ZCH = AR // NT
ND = 2048
NU = 2 * ND
NG = 2 * NU
RB = 1280
NRB = AR // RB

_mesh = plsc.VectorSubcoreMesh(core_axis_name="c", subcore_axis_name="s")



def _chunk_b(arr_hbm, c, s):
    return arr_hbm.at[c * 8 + s // 2].at[pl.ds((s % 2) * NBLK2, NBLK2)]


@functools.partial(
    pl.kernel, mesh=_mesh,
    out_type=[
        jax.ShapeDtypeStruct((AR, SH), jnp.float32),
        jax.ShapeDtypeStruct((AR, SH), jnp.float32),
        jax.ShapeDtypeStruct((2, AR, SH), jnp.float32),
    ],
    scratch_types=[
        pltpu.VMEM((NBLK, EBLK), jnp.int32),
        pltpu.VMEM((NBLK, EBLK), jnp.int32),
        pltpu.VMEM((NBLK2, EBLK), jnp.int32),
        pltpu.VMEM((NBLK2, EBLK), jnp.int32),
        pltpu.VMEM((EBLK, SH), jnp.float32),
        pltpu.VMEM_SHARED((AR, SH), jnp.float32),
        pltpu.SemaphoreType.DMA,
    ],
)
def _spmm(h0_hbm, h1_hbm, h2_hbm, srcs_hbm, dsts_hbm, zeros_hbm,
          nbr0_hbm, nbr1_hbm, nbr2_hbm,
          srca_v, dsta_v, srcb_v, dstb_v, rows_v, acc_sp, sem):
    c = lax.axis_index("c")
    s = lax.axis_index("s")
    pltpu.sync_copy(zeros_hbm, acc_sp.at[pl.ds(s * ZCH, ZCH)])
    pltpu.sync_copy(srcs_hbm.at[s], srca_v)
    pltpu.sync_copy(dsts_hbm.at[s], dsta_v)
    pltpu.sync_copy(_chunk_b(srcs_hbm, c, s), srcb_v)
    pltpu.sync_copy(_chunk_b(dsts_hbm, c, s), dstb_v)
    plsc.subcore_barrier()

    def make_body(tab):
        def body(b, carry):
            pltpu.async_copy(tab.at[srca_v.at[b]], rows_v, sem).wait()
            pltpu.sync_copy(rows_v, acc_sp.at[dsta_v.at[b]], add=True)
            return carry
        return body

    @pl.when(c == 0)
    def _():
        lax.fori_loop(0, NBLK, make_body(h0_hbm), 0)

    @pl.when(c == 1)
    def _():
        lax.fori_loop(0, NBLK, make_body(h1_hbm), 0)

    plsc.subcore_barrier()

    @pl.when(c == 0)
    def _():
        pltpu.sync_copy(acc_sp.at[pl.ds(s * ZCH, ZCH)],
                        nbr0_hbm.at[pl.ds(s * ZCH, ZCH)])

    @pl.when(c == 1)
    def _():
        pltpu.sync_copy(acc_sp.at[pl.ds(s * ZCH, ZCH)],
                        nbr1_hbm.at[pl.ds(s * ZCH, ZCH)])

    pltpu.sync_copy(zeros_hbm, acc_sp.at[pl.ds(s * ZCH, ZCH)])
    plsc.subcore_barrier()

    def body_b(b, carry):
        pltpu.async_copy(h2_hbm.at[srcb_v.at[b]], rows_v, sem).wait()
        pltpu.sync_copy(rows_v, acc_sp.at[dstb_v.at[b]], add=True)
        return carry

    lax.fori_loop(0, NBLK2, body_b, 0)
    plsc.subcore_barrier()
    pltpu.sync_copy(acc_sp.at[pl.ds(s * ZCH, ZCH)],
                    nbr2_hbm.at[c].at[pl.ds(s * ZCH, ZCH)])


@functools.partial(
    pl.kernel, mesh=_mesh,
    out_type=jax.ShapeDtypeStruct((2, AR, SH), jnp.float32),
    scratch_types=[
        pltpu.VMEM((NBLK2, EBLK), jnp.int32),
        pltpu.VMEM((NBLK2, EBLK), jnp.int32),
        pltpu.VMEM((EBLK, SH), jnp.float32),
        pltpu.VMEM_SHARED((AR, SH), jnp.float32),
        pltpu.SemaphoreType.DMA,
    ],
)
def _counts(tab_hbm, aidx_hbm, dsts_hbm, zeros_hbm, out_hbm,
            a_v, dst_v, rows_v, acc_sp, sem):
    c = lax.axis_index("c")
    s = lax.axis_index("s")
    pltpu.sync_copy(zeros_hbm, acc_sp.at[pl.ds(s * ZCH, ZCH)])
    pltpu.sync_copy(aidx_hbm.at[c].at[s], a_v)
    pltpu.sync_copy(_chunk_b(dsts_hbm, c, s), dst_v)
    plsc.subcore_barrier()

    def body(b, carry):
        pltpu.async_copy(tab_hbm.at[a_v.at[b]], rows_v, sem).wait()
        pltpu.sync_copy(rows_v, acc_sp.at[dst_v.at[b]], add=True)
        return carry

    lax.fori_loop(0, NBLK2, body, 0)
    plsc.subcore_barrier()
    pltpu.sync_copy(acc_sp.at[pl.ds(s * ZCH, ZCH)],
                    out_hbm.at[c].at[pl.ds(s * ZCH, ZCH)])


_GB = NU // NT // EBLK


@functools.partial(
    pl.kernel, mesh=_mesh,
    out_type=[jax.ShapeDtypeStruct((NG, SH), jnp.float32)] * NSH,
    scratch_types=[
        pltpu.VMEM((_GB, EBLK), jnp.int32),
        pltpu.VMEM((EBLK, SH), jnp.float32),
        pltpu.SemaphoreType.DMA,
    ],
)
def _gather_uv(t0_hbm, t1_hbm, t2_hbm, idx_hbm,
               g0_hbm, g1_hbm, g2_hbm, idx_v, rows_v, sem):
    c = lax.axis_index("c")
    s = lax.axis_index("s")
    base = c * NU + s * (_GB * EBLK)
    pltpu.sync_copy(idx_hbm.at[c].at[s], idx_v)
    for tab, out in ((t0_hbm, g0_hbm), (t1_hbm, g1_hbm), (t2_hbm, g2_hbm)):
        def body(b, carry, tab=tab, out=out):
            pltpu.async_copy(tab.at[idx_v.at[b]], rows_v, sem).wait()
            pltpu.sync_copy(rows_v, out.at[pl.ds(base + b * EBLK, EBLK)])
            return carry
        lax.fori_loop(0, _GB, body, 0)



def _bdot(a, b):
    return jnp.dot(a.astype(jnp.bfloat16), b.astype(jnp.bfloat16),
                   preferred_element_type=jnp.float32)


def _shard_in_specs():
    return [pl.BlockSpec((RB, SH), lambda i: (i, 0)) for _ in range(NSH)]


def _shard_out_specs():
    return [pl.BlockSpec((RB, SH), lambda i: (i, 0)) for _ in range(NSH)]


def _full(shape):
    return pl.BlockSpec(shape, lambda i: tuple(0 for _ in shape))


def _embed_body(x_ref, temb_ref, o0_ref, o1_ref, o2_ref):
    x0 = x_ref[:, 0]
    x1 = x_ref[:, 1] + 8
    it = lax.broadcasted_iota(jnp.int32, (RB, 16), 1)
    oh = (it == x0[:, None]).astype(jnp.float32) + (it == x1[:, None]).astype(jnp.float32)
    h = jnp.dot(oh, temb_ref[...], precision=lax.Precision.HIGHEST, preferred_element_type=jnp.float32)
    for k, o in enumerate((o0_ref, o1_ref, o2_ref)):
        o[...] = h[:, k * SH:(k + 1) * SH]


_embed = pl.pallas_call(
    _embed_body,
    grid=(NRB,),
    in_specs=[pl.BlockSpec((RB, 2), lambda i: (i, 0)), _full((16, PF))],
    out_specs=_shard_out_specs(),
    out_shape=[jax.ShapeDtypeStruct((AR, SH), jnp.float32)] * NSH,
)


def _mlp_body(nbr0_ref, nbr1_ref, n2a_ref, n2b_ref, h0_ref, h1_ref, h2_ref,
              cta_ref, ctb_ref, tl_ref, sr_ref, w1_ref, b1_ref, w2_ref, b2_ref,
              o0_ref, o1_ref, o2_ref, st_ref):
    h = jnp.concatenate([h0_ref[...], h1_ref[...], h2_ref[...]], axis=1)
    nbr = jnp.concatenate(
        [nbr0_ref[...], nbr1_ref[...], n2a_ref[0] + n2b_ref[0]], axis=1)
    cnt = cta_ref[0][:, 0:16] + ctb_ref[0][:, 0:16]
    agg = h + nbr + jnp.dot(cnt, tl_ref[...], precision=lax.Precision.HIGHEST, preferred_element_type=jnp.float32) + sr_ref[...]
    z = jnp.maximum(_bdot(agg, w1_ref[...]) + b1_ref[...], 0.0)
    h2 = _bdot(z, w2_ref[...]) + b2_ref[...]
    i = pl.program_id(0)
    rowid = i * RB + lax.broadcasted_iota(jnp.int32, (RB, 1), 0)
    h2m = jnp.where(rowid < N, h2, 0.0)
    st_ref[0, 0, :] = jnp.sum(h2m, axis=0)
    st_ref[0, 1, :] = jnp.sum(h2m * h2m, axis=0)
    for k, o in enumerate((o0_ref, o1_ref, o2_ref)):
        o[...] = h2[:, k * SH:(k + 1) * SH]


_mlp = pl.pallas_call(
    _mlp_body,
    grid=(NRB,),
    in_specs=(
        [pl.BlockSpec((RB, SH), lambda i: (i, 0)),
         pl.BlockSpec((RB, SH), lambda i: (i, 0)),
         pl.BlockSpec((1, RB, SH), lambda i: (0, i, 0)),
         pl.BlockSpec((1, RB, SH), lambda i: (1, i, 0))]
        + _shard_in_specs()
        + [pl.BlockSpec((1, RB, SH), lambda i: (0, i, 0)),
           pl.BlockSpec((1, RB, SH), lambda i: (1, i, 0)),
           _full((16, PF)), _full((PF,)),
           _full((PF, 2 * PF)), _full((2 * PF,)),
           _full((2 * PF, PF)), _full((PF,))]
    ),
    out_specs=_shard_out_specs() + [pl.BlockSpec((1, 2, PF), lambda i: (i, 0, 0))],
    out_shape=[jax.ShapeDtypeStruct((AR, SH), jnp.float32)] * NSH
    + [jax.ShapeDtypeStruct((NRB, 2, PF), jnp.float32)],
)


def _bn_body(last, h0_ref, h1_ref, h2_ref, st_ref, g_ref, be_ref,
             o0_ref, o1_ref, o2_ref):
    ssum = jnp.sum(st_ref[:, 0, :], axis=0)
    mean = ssum * (1.0 / N)
    rowmask = lax.broadcasted_iota(jnp.int32, (AR, 1), 0) < N
    for k, (hr, o) in enumerate(((h0_ref, o0_ref), (h1_ref, o1_ref), (h2_ref, o2_ref))):
        d = jnp.where(rowmask, hr[...] - mean[k * SH:(k + 1) * SH], 0.0)
        var = jnp.sum(d * d, axis=0) * (1.0 / N)
        y = d * (g_ref[k * SH:(k + 1) * SH] / jnp.sqrt(var + 1e-5)) + be_ref[k * SH:(k + 1) * SH]
        if not last:
            y = jnp.maximum(y, 0.0)
        o[...] = y


def _make_bn(last):
    return pl.pallas_call(
        functools.partial(_bn_body, last),
        out_shape=[jax.ShapeDtypeStruct((AR, SH), jnp.float32)] * NSH,
    )


_bn_mid = _make_bn(False)
_bn_last = _make_bn(True)


def _head_body(h0_ref, h1_ref, h2_ref, w1_ref, b1_ref, w2_ref, b2_ref,
               o0_ref, o1_ref, o2_ref):
    h = jnp.concatenate([h0_ref[...], h1_ref[...], h2_ref[...]], axis=1)
    z = jnp.maximum(_bdot(h, w1_ref[...]) + b1_ref[...], 0.0)
    o = _bdot(z, w2_ref[...]) + b2_ref[...]
    for k, orf in enumerate((o0_ref, o1_ref, o2_ref)):
        orf[...] = o[:, k * SH:(k + 1) * SH]


_head = pl.pallas_call(
    _head_body,
    grid=(NRB,),
    in_specs=_shard_in_specs() + [
        _full((PF, 2 * PF)), _full((2 * PF,)),
        _full((2 * PF, PF)), _full((PF,))],
    out_specs=_shard_out_specs(),
    out_shape=[jax.ShapeDtypeStruct((AR, SH), jnp.float32)] * NSH,
)


_PB = 512


def _pred_body(g0u_ref, g1u_ref, g2u_ref, g0v_ref, g1v_ref, g2v_ref,
               attr_ref, tedge_ref,
               w1_ref, b1_ref, w2_ref, b2_ref, f0_ref, f1_ref):
    ru = jnp.concatenate(
        [g0u_ref[...], g1u_ref[...], g2u_ref[...]], axis=1)
    rv = jnp.concatenate(
        [g0v_ref[...], g1v_ref[...], g2v_ref[...]], axis=1)
    a0 = attr_ref[:, 0]
    a1 = attr_ref[:, 1] + 8
    it = lax.broadcasted_iota(jnp.int32, (_PB, 16), 1)
    oh = (it == a0[:, None]).astype(jnp.float32) + (it == a1[:, None]).astype(jnp.float32)
    out0 = ru + jnp.dot(oh, tedge_ref[...], precision=lax.Precision.HIGHEST, preferred_element_type=jnp.float32)
    z = jnp.maximum(_bdot(out0, w1_ref[...]) + b1_ref[...], 0.0)
    out0 = _bdot(z, w2_ref[...]) + b2_ref[...]
    n0 = jnp.sqrt(jnp.sum(out0 * out0, axis=1, keepdims=True))
    f0_ref[...] = out0 / jnp.maximum(n0, 1e-12)
    n1 = jnp.sqrt(jnp.sum(rv * rv, axis=1, keepdims=True))
    f1_ref[...] = rv / jnp.maximum(n1, 1e-12)


_pred = pl.pallas_call(
    _pred_body,
    grid=(NU // _PB,),
    in_specs=[
        pl.BlockSpec((_PB, SH), lambda i: (i, 0)),
        pl.BlockSpec((_PB, SH), lambda i: (i, 0)),
        pl.BlockSpec((_PB, SH), lambda i: (i, 0)),
        pl.BlockSpec((_PB, SH), lambda i: (i + NU // _PB, 0)),
        pl.BlockSpec((_PB, SH), lambda i: (i + NU // _PB, 0)),
        pl.BlockSpec((_PB, SH), lambda i: (i + NU // _PB, 0)),
        pl.BlockSpec((_PB, 2), lambda i: (i, 0)),
        _full((16, PF)),
        _full((PF, 2 * PF)), _full((2 * PF,)),
        _full((2 * PF, PF)), _full((PF,))],
    out_specs=[
        pl.BlockSpec((_PB, PF), lambda i: (i, 0)),
        pl.BlockSpec((_PB, PF), lambda i: (i, 0)),
    ],
    out_shape=[
        jax.ShapeDtypeStruct((NU, PF), jnp.float32),
        jax.ShapeDtypeStruct((NU, PF), jnp.float32),
    ],
)


def _logits_body(f0_ref, f1_ref, out_ref):
    out_ref[...] = lax.dot_general(
        f0_ref[...].astype(jnp.bfloat16), f1_ref[...].astype(jnp.bfloat16),
        (((1,), (1,)), ((), ())),
        preferred_element_type=jnp.float32) * (1.0 / TEMP)


_LB = 512
_logits = pl.pallas_call(
    _logits_body,
    grid=(NU // _LB,),
    in_specs=[
        pl.BlockSpec((_LB, PF), lambda i: (i, 0)),
        pl.BlockSpec((NU, PF), lambda i: (0, 0)),
    ],
    out_specs=pl.BlockSpec((_LB, NU), lambda i: (i, 0)),
    out_shape=jax.ShapeDtypeStruct((NU, NU), jnp.float32),
)



def _pad2(w, r, c):
    return jnp.zeros((r, c), jnp.float32).at[:w.shape[0], :w.shape[1]].set(w)


def _pad1(b, n):
    return jnp.zeros((n,), jnp.float32).at[:b.shape[0]].set(b)


def _tab16(t1, t2):
    z = jnp.zeros((16, PF), jnp.float32)
    z = z.at[0:3, 0:EMB].set(t1[:3])
    z = z.at[8:11, 0:EMB].set(t2[:3])
    return z


def _cnt_table():
    t = jnp.zeros((16, SH), jnp.float32)
    a = jnp.arange(9)
    t = t.at[a, a % 3].add(1.0)
    t = t.at[a, 8 + a // 3].add(1.0)
    return t


def kernel(x, edge_index, edge_attr, dangling_edge_index, dangling_edge_attr,
           dangling_mask, frag_batch, frag_num_nodes, params):
    p = params
    pad = EPAD - E
    srcs = jnp.concatenate(
        [edge_index[0], jnp.zeros((pad,), jnp.int32)]).reshape(NT, NBLK, EBLK)
    dsts = jnp.concatenate(
        [edge_index[1], jnp.full((pad,), DUMMY, jnp.int32)]).reshape(NT, NBLK, EBLK)
    aidx = jnp.concatenate(
        [edge_attr[:, 0] + 3 * edge_attr[:, 1], jnp.zeros((pad,), jnp.int32)]
    ).reshape(2, NT, NBLK2, EBLK)
    zeros_sh = jnp.zeros((ZCH, SH), jnp.float32)

    u = jnp.concatenate([dangling_edge_index[0], dangling_edge_index[1]])
    v = jnp.concatenate([dangling_edge_index[1], dangling_edge_index[0]])
    uvidx = jnp.concatenate([u, v]).reshape(2, NT, _GB, EBLK)
    uv_attr = jnp.concatenate([dangling_edge_attr, dangling_edge_attr], axis=0)

    temb = _tab16(p['atom_emb1'], p['atom_emb2'])
    tedge = _tab16(p['edge_emb1'], p['edge_emb2'])

    h = _embed(x, temb)
    cnt2 = _counts(_cnt_table(), aidx, dsts, zeros_sh)

    for l in range(NL):
        tl = _tab16(p['l%d_ee1' % l], p['l%d_ee2' % l])
        selfrow = _pad1(p['l%d_ee1' % l][4] + p['l%d_ee2' % l][0], PF)
        w1 = _pad2(p['l%d_W1' % l], PF, 2 * PF)
        b1 = _pad1(p['l%d_b1' % l], 2 * PF)
        w2 = _pad2(p['l%d_W2' % l], 2 * PF, PF)
        b2 = _pad1(p['l%d_b2' % l], PF)
        g = _pad1(p['l%d_gamma' % l], PF)
        be = _pad1(p['l%d_beta' % l], PF)
        nbr0, nbr1, nbr2 = _spmm(h[0], h[1], h[2], srcs, dsts, zeros_sh)
        h2s0, h2s1, h2s2, st = _mlp(nbr0, nbr1, nbr2, nbr2, h[0], h[1], h[2],
                                    cnt2, cnt2, tl, selfrow, w1, b1, w2, b2)
        bn = _bn_last if l == NL - 1 else _bn_mid
        h = bn(h2s0, h2s1, h2s2, st, g, be)

    wb1 = _pad2(jnp.concatenate([p['dproj_W1'], p['proj_W1']], axis=1), PF, 2 * PF)
    bb1 = _pad1(jnp.concatenate([p['dproj_b1'], p['proj_b1']]), 2 * PF)
    wb2 = _pad2(jnp.concatenate([p['dproj_W2'], p['proj_W2']], axis=0), 2 * PF, PF)
    bb2 = _pad1(p['dproj_b2'] + p['proj_b2'], PF)
    o = _head(h[0], h[1], h[2], wb1, bb1, wb2, bb2)

    g0, g1, g2 = _gather_uv(o[0], o[1], o[2], uvidx)

    pw1 = _pad2(p['pred_W1'], PF, 2 * PF)
    pb1 = _pad1(p['pred_b1'], 2 * PF)
    pw2 = _pad2(p['pred_W2'], 2 * PF, PF)
    pb2 = _pad1(p['pred_b2'], PF)
    f0, f1 = _pred(g0, g1, g2, g0, g1, g2, uv_attr, tedge, pw1, pb1, pw2, pb2)

    logits = _logits(f0, f1)
    targets = jnp.arange(NU, dtype=jnp.int32)
    return logits, targets

# --- scband reference (transcript-rebuilt; emitter-appended) ---
"""Pipeline reference for scband-model-32152125178304 (READ-ONLY COPY).

The authoritative reference and input builder live on the scoring server;
editing this copy changes nothing except your own understanding.
"""

import jax, jax.numpy as jnp
import numpy as np

N = 10000; E = 160000; D = 2048; EMB = 300; NL = 5; TEMP = 0.04


def setup_inputs(seed: int = 0) -> dict:
    key = jax.random.key(seed)
    keys = [jax.random.fold_in(key, i) for i in range(64)]
    it = iter(keys)
    inp = {}
    inp['x'] = jax.random.randint(next(it), (N, 2), 0, 3, dtype=jnp.int32)
    inp['edge_index'] = jax.random.randint(next(it), (2, E), 0, N, dtype=jnp.int32)
    inp['edge_attr'] = jax.random.randint(next(it), (E, 2), 0, 3, dtype=jnp.int32)
    inp['dangling_edge_index'] = jax.random.randint(next(it), (2, D), 0, N, dtype=jnp.int32)
    inp['dangling_edge_attr'] = jax.random.randint(next(it), (D, 2), 0, 3, dtype=jnp.int32)
    inp['dangling_mask'] = jnp.ones((N,), dtype=bool)
    inp['frag_batch'] = jnp.arange(N, dtype=jnp.int32)
    inp['frag_num_nodes'] = jnp.ones((N,), dtype=jnp.int32)
    def rn(shape, scale):
        return jax.random.normal(next(it), shape, dtype=jnp.float32) * scale
    p = {}
    p['atom_emb1'] = rn((120, EMB), 0.05)
    p['atom_emb2'] = rn((3, EMB), 0.05)
    for l in range(NL):
        p['l%d_ee1' % l] = rn((6, EMB), 0.05)
        p['l%d_ee2' % l] = rn((3, EMB), 0.05)
        p['l%d_W1' % l] = rn((EMB, 2 * EMB), (1.0 / EMB) ** 0.5)
        p['l%d_b1' % l] = jnp.zeros((2 * EMB,), dtype=jnp.float32)
        p['l%d_W2' % l] = rn((2 * EMB, EMB), (1.0 / (2 * EMB)) ** 0.5)
        p['l%d_b2' % l] = jnp.zeros((EMB,), dtype=jnp.float32)
        p['l%d_gamma' % l] = jnp.ones((EMB,), dtype=jnp.float32)
        p['l%d_beta' % l] = jnp.zeros((EMB,), dtype=jnp.float32)
    for name in ['proj', 'dproj']:
        p[name + '_W1'] = rn((EMB, EMB), (1.0 / EMB) ** 0.5)
        p[name + '_b1'] = jnp.zeros((EMB,), dtype=jnp.float32)
        p[name + '_W2'] = rn((EMB, EMB), (1.0 / EMB) ** 0.5)
        p[name + '_b2'] = jnp.zeros((EMB,), dtype=jnp.float32)
    p['pred_W1'] = rn((EMB, 2 * EMB), (1.0 / EMB) ** 0.5)
    p['pred_b1'] = jnp.zeros((2 * EMB,), dtype=jnp.float32)
    p['pred_W2'] = rn((2 * EMB, EMB), (1.0 / (2 * EMB)) ** 0.5)
    p['pred_b2'] = jnp.zeros((EMB,), dtype=jnp.float32)
    p['edge_emb1'] = rn((6, EMB), 0.05)
    p['edge_emb2'] = rn((3, EMB), 0.05)
    inp['params'] = p
    return inp


def _forward(params, x, edge_index, edge_attr, dangling_edge_index, dangling_edge_attr, dangling_mask, frag_batch, frag_num_nodes):
    n = x.shape[0]
    h = params['atom_emb1'][x[:, 0]] + params['atom_emb2'][x[:, 1]]
    sl = jnp.arange(n, dtype=edge_index.dtype)
    src = jnp.concatenate([edge_index[0], sl])
    dst = jnp.concatenate([edge_index[1], sl])
    sl_attr = jnp.concatenate([edge_attr, jnp.stack([jnp.full((n,), 4, dtype=edge_attr.dtype), jnp.zeros((n,), dtype=edge_attr.dtype)], axis=1)], axis=0)
    for l in range(NL):
        eemb = params['l%d_ee1' % l][sl_attr[:, 0]] + params['l%d_ee2' % l][sl_attr[:, 1]]
        msg = h[src] + eemb
        agg = jax.ops.segment_sum(msg, dst, num_segments=n)
        h2 = jax.nn.relu(agg @ params['l%d_W1' % l] + params['l%d_b1' % l]) @ params['l%d_W2' % l] + params['l%d_b2' % l]
        mean = h2.mean(axis=0)
        var = h2.var(axis=0)
        h2 = (h2 - mean) / jnp.sqrt(var + 1e-5) * params['l%d_gamma' % l] + params['l%d_beta' % l]
        if l < NL - 1:
            h2 = jax.nn.relu(h2)
        h = h2
    out = h
    d_out = jnp.where(dangling_mask[:, None], out, 0.0)
    d_out = jax.nn.relu(d_out @ params['dproj_W1'] + params['dproj_b1']) @ params['dproj_W2'] + params['dproj_b2']
    fsum = jax.ops.segment_sum(out, frag_batch, num_segments=n)
    fcnt = jax.ops.segment_sum(jnp.ones((n,), dtype=jnp.float32), frag_batch, num_segments=n)
    fmean = fsum / jnp.maximum(fcnt, 1.0)[:, None]
    f_out = jax.nn.relu(fmean @ params['proj_W1'] + params['proj_b1']) @ params['proj_W2'] + params['proj_b2']
    f_out = jnp.repeat(f_out, frag_num_nodes, axis=0, total_repeat_length=n)
    f_out = jnp.where(dangling_mask[:, None], f_out, 0.0)
    out = d_out + f_out
    u = jnp.concatenate([dangling_edge_index[0], dangling_edge_index[1]])
    v = jnp.concatenate([dangling_edge_index[1], dangling_edge_index[0]])
    uv_attr = jnp.concatenate([dangling_edge_attr, dangling_edge_attr], axis=0)
    out0 = out[u]
    ee = params['edge_emb1'][uv_attr[:, 0]] + params['edge_emb2'][uv_attr[:, 1]]
    out0 = out0 + ee
    out0 = jax.nn.relu(out0 @ params['pred_W1'] + params['pred_b1']) @ params['pred_W2'] + params['pred_b2']
    f0 = out0 / jnp.maximum(jnp.linalg.norm(out0, axis=1, keepdims=True), 1e-12)
    out1 = out[v]
    f1 = out1 / jnp.maximum(jnp.linalg.norm(out1, axis=1, keepdims=True), 1e-12)
    logits = (f0 @ f1.T) / TEMP
    targets = jnp.arange(logits.shape[0], dtype=jnp.int32)
    return logits, targets


def reference(x, edge_index, edge_attr, dangling_edge_index, dangling_edge_attr, dangling_mask, frag_batch, frag_num_nodes, params):
    return _forward(params, x, edge_index, edge_attr, dangling_edge_index, dangling_edge_attr, dangling_mask, frag_batch, frag_num_nodes)

if __name__ == "__main__":
    import jax
    _d = setup_inputs()
    print(jax.jit(kernel)(*tuple(_d.values())))

</pallas_src>

<mosaic_0001>
#map = affine_map<(d0, d1) -> (0, 0)>
#map1 = affine_map<(d0, d1) -> (0, 0, 0)>
module attributes {stable_mosaic.version = 14 : i64} {
  func.func @_spmm(%arg0: i32, %arg1: i32, %arg2: memref<10240x128xf32, #tpu.memory_space<hbm>>, %arg3: memref<10240x128xf32, #tpu.memory_space<hbm>>, %arg4: memref<10240x128xf32, #tpu.memory_space<hbm>>, %arg5: memref<16x80x128xi32, #tpu.memory_space<hbm>>, %arg6: memref<16x80x128xi32, #tpu.memory_space<hbm>>, %arg7: memref<640x128xf32, #tpu.memory_space<hbm>>, %arg8: memref<10240x128xf32, #tpu.memory_space<hbm>>, %arg9: memref<10240x128xf32, #tpu.memory_space<hbm>>, %arg10: memref<2x10240x128xf32, #tpu.memory_space<hbm>>, %arg11: memref<80x128xi32, #tpu.memory_space<vmem>>, %arg12: memref<80x128xi32, #tpu.memory_space<vmem>>, %arg13: memref<40x128xi32, #tpu.memory_space<vmem>>, %arg14: memref<40x128xi32, #tpu.memory_space<vmem>>, %arg15: memref<128x128xf32, #tpu.memory_space<vmem>>, %arg16: memref<10240x128xf32, #tpu.memory_space<vmem_shared>>, %arg17: memref<!tpu.dma_semaphore, #tpu.memory_space<semaphore_mem>>) attributes {dimension_semantics = [#tpu.dimension_semantics<core_parallel>, #tpu.dimension_semantics<subcore_parallel>], iteration_bounds = array<i64: 2, 16>, scalar_prefetch = 0 : i64, scratch_operands = 7 : i64, tpu.core_type = #tpu.core_type<sc_vector_subcore>, window_params = [{transform_indices = #map}, {transform_indices = #map}, {transform_indices = #map}, {transform_indices = #map1}, {transform_indices = #map1}, {transform_indices = #map}, {transform_indices = #map}, {transform_indices = #map}, {transform_indices = #map1}]} {
    %mul3A = arith.constant 640 : i32
    %mul3A_0 = arith.muli %arg1, %mul3A : i32
    "tpu.region"() ({
      %run_scoped3A = tpu.sem_alloc : memref<!tpu.dma_semaphore, #tpu.memory_space<semaphore_mem>>
      %dma_start3A = arith.constant 0 : i32
      %dma_start3A_112 = tpu.memref_slice %arg16[%mul3A_0, %dma_start3A] : memref<10240x128xf32, #tpu.memory_space<vmem_shared>> -> memref<640x128xf32, #tpu.memory_space<vmem_shared>>
      tpu.enqueue_dma source(%arg7 : memref<640x128xf32, #tpu.memory_space<hbm>>) target(%dma_start3A_112 : memref<640x128xf32, #tpu.memory_space<vmem_shared>>) target_semaphore(%run_scoped3A : memref<!tpu.dma_semaphore, #tpu.memory_space<semaphore_mem>>)
      %dma_wait3A = arith.constant 0 : i32
      %dma_wait3A_113 = tpu.memref_slice %arg16[%mul3A_0, %dma_wait3A] : memref<10240x128xf32, #tpu.memory_space<vmem_shared>> -> memref<640x128xf32, #tpu.memory_space<vmem_shared>>
      tpu.wait_dma2 semaphore(%run_scoped3A : memref<!tpu.dma_semaphore, #tpu.memory_space<semaphore_mem>>) src(%arg7 : memref<640x128xf32, #tpu.memory_space<hbm>>) dst(%dma_wait3A_113 : memref<640x128xf32, #tpu.memory_space<vmem_shared>>)
      tpu.yield
    }) : () -> ()
    "tpu.region"() ({
      %run_scoped3A = tpu.sem_alloc : memref<!tpu.dma_semaphore, #tpu.memory_space<semaphore_mem>>
      %dma_start3A = arith.constant 0 : i32
      %dma_start3A_112 = arith.constant 0 : i32
      %dma_start3A_113 = tpu.memref_slice %arg5[%arg1, %dma_start3A, %dma_start3A_112] : memref<16x80x128xi32, #tpu.memory_space<hbm>> -> memref<1x80x128xi32, #tpu.memory_space<hbm>>
      %dma_start3A_114 = tpu.memref_squeeze %dma_start3A_113 : memref<1x80x128xi32, #tpu.memory_space<hbm>> -> memref<80x128xi32, #tpu.memory_space<hbm>>
      %dma_start3A_115 = arith.constant 0 : i32
      %dma_start3A_116 = arith.constant 0 : i32
      %dma_start3A_117 = tpu.memref_slice %arg5[%arg1, %dma_start3A_115, %dma_start3A_116] : memref<16x80x128xi32, #tpu.memory_space<hbm>> -> memref<1x80x128xi32, #tpu.memory_space<hbm>>
      %dma_start3A_118 = tpu.memref_squeeze %dma_start3A_117 : memref<1x80x128xi32, #tpu.memory_space<hbm>> -> memref<80x128xi32, #tpu.memory_space<hbm>>
      tpu.enqueue_dma source(%dma_start3A_118 : memref<80x128xi32, #tpu.memory_space<hbm>>) target(%arg11 : memref<80x128xi32, #tpu.memory_space<vmem>>) target_semaphore(%run_scoped3A : memref<!tpu.dma_semaphore, #tpu.memory_space<semaphore_mem>>)
      %dma_wait3A = arith.constant 0 : i32
      %dma_wait3A_119 = arith.constant 0 : i32
      %dma_wait3A_120 = tpu.memref_slice %arg5[%arg1, %dma_wait3A, %dma_wait3A_119] : memref<16x80x128xi32, #tpu.memory_space<hbm>> -> memref<1x80x128xi32, #tpu.memory_space<hbm>>
      %dma_wait3A_121 = tpu.memref_squeeze %dma_wait3A_120 : memref<1x80x128xi32, #tpu.memory_space<hbm>> -> memref<80x128xi32, #tpu.memory_space<hbm>>
      %dma_wait3A_122 = arith.constant 0 : i32
      %dma_wait3A_123 = arith.constant 0 : i32
      %dma_wait3A_124 = tpu.memref_slice %arg5[%arg1, %dma_wait3A_122, %dma_wait3A_123] : memref<16x80x128xi32, #tpu.memory_space<hbm>> -> memref<1x80x128xi32, #tpu.memory_space<hbm>>
      %dma_wait3A_125 = tpu.memref_squeeze %dma_wait3A_124 : memref<1x80x128xi32, #tpu.memory_space<hbm>> -> memref<80x128xi32, #tpu.memory_space<hbm>>
      tpu.wait_dma2 semaphore(%run_scoped3A : memref<!tpu.dma_semaphore, #tpu.memory_space<semaphore_mem>>) src(%dma_wait3A_125 : memref<80x128xi32, #tpu.memory_space<hbm>>) dst(%arg11 : memref<80x128xi32, #tpu.memory_space<vmem>>)
      tpu.yield
    }) : () -> ()
    "tpu.region"() ({
      %run_scoped3A = tpu.sem_alloc : memref<!tpu.dma_semaphore, #tpu.memory_space<semaphore_mem>>
      %dma_start3A = arith.constant 0 : i32
      %dma_start3A_112 = arith.constant 0 : i32
      %dma_start3A_113 = tpu.memref_slice %arg6[%arg1, %dma_start3A, %dma_start3A_112] : memref<16x80x128xi32, #tpu.memory_space<hbm>> -> memref<1x80x128xi32, #tpu.memory_space<hbm>>
      %dma_start3A_114 = tpu.memref_squeeze %dma_start3A_113 : memref<1x80x128xi32, #tpu.memory_space<hbm>> -> memref<80x128xi32, #tpu.memory_space<hbm>>
      %dma_start3A_115 = arith.constant 0 : i32
      %dma_start3A_116 = arith.constant 0 : i32
      %dma_start3A_117 = tpu.memref_slice %arg6[%arg1, %dma_start3A_115, %dma_start3A_116] : memref<16x80x128xi32, #tpu.memory_space<hbm>> -> memref<1x80x128xi32, #tpu.memory_space<hbm>>
      %dma_start3A_118 = tpu.memref_squeeze %dma_start3A_117 : memref<1x80x128xi32, #tpu.memory_space<hbm>> -> memref<80x128xi32, #tpu.memory_space<hbm>>
      tpu.enqueue_dma source(%dma_start3A_118 : memref<80x128xi32, #tpu.memory_space<hbm>>) target(%arg12 : memref<80x128xi32, #tpu.memory_space<vmem>>) target_semaphore(%run_scoped3A : memref<!tpu.dma_semaphore, #tpu.memory_space<semaphore_mem>>)
      %dma_wait3A = arith.constant 0 : i32
      %dma_wait3A_119 = arith.constant 0 : i32
      %dma_wait3A_120 = tpu.memref_slice %arg6[%arg1, %dma_wait3A, %dma_wait3A_119] : memref<16x80x128xi32, #tpu.memory_space<hbm>> -> memref<1x80x128xi32, #tpu.memory_space<hbm>>
      %dma_wait3A_121 = tpu.memref_squeeze %dma_wait3A_120 : memref<1x80x128xi32, #tpu.memory_space<hbm>> -> memref<80x128xi32, #tpu.memory_space<hbm>>
      %dma_wait3A_122 = arith.constant 0 : i32
      %dma_wait3A_123 = arith.constant 0 : i32
      %dma_wait3A_124 = tpu.memref_slice %arg6[%arg1, %dma_wait3A_122, %dma_wait3A_123] : memref<16x80x128xi32, #tpu.memory_space<hbm>> -> memref<1x80x128xi32, #tpu.memory_space<hbm>>
      %dma_wait3A_125 = tpu.memref_squeeze %dma_wait3A_124 : memref<1x80x128xi32, #tpu.memory_space<hbm>> -> memref<80x128xi32, #tpu.memory_space<hbm>>
      tpu.wait_dma2 semaphore(%run_scoped3A : memref<!tpu.dma_semaphore, #tpu.memory_space<semaphore_mem>>) src(%dma_wait3A_125 : memref<80x128xi32, #tpu.memory_space<hbm>>) dst(%arg12 : memref<80x128xi32, #tpu.memory_space<vmem>>)
      tpu.yield
    }) : () -> ()
    %mul3A_1 = arith.constant 8 : i32
    %mul3A_2 = arith.muli %arg0, %mul3A_1 : i32
    %jit3A = arith.constant 2 : i32
    %div3A = arith.divsi %arg1, %jit3A : i32
    %sign3A = arith.constant 0 : i32
    %sign3A_3 = arith.cmpi sgt, %arg1, %sign3A : i32
    %sign3A_4 = arith.extui %sign3A_3 : i1 to i32
    %sign3A_5 = arith.constant 0 : i32
    %sign3A_6 = arith.cmpi slt, %arg1, %sign3A_5 : i32
    %sign3A_7 = arith.extui %sign3A_6 : i1 to i32
    %sign3A_8 = arith.subi %sign3A_4, %sign3A_7 : i32
    %sign3A_9 = arith.constant 0 : i32
    %sign3A_10 = arith.cmpi sgt, %jit3A, %sign3A_9 : i32
    %sign3A_11 = arith.extui %sign3A_10 : i1 to i32
    %sign3A_12 = arith.constant 0 : i32
    %sign3A_13 = arith.cmpi slt, %jit3A, %sign3A_12 : i32
    %sign3A_14 = arith.extui %sign3A_13 : i1 to i32
    %sign3A_15 = arith.subi %sign3A_11, %sign3A_14 : i32
    %ne3A = arith.cmpi ne, %sign3A_8, %sign3A_15 : i32
    %rem3A = arith.remsi %arg1, %jit3A : i32
    %ne3A_16 = arith.constant 0 : i32
    %ne3A_17 = arith.cmpi ne, %rem3A, %ne3A_16 : i32
    %and3A = arith.andi %ne3A, %ne3A_17 : i1
    %sub3A = arith.constant 1 : i32
    %sub3A_18 = arith.subi %div3A, %sub3A : i32
    %select_n3A = arith.select %and3A, %sub3A_18, %div3A : i32
    %add3A = arith.addi %mul3A_2, %select_n3A : i32
    %jit3A_19 = arith.constant 2 : i32
    %eq3A = arith.constant 0 : i32
    %eq3A_20 = arith.cmpi eq, %jit3A_19, %eq3A : i32
    %jit3A_21 = arith.constant 1 : i32
    %select_n3A_22 = arith.select %eq3A_20, %jit3A_21, %jit3A_19 : i32
    %rem3A_23 = arith.remsi %arg1, %select_n3A_22 : i32
    %ne3A_24 = arith.constant 0 : i32
    %ne3A_25 = arith.cmpi ne, %rem3A_23, %ne3A_24 : i32
    %lt3A = arith.constant 0 : i32
    %lt3A_26 = arith.cmpi slt, %rem3A_23, %lt3A : i32
    %lt3A_27 = arith.constant 0 : i32
    %lt3A_28 = arith.cmpi slt, %select_n3A_22, %lt3A_27 : i32
    %ne3A_29 = arith.xori %lt3A_26, %lt3A_28 : i1
    %and3A_30 = arith.andi %ne3A_29, %ne3A_25 : i1
    %add3A_31 = arith.addi %rem3A_23, %select_n3A_22 : i32
    %select_n3A_32 = arith.select %and3A_30, %add3A_31, %rem3A_23 : i32
    %mul3A_33 = arith.constant 40 : i32
    %mul3A_34 = arith.muli %select_n3A_32, %mul3A_33 : i32
    "tpu.region"() ({
      %run_scoped3A = tpu.sem_alloc : memref<!tpu.dma_semaphore, #tpu.memory_space<semaphore_mem>>
      %dma_start3A = arith.constant 0 : i32
      %dma_start3A_112 = arith.constant 0 : i32
      %dma_start3A_113 = tpu.memref_slice %arg5[%add3A, %dma_start3A, %dma_start3A_112] : memref<16x80x128xi32, #tpu.memory_space<hbm>> -> memref<1x80x128xi32, #tpu.memory_space<hbm>>
      %dma_start3A_114 = tpu.memref_squeeze %dma_start3A_113 : memref<1x80x128xi32, #tpu.memory_space<hbm>> -> memref<80x128xi32, #tpu.memory_space<hbm>>
      %dma_start3A_115 = arith.constant 0 : i32
      %dma_start3A_116 = tpu.memref_slice %dma_start3A_114[%mul3A_34, %dma_start3A_115] : memref<80x128xi32, #tpu.memory_space<hbm>> -> memref<40x128xi32, #tpu.memory_space<hbm>>
      %dma_start3A_117 = arith.constant 0 : i32
      %dma_start3A_118 = arith.constant 0 : i32
      %dma_start3A_119 = tpu.memref_slice %arg5[%add3A, %dma_start3A_117, %dma_start3A_118] : memref<16x80x128xi32, #tpu.memory_space<hbm>> -> memref<1x80x128xi32, #tpu.memory_space<hbm>>
      %dma_start3A_120 = tpu.memref_squeeze %dma_start3A_119 : memref<1x80x128xi32, #tpu.memory_space<hbm>> -> memref<80x128xi32, #tpu.memory_space<hbm>>
      %dma_start3A_121 = arith.constant 0 : i32
      %dma_start3A_122 = tpu.memref_slice %dma_start3A_120[%mul3A_34, %dma_start3A_121] : memref<80x128xi32, #tpu.memory_space<hbm>> -> memref<40x128xi32, #tpu.memory_space<hbm>>
      tpu.enqueue_dma source(%dma_start3A_122 : memref<40x128xi32, #tpu.memory_space<hbm>>) target(%arg13 : memref<40x128xi32, #tpu.memory_space<vmem>>) target_semaphore(%run_scoped3A : memref<!tpu.dma_semaphore, #tpu.memory_space<semaphore_mem>>)
      %dma_wait3A = arith.constant 0 : i32
      %dma_wait3A_123 = arith.constant 0 : i32
      %dma_wait3A_124 = tpu.memref_slice %arg5[%add3A, %dma_wait3A, %dma_wait3A_123] : memref<16x80x128xi32, #tpu.memory_space<hbm>> -> memref<1x80x128xi32, #tpu.memory_space<hbm>>
      %dma_wait3A_125 = tpu.memref_squeeze %dma_wait3A_124 : memref<1x80x128xi32, #tpu.memory_space<hbm>> -> memref<80x128xi32, #tpu.memory_space<hbm>>
      %dma_wait3A_126 = arith.constant 0 : i32
      %dma_wait3A_127 = tpu.memref_slice %dma_wait3A_125[%mul3A_34, %dma_wait3A_126] : memref<80x128xi32, #tpu.memory_space<hbm>> -> memref<40x128xi32, #tpu.memory_space<hbm>>
      %dma_wait3A_128 = arith.constant 0 : i32
      %dma_wait3A_129 = arith.constant 0 : i32
      %dma_wait3A_130 = tpu.memref_slice %arg5[%add3A, %dma_wait3A_128, %dma_wait3A_129] : memref<16x80x128xi32, #tpu.memory_space<hbm>> -> memref<1x80x128xi32, #tpu.memory_space<hbm>>
      %dma_wait3A_131 = tpu.memref_squeeze %dma_wait3A_130 : memref<1x80x128xi32, #tpu.memory_space<hbm>> -> memref<80x128xi32, #tpu.memory_space<hbm>>
      %dma_wait3A_132 = arith.constant 0 : i32
      %dma_wait3A_133 = tpu.memref_slice %dma_wait3A_131[%mul3A_34, %dma_wait3A_132] : memref<80x128xi32, #tpu.memory_space<hbm>> -> memref<40x128xi32, #tpu.memory_space<hbm>>
      tpu.wait_dma2 semaphore(%run_scoped3A : memref<!tpu.dma_semaphore, #tpu.memory_space<semaphore_mem>>) src(%dma_wait3A_133 : memref<40x128xi32, #tpu.memory_space<hbm>>) dst(%arg13 : memref<40x128xi32, #tpu.memory_space<vmem>>)
      tpu.yield
    }) : () -> ()
    %mul3A_35 = arith.constant 8 : i32
    %mul3A_36 = arith.muli %arg0, %mul3A_35 : i32
    %jit3A_37 = arith.constant 2 : i32
    %div3A_38 = arith.divsi %arg1, %jit3A_37 : i32
    %sign3A_39 = arith.constant 0 : i32
    %sign3A_40 = arith.cmpi sgt, %arg1, %sign3A_39 : i32
    %sign3A_41 = arith.extui %sign3A_40 : i1 to i32
    %sign3A_42 = arith.constant 0 : i32
    %sign3A_43 = arith.cmpi slt, %arg1, %sign3A_42 : i32
    %sign3A_44 = arith.extui %sign3A_43 : i1 to i32
    %sign3A_45 = arith.subi %sign3A_41, %sign3A_44 : i32
    %sign3A_46 = arith.constant 0 : i32
    %sign3A_47 = arith.cmpi sgt, %jit3A_37, %sign3A_46 : i32
    %sign3A_48 = arith.extui %sign3A_47 : i1 to i32
    %sign3A_49 = arith.constant 0 : i32
    %sign3A_50 = arith.cmpi slt, %jit3A_37, %sign3A_49 : i32
    %sign3A_51 = arith.extui %sign3A_50 : i1 to i32
    %sign3A_52 = arith.subi %sign3A_48, %sign3A_51 : i32
    %ne3A_53 = arith.cmpi ne, %sign3A_45, %sign3A_52 : i32
    %rem3A_54 = arith.remsi %arg1, %jit3A_37 : i32
    %ne3A_55 = arith.constant 0 : i32
    %ne3A_56 = arith.cmpi ne, %rem3A_54, %ne3A_55 : i32
    %and3A_57 = arith.andi %ne3A_53, %ne3A_56 : i1
    %sub3A_58 = arith.constant 1 : i32
    %sub3A_59 = arith.subi %div3A_38, %sub3A_58 : i32
    %select_n3A_60 = arith.select %and3A_57, %sub3A_59, %div3A_38 : i32
    %add3A_61 = arith.addi %mul3A_36, %select_n3A_60 : i32
    %jit3A_62 = arith.constant 2 : i32
    %eq3A_63 = arith.constant 0 : i32
    %eq3A_64 = arith.cmpi eq, %jit3A_62, %eq3A_63 : i32
    %jit3A_65 = arith.constant 1 : i32
    %select_n3A_66 = arith.select %eq3A_64, %jit3A_65, %jit3A_62 : i32
    %rem3A_67 = arith.remsi %arg1, %select_n3A_66 : i32
    %ne3A_68 = arith.constant 0 : i32
    %ne3A_69 = arith.cmpi ne, %rem3A_67, %ne3A_68 : i32
    %lt3A_70 = arith.constant 0 : i32
    %lt3A_71 = arith.cmpi slt, %rem3A_67, %lt3A_70 : i32
    %lt3A_72 = arith.constant 0 : i32
    %lt3A_73 = arith.cmpi slt, %select_n3A_66, %lt3A_72 : i32
    %ne3A_74 = arith.xori %lt3A_71, %lt3A_73 : i1
    %and3A_75 = arith.andi %ne3A_74, %ne3A_69 : i1
    %add3A_76 = arith.addi %rem3A_67, %select_n3A_66 : i32
    %select_n3A_77 = arith.select %and3A_75, %add3A_76, %rem3A_67 : i32
    %mul3A_78 = arith.constant 40 : i32
    %mul3A_79 = arith.muli %select_n3A_77, %mul3A_78 : i32
    "tpu.region"() ({
      %run_scoped3A = tpu.sem_alloc : memref<!tpu.dma_semaphore, #tpu.memory_space<semaphore_mem>>
      %dma_start3A = arith.constant 0 : i32
      %dma_start3A_112 = arith.constant 0 : i32
      %dma_start3A_113 = tpu.memref_slice %arg6[%add3A_61, %dma_start3A, %dma_start3A_112] : memref<16x80x128xi32, #tpu.memory_space<hbm>> -> memref<1x80x128xi32, #tpu.memory_space<hbm>>
      %dma_start3A_114 = tpu.memref_squeeze %dma_start3A_113 : memref<1x80x128xi32, #tpu.memory_space<hbm>> -> memref<80x128xi32, #tpu.memory_space<hbm>>
      %dma_start3A_115 = arith.constant 0 : i32
      %dma_start3A_116 = tpu.memref_slice %dma_start3A_114[%mul3A_79, %dma_start3A_115] : memref<80x128xi32, #tpu.memory_space<hbm>> -> memref<40x128xi32, #tpu.memory_space<hbm>>
      %dma_start3A_117 = arith.constant 0 : i32
      %dma_start3A_118 = arith.constant 0 : i32
      %dma_start3A_119 = tpu.memref_slice %arg6[%add3A_61, %dma_start3A_117, %dma_start3A_118] : memref<16x80x128xi32, #tpu.memory_space<hbm>> -> memref<1x80x128xi32, #tpu.memory_space<hbm>>
      %dma_start3A_120 = tpu.memref_squeeze %dma_start3A_119 : memref<1x80x128xi32, #tpu.memory_space<hbm>> -> memref<80x128xi32, #tpu.memory_space<hbm>>
      %dma_start3A_121 = arith.constant 0 : i32
      %dma_start3A_122 = tpu.memref_slice %dma_start3A_120[%mul3A_79, %dma_start3A_121] : memref<80x128xi32, #tpu.memory_space<hbm>> -> memref<40x128xi32, #tpu.memory_space<hbm>>
      tpu.enqueue_dma source(%dma_start3A_122 : memref<40x128xi32, #tpu.memory_space<hbm>>) target(%arg14 : memref<40x128xi32, #tpu.memory_space<vmem>>) target_semaphore(%run_scoped3A : memref<!tpu.dma_semaphore, #tpu.memory_space<semaphore_mem>>)
      %dma_wait3A = arith.constant 0 : i32
      %dma_wait3A_123 = arith.constant 0 : i32
      %dma_wait3A_124 = tpu.memref_slice %arg6[%add3A_61, %dma_wait3A, %dma_wait3A_123] : memref<16x80x128xi32, #tpu.memory_space<hbm>> -> memref<1x80x128xi32, #tpu.memory_space<hbm>>
      %dma_wait3A_125 = tpu.memref_squeeze %dma_wait3A_124 : memref<1x80x128xi32, #tpu.memory_space<hbm>> -> memref<80x128xi32, #tpu.memory_space<hbm>>
      %dma_wait3A_126 = arith.constant 0 : i32
      %dma_wait3A_127 = tpu.memref_slice %dma_wait3A_125[%mul3A_79, %dma_wait3A_126] : memref<80x128xi32, #tpu.memory_space<hbm>> -> memref<40x128xi32, #tpu.memory_space<hbm>>
      %dma_wait3A_128 = arith.constant 0 : i32
      %dma_wait3A_129 = arith.constant 0 : i32
      %dma_wait3A_130 = tpu.memref_slice %arg6[%add3A_61, %dma_wait3A_128, %dma_wait3A_129] : memref<16x80x128xi32, #tpu.memory_space<hbm>> -> memref<1x80x128xi32, #tpu.memory_space<hbm>>
      %dma_wait3A_131 = tpu.memref_squeeze %dma_wait3A_130 : memref<1x80x128xi32, #tpu.memory_space<hbm>> -> memref<80x128xi32, #tpu.memory_space<hbm>>
      %dma_wait3A_132 = arith.constant 0 : i32
      %dma_wait3A_133 = tpu.memref_slice %dma_wait3A_131[%mul3A_79, %dma_wait3A_132] : memref<80x128xi32, #tpu.memory_space<hbm>> -> memref<40x128xi32, #tpu.memory_space<hbm>>
      tpu.wait_dma2 semaphore(%run_scoped3A : memref<!tpu.dma_semaphore, #tpu.memory_space<semaphore_mem>>) src(%dma_wait3A_133 : memref<40x128xi32, #tpu.memory_space<hbm>>) dst(%arg14 : memref<40x128xi32, #tpu.memory_space<vmem>>)
      tpu.yield
    }) : () -> ()
    %barrier3A = arith.constant 0 : index
    tpu.barrier barrier_id(%barrier3A)
    %eq3A_80 = arith.constant 0 : i32
    %eq3A_81 = arith.cmpi eq, %arg0, %eq3A_80 : i32
    %convert_element_type3A = arith.extui %eq3A_81 : i1 to i32
    %cond3A = arith.constant 0 : i32
    %cond3A_82 = arith.cmpi ne, %convert_element_type3A, %cond3A : i32
    scf.if %cond3A_82 {
      %scan3A_112 = arith.constant 0 : i32
      %scan3A_113 = arith.constant 0 : i32
      %scan3A_114 = arith.constant 80 : i32
      %scan3A_115 = arith.addi %scan3A_113, %scan3A_114 : i32
      %scan3A_116 = arith.constant 1 : i32
      scf.for %scan3A_118 = %scan3A_113 to %scan3A_115 step %scan3A_116  : i32 {
        %dma_start3A = arith.constant 0 : i32
        %dma_start3A_119 = tpu.memref_slice %arg11[%scan3A_118, %dma_start3A] : memref<80x128xi32, #tpu.memory_space<vmem>> -> memref<1x128xi32, #tpu.memory_space<vmem>>
        %dma_start3A_120 = tpu.memref_squeeze %dma_start3A_119 : memref<1x128xi32, #tpu.memory_space<vmem>> -> memref<128xi32, #tpu.memory_space<vmem>>
        %dma_start3A_121 = arith.constant 0 : i32
        %dma_start3A_122 = arith.constant 0 : i32
        %dma_start3A_123 = tpu.memref_slice %arg2[%dma_start3A_121, %dma_start3A_122] : memref<10240x128xf32, #tpu.memory_space<hbm>> -> memref<10240x128xf32, #tpu.memory_space<hbm>>
        tpu.enqueue_indirect_dma source(%dma_start3A_123 : memref<10240x128xf32, #tpu.memory_space<hbm>>) target(%arg15 : memref<128x128xf32, #tpu.memory_space<vmem>>) offsets(%dma_start3A_120 : memref<128xi32, #tpu.memory_space<vmem>>) semaphore(%arg17 : memref<!tpu.dma_semaphore, #tpu.memory_space<semaphore_mem>>)
        %dma_wait3A = arith.constant 0 : i32
        %dma_wait3A_124 = tpu.memref_slice %arg11[%scan3A_118, %dma_wait3A] : memref<80x128xi32, #tpu.memory_space<vmem>> -> memref<1x128xi32, #tpu.memory_space<vmem>>
        %dma_wait3A_125 = tpu.memref_squeeze %dma_wait3A_124 : memref<1x128xi32, #tpu.memory_space<vmem>> -> memref<128xi32, #tpu.memory_space<vmem>>
        %dma_wait3A_126 = arith.constant 0 : i32
        %dma_wait3A_127 = arith.constant 0 : i32
        %dma_wait3A_128 = tpu.memref_slice %arg2[%dma_wait3A_126, %dma_wait3A_127] : memref<10240x128xf32, #tpu.memory_space<hbm>> -> memref<10240x128xf32, #tpu.memory_space<hbm>>
        tpu.wait_indirect_dma semaphore(%arg17 : memref<!tpu.dma_semaphore, #tpu.memory_space<semaphore_mem>>) src(%dma_wait3A_128 : memref<10240x128xf32, #tpu.memory_space<hbm>>) dst(%arg15 : memref<128x128xf32, #tpu.memory_space<vmem>>)
        "tpu.region"() ({
          %run_scoped3A = tpu.sem_alloc : memref<!tpu.dma_semaphore, #tpu.memory_space<semaphore_mem>>
          %dma_start3A_129 = arith.constant 0 : i32
          %dma_start3A_130 = tpu.memref_slice %arg12[%scan3A_118, %dma_start3A_129] : memref<80x128xi32, #tpu.memory_space<vmem>> -> memref<1x128xi32, #tpu.memory_space<vmem>>
          %dma_start3A_131 = tpu.memref_squeeze %dma_start3A_130 : memref<1x128xi32, #tpu.memory_space<vmem>> -> memref<128xi32, #tpu.memory_space<vmem>>
          %dma_start3A_132 = arith.constant 0 : i32
          %dma_start3A_133 = arith.constant 0 : i32
          %dma_start3A_134 = tpu.memref_slice %arg16[%dma_start3A_132, %dma_start3A_133] : memref<10240x128xf32, #tpu.memory_space<vmem_shared>> -> memref<10240x128xf32, #tpu.memory_space<vmem_shared>>
          tpu.enqueue_indirect_dma source(%arg15 : memref<128x128xf32, #tpu.memory_space<vmem>>) target(%dma_start3A_134 : memref<10240x128xf32, #tpu.memory_space<vmem_shared>>) offsets(%dma_start3A_131 : memref<128xi32, #tpu.memory_space<vmem>>) semaphore(%run_scoped3A : memref<!tpu.dma_semaphore, #tpu.memory_space<semaphore_mem>>) {add = true}
          %dma_wait3A_135 = arith.constant 0 : i32
          %dma_wait3A_136 = tpu.memref_slice %arg12[%scan3A_118, %dma_wait3A_135] : memref<80x128xi32, #tpu.memory_space<vmem>> -> memref<1x128xi32, #tpu.memory_space<vmem>>
          %dma_wait3A_137 = tpu.memref_squeeze %dma_wait3A_136 : memref<1x128xi32, #tpu.memory_space<vmem>> -> memref<128xi32, #tpu.memory_space<vmem>>
          %dma_wait3A_138 = arith.constant 0 : i32
          %dma_wait3A_139 = arith.constant 0 : i32
          %dma_wait3A_140 = tpu.memref_slice %arg16[%dma_wait3A_138, %dma_wait3A_139] : memref<10240x128xf32, #tpu.memory_space<vmem_shared>> -> memref<10240x128xf32, #tpu.memory_space<vmem_shared>>
          tpu.wait_indirect_dma semaphore(%run_scoped3A : memref<!tpu.dma_semaphore, #tpu.memory_space<semaphore_mem>>) src(%arg15 : memref<128x128xf32, #tpu.memory_space<vmem>>) dst(%dma_wait3A_140 : memref<10240x128xf32, #tpu.memory_space<vmem_shared>>)
          tpu.yield
        }) : () -> ()
      }
      %scan3A_117 = arith.constant 80 : i32
    } else {
    }
    %eq3A_83 = arith.constant 1 : i32
    %eq3A_84 = arith.cmpi eq, %arg0, %eq3A_83 : i32
    %convert_element_type3A_85 = arith.extui %eq3A_84 : i1 to i32
    %cond3A_86 = arith.constant 0 : i32
    %cond3A_87 = arith.cmpi ne, %convert_element_type3A_85, %cond3A_86 : i32
    scf.if %cond3A_87 {
      %scan3A_112 = arith.constant 0 : i32
      %scan3A_113 = arith.constant 0 : i32
      %scan3A_114 = arith.constant 80 : i32
      %scan3A_115 = arith.addi %scan3A_113, %scan3A_114 : i32
      %scan3A_116 = arith.constant 1 : i32
      scf.for %scan3A_118 = %scan3A_113 to %scan3A_115 step %scan3A_116  : i32 {
        %dma_start3A = arith.constant 0 : i32
        %dma_start3A_119 = tpu.memref_slice %arg11[%scan3A_118, %dma_start3A] : memref<80x128xi32, #tpu.memory_space<vmem>> -> memref<1x128xi32, #tpu.memory_space<vmem>>
        %dma_start3A_120 = tpu.memref_squeeze %dma_start3A_119 : memref<1x128xi32, #tpu.memory_space<vmem>> -> memref<128xi32, #tpu.memory_space<vmem>>
        %dma_start3A_121 = arith.constant 0 : i32
        %dma_start3A_122 = arith.constant 0 : i32
        %dma_start3A_123 = tpu.memref_slice %arg3[%dma_start3A_121, %dma_start3A_122] : memref<10240x128xf32, #tpu.memory_space<hbm>> -> memref<10240x128xf32, #tpu.memory_space<hbm>>
        tpu.enqueue_indirect_dma source(%dma_start3A_123 : memref<10240x128xf32, #tpu.memory_space<hbm>>) target(%arg15 : memref<128x128xf32, #tpu.memory_space<vmem>>) offsets(%dma_start3A_120 : memref<128xi32, #tpu.memory_space<vmem>>) semaphore(%arg17 : memref<!tpu.dma_semaphore, #tpu.memory_space<semaphore_mem>>)
        %dma_wait3A = arith.constant 0 : i32
        %dma_wait3A_124 = tpu.memref_slice %arg11[%scan3A_118, %dma_wait3A] : memref<80x128xi32, #tpu.memory_space<vmem>> -> memref<1x128xi32, #tpu.memory_space<vmem>>
        %dma_wait3A_125 = tpu.memref_squeeze %dma_wait3A_124 : memref<1x128xi32, #tpu.memory_space<vmem>> -> memref<128xi32, #tpu.memory_space<vmem>>
        %dma_wait3A_126 = arith.constant 0 : i32
        %dma_wait3A_127 = arith.constant 0 : i32
        %dma_wait3A_128 = tpu.memref_slice %arg3[%dma_wait3A_126, %dma_wait3A_127] : memref<10240x128xf32, #tpu.memory_space<hbm>> -> memref<10240x128xf32, #tpu.memory_space<hbm>>
        tpu.wait_indirect_dma semaphore(%arg17 : memref<!tpu.dma_semaphore, #tpu.memory_space<semaphore_mem>>) src(%dma_wait3A_128 : memref<10240x128xf32, #tpu.memory_space<hbm>>) dst(%arg15 : memref<128x128xf32, #tpu.memory_space<vmem>>)
        "tpu.region"() ({
          %run_scoped3A = tpu.sem_alloc : memref<!tpu.dma_semaphore, #tpu.memory_space<semaphore_mem>>
          %dma_start3A_129 = arith.constant 0 : i32
          %dma_start3A_130 = tpu.memref_slice %arg12[%scan3A_118, %dma_start3A_129] : memref<80x128xi32, #tpu.memory_space<vmem>> -> memref<1x128xi32, #tpu.memory_space<vmem>>
          %dma_start3A_131 = tpu.memref_squeeze %dma_start3A_130 : memref<1x128xi32, #tpu.memory_space<vmem>> -> memref<128xi32, #tpu.memory_space<vmem>>
          %dma_start3A_132 = arith.constant 0 : i32
          %dma_start3A_133 = arith.constant 0 : i32
          %dma_start3A_134 = tpu.memref_slice %arg16[%dma_start3A_132, %dma_start3A_133] : memref<10240x128xf32, #tpu.memory_space<vmem_shared>> -> memref<10240x128xf32, #tpu.memory_space<vmem_shared>>
          tpu.enqueue_indirect_dma source(%arg15 : memref<128x128xf32, #tpu.memory_space<vmem>>) target(%dma_start3A_134 : memref<10240x128xf32, #tpu.memory_space<vmem_shared>>) offsets(%dma_start3A_131 : memref<128xi32, #tpu.memory_space<vmem>>) semaphore(%run_scoped3A : memref<!tpu.dma_semaphore, #tpu.memory_space<semaphore_mem>>) {add = true}
          %dma_wait3A_135 = arith.constant 0 : i32
          %dma_wait3A_136 = tpu.memref_slice %arg12[%scan3A_118, %dma_wait3A_135] : memref<80x128xi32, #tpu.memory_space<vmem>> -> memref<1x128xi32, #tpu.memory_space<vmem>>
          %dma_wait3A_137 = tpu.memref_squeeze %dma_wait3A_136 : memref<1x128xi32, #tpu.memory_space<vmem>> -> memref<128xi32, #tpu.memory_space<vmem>>
          %dma_wait3A_138 = arith.constant 0 : i32
          %dma_wait3A_139 = arith.constant 0 : i32
          %dma_wait3A_140 = tpu.memref_slice %arg16[%dma_wait3A_138, %dma_wait3A_139] : memref<10240x128xf32, #tpu.memory_space<vmem_shared>> -> memref<10240x128xf32, #tpu.memory_space<vmem_shared>>
          tpu.wait_indirect_dma semaphore(%run_scoped3A : memref<!tpu.dma_semaphore, #tpu.memory_space<semaphore_mem>>) src(%arg15 : memref<128x128xf32, #tpu.memory_space<vmem>>) dst(%dma_wait3A_140 : memref<10240x128xf32, #tpu.memory_space<vmem_shared>>)
          tpu.yield
        }) : () -> ()
      }
      %scan3A_117 = arith.constant 80 : i32
    } else {
    }
    %barrier3A_88 = arith.constant 0 : index
    tpu.barrier barrier_id(%barrier3A_88)
    %eq3A_89 = arith.constant 0 : i32
    %eq3A_90 = arith.cmpi eq, %arg0, %eq3A_89 : i32
    %convert_element_type3A_91 = arith.extui %eq3A_90 : i1 to i32
    %cond3A_92 = arith.constant 0 : i32
    %cond3A_93 = arith.cmpi ne, %convert_element_type3A_91, %cond3A_92 : i32
    scf.if %cond3A_93 {
      %mul3A_112 = arith.constant 640 : i32
      %mul3A_113 = arith.muli %arg1, %mul3A_112 : i32
      %mul3A_114 = arith.constant 640 : i32
      %mul3A_115 = arith.muli %arg1, %mul3A_114 : i32
      "tpu.region"() ({
        %run_scoped3A = tpu.sem_alloc : memref<!tpu.dma_semaphore, #tpu.memory_space<semaphore_mem>>
        %dma_start3A = arith.constant 0 : i32
        %dma_start3A_116 = tpu.memref_slice %arg8[%mul3A_115, %dma_start3A] : memref<10240x128xf32, #tpu.memory_space<hbm>> -> memref<640x128xf32, #tpu.memory_space<hbm>>
        %dma_start3A_117 = arith.constant 0 : i32
        %dma_start3A_118 = tpu.memref_slice %arg16[%mul3A_113, %dma_start3A_117] : memref<10240x128xf32, #tpu.memory_space<vmem_shared>> -> memref<640x128xf32, #tpu.memory_space<vmem_shared>>
        tpu.enqueue_dma source(%dma_start3A_118 : memref<640x128xf32, #tpu.memory_space<vmem_shared>>) target(%dma_start3A_116 : memref<640x128xf32, #tpu.memory_space<hbm>>) target_semaphore(%run_scoped3A : memref<!tpu.dma_semaphore, #tpu.memory_space<semaphore_mem>>)
        %dma_wait3A = arith.constant 0 : i32
        %dma_wait3A_119 = tpu.memref_slice %arg8[%mul3A_115, %dma_wait3A] : memref<10240x128xf32, #tpu.memory_space<hbm>> -> memref<640x128xf32, #tpu.memory_space<hbm>>
        %dma_wait3A_120 = arith.constant 0 : i32
        %dma_wait3A_121 = tpu.memref_slice %arg16[%mul3A_113, %dma_wait3A_120] : memref<10240x128xf32, #tpu.memory_space<vmem_shared>> -> memref<640x128xf32, #tpu.memory_space<vmem_shared>>
        tpu.wait_dma2 semaphore(%run_scoped3A : memref<!tpu.dma_semaphore, #tpu.memory_space<semaphore_mem>>) src(%dma_wait3A_121 : memref<640x128xf32, #tpu.memory_space<vmem_shared>>) dst(%dma_wait3A_119 : memref<640x128xf32, #tpu.memory_space<hbm>>)
        tpu.yield
      }) : () -> ()
    } else {
    }
    %eq3A_94 = arith.constant 1 : i32
    %eq3A_95 = arith.cmpi eq, %arg0, %eq3A_94 : i32
    %convert_element_type3A_96 = arith.extui %eq3A_95 : i1 to i32
    %cond3A_97 = arith.constant 0 : i32
    %cond3A_98 = arith.cmpi ne, %convert_element_type3A_96, %cond3A_97 : i32
    scf.if %cond3A_98 {
      %mul3A_112 = arith.constant 640 : i32
      %mul3A_113 = arith.muli %arg1, %mul3A_112 : i32
      %mul3A_114 = arith.constant 640 : i32
      %mul3A_115 = arith.muli %arg1, %mul3A_114 : i32
      "tpu.region"() ({
        %run_scoped3A = tpu.sem_alloc : memref<!tpu.dma_semaphore, #tpu.memory_space<semaphore_mem>>
        %dma_start3A = arith.constant 0 : i32
        %dma_start3A_116 = tpu.memref_slice %arg9[%mul3A_115, %dma_start3A] : memref<10240x128xf32, #tpu.memory_space<hbm>> -> memref<640x128xf32, #tpu.memory_space<hbm>>
        %dma_start3A_117 = arith.constant 0 : i32
        %dma_start3A_118 = tpu.memref_slice %arg16[%mul3A_113, %dma_start3A_117] : memref<10240x128xf32, #tpu.memory_space<vmem_shared>> -> memref<640x128xf32, #tpu.memory_space<vmem_shared>>
        tpu.enqueue_dma source(%dma_start3A_118 : memref<640x128xf32, #tpu.memory_space<vmem_shared>>) target(%dma_start3A_116 : memref<640x128xf32, #tpu.memory_space<hbm>>) target_semaphore(%run_scoped3A : memref<!tpu.dma_semaphore, #tpu.memory_space<semaphore_mem>>)
        %dma_wait3A = arith.constant 0 : i32
        %dma_wait3A_119 = tpu.memref_slice %arg9[%mul3A_115, %dma_wait3A] : memref<10240x128xf32, #tpu.memory_space<hbm>> -> memref<640x128xf32, #tpu.memory_space<hbm>>
        %dma_wait3A_120 = arith.constant 0 : i32
        %dma_wait3A_121 = tpu.memref_slice %arg16[%mul3A_113, %dma_wait3A_120] : memref<10240x128xf32, #tpu.memory_space<vmem_shared>> -> memref<640x128xf32, #tpu.memory_space<vmem_shared>>
        tpu.wait_dma2 semaphore(%run_scoped3A : memref<!tpu.dma_semaphore, #tpu.memory_space<semaphore_mem>>) src(%dma_wait3A_121 : memref<640x128xf32, #tpu.memory_space<vmem_shared>>) dst(%dma_wait3A_119 : memref<640x128xf32, #tpu.memory_space<hbm>>)
        tpu.yield
      }) : () -> ()
    } else {
    }
    %mul3A_99 = arith.constant 640 : i32
    %mul3A_100 = arith.muli %arg1, %mul3A_99 : i32
    "tpu.region"() ({
      %run_scoped3A = tpu.sem_alloc : memref<!tpu.dma_semaphore, #tpu.memory_space<semaphore_mem>>
      %dma_start3A = arith.constant 0 : i32
      %dma_start3A_112 = tpu.memref_slice %arg16[%mul3A_100, %dma_start3A] : memref<10240x128xf32, #tpu.memory_space<vmem_shared>> -> memref<640x128xf32, #tpu.memory_space<vmem_shared>>
      tpu.enqueue_dma source(%arg7 : memref<640x128xf32, #tpu.memory_space<hbm>>) target(%dma_start3A_112 : memref<640x128xf32, #tpu.memory_space<vmem_shared>>) target_semaphore(%run_scoped3A : memref<!tpu.dma_semaphore, #tpu.memory_space<semaphore_mem>>)
      %dma_wait3A = arith.constant 0 : i32
      %dma_wait3A_113 = tpu.memref_slice %arg16[%mul3A_100, %dma_wait3A] : memref<10240x128xf32, #tpu.memory_space<vmem_shared>> -> memref<640x128xf32, #tpu.memory_space<vmem_shared>>
      tpu.wait_dma2 semaphore(%run_scoped3A : memref<!tpu.dma_semaphore, #tpu.memory_space<semaphore_mem>>) src(%arg7 : memref<640x128xf32, #tpu.memory_space<hbm>>) dst(%dma_wait3A_113 : memref<640x128xf32, #tpu.memory_space<vmem_shared>>)
      tpu.yield
    }) : () -> ()
    %barrier3A_101 = arith.constant 0 : index
    tpu.barrier barrier_id(%barrier3A_101)
    %scan3A = arith.constant 0 : i32
    %scan3A_102 = arith.constant 0 : i32
    %scan3A_103 = arith.constant 40 : i32
    %scan3A_104 = arith.addi %scan3A_102, %scan3A_103 : i32
    %scan3A_105 = arith.constant 1 : i32
    scf.for %scan3A_112 = %scan3A_102 to %scan3A_104 step %scan3A_105  : i32 {
      %dma_start3A = arith.constant 0 : i32
      %dma_start3A_113 = tpu.memref_slice %arg13[%scan3A_112, %dma_start3A] : memref<40x128xi32, #tpu.memory_space<vmem>> -> memref<1x128xi32, #tpu.memory_space<vmem>>
      %dma_start3A_114 = tpu.memref_squeeze %dma_start3A_113 : memref<1x128xi32, #tpu.memory_space<vmem>> -> memref<128xi32, #tpu.memory_space<vmem>>
      %dma_start3A_115 = arith.constant 0 : i32
      %dma_start3A_116 = arith.constant 0 : i32
      %dma_start3A_117 = tpu.memref_slice %arg4[%dma_start3A_115, %dma_start3A_116] : memref<10240x128xf32, #tpu.memory_space<hbm>> -> memref<10240x128xf32, #tpu.memory_space<hbm>>
      tpu.enqueue_indirect_dma source(%dma_start3A_117 : memref<10240x128xf32, #tpu.memory_space<hbm>>) target(%arg15 : memref<128x128xf32, #tpu.memory_space<vmem>>) offsets(%dma_start3A_114 : memref<128xi32, #tpu.memory_space<vmem>>) semaphore(%arg17 : memref<!tpu.dma_semaphore, #tpu.memory_space<semaphore_mem>>)
      %dma_wait3A = arith.constant 0 : i32
      %dma_wait3A_118 = tpu.memref_slice %arg13[%scan3A_112, %dma_wait3A] : memref<40x128xi32, #tpu.memory_space<vmem>> -> memref<1x128xi32, #tpu.memory_space<vmem>>
      %dma_wait3A_119 = tpu.memref_squeeze %dma_wait3A_118 : memref<1x128xi32, #tpu.memory_space<vmem>> -> memref<128xi32, #tpu.memory_space<vmem>>
      %dma_wait3A_120 = arith.constant 0 : i32
      %dma_wait3A_121 = arith.constant 0 : i32
      %dma_wait3A_122 = tpu.memref_slice %arg4[%dma_wait3A_120, %dma_wait3A_121] : memref<10240x128xf32, #tpu.memory_space<hbm>> -> memref<10240x128xf32, #tpu.memory_space<hbm>>
      tpu.wait_indirect_dma semaphore(%arg17 : memref<!tpu.dma_semaphore, #tpu.memory_space<semaphore_mem>>) src(%dma_wait3A_122 : memref<10240x128xf32, #tpu.memory_space<hbm>>) dst(%arg15 : memref<128x128xf32, #tpu.memory_space<vmem>>)
      "tpu.region"() ({
        %run_scoped3A = tpu.sem_alloc : memref<!tpu.dma_semaphore, #tpu.memory_space<semaphore_mem>>
        %dma_start3A_123 = arith.constant 0 : i32
        %dma_start3A_124 = tpu.memref_slice %arg14[%scan3A_112, %dma_start3A_123] : memref<40x128xi32, #tpu.memory_space<vmem>> -> memref<1x128xi32, #tpu.memory_space<vmem>>
        %dma_start3A_125 = tpu.memref_squeeze %dma_start3A_124 : memref<1x128xi32, #tpu.memory_space<vmem>> -> memref<128xi32, #tpu.memory_space<vmem>>
        %dma_start3A_126 = arith.constant 0 : i32
        %dma_start3A_127 = arith.constant 0 : i32
        %dma_start3A_128 = tpu.memref_slice %arg16[%dma_start3A_126, %dma_start3A_127] : memref<10240x128xf32, #tpu.memory_space<vmem_shared>> -> memref<10240x128xf32, #tpu.memory_space<vmem_shared>>
        tpu.enqueue_indirect_dma source(%arg15 : memref<128x128xf32, #tpu.memory_space<vmem>>) target(%dma_start3A_128 : memref<10240x128xf32, #tpu.memory_space<vmem_shared>>) offsets(%dma_start3A_125 : memref<128xi32, #tpu.memory_space<vmem>>) semaphore(%run_scoped3A : memref<!tpu.dma_semaphore, #tpu.memory_space<semaphore_mem>>) {add = true}
        %dma_wait3A_129 = arith.constant 0 : i32
        %dma_wait3A_130 = tpu.memref_slice %arg14[%scan3A_112, %dma_wait3A_129] : memref<40x128xi32, #tpu.memory_space<vmem>> -> memref<1x128xi32, #tpu.memory_space<vmem>>
        %dma_wait3A_131 = tpu.memref_squeeze %dma_wait3A_130 : memref<1x128xi32, #tpu.memory_space<vmem>> -> memref<128xi32, #tpu.memory_space<vmem>>
        %dma_wait3A_132 = arith.constant 0 : i32
        %dma_wait3A_133 = arith.constant 0 : i32
        %dma_wait3A_134 = tpu.memref_slice %arg16[%dma_wait3A_132, %dma_wait3A_133] : memref<10240x128xf32, #tpu.memory_space<vmem_shared>> -> memref<10240x128xf32, #tpu.memory_space<vmem_shared>>
        tpu.wait_indirect_dma semaphore(%run_scoped3A : memref<!tpu.dma_semaphore, #tpu.memory_space<semaphore_mem>>) src(%arg15 : memref<128x128xf32, #tpu.memory_space<vmem>>) dst(%dma_wait3A_134 : memref<10240x128xf32, #tpu.memory_space<vmem_shared>>)
        tpu.yield
      }) : () -> ()
    }
    %scan3A_106 = arith.constant 40 : i32
    %barrier3A_107 = arith.constant 0 : index
    tpu.barrier barrier_id(%barrier3A_107)
    %mul3A_108 = arith.constant 640 : i32
    %mul3A_109 = arith.muli %arg1, %mul3A_108 : i32
    %mul3A_110 = arith.constant 640 : i32
    %mul3A_111 = arith.muli %arg1, %mul3A_110 : i32
    "tpu.region"() ({
      %run_scoped3A = tpu.sem_alloc : memref<!tpu.dma_semaphore, #tpu.memory_space<semaphore_mem>>
      %dma_start3A = arith.constant 0 : i32
      %dma_start3A_112 = arith.constant 0 : i32
      %dma_start3A_113 = tpu.memref_slice %arg10[%arg0, %dma_start3A, %dma_start3A_112] : memref<2x10240x128xf32, #tpu.memory_space<hbm>> -> memref<1x10240x128xf32, #tpu.memory_space<hbm>>
      %dma_start3A_114 = tpu.memref_squeeze %dma_start3A_113 : memref<1x10240x128xf32, #tpu.memory_space<hbm>> -> memref<10240x128xf32, #tpu.memory_space<hbm>>
      %dma_start3A_115 = arith.constant 0 : i32
      %dma_start3A_116 = tpu.memref_slice %dma_start3A_114[%mul3A_111, %dma_start3A_115] : memref<10240x128xf32, #tpu.memory_space<hbm>> -> memref<640x128xf32, #tpu.memory_space<hbm>>
      %dma_start3A_117 = arith.constant 0 : i32
      %dma_start3A_118 = tpu.memref_slice %arg16[%mul3A_109, %dma_start3A_117] : memref<10240x128xf32, #tpu.memory_space<vmem_shared>> -> memref<640x128xf32, #tpu.memory_space<vmem_shared>>
      tpu.enqueue_dma source(%dma_start3A_118 : memref<640x128xf32, #tpu.memory_space<vmem_shared>>) target(%dma_start3A_116 : memref<640x128xf32, #tpu.memory_space<hbm>>) target_semaphore(%run_scoped3A : memref<!tpu.dma_semaphore, #tpu.memory_space<semaphore_mem>>)
      %dma_wait3A = arith.constant 0 : i32
      %dma_wait3A_119 = arith.constant 0 : i32
      %dma_wait3A_120 = tpu.memref_slice %arg10[%arg0, %dma_wait3A, %dma_wait3A_119] : memref<2x10240x128xf32, #tpu.memory_space<hbm>> -> memref<1x10240x128xf32, #tpu.memory_space<hbm>>
      %dma_wait3A_121 = tpu.memref_squeeze %dma_wait3A_120 : memref<1x10240x128xf32, #tpu.memory_space<hbm>> -> memref<10240x128xf32, #tpu.memory_space<hbm>>
      %dma_wait3A_122 = arith.constant 0 : i32
      %dma_wait3A_123 = tpu.memref_slice %dma_wait3A_121[%mul3A_111, %dma_wait3A_122] : memref<10240x128xf32, #tpu.memory_space<hbm>> -> memref<640x128xf32, #tpu.memory_space<hbm>>
      %dma_wait3A_124 = arith.constant 0 : i32
      %dma_wait3A_125 = tpu.memref_slice %arg16[%mul3A_109, %dma_wait3A_124] : memref<10240x128xf32, #tpu.memory_space<vmem_shared>> -> memref<640x128xf32, #tpu.memory_space<vmem_shared>>
      tpu.wait_dma2 semaphore(%run_scoped3A : memref<!tpu.dma_semaphore, #tpu.memory_space<semaphore_mem>>) src(%dma_wait3A_125 : memref<640x128xf32, #tpu.memory_space<vmem_shared>>) dst(%dma_wait3A_123 : memref<640x128xf32, #tpu.memory_space<hbm>>)
      tpu.yield
    }) : () -> ()
    return
  }
}

#map = affine_map<(d0, d1) -> (0, 0)>
#map1 = affine_map<(d0, d1) -> (0, 0, 0)>
module attributes {stable_mosaic.version = 14 : i64} {
  func.func @_spmm(%arg0: i32, %arg1: i32, %arg2: memref<10240x128xf32, #tpu.memory_space<hbm>>, %arg3: memref<10240x128xf32, #tpu.memory_space<hbm>>, %arg4: memref<10240x128xf32, #tpu.memory_space<hbm>>, %arg5: memref<16x80x128xi32, #tpu.memory_space<hbm>>, %arg6: memref<16x80x128xi32, #tpu.memory_space<hbm>>, %arg7: memref<640x128xf32, #tpu.memory_space<hbm>>, %arg8: memref<10240x128xf32, #tpu.memory_space<hbm>>, %arg9: memref<10240x128xf32, #tpu.memory_space<hbm>>, %arg10: memref<2x10240x128xf32, #tpu.memory_space<hbm>>, %arg11: memref<80x128xi32, #tpu.memory_space<vmem>>, %arg12: memref<80x128xi32, #tpu.memory_space<vmem>>, %arg13: memref<40x128xi32, #tpu.memory_space<vmem>>, %arg14: memref<40x128xi32, #tpu.memory_space<vmem>>, %arg15: memref<128x128xf32, #tpu.memory_space<vmem>>, %arg16: memref<10240x128xf32, #tpu.memory_space<vmem_shared>>, %arg17: memref<!tpu.dma_semaphore, #tpu.memory_space<semaphore_mem>>) attributes {dimension_semantics = [#tpu.dimension_semantics<core_parallel>, #tpu.dimension_semantics<subcore_parallel>], iteration_bounds = array<i64: 2, 16>, scalar_prefetch = 0 : i64, scratch_operands = 7 : i64, tpu.core_type = #tpu.core_type<sc_vector_subcore>, window_params = [{transform_indices = #map}, {transform_indices = #map}, {transform_indices = #map}, {transform_indices = #map1}, {transform_indices = #map1}, {transform_indices = #map}, {transform_indices = #map}, {transform_indices = #map}, {transform_indices = #map1}]} {
    %mul3A = arith.constant 640 : i32
    %mul3A_0 = arith.muli %arg1, %mul3A : i32
    "tpu.region"() ({
      %run_scoped3A = tpu.sem_alloc : memref<!tpu.dma_semaphore, #tpu.memory_space<semaphore_mem>>
      %dma_start3A = arith.constant 0 : i32
      %dma_start3A_112 = tpu.memref_slice %arg16[%mul3A_0, %dma_start3A] : memref<10240x128xf32, #tpu.memory_space<vmem_shared>> -> memref<640x128xf32, #tpu.memory_space<vmem_shared>>
      tpu.enqueue_dma source(%arg7 : memref<640x128xf32, #tpu.memory_space<hbm>>) target(%dma_start3A_112 : memref<640x128xf32, #tpu.memory_space<vmem_shared>>) target_semaphore(%run_scoped3A : memref<!tpu.dma_semaphore, #tpu.memory_space<semaphore_mem>>)
      %dma_wait3A = arith.constant 0 : i32
      %dma_wait3A_113 = tpu.memref_slice %arg16[%mul3A_0, %dma_wait3A] : memref<10240x128xf32, #tpu.memory_space<vmem_shared>> -> memref<640x128xf32, #tpu.memory_space<vmem_shared>>
      tpu.wait_dma2 semaphore(%run_scoped3A : memref<!tpu.dma_semaphore, #tpu.memory_space<semaphore_mem>>) src(%arg7 : memref<640x128xf32, #tpu.memory_space<hbm>>) dst(%dma_wait3A_113 : memref<640x128xf32, #tpu.memory_space<vmem_shared>>)
      tpu.yield
    }) : () -> ()
    "tpu.region"() ({
      %run_scoped3A = tpu.sem_alloc : memref<!tpu.dma_semaphore, #tpu.memory_space<semaphore_mem>>
      %dma_start3A = arith.constant 0 : i32
      %dma_start3A_112 = arith.constant 0 : i32
      %dma_start3A_113 = tpu.memref_slice %arg5[%arg1, %dma_start3A, %dma_start3A_112] : memref<16x80x128xi32, #tpu.memory_space<hbm>> -> memref<1x80x128xi32, #tpu.memory_space<hbm>>
      %dma_start3A_114 = tpu.memref_squeeze %dma_start3A_113 : memref<1x80x128xi32, #tpu.memory_space<hbm>> -> memref<80x128xi32, #tpu.memory_space<hbm>>
      %dma_start3A_115 = arith.constant 0 : i32
      %dma_start3A_116 = arith.constant 0 : i32
      %dma_start3A_117 = tpu.memref_slice %arg5[%arg1, %dma_start3A_115, %dma_start3A_116] : memref<16x80x128xi32, #tpu.memory_space<hbm>> -> memref<1x80x128xi32, #tpu.memory_space<hbm>>
      %dma_start3A_118 = tpu.memref_squeeze %dma_start3A_117 : memref<1x80x128xi32, #tpu.memory_space<hbm>> -> memref<80x128xi32, #tpu.memory_space<hbm>>
      tpu.enqueue_dma source(%dma_start3A_118 : memref<80x128xi32, #tpu.memory_space<hbm>>) target(%arg11 : memref<80x128xi32, #tpu.memory_space<vmem>>) target_semaphore(%run_scoped3A : memref<!tpu.dma_semaphore, #tpu.memory_space<semaphore_mem>>)
      %dma_wait3A = arith.constant 0 : i32
      %dma_wait3A_119 = arith.constant 0 : i32
      %dma_wait3A_120 = tpu.memref_slice %arg5[%arg1, %dma_wait3A, %dma_wait3A_119] : memref<16x80x128xi32, #tpu.memory_space<hbm>> -> memref<1x80x128xi32, #tpu.memory_space<hbm>>
      %dma_wait3A_121 = tpu.memref_squeeze %dma_wait3A_120 : memref<1x80x128xi32, #tpu.memory_space<hbm>> -> memref<80x128xi32, #tpu.memory_space<hbm>>
      %dma_wait3A_122 = arith.constant 0 : i32
      %dma_wait3A_123 = arith.constant 0 : i32
      %dma_wait3A_124 = tpu.memref_slice %arg5[%arg1, %dma_wait3A_122, %dma_wait3A_123] : memref<16x80x128xi32, #tpu.memory_space<hbm>> -> memref<1x80x128xi32, #tpu.memory_space<hbm>>
      %dma_wait3A_125 = tpu.memref_squeeze %dma_wait3A_124 : memref<1x80x128xi32, #tpu.memory_space<hbm>> -> memref<80x128xi32, #tpu.memory_space<hbm>>
      tpu.wait_dma2 semaphore(%run_scoped3A : memref<!tpu.dma_semaphore, #tpu.memory_space<semaphore_mem>>) src(%dma_wait3A_125 : memref<80x128xi32, #tpu.memory_space<hbm>>) dst(%arg11 : memref<80x128xi32, #tpu.memory_space<vmem>>)
      tpu.yield
    }) : () -> ()
    "tpu.region"() ({
      %run_scoped3A = tpu.sem_alloc : memref<!tpu.dma_semaphore, #tpu.memory_space<semaphore_mem>>
      %dma_start3A = arith.constant 0 : i32
      %dma_start3A_112 = arith.constant 0 : i32
      %dma_start3A_113 = tpu.memref_slice %arg6[%arg1, %dma_start3A, %dma_start3A_112] : memref<16x80x128xi32, #tpu.memory_space<hbm>> -> memref<1x80x128xi32, #tpu.memory_space<hbm>>
      %dma_start3A_114 = tpu.memref_squeeze %dma_start3A_113 : memref<1x80x128xi32, #tpu.memory_space<hbm>> -> memref<80x128xi32, #tpu.memory_space<hbm>>
      %dma_start3A_115 = arith.constant 0 : i32
      %dma_start3A_116 = arith.constant 0 : i32
      %dma_start3A_117 = tpu.memref_slice %arg6[%arg1, %dma_start3A_115, %dma_start3A_116] : memref<16x80x128xi32, #tpu.memory_space<hbm>> -> memref<1x80x128xi32, #tpu.memory_space<hbm>>
      %dma_start3A_118 = tpu.memref_squeeze %dma_start3A_117 : memref<1x80x128xi32, #tpu.memory_space<hbm>> -> memref<80x128xi32, #tpu.memory_space<hbm>>
      tpu.enqueue_dma source(%dma_start3A_118 : memref<80x128xi32, #tpu.memory_space<hbm>>) target(%arg12 : memref<80x128xi32, #tpu.memory_space<vmem>>) target_semaphore(%run_scoped3A : memref<!tpu.dma_semaphore, #tpu.memory_space<semaphore_mem>>)
      %dma_wait3A = arith.constant 0 : i32
      %dma_wait3A_119 = arith.constant 0 : i32
      %dma_wait3A_120 = tpu.memref_slice %arg6[%arg1, %dma_wait3A, %dma_wait3A_119] : memref<16x80x128xi32, #tpu.memory_space<hbm>> -> memref<1x80x128xi32, #tpu.memory_space<hbm>>
      %dma_wait3A_121 = tpu.memref_squeeze %dma_wait3A_120 : memref<1x80x128xi32, #tpu.memory_space<hbm>> -> memref<80x128xi32, #tpu.memory_space<hbm>>
      %dma_wait3A_122 = arith.constant 0 : i32
      %dma_wait3A_123 = arith.constant 0 : i32
      %dma_wait3A_124 = tpu.memref_slice %arg6[%arg1, %dma_wait3A_122, %dma_wait3A_123] : memref<16x80x128xi32, #tpu.memory_space<hbm>> -> memref<1x80x128xi32, #tpu.memory_space<hbm>>
      %dma_wait3A_125 = tpu.memref_squeeze %dma_wait3A_124 : memref<1x80x128xi32, #tpu.memory_space<hbm>> -> memref<80x128xi32, #tpu.memory_space<hbm>>
      tpu.wait_dma2 semaphore(%run_scoped3A : memref<!tpu.dma_semaphore, #tpu.memory_space<semaphore_mem>>) src(%dma_wait3A_125 : memref<80x128xi32, #tpu.memory_space<hbm>>) dst(%arg12 : memref<80x128xi32, #tpu.memory_space<vmem>>)
      tpu.yield
    }) : () -> ()
    %mul3A_1 = arith.constant 8 : i32
    %mul3A_2 = arith.muli %arg0, %mul3A_1 : i32
    %jit3A = arith.constant 2 : i32
    %div3A = arith.divsi %arg1, %jit3A : i32
    %sign3A = arith.constant 0 : i32
    %sign3A_3 = arith.cmpi sgt, %arg1, %sign3A : i32
    %sign3A_4 = arith.extui %sign3A_3 : i1 to i32
    %sign3A_5 = arith.constant 0 : i32
    %sign3A_6 = arith.cmpi slt, %arg1, %sign3A_5 : i32
    %sign3A_7 = arith.extui %sign3A_6 : i1 to i32
    %sign3A_8 = arith.subi %sign3A_4, %sign3A_7 : i32
    %sign3A_9 = arith.constant 0 : i32
    %sign3A_10 = arith.cmpi sgt, %jit3A, %sign3A_9 : i32
    %sign3A_11 = arith.extui %sign3A_10 : i1 to i32
    %sign3A_12 = arith.constant 0 : i32
    %sign3A_13 = arith.cmpi slt, %jit3A, %sign3A_12 : i32
    %sign3A_14 = arith.extui %sign3A_13 : i1 to i32
    %sign3A_15 = arith.subi %sign3A_11, %sign3A_14 : i32
    %ne3A = arith.cmpi ne, %sign3A_8, %sign3A_15 : i32
    %rem3A = arith.remsi %arg1, %jit3A : i32
    %ne3A_16 = arith.constant 0 : i32
    %ne3A_17 = arith.cmpi ne, %rem3A, %ne3A_16 : i32
    %and3A = arith.andi %ne3A, %ne3A_17 : i1
    %sub3A = arith.constant 1 : i32
    %sub3A_18 = arith.subi %div3A, %sub3A : i32
    %select_n3A = arith.select %and3A, %sub3A_18, %div3A : i32
    %add3A = arith.addi %mul3A_2, %select_n3A : i32
    %jit3A_19 = arith.constant 2 : i32
    %eq3A = arith.constant 0 : i32
    %eq3A_20 = arith.cmpi eq, %jit3A_19, %eq3A : i32
    %jit3A_21 = arith.constant 1 : i32
    %select_n3A_22 = arith.select %eq3A_20, %jit3A_21, %jit3A_19 : i32
    %rem3A_23 = arith.remsi %arg1, %select_n3A_22 : i32
    %ne3A_24 = arith.constant 0 : i32
    %ne3A_25 = arith.cmpi ne, %rem3A_23, %ne3A_24 : i32
    %lt3A = arith.constant 0 : i32
    %lt3A_26 = arith.cmpi slt, %rem3A_23, %lt3A : i32
    %lt3A_27 = arith.constant 0 : i32
    %lt3A_28 = arith.cmpi slt, %select_n3A_22, %lt3A_27 : i32
    %ne3A_29 = arith.xori %lt3A_26, %lt3A_28 : i1
    %and3A_30 = arith.andi %ne3A_29, %ne3A_25 : i1
    %add3A_31 = arith.addi %rem3A_23, %select_n3A_22 : i32
    %select_n3A_32 = arith.select %and3A_30, %add3A_31, %rem3A_23 : i32
    %mul3A_33 = arith.constant 40 : i32
    %mul3A_34 = arith.muli %select_n3A_32, %mul3A_33 : i32
    "tpu.region"() ({
      %run_scoped3A = tpu.sem_alloc : memref<!tpu.dma_semaphore, #tpu.memory_space<semaphore_mem>>
      %dma_start3A = arith.constant 0 : i32
      %dma_start3A_112 = arith.constant 0 : i32
      %dma_start3A_113 = tpu.memref_slice %arg5[%add3A, %dma_start3A, %dma_start3A_112] : memref<16x80x128xi32, #tpu.memory_space<hbm>> -> memref<1x80x128xi32, #tpu.memory_space<hbm>>
      %dma_start3A_114 = tpu.memref_squeeze %dma_start3A_113 : memref<1x80x128xi32, #tpu.memory_space<hbm>> -> memref<80x128xi32, #tpu.memory_space<hbm>>
      %dma_start3A_115 = arith.constant 0 : i32
      %dma_start3A_116 = tpu.memref_slice %dma_start3A_114[%mul3A_34, %dma_start3A_115] : memref<80x128xi32, #tpu.memory_space<hbm>> -> memref<40x128xi32, #tpu.memory_space<hbm>>
      %dma_start3A_117 = arith.constant 0 : i32
      %dma_start3A_118 = arith.constant 0 : i32
      %dma_start3A_119 = tpu.memref_slice %arg5[%add3A, %dma_start3A_117, %dma_start3A_118] : memref<16x80x128xi32, #tpu.memory_space<hbm>> -> memref<1x80x128xi32, #tpu.memory_space<hbm>>
      %dma_start3A_120 = tpu.memref_squeeze %dma_start3A_119 : memref<1x80x128xi32, #tpu.memory_space<hbm>> -> memref<80x128xi32, #tpu.memory_space<hbm>>
      %dma_start3A_121 = arith.constant 0 : i32
      %dma_start3A_122 = tpu.memref_slice %dma_start3A_120[%mul3A_34, %dma_start3A_121] : memref<80x128xi32, #tpu.memory_space<hbm>> -> memref<40x128xi32, #tpu.memory_space<hbm>>
      tpu.enqueue_dma source(%dma_start3A_122 : memref<40x128xi32, #tpu.memory_space<hbm>>) target(%arg13 : memref<40x128xi32, #tpu.memory_space<vmem>>) target_semaphore(%run_scoped3A : memref<!tpu.dma_semaphore, #tpu.memory_space<semaphore_mem>>)
      %dma_wait3A = arith.constant 0 : i32
      %dma_wait3A_123 = arith.constant 0 : i32
      %dma_wait3A_124 = tpu.memref_slice %arg5[%add3A, %dma_wait3A, %dma_wait3A_123] : memref<16x80x128xi32, #tpu.memory_space<hbm>> -> memref<1x80x128xi32, #tpu.memory_space<hbm>>
      %dma_wait3A_125 = tpu.memref_squeeze %dma_wait3A_124 : memref<1x80x128xi32, #tpu.memory_space<hbm>> -> memref<80x128xi32, #tpu.memory_space<hbm>>
      %dma_wait3A_126 = arith.constant 0 : i32
      %dma_wait3A_127 = tpu.memref_slice %dma_wait3A_125[%mul3A_34, %dma_wait3A_126] : memref<80x128xi32, #tpu.memory_space<hbm>> -> memref<40x128xi32, #tpu.memory_space<hbm>>
      %dma_wait3A_128 = arith.constant 0 : i32
      %dma_wait3A_129 = arith.constant 0 : i32
      %dma_wait3A_130 = tpu.memref_slice %arg5[%add3A, %dma_wait3A_128, %dma_wait3A_129] : memref<16x80x128xi32, #tpu.memory_space<hbm>> -> memref<1x80x128xi32, #tpu.memory_space<hbm>>
      %dma_wait3A_131 = tpu.memref_squeeze %dma_wait3A_130 : memref<1x80x128xi32, #tpu.memory_space<hbm>> -> memref<80x128xi32, #tpu.memory_space<hbm>>
      %dma_wait3A_132 = arith.constant 0 : i32
      %dma_wait3A_133 = tpu.memref_slice %dma_wait3A_131[%mul3A_34, %dma_wait3A_132] : memref<80x128xi32, #tpu.memory_space<hbm>> -> memref<40x128xi32, #tpu.memory_space<hbm>>
      tpu.wait_dma2 semaphore(%run_scoped3A : memref<!tpu.dma_semaphore, #tpu.memory_space<semaphore_mem>>) src(%dma_wait3A_133 : memref<40x128xi32, #tpu.memory_space<hbm>>) dst(%arg13 : memref<40x128xi32, #tpu.memory_space<vmem>>)
      tpu.yield
    }) : () -> ()
    %mul3A_35 = arith.constant 8 : i32
    %mul3A_36 = arith.muli %arg0, %mul3A_35 : i32
    %jit3A_37 = arith.constant 2 : i32
    %div3A_38 = arith.divsi %arg1, %jit3A_37 : i32
    %sign3A_39 = arith.constant 0 : i32
    %sign3A_40 = arith.cmpi sgt, %arg1, %sign3A_39 : i32
    %sign3A_41 = arith.extui %sign3A_40 : i1 to i32
    %sign3A_42 = arith.constant 0 : i32
    %sign3A_43 = arith.cmpi slt, %arg1, %sign3A_42 : i32
    %sign3A_44 = arith.extui %sign3A_43 : i1 to i32
    %sign3A_45 = arith.subi %sign3A_41, %sign3A_44 : i32
    %sign3A_46 = arith.constant 0 : i32
    %sign3A_47 = arith.cmpi sgt, %jit3A_37, %sign3A_46 : i32
    %sign3A_48 = arith.extui %sign3A_47 : i1 to i32
    %sign3A_49 = arith.constant 0 : i32
    %sign3A_50 = arith.cmpi slt, %jit3A_37, %sign3A_49 : i32
    %sign3A_51 = arith.extui %sign3A_50 : i1 to i32
    %sign3A_52 = arith.subi %sign3A_48, %sign3A_51 : i32
    %ne3A_53 = arith.cmpi ne, %sign3A_45, %sign3A_52 : i32
    %rem3A_54 = arith.remsi %arg1, %jit3A_37 : i32
    %ne3A_55 = arith.constant 0 : i32
    %ne3A_56 = arith.cmpi ne, %rem3A_54, %ne3A_55 : i32
    %and3A_57 = arith.andi %ne3A_53, %ne3A_56 : i1
    %sub3A_58 = arith.constant 1 : i32
    %sub3A_59 = arith.subi %div3A_38, %sub3A_58 : i32
    %select_n3A_60 = arith.select %and3A_57, %sub3A_59, %div3A_38 : i32
    %add3A_61 = arith.addi %mul3A_36, %select_n3A_60 : i32
    %jit3A_62 = arith.constant 2 : i32
    %eq3A_63 = arith.constant 0 : i32
    %eq3A_64 = arith.cmpi eq, %jit3A_62, %eq3A_63 : i32
    %jit3A_65 = arith.constant 1 : i32
    %select_n3A_66 = arith.select %eq3A_64, %jit3A_65, %jit3A_62 : i32
    %rem3A_67 = arith.remsi %arg1, %select_n3A_66 : i32
    %ne3A_68 = arith.constant 0 : i32
    %ne3A_69 = arith.cmpi ne, %rem3A_67, %ne3A_68 : i32
    %lt3A_70 = arith.constant 0 : i32
    %lt3A_71 = arith.cmpi slt, %rem3A_67, %lt3A_70 : i32
    %lt3A_72 = arith.constant 0 : i32
    %lt3A_73 = arith.cmpi slt, %select_n3A_66, %lt3A_72 : i32
    %ne3A_74 = arith.xori %lt3A_71, %lt3A_73 : i1
    %and3A_75 = arith.andi %ne3A_74, %ne3A_69 : i1
    %add3A_76 = arith.addi %rem3A_67, %select_n3A_66 : i32
    %select_n3A_77 = arith.select %and3A_75, %add3A_76, %rem3A_67 : i32
    %mul3A_78 = arith.constant 40 : i32
    %mul3A_79 = arith.muli %select_n3A_77, %mul3A_78 : i32
    "tpu.region"() ({
      %run_scoped3A = tpu.sem_alloc : memref<!tpu.dma_semaphore, #tpu.memory_space<semaphore_mem>>
      %dma_start3A = arith.constant 0 : i32
      %dma_start3A_112 = arith.constant 0 : i32
      %dma_start3A_113 = tpu.memref_slice %arg6[%add3A_61, %dma_start3A, %dma_start3A_112] : memref<16x80x128xi32, #tpu.memory_space<hbm>> -> memref<1x80x128xi32, #tpu.memory_space<hbm>>
      %dma_start3A_114 = tpu.memref_squeeze %dma_start3A_113 : memref<1x80x128xi32, #tpu.memory_space<hbm>> -> memref<80x128xi32, #tpu.memory_space<hbm>>
      %dma_start3A_115 = arith.constant 0 : i32
      %dma_start3A_116 = tpu.memref_slice %dma_start3A_114[%mul3A_79, %dma_start3A_115] : memref<80x128xi32, #tpu.memory_space<hbm>> -> memref<40x128xi32, #tpu.memory_space<hbm>>
      %dma_start3A_117 = arith.constant 0 : i32
      %dma_start3A_118 = arith.constant 0 : i32
      %dma_start3A_119 = tpu.memref_slice %arg6[%add3A_61, %dma_start3A_117, %dma_start3A_118] : memref<16x80x128xi32, #tpu.memory_space<hbm>> -> memref<1x80x128xi32, #tpu.memory_space<hbm>>
      %dma_start3A_120 = tpu.memref_squeeze %dma_start3A_119 : memref<1x80x128xi32, #tpu.memory_space<hbm>> -> memref<80x128xi32, #tpu.memory_space<hbm>>
      %dma_start3A_121 = arith.constant 0 : i32
      %dma_start3A_122 = tpu.memref_slice %dma_start3A_120[%mul3A_79, %dma_start3A_121] : memref<80x128xi32, #tpu.memory_space<hbm>> -> memref<40x128xi32, #tpu.memory_space<hbm>>
      tpu.enqueue_dma source(%dma_start3A_122 : memref<40x128xi32, #tpu.memory_space<hbm>>) target(%arg14 : memref<40x128xi32, #tpu.memory_space<vmem>>) target_semaphore(%run_scoped3A : memref<!tpu.dma_semaphore, #tpu.memory_space<semaphore_mem>>)
      %dma_wait3A = arith.constant 0 : i32
      %dma_wait3A_123 = arith.constant 0 : i32
      %dma_wait3A_124 = tpu.memref_slice %arg6[%add3A_61, %dma_wait3A, %dma_wait3A_123] : memref<16x80x128xi32, #tpu.memory_space<hbm>> -> memref<1x80x128xi32, #tpu.memory_space<hbm>>
      %dma_wait3A_125 = tpu.memref_squeeze %dma_wait3A_124 : memref<1x80x128xi32, #tpu.memory_space<hbm>> -> memref<80x128xi32, #tpu.memory_space<hbm>>
      %dma_wait3A_126 = arith.constant 0 : i32
      %dma_wait3A_127 = tpu.memref_slice %dma_wait3A_125[%mul3A_79, %dma_wait3A_126] : memref<80x128xi32, #tpu.memory_space<hbm>> -> memref<40x128xi32, #tpu.memory_space<hbm>>
      %dma_wait3A_128 = arith.constant 0 : i32
      %dma_wait3A_129 = arith.constant 0 : i32
      %dma_wait3A_130 = tpu.memref_slice %arg6[%add3A_61, %dma_wait3A_128, %dma_wait3A_129] : memref<16x80x128xi32, #tpu.memory_space<hbm>> -> memref<1x80x128xi32, #tpu.memory_space<hbm>>
      %dma_wait3A_131 = tpu.memref_squeeze %dma_wait3A_130 : memref<1x80x128xi32, #tpu.memory_space<hbm>> -> memref<80x128xi32, #tpu.memory_space<hbm>>
      %dma_wait3A_132 = arith.constant 0 : i32
      %dma_wait3A_133 = tpu.memref_slice %dma_wait3A_131[%mul3A_79, %dma_wait3A_132] : memref<80x128xi32, #tpu.memory_space<hbm>> -> memref<40x128xi32, #tpu.memory_space<hbm>>
      tpu.wait_dma2 semaphore(%run_scoped3A : memref<!tpu.dma_semaphore, #tpu.memory_space<semaphore_mem>>) src(%dma_wait3A_133 : memref<40x128xi32, #tpu.memory_space<hbm>>) dst(%arg14 : memref<40x128xi32, #tpu.memory_space<vmem>>)
      tpu.yield
    }) : () -> ()
    %barrier3A = arith.constant 0 : index
    tpu.barrier barrier_id(%barrier3A)
    %eq3A_80 = arith.constant 0 : i32
    %eq3A_81 = arith.cmpi eq, %arg0, %eq3A_80 : i32
    %convert_element_type3A = arith.extui %eq3A_81 : i1 to i32
    %cond3A = arith.constant 0 : i32
    %cond3A_82 = arith.cmpi ne, %convert_element_type3A, %cond3A : i32
    scf.if %cond3A_82 {
      %scan3A_112 = arith.constant 0 : i32
      %scan3A_113 = arith.constant 0 : i32
      %scan3A_114 = arith.constant 80 : i32
      %scan3A_115 = arith.addi %scan3A_113, %scan3A_114 : i32
      %scan3A_116 = arith.constant 1 : i32
      scf.for %scan3A_118 = %scan3A_113 to %scan3A_115 step %scan3A_116  : i32 {
        %dma_start3A = arith.constant 0 : i32
        %dma_start3A_119 = tpu.memref_slice %arg11[%scan3A_118, %dma_start3A] : memref<80x128xi32, #tpu.memory_space<vmem>> -> memref<1x128xi32, #tpu.memory_space<vmem>>
        %dma_start3A_120 = tpu.memref_squeeze %dma_start3A_119 : memref<1x128xi32, #tpu.memory_space<vmem>> -> memref<128xi32, #tpu.memory_space<vmem>>
        %dma_start3A_121 = arith.constant 0 : i32
        %dma_start3A_122 = arith.constant 0 : i32
        %dma_start3A_123 = tpu.memref_slice %arg2[%dma_start3A_121, %dma_start3A_122] : memref<10240x128xf32, #tpu.memory_space<hbm>> -> memref<10240x128xf32, #tpu.memory_space<hbm>>
        tpu.enqueue_indirect_dma source(%dma_start3A_123 : memref<10240x128xf32, #tpu.memory_space<hbm>>) target(%arg15 : memref<128x128xf32, #tpu.memory_space<vmem>>) offsets(%dma_start3A_120 : memref<128xi32, #tpu.memory_space<vmem>>) semaphore(%arg17 : memref<!tpu.dma_semaphore, #tpu.memory_space<semaphore_mem>>)
        %dma_wait3A = arith.constant 0 : i32
        %dma_wait3A_124 = tpu.memref_slice %arg11[%scan3A_118, %dma_wait3A] : memref<80x128xi32, #tpu.memory_space<vmem>> -> memref<1x128xi32, #tpu.memory_space<vmem>>
        %dma_wait3A_125 = tpu.memref_squeeze %dma_wait3A_124 : memref<1x128xi32, #tpu.memory_space<vmem>> -> memref<128xi32, #tpu.memory_space<vmem>>
        %dma_wait3A_126 = arith.constant 0 : i32
        %dma_wait3A_127 = arith.constant 0 : i32
        %dma_wait3A_128 = tpu.memref_slice %arg2[%dma_wait3A_126, %dma_wait3A_127] : memref<10240x128xf32, #tpu.memory_space<hbm>> -> memref<10240x128xf32, #tpu.memory_space<hbm>>
        tpu.wait_indirect_dma semaphore(%arg17 : memref<!tpu.dma_semaphore, #tpu.memory_space<semaphore_mem>>) src(%dma_wait3A_128 : memref<10240x128xf32, #tpu.memory_space<hbm>>) dst(%arg15 : memref<128x128xf32, #tpu.memory_space<vmem>>)
        "tpu.region"() ({
          %run_scoped3A = tpu.sem_alloc : memref<!tpu.dma_semaphore, #tpu.memory_space<semaphore_mem>>
          %dma_start3A_129 = arith.constant 0 : i32
          %dma_start3A_130 = tpu.memref_slice %arg12[%scan3A_118, %dma_start3A_129] : memref<80x128xi32, #tpu.memory_space<vmem>> -> memref<1x128xi32, #tpu.memory_space<vmem>>
          %dma_start3A_131 = tpu.memref_squeeze %dma_start3A_130 : memref<1x128xi32, #tpu.memory_space<vmem>> -> memref<128xi32, #tpu.memory_space<vmem>>
          %dma_start3A_132 = arith.constant 0 : i32
          %dma_start3A_133 = arith.constant 0 : i32
          %dma_start3A_134 = tpu.memref_slice %arg16[%dma_start3A_132, %dma_start3A_133] : memref<10240x128xf32, #tpu.memory_space<vmem_shared>> -> memref<10240x128xf32, #tpu.memory_space<vmem_shared>>
          tpu.enqueue_indirect_dma source(%arg15 : memref<128x128xf32, #tpu.memory_space<vmem>>) target(%dma_start3A_134 : memref<10240x128xf32, #tpu.memory_space<vmem_shared>>) offsets(%dma_start3A_131 : memref<128xi32, #tpu.memory_space<vmem>>) semaphore(%run_scoped3A : memref<!tpu.dma_semaphore, #tpu.memory_space<semaphore_mem>>) {add = true}
          %dma_wait3A_135 = arith.constant 0 : i32
          %dma_wait3A_136 = tpu.memref_slice %arg12[%scan3A_118, %dma_wait3A_135] : memref<80x128xi32, #tpu.memory_space<vmem>> -> memref<1x128xi32, #tpu.memory_space<vmem>>
          %dma_wait3A_137 = tpu.memref_squeeze %dma_wait3A_136 : memref<1x128xi32, #tpu.memory_space<vmem>> -> memref<128xi32, #tpu.memory_space<vmem>>
          %dma_wait3A_138 = arith.constant 0 : i32
          %dma_wait3A_139 = arith.constant 0 : i32
          %dma_wait3A_140 = tpu.memref_slice %arg16[%dma_wait3A_138, %dma_wait3A_139] : memref<10240x128xf32, #tpu.memory_space<vmem_shared>> -> memref<10240x128xf32, #tpu.memory_space<vmem_shared>>
          tpu.wait_indirect_dma semaphore(%run_scoped3A : memref<!tpu.dma_semaphore, #tpu.memory_space<semaphore_mem>>) src(%arg15 : memref<128x128xf32, #tpu.memory_space<vmem>>) dst(%dma_wait3A_140 : memref<10240x128xf32, #tpu.memory_space<vmem_shared>>)
          tpu.yield
        }) : () -> ()
      }
      %scan3A_117 = arith.constant 80 : i32
    } else {
    }
    %eq3A_83 = arith.constant 1 : i32
    %eq3A_84 = arith.cmpi eq, %arg0, %eq3A_83 : i32
    %convert_element_type3A_85 = arith.extui %eq3A_84 : i1 to i32
    %cond3A_86 = arith.constant 0 : i32
    %cond3A_87 = arith.cmpi ne, %convert_element_type3A_85, %cond3A_86 : i32
    scf.if %cond3A_87 {
      %scan3A_112 = arith.constant 0 : i32
      %scan3A_113 = arith.constant 0 : i32
      %scan3A_114 = arith.constant 80 : i32
      %scan3A_115 = arith.addi %scan3A_113, %scan3A_114 : i32
      %scan3A_116 = arith.constant 1 : i32
      scf.for %scan3A_118 = %scan3A_113 to %scan3A_115 step %scan3A_116  : i32 {
        %dma_start3A = arith.constant 0 : i32
        %dma_start3A_119 = tpu.memref_slice %arg11[%scan3A_118, %dma_start3A] : memref<80x128xi32, #tpu.memory_space<vmem>> -> memref<1x128xi32, #tpu.memory_space<vmem>>
        %dma_start3A_120 = tpu.memref_squeeze %dma_start3A_119 : memref<1x128xi32, #tpu.memory_space<vmem>> -> memref<128xi32, #tpu.memory_space<vmem>>
        %dma_start3A_121 = arith.constant 0 : i32
        %dma_start3A_122 = arith.constant 0 : i32
        %dma_start3A_123 = tpu.memref_slice %arg3[%dma_start3A_121, %dma_start3A_122] : memref<10240x128xf32, #tpu.memory_space<hbm>> -> memref<10240x128xf32, #tpu.memory_space<hbm>>
        tpu.enqueue_indirect_dma source(%dma_start3A_123 : memref<10240x128xf32, #tpu.memory_space<hbm>>) target(%arg15 : memref<128x128xf32, #tpu.memory_space<vmem>>) offsets(%dma_start3A_120 : memref<128xi32, #tpu.memory_space<vmem>>) semaphore(%arg17 : memref<!tpu.dma_semaphore, #tpu.memory_space<semaphore_mem>>)
        %dma_wait3A = arith.constant 0 : i32
        %dma_wait3A_124 = tpu.memref_slice %arg11[%scan3A_118, %dma_wait3A] : memref<80x128xi32, #tpu.memory_space<vmem>> -> memref<1x128xi32, #tpu.memory_space<vmem>>
        %dma_wait3A_125 = tpu.memref_squeeze %dma_wait3A_124 : memref<1x128xi32, #tpu.memory_space<vmem>> -> memref<128xi32, #tpu.memory_space<vmem>>
        %dma_wait3A_126 = arith.constant 0 : i32
        %dma_wait3A_127 = arith.constant 0 : i32
        %dma_wait3A_128 = tpu.memref_slice %arg3[%dma_wait3A_126, %dma_wait3A_127] : memref<10240x128xf32, #tpu.memory_space<hbm>> -> memref<10240x128xf32, #tpu.memory_space<hbm>>
        tpu.wait_indirect_dma semaphore(%arg17 : memref<!tpu.dma_semaphore, #tpu.memory_space<semaphore_mem>>) src(%dma_wait3A_128 : memref<10240x128xf32, #tpu.memory_space<hbm>>) dst(%arg15 : memref<128x128xf32, #tpu.memory_space<vmem>>)
        "tpu.region"() ({
          %run_scoped3A = tpu.sem_alloc : memref<!tpu.dma_semaphore, #tpu.memory_space<semaphore_mem>>
          %dma_start3A_129 = arith.constant 0 : i32
          %dma_start3A_130 = tpu.memref_slice %arg12[%scan3A_118, %dma_start3A_129] : memref<80x128xi32, #tpu.memory_space<vmem>> -> memref<1x128xi32, #tpu.memory_space<vmem>>
          %dma_start3A_131 = tpu.memref_squeeze %dma_start3A_130 : memref<1x128xi32, #tpu.memory_space<vmem>> -> memref<128xi32, #tpu.memory_space<vmem>>
          %dma_start3A_132 = arith.constant 0 : i32
          %dma_start3A_133 = arith.constant 0 : i32
          %dma_start3A_134 = tpu.memref_slice %arg16[%dma_start3A_132, %dma_start3A_133] : memref<10240x128xf32, #tpu.memory_space<vmem_shared>> -> memref<10240x128xf32, #tpu.memory_space<vmem_shared>>
          tpu.enqueue_indirect_dma source(%arg15 : memref<128x128xf32, #tpu.memory_space<vmem>>) target(%dma_start3A_134 : memref<10240x128xf32, #tpu.memory_space<vmem_shared>>) offsets(%dma_start3A_131 : memref<128xi32, #tpu.memory_space<vmem>>) semaphore(%run_scoped3A : memref<!tpu.dma_semaphore, #tpu.memory_space<semaphore_mem>>) {add = true}
          %dma_wait3A_135 = arith.constant 0 : i32
          %dma_wait3A_136 = tpu.memref_slice %arg12[%scan3A_118, %dma_wait3A_135] : memref<80x128xi32, #tpu.memory_space<vmem>> -> memref<1x128xi32, #tpu.memory_space<vmem>>
          %dma_wait3A_137 = tpu.memref_squeeze %dma_wait3A_136 : memref<1x128xi32, #tpu.memory_space<vmem>> -> memref<128xi32, #tpu.memory_space<vmem>>
          %dma_wait3A_138 = arith.constant 0 : i32
          %dma_wait3A_139 = arith.constant 0 : i32
          %dma_wait3A_140 = tpu.memref_slice %arg16[%dma_wait3A_138, %dma_wait3A_139] : memref<10240x128xf32, #tpu.memory_space<vmem_shared>> -> memref<10240x128xf32, #tpu.memory_space<vmem_shared>>
          tpu.wait_indirect_dma semaphore(%run_scoped3A : memref<!tpu.dma_semaphore, #tpu.memory_space<semaphore_mem>>) src(%arg15 : memref<128x128xf32, #tpu.memory_space<vmem>>) dst(%dma_wait3A_140 : memref<10240x128xf32, #tpu.memory_space<vmem_shared>>)
          tpu.yield
        }) : () -> ()
      }
      %scan3A_117 = arith.constant 80 : i32
    } else {
    }
    %barrier3A_88 = arith.constant 0 : index
    tpu.barrier barrier_id(%barrier3A_88)
    %eq3A_89 = arith.constant 0 : i32
    %eq3A_90 = arith.cmpi eq, %arg0, %eq3A_89 : i32
    %convert_element_type3A_91 = arith.extui %eq3A_90 : i1 to i32
    %cond3A_92 = arith.constant 0 : i32
    %cond3A_93 = arith.cmpi ne, %convert_element_type3A_91, %cond3A_92 : i32
    scf.if %cond3A_93 {
      %mul3A_112 = arith.constant 640 : i32
      %mul3A_113 = arith.muli %arg1, %mul3A_112 : i32
      %mul3A_114 = arith.constant 640 : i32
      %mul3A_115 = arith.muli %arg1, %mul3A_114 : i32
      "tpu.region"() ({
        %run_scoped3A = tpu.sem_alloc : memref<!tpu.dma_semaphore, #tpu.memory_space<semaphore_mem>>
        %dma_start3A = arith.constant 0 : i32
        %dma_start3A_116 = tpu.memref_slice %arg8[%mul3A_115, %dma_start3A] : memref<10240x128xf32, #tpu.memory_space<hbm>> -> memref<640x128xf32, #tpu.memory_space<hbm>>
        %dma_start3A_117 = arith.constant 0 : i32
        %dma_start3A_118 = tpu.memref_slice %arg16[%mul3A_113, %dma_start3A_117] : memref<10240x128xf32, #tpu.memory_space<vmem_shared>> -> memref<640x128xf32, #tpu.memory_space<vmem_shared>>
        tpu.enqueue_dma source(%dma_start3A_118 : memref<640x128xf32, #tpu.memory_space<vmem_shared>>) target(%dma_start3A_116 : memref<640x128xf32, #tpu.memory_space<hbm>>) target_semaphore(%run_scoped3A : memref<!tpu.dma_semaphore, #tpu.memory_space<semaphore_mem>>)
        %dma_wait3A = arith.constant 0 : i32
        %dma_wait3A_119 = tpu.memref_slice %arg8[%mul3A_115, %dma_wait3A] : memref<10240x128xf32, #tpu.memory_space<hbm>> -> memref<640x128xf32, #tpu.memory_space<hbm>>
        %dma_wait3A_120 = arith.constant 0 : i32
        %dma_wait3A_121 = tpu.memref_slice %arg16[%mul3A_113, %dma_wait3A_120] : memref<10240x128xf32, #tpu.memory_space<vmem_shared>> -> memref<640x128xf32, #tpu.memory_space<vmem_shared>>
        tpu.wait_dma2 semaphore(%run_scoped3A : memref<!tpu.dma_semaphore, #tpu.memory_space<semaphore_mem>>) src(%dma_wait3A_121 : memref<640x128xf32, #tpu.memory_space<vmem_shared>>) dst(%dma_wait3A_119 : memref<640x128xf32, #tpu.memory_space<hbm>>)
        tpu.yield
      }) : () -> ()
    } else {
    }
    %eq3A_94 = arith.constant 1 : i32
    %eq3A_95 = arith.cmpi eq, %arg0, %eq3A_94 : i32
    %convert_element_type3A_96 = arith.extui %eq3A_95 : i1 to i32
    %cond3A_97 = arith.constant 0 : i32
    %cond3A_98 = arith.cmpi ne, %convert_element_type3A_96, %cond3A_97 : i32
    scf.if %cond3A_98 {
      %mul3A_112 = arith.constant 640 : i32
      %mul3A_113 = arith.muli %arg1, %mul3A_112 : i32
      %mul3A_114 = arith.constant 640 : i32
      %mul3A_115 = arith.muli %arg1, %mul3A_114 : i32
      "tpu.region"() ({
        %run_scoped3A = tpu.sem_alloc : memref<!tpu.dma_semaphore, #tpu.memory_space<semaphore_mem>>
        %dma_start3A = arith.constant 0 : i32
        %dma_start3A_116 = tpu.memref_slice %arg9[%mul3A_115, %dma_start3A] : memref<10240x128xf32, #tpu.memory_space<hbm>> -> memref<640x128xf32, #tpu.memory_space<hbm>>
        %dma_start3A_117 = arith.constant 0 : i32
        %dma_start3A_118 = tpu.memref_slice %arg16[%mul3A_113, %dma_start3A_117] : memref<10240x128xf32, #tpu.memory_space<vmem_shared>> -> memref<640x128xf32, #tpu.memory_space<vmem_shared>>
        tpu.enqueue_dma source(%dma_start3A_118 : memref<640x128xf32, #tpu.memory_space<vmem_shared>>) target(%dma_start3A_116 : memref<640x128xf32, #tpu.memory_space<hbm>>) target_semaphore(%run_scoped3A : memref<!tpu.dma_semaphore, #tpu.memory_space<semaphore_mem>>)
        %dma_wait3A = arith.constant 0 : i32
        %dma_wait3A_119 = tpu.memref_slice %arg9[%mul3A_115, %dma_wait3A] : memref<10240x128xf32, #tpu.memory_space<hbm>> -> memref<640x128xf32, #tpu.memory_space<hbm>>
        %dma_wait3A_120 = arith.constant 0 : i32
        %dma_wait3A_121 = tpu.memref_slice %arg16[%mul3A_113, %dma_wait3A_120] : memref<10240x128xf32, #tpu.memory_space<vmem_shared>> -> memref<640x128xf32, #tpu.memory_space<vmem_shared>>
        tpu.wait_dma2 semaphore(%run_scoped3A : memref<!tpu.dma_semaphore, #tpu.memory_space<semaphore_mem>>) src(%dma_wait3A_121 : memref<640x128xf32, #tpu.memory_space<vmem_shared>>) dst(%dma_wait3A_119 : memref<640x128xf32, #tpu.memory_space<hbm>>)
        tpu.yield
      }) : () -> ()
    } else {
    }
    %mul3A_99 = arith.constant 640 : i32
    %mul3A_100 = arith.muli %arg1, %mul3A_99 : i32
    "tpu.region"() ({
      %run_scoped3A = tpu.sem_alloc : memref<!tpu.dma_semaphore, #tpu.memory_space<semaphore_mem>>
      %dma_start3A = arith.constant 0 : i32
      %dma_start3A_112 = tpu.memref_slice %arg16[%mul3A_100, %dma_start3A] : memref<10240x128xf32, #tpu.memory_space<vmem_shared>> -> memref<640x128xf32, #tpu.memory_space<vmem_shared>>
      tpu.enqueue_dma source(%arg7 : memref<640x128xf32, #tpu.memory_space<hbm>>) target(%dma_start3A_112 : memref<640x128xf32, #tpu.memory_space<vmem_shared>>) target_semaphore(%run_scoped3A : memref<!tpu.dma_semaphore, #tpu.memory_space<semaphore_mem>>)
      %dma_wait3A = arith.constant 0 : i32
      %dma_wait3A_113 = tpu.memref_slice %arg16[%mul3A_100, %dma_wait3A] : memref<10240x128xf32, #tpu.memory_space<vmem_shared>> -> memref<640x128xf32, #tpu.memory_space<vmem_shared>>
      tpu.wait_dma2 semaphore(%run_scoped3A : memref<!tpu.dma_semaphore, #tpu.memory_space<semaphore_mem>>) src(%arg7 : memref<640x128xf32, #tpu.memory_space<hbm>>) dst(%dma_wait3A_113 : memref<640x128xf32, #tpu.memory_space<vmem_shared>>)
      tpu.yield
    }) : () -> ()
    %barrier3A_101 = arith.constant 0 : index
    tpu.barrier barrier_id(%barrier3A_101)
    %scan3A = arith.constant 0 : i32
    %scan3A_102 = arith.constant 0 : i32
    %scan3A_103 = arith.constant 40 : i32
    %scan3A_104 = arith.addi %scan3A_102, %scan3A_103 : i32
    %scan3A_105 = arith.constant 1 : i32
    scf.for %scan3A_112 = %scan3A_102 to %scan3A_104 step %scan3A_105  : i32 {
      %dma_start3A = arith.constant 0 : i32
      %dma_start3A_113 = tpu.memref_slice %arg13[%scan3A_112, %dma_start3A] : memref<40x128xi32, #tpu.memory_space<vmem>> -> memref<1x128xi32, #tpu.memory_space<vmem>>
      %dma_start3A_114 = tpu.memref_squeeze %dma_start3A_113 : memref<1x128xi32, #tpu.memory_space<vmem>> -> memref<128xi32, #tpu.memory_space<vmem>>
      %dma_start3A_115 = arith.constant 0 : i32
      %dma_start3A_116 = arith.constant 0 : i32
      %dma_start3A_117 = tpu.memref_slice %arg4[%dma_start3A_115, %dma_start3A_116] : memref<10240x128xf32, #tpu.memory_space<hbm>> -> memref<10240x128xf32, #tpu.memory_space<hbm>>
      tpu.enqueue_indirect_dma source(%dma_start3A_117 : memref<10240x128xf32, #tpu.memory_space<hbm>>) target(%arg15 : memref<128x128xf32, #tpu.memory_space<vmem>>) offsets(%dma_start3A_114 : memref<128xi32, #tpu.memory_space<vmem>>) semaphore(%arg17 : memref<!tpu.dma_semaphore, #tpu.memory_space<semaphore_mem>>)
      %dma_wait3A = arith.constant 0 : i32
      %dma_wait3A_118 = tpu.memref_slice %arg13[%scan3A_112, %dma_wait3A] : memref<40x128xi32, #tpu.memory_space<vmem>> -> memref<1x128xi32, #tpu.memory_space<vmem>>
      %dma_wait3A_119 = tpu.memref_squeeze %dma_wait3A_118 : memref<1x128xi32, #tpu.memory_space<vmem>> -> memref<128xi32, #tpu.memory_space<vmem>>
      %dma_wait3A_120 = arith.constant 0 : i32
      %dma_wait3A_121 = arith.constant 0 : i32
      %dma_wait3A_122 = tpu.memref_slice %arg4[%dma_wait3A_120, %dma_wait3A_121] : memref<10240x128xf32, #tpu.memory_space<hbm>> -> memref<10240x128xf32, #tpu.memory_space<hbm>>
      tpu.wait_indirect_dma semaphore(%arg17 : memref<!tpu.dma_semaphore, #tpu.memory_space<semaphore_mem>>) src(%dma_wait3A_122 : memref<10240x128xf32, #tpu.memory_space<hbm>>) dst(%arg15 : memref<128x128xf32, #tpu.memory_space<vmem>>)
      "tpu.region"() ({
        %run_scoped3A = tpu.sem_alloc : memref<!tpu.dma_semaphore, #tpu.memory_space<semaphore_mem>>
        %dma_start3A_123 = arith.constant 0 : i32
        %dma_start3A_124 = tpu.memref_slice %arg14[%scan3A_112, %dma_start3A_123] : memref<40x128xi32, #tpu.memory_space<vmem>> -> memref<1x128xi32, #tpu.memory_space<vmem>>
        %dma_start3A_125 = tpu.memref_squeeze %dma_start3A_124 : memref<1x128xi32, #tpu.memory_space<vmem>> -> memref<128xi32, #tpu.memory_space<vmem>>
        %dma_start3A_126 = arith.constant 0 : i32
        %dma_start3A_127 = arith.constant 0 : i32
        %dma_start3A_128 = tpu.memref_slice %arg16[%dma_start3A_126, %dma_start3A_127] : memref<10240x128xf32, #tpu.memory_space<vmem_shared>> -> memref<10240x128xf32, #tpu.memory_space<vmem_shared>>
        tpu.enqueue_indirect_dma source(%arg15 : memref<128x128xf32, #tpu.memory_space<vmem>>) target(%dma_start3A_128 : memref<10240x128xf32, #tpu.memory_space<vmem_shared>>) offsets(%dma_start3A_125 : memref<128xi32, #tpu.memory_space<vmem>>) semaphore(%run_scoped3A : memref<!tpu.dma_semaphore, #tpu.memory_space<semaphore_mem>>) {add = true}
        %dma_wait3A_129 = arith.constant 0 : i32
        %dma_wait3A_130 = tpu.memref_slice %arg14[%scan3A_112, %dma_wait3A_129] : memref<40x128xi32, #tpu.memory_space<vmem>> -> memref<1x128xi32, #tpu.memory_space<vmem>>
        %dma_wait3A_131 = tpu.memref_squeeze %dma_wait3A_130 : memref<1x128xi32, #tpu.memory_space<vmem>> -> memref<128xi32, #tpu.memory_space<vmem>>
        %dma_wait3A_132 = arith.constant 0 : i32
        %dma_wait3A_133 = arith.constant 0 : i32
        %dma_wait3A_134 = tpu.memref_slice %arg16[%dma_wait3A_132, %dma_wait3A_133] : memref<10240x128xf32, #tpu.memory_space<vmem_shared>> -> memref<10240x128xf32, #tpu.memory_space<vmem_shared>>
        tpu.wait_indirect_dma semaphore(%run_scoped3A : memref<!tpu.dma_semaphore, #tpu.memory_space<semaphore_mem>>) src(%arg15 : memref<128x128xf32, #tpu.memory_space<vmem>>) dst(%dma_wait3A_134 : memref<10240x128xf32, #tpu.memory_space<vmem_shared>>)
        tpu.yield
      }) : () -> ()
    }
    %scan3A_106 = arith.constant 40 : i32
    %barrier3A_107 = arith.constant 0 : index
    tpu.barrier barrier_id(%barrier3A_107)
    %mul3A_108 = arith.constant 640 : i32
    %mul3A_109 = arith.muli %arg1, %mul3A_108 : i32
    %mul3A_110 = arith.constant 640 : i32
    %mul3A_111 = arith.muli %arg1, %mul3A_110 : i32
    "tpu.region"() ({
      %run_scoped3A = tpu.sem_alloc : memref<!tpu.dma_semaphore, #tpu.memory_space<semaphore_mem>>
      %dma_start3A = arith.constant 0 : i32
      %dma_start3A_112 = arith.constant 0 : i32
      %dma_start3A_113 = tpu.memref_slice %arg10[%arg0, %dma_start3A, %dma_start3A_112] : memref<2x10240x128xf32, #tpu.memory_space<hbm>> -> memref<1x10240x128xf32, #tpu.memory_space<hbm>>
      %dma_start3A_114 = tpu.memref_squeeze %dma_start3A_113 : memref<1x10240x128xf32, #tpu.memory_space<hbm>> -> memref<10240x128xf32, #tpu.memory_space<hbm>>
      %dma_start3A_115 = arith.constant 0 : i32
      %dma_start3A_116 = tpu.memref_slice %dma_start3A_114[%mul3A_111, %dma_start3A_115] : memref<10240x128xf32, #tpu.memory_space<hbm>> -> memref<640x128xf32, #tpu.memory_space<hbm>>
      %dma_start3A_117 = arith.constant 0 : i32
      %dma_start3A_118 = tpu.memref_slice %arg16[%mul3A_109, %dma_start3A_117] : memref<10240x128xf32, #tpu.memory_space<vmem_shared>> -> memref<640x128xf32, #tpu.memory_space<vmem_shared>>
      tpu.enqueue_dma source(%dma_start3A_118 : memref<640x128xf32, #tpu.memory_space<vmem_shared>>) target(%dma_start3A_116 : memref<640x128xf32, #tpu.memory_space<hbm>>) target_semaphore(%run_scoped3A : memref<!tpu.dma_semaphore, #tpu.memory_space<semaphore_mem>>)
      %dma_wait3A = arith.constant 0 : i32
      %dma_wait3A_119 = arith.constant 0 : i32
      %dma_wait3A_120 = tpu.memref_slice %arg10[%arg0, %dma_wait3A, %dma_wait3A_119] : memref<2x10240x128xf32, #tpu.memory_space<hbm>> -> memref<1x10240x128xf32, #tpu.memory_space<hbm>>
      %dma_wait3A_121 = tpu.memref_squeeze %dma_wait3A_120 : memref<1x10240x128xf32, #tpu.memory_space<hbm>> -> memref<10240x128xf32, #tpu.memory_space<hbm>>
      %dma_wait3A_122 = arith.constant 0 : i32
      %dma_wait3A_123 = tpu.memref_slice %dma_wait3A_121[%mul3A_111, %dma_wait3A_122] : memref<10240x128xf32, #tpu.memory_space<hbm>> -> memref<640x128xf32, #tpu.memory_space<hbm>>
      %dma_wait3A_124 = arith.constant 0 : i32
      %dma_wait3A_125 = tpu.memref_slice %arg16[%mul3A_109, %dma_wait3A_124] : memref<10240x128xf32, #tpu.memory_space<vmem_shared>> -> memref<640x128xf32, #tpu.memory_space<vmem_shared>>
      tpu.wait_dma2 semaphore(%run_scoped3A : memref<!tpu.dma_semaphore, #tpu.memory_space<semaphore_mem>>) src(%dma_wait3A_125 : memref<640x128xf32, #tpu.memory_space<vmem_shared>>) dst(%dma_wait3A_123 : memref<640x128xf32, #tpu.memory_space<hbm>>)
      tpu.yield
    }) : () -> ()
    return
  }
}

#map = affine_map<(d0, d1) -> (0, 0)>
#map1 = affine_map<(d0, d1) -> (0, 0, 0)>
module attributes {stable_mosaic.version = 14 : i64} {
  func.func @_spmm(%arg0: i32, %arg1: i32, %arg2: memref<10240x128xf32, #tpu.memory_space<hbm>>, %arg3: memref<10240x128xf32, #tpu.memory_space<hbm>>, %arg4: memref<10240x128xf32, #tpu.memory_space<hbm>>, %arg5: memref<16x80x128xi32, #tpu.memory_space<hbm>>, %arg6: memref<16x80x128xi32, #tpu.memory_space<hbm>>, %arg7: memref<640x128xf32, #tpu.memory_space<hbm>>, %arg8: memref<10240x128xf32, #tpu.memory_space<hbm>>, %arg9: memref<10240x128xf32, #tpu.memory_space<hbm>>, %arg10: memref<2x10240x128xf32, #tpu.memory_space<hbm>>, %arg11: memref<80x128xi32, #tpu.memory_space<vmem>>, %arg12: memref<80x128xi32, #tpu.memory_space<vmem>>, %arg13: memref<40x128xi32, #tpu.memory_space<vmem>>, %arg14: memref<40x128xi32, #tpu.memory_space<vmem>>, %arg15: memref<128x128xf32, #tpu.memory_space<vmem>>, %arg16: memref<10240x128xf32, #tpu.memory_space<vmem_shared>>, %arg17: memref<!tpu.dma_semaphore, #tpu.memory_space<semaphore_mem>>) attributes {dimension_semantics = [#tpu.dimension_semantics<core_parallel>, #tpu.dimension_semantics<subcore_parallel>], iteration_bounds = array<i64: 2, 16>, scalar_prefetch = 0 : i64, scratch_operands = 7 : i64, tpu.core_type = #tpu.core_type<sc_vector_subcore>, window_params = [{transform_indices = #map}, {transform_indices = #map}, {transform_indices = #map}, {transform_indices = #map1}, {transform_indices = #map1}, {transform_indices = #map}, {transform_indices = #map}, {transform_indices = #map}, {transform_indices = #map1}]} {
    %mul3A = arith.constant 640 : i32
    %mul3A_0 = arith.muli %arg1, %mul3A : i32
    "tpu.region"() ({
      %run_scoped3A = tpu.sem_alloc : memref<!tpu.dma_semaphore, #tpu.memory_space<semaphore_mem>>
      %dma_start3A = arith.constant 0 : i32
      %dma_start3A_112 = tpu.memref_slice %arg16[%mul3A_0, %dma_start3A] : memref<10240x128xf32, #tpu.memory_space<vmem_shared>> -> memref<640x128xf32, #tpu.memory_space<vmem_shared>>
      tpu.enqueue_dma source(%arg7 : memref<640x128xf32, #tpu.memory_space<hbm>>) target(%dma_start3A_112 : memref<640x128xf32, #tpu.memory_space<vmem_shared>>) target_semaphore(%run_scoped3A : memref<!tpu.dma_semaphore, #tpu.memory_space<semaphore_mem>>)
      %dma_wait3A = arith.constant 0 : i32
      %dma_wait3A_113 = tpu.memref_slice %arg16[%mul3A_0, %dma_wait3A] : memref<10240x128xf32, #tpu.memory_space<vmem_shared>> -> memref<640x128xf32, #tpu.memory_space<vmem_shared>>
      tpu.wait_dma2 semaphore(%run_scoped3A : memref<!tpu.dma_semaphore, #tpu.memory_space<semaphore_mem>>) src(%arg7 : memref<640x128xf32, #tpu.memory_space<hbm>>) dst(%dma_wait3A_113 : memref<640x128xf32, #tpu.memory_space<vmem_shared>>)
      tpu.yield
    }) : () -> ()
    "tpu.region"() ({
      %run_scoped3A = tpu.sem_alloc : memref<!tpu.dma_semaphore, #tpu.memory_space<semaphore_mem>>
      %dma_start3A = arith.constant 0 : i32
      %dma_start3A_112 = arith.constant 0 : i32
      %dma_start3A_113 = tpu.memref_slice %arg5[%arg1, %dma_start3A, %dma_start3A_112] : memref<16x80x128xi32, #tpu.memory_space<hbm>> -> memref<1x80x128xi32, #tpu.memory_space<hbm>>
      %dma_start3A_114 = tpu.memref_squeeze %dma_start3A_113 : memref<1x80x128xi32, #tpu.memory_space<hbm>> -> memref<80x128xi32, #tpu.memory_space<hbm>>
      %dma_start3A_115 = arith.constant 0 : i32
      %dma_start3A_116 = arith.constant 0 : i32
      %dma_start3A_117 = tpu.memref_slice %arg5[%arg1, %dma_start3A_115, %dma_start3A_116] : memref<16x80x128xi32, #tpu.memory_space<hbm>> -> memref<1x80x128xi32, #tpu.memory_space<hbm>>
      %dma_start3A_118 = tpu.memref_squeeze %dma_start3A_117 : memref<1x80x128xi32, #tpu.memory_space<hbm>> -> memref<80x128xi32, #tpu.memory_space<hbm>>
      tpu.enqueue_dma source(%dma_start3A_118 : memref<80x128xi32, #tpu.memory_space<hbm>>) target(%arg11 : memref<80x128xi32, #tpu.memory_space<vmem>>) target_semaphore(%run_scoped3A : memref<!tpu.dma_semaphore, #tpu.memory_space<semaphore_mem>>)
      %dma_wait3A = arith.constant 0 : i32
      %dma_wait3A_119 = arith.constant 0 : i32
      %dma_wait3A_120 = tpu.memref_slice %arg5[%arg1, %dma_wait3A, %dma_wait3A_119] : memref<16x80x128xi32, #tpu.memory_space<hbm>> -> memref<1x80x128xi32, #tpu.memory_space<hbm>>
      %dma_wait3A_121 = tpu.memref_squeeze %dma_wait3A_120 : memref<1x80x128xi32, #tpu.memory_space<hbm>> -> memref<80x128xi32, #tpu.memory_space<hbm>>
      %dma_wait3A_122 = arith.constant 0 : i32
      %dma_wait3A_123 = arith.constant 0 : i32
      %dma_wait3A_124 = tpu.memref_slice %arg5[%arg1, %dma_wait3A_122, %dma_wait3A_123] : memref<16x80x128xi32, #tpu.memory_space<hbm>> -> memref<1x80x128xi32, #tpu.memory_space<hbm>>
      %dma_wait3A_125 = tpu.memref_squeeze %dma_wait3A_124 : memref<1x80x128xi32, #tpu.memory_space<hbm>> -> memref<80x128xi32, #tpu.memory_space<hbm>>
      tpu.wait_dma2 semaphore(%run_scoped3A : memref<!tpu.dma_semaphore, #tpu.memory_space<semaphore_mem>>) src(%dma_wait3A_125 : memref<80x128xi32, #tpu.memory_space<hbm>>) dst(%arg11 : memref<80x128xi32, #tpu.memory_space<vmem>>)
      tpu.yield
    }) : () -> ()
    "tpu.region"() ({
      %run_scoped3A = tpu.sem_alloc : memref<!tpu.dma_semaphore, #tpu.memory_space<semaphore_mem>>
      %dma_start3A = arith.constant 0 : i32
      %dma_start3A_112 = arith.constant 0 : i32
      %dma_start3A_113 = tpu.memref_slice %arg6[%arg1, %dma_start3A, %dma_start3A_112] : memref<16x80x128xi32, #tpu.memory_space<hbm>> -> memref<1x80x128xi32, #tpu.memory_space<hbm>>
      %dma_start3A_114 = tpu.memref_squeeze %dma_start3A_113 : memref<1x80x128xi32, #tpu.memory_space<hbm>> -> memref<80x128xi32, #tpu.memory_space<hbm>>
      %dma_start3A_115 = arith.constant 0 : i32
      %dma_start3A_116 = arith.constant 0 : i32
      %dma_start3A_117 = tpu.memref_slice %arg6[%arg1, %dma_start3A_115, %dma_start3A_116] : memref<16x80x128xi32, #tpu.memory_space<hbm>> -> memref<1x80x128xi32, #tpu.memory_space<hbm>>
      %dma_start3A_118 = tpu.memref_squeeze %dma_start3A_117 : memref<1x80x128xi32, #tpu.memory_space<hbm>> -> memref<80x128xi32, #tpu.memory_space<hbm>>
      tpu.enqueue_dma source(%dma_start3A_118 : memref<80x128xi32, #tpu.memory_space<hbm>>) target(%arg12 : memref<80x128xi32, #tpu.memory_space<vmem>>) target_semaphore(%run_scoped3A : memref<!tpu.dma_semaphore, #tpu.memory_space<semaphore_mem>>)
      %dma_wait3A = arith.constant 0 : i32
      %dma_wait3A_119 = arith.constant 0 : i32
      %dma_wait3A_120 = tpu.memref_slice %arg6[%arg1, %dma_wait3A, %dma_wait3A_119] : memref<16x80x128xi32, #tpu.memory_space<hbm>> -> memref<1x80x128xi32, #tpu.memory_space<hbm>>
      %dma_wait3A_121 = tpu.memref_squeeze %dma_wait3A_120 : memref<1x80x128xi32, #tpu.memory_space<hbm>> -> memref<80x128xi32, #tpu.memory_space<hbm>>
      %dma_wait3A_122 = arith.constant 0 : i32
      %dma_wait3A_123 = arith.constant 0 : i32
      %dma_wait3A_124 = tpu.memref_slice %arg6[%arg1, %dma_wait3A_122, %dma_wait3A_123] : memref<16x80x128xi32, #tpu.memory_space<hbm>> -> memref<1x80x128xi32, #tpu.memory_space<hbm>>
      %dma_wait3A_125 = tpu.memref_squeeze %dma_wait3A_124 : memref<1x80x128xi32, #tpu.memory_space<hbm>> -> memref<80x128xi32, #tpu.memory_space<hbm>>
      tpu.wait_dma2 semaphore(%run_scoped3A : memref<!tpu.dma_semaphore, #tpu.memory_space<semaphore_mem>>) src(%dma_wait3A_125 : memref<80x128xi32, #tpu.memory_space<hbm>>) dst(%arg12 : memref<80x128xi32, #tpu.memory_space<vmem>>)
      tpu.yield
    }) : () -> ()
    %mul3A_1 = arith.constant 8 : i32
    %mul3A_2 = arith.muli %arg0, %mul3A_1 : i32
    %jit3A = arith.constant 2 : i32
    %div3A = arith.divsi %arg1, %jit3A : i32
    %sign3A = arith.constant 0 : i32
    %sign3A_3 = arith.cmpi sgt, %arg1, %sign3A : i32
    %sign3A_4 = arith.extui %sign3A_3 : i1 to i32
    %sign3A_5 = arith.constant 0 : i32
    %sign3A_6 = arith.cmpi slt, %arg1, %sign3A_5 : i32
    %sign3A_7 = arith.extui %sign3A_6 : i1 to i32
    %sign3A_8 = arith.subi %sign3A_4, %sign3A_7 : i32
    %sign3A_9 = arith.constant 0 : i32
    %sign3A_10 = arith.cmpi sgt, %jit3A, %sign3A_9 : i32
    %sign3A_11 = arith.extui %sign3A_10 : i1 to i32
    %sign3A_12 = arith.constant 0 : i32
    %sign3A_13 = arith.cmpi slt, %jit3A, %sign3A_12 : i32
    %sign3A_14 = arith.extui %sign3A_13 : i1 to i32
    %sign3A_15 = arith.subi %sign3A_11, %sign3A_14 : i32
    %ne3A = arith.cmpi ne, %sign3A_8, %sign3A_15 : i32
    %rem3A = arith.remsi %arg1, %jit3A : i32
    %ne3A_16 = arith.constant 0 : i32
    %ne3A_17 = arith.cmpi ne, %rem3A, %ne3A_16 : i32
    %and3A = arith.andi %ne3A, %ne3A_17 : i1
    %sub3A = arith.constant 1 : i32
    %sub3A_18 = arith.subi %div3A, %sub3A : i32
    %select_n3A = arith.select %and3A, %sub3A_18, %div3A : i32
    %add3A = arith.addi %mul3A_2, %select_n3A : i32
    %jit3A_19 = arith.constant 2 : i32
    %eq3A = arith.constant 0 : i32
    %eq3A_20 = arith.cmpi eq, %jit3A_19, %eq3A : i32
    %jit3A_21 = arith.constant 1 : i32
    %select_n3A_22 = arith.select %eq3A_20, %jit3A_21, %jit3A_19 : i32
    %rem3A_23 = arith.remsi %arg1, %select_n3A_22 : i32
    %ne3A_24 = arith.constant 0 : i32
    %ne3A_25 = arith.cmpi ne, %rem3A_23, %ne3A_24 : i32
    %lt3A = arith.constant 0 : i32
    %lt3A_26 = arith.cmpi slt, %rem3A_23, %lt3A : i32
    %lt3A_27 = arith.constant 0 : i32
    %lt3A_28 = arith.cmpi slt, %select_n3A_22, %lt3A_27 : i32
    %ne3A_29 = arith.xori %lt3A_26, %lt3A_28 : i1
    %and3A_30 = arith.andi %ne3A_29, %ne3A_25 : i1
    %add3A_31 = arith.addi %rem3A_23, %select_n3A_22 : i32
    %select_n3A_32 = arith.select %and3A_30, %add3A_31, %rem3A_23 : i32
    %mul3A_33 = arith.constant 40 : i32
    %mul3A_34 = arith.muli %select_n3A_32, %mul3A_33 : i32
    "tpu.region"() ({
      %run_scoped3A = tpu.sem_alloc : memref<!tpu.dma_semaphore, #tpu.memory_space<semaphore_mem>>
      %dma_start3A = arith.constant 0 : i32
      %dma_start3A_112 = arith.constant 0 : i32
      %dma_start3A_113 = tpu.memref_slice %arg5[%add3A, %dma_start3A, %dma_start3A_112] : memref<16x80x128xi32, #tpu.memory_space<hbm>> -> memref<1x80x128xi32, #tpu.memory_space<hbm>>
      %dma_start3A_114 = tpu.memref_squeeze %dma_start3A_113 : memref<1x80x128xi32, #tpu.memory_space<hbm>> -> memref<80x128xi32, #tpu.memory_space<hbm>>
      %dma_start3A_115 = arith.constant 0 : i32
      %dma_start3A_116 = tpu.memref_slice %dma_start3A_114[%mul3A_34, %dma_start3A_115] : memref<80x128xi32, #tpu.memory_space<hbm>> -> memref<40x128xi32, #tpu.memory_space<hbm>>
      %dma_start3A_117 = arith.constant 0 : i32
      %dma_start3A_118 = arith.constant 0 : i32
      %dma_start3A_119 = tpu.memref_slice %arg5[%add3A, %dma_start3A_117, %dma_start3A_118] : memref<16x80x128xi32, #tpu.memory_space<hbm>> -> memref<1x80x128xi32, #tpu.memory_space<hbm>>
      %dma_start3A_120 = tpu.memref_squeeze %dma_start3A_119 : memref<1x80x128xi32, #tpu.memory_space<hbm>> -> memref<80x128xi32, #tpu.memory_space<hbm>>
      %dma_start3A_121 = arith.constant 0 : i32
      %dma_start3A_122 = tpu.memref_slice %dma_start3A_120[%mul3A_34, %dma_start3A_121] : memref<80x128xi32, #tpu.memory_space<hbm>> -> memref<40x128xi32, #tpu.memory_space<hbm>>
      tpu.enqueue_dma source(%dma_start3A_122 : memref<40x128xi32, #tpu.memory_space<hbm>>) target(%arg13 : memref<40x128xi32, #tpu.memory_space<vmem>>) target_semaphore(%run_scoped3A : memref<!tpu.dma_semaphore, #tpu.memory_space<semaphore_mem>>)
      %dma_wait3A = arith.constant 0 : i32
      %dma_wait3A_123 = arith.constant 0 : i32
      %dma_wait3A_124 = tpu.memref_slice %arg5[%add3A, %dma_wait3A, %dma_wait3A_123] : memref<16x80x128xi32, #tpu.memory_space<hbm>> -> memref<1x80x128xi32, #tpu.memory_space<hbm>>
      %dma_wait3A_125 = tpu.memref_squeeze %dma_wait3A_124 : memref<1x80x128xi32, #tpu.memory_space<hbm>> -> memref<80x128xi32, #tpu.memory_space<hbm>>
      %dma_wait3A_126 = arith.constant 0 : i32
      %dma_wait3A_127 = tpu.memref_slice %dma_wait3A_125[%mul3A_34, %dma_wait3A_126] : memref<80x128xi32, #tpu.memory_space<hbm>> -> memref<40x128xi32, #tpu.memory_space<hbm>>
      %dma_wait3A_128 = arith.constant 0 : i32
      %dma_wait3A_129 = arith.constant 0 : i32
      %dma_wait3A_130 = tpu.memref_slice %arg5[%add3A, %dma_wait3A_128, %dma_wait3A_129] : memref<16x80x128xi32, #tpu.memory_space<hbm>> -> memref<1x80x128xi32, #tpu.memory_space<hbm>>
      %dma_wait3A_131 = tpu.memref_squeeze %dma_wait3A_130 : memref<1x80x128xi32, #tpu.memory_space<hbm>> -> memref<80x128xi32, #tpu.memory_space<hbm>>
      %dma_wait3A_132 = arith.constant 0 : i32
      %dma_wait3A_133 = tpu.memref_slice %dma_wait3A_131[%mul3A_34, %dma_wait3A_132] : memref<80x128xi32, #tpu.memory_space<hbm>> -> memref<40x128xi32, #tpu.memory_space<hbm>>
      tpu.wait_dma2 semaphore(%run_scoped3A : memref<!tpu.dma_semaphore, #tpu.memory_space<semaphore_mem>>) src(%dma_wait3A_133 : memref<40x128xi32, #tpu.memory_space<hbm>>) dst(%arg13 : memref<40x128xi32, #tpu.memory_space<vmem>>)
      tpu.yield
    }) : () -> ()
    %mul3A_35 = arith.constant 8 : i32
    %mul3A_36 = arith.muli %arg0, %mul3A_35 : i32
    %jit3A_37 = arith.constant 2 : i32
    %div3A_38 = arith.divsi %arg1, %jit3A_37 : i32
    %sign3A_39 = arith.constant 0 : i32
    %sign3A_40 = arith.cmpi sgt, %arg1, %sign3A_39 : i32
    %sign3A_41 = arith.extui %sign3A_40 : i1 to i32
    %sign3A_42 = arith.constant 0 : i32
    %sign3A_43 = arith.cmpi slt, %arg1, %sign3A_42 : i32
    %sign3A_44 = arith.extui %sign3A_43 : i1 to i32
    %sign3A_45 = arith.subi %sign3A_41, %sign3A_44 : i32
    %sign3A_46 = arith.constant 0 : i32
    %sign3A_47 = arith.cmpi sgt, %jit3A_37, %sign3A_46 : i32
    %sign3A_48 = arith.extui %sign3A_47 : i1 to i32
    %sign3A_49 = arith.constant 0 : i32
    %sign3A_50 = arith.cmpi slt, %jit3A_37, %sign3A_49 : i32
    %sign3A_51 = arith.extui %sign3A_50 : i1 to i32
    %sign3A_52 = arith.subi %sign3A_48, %sign3A_51 : i32
    %ne3A_53 = arith.cmpi ne, %sign3A_45, %sign3A_52 : i32
    %rem3A_54 = arith.remsi %arg1, %jit3A_37 : i32
    %ne3A_55 = arith.constant 0 : i32
    %ne3A_56 = arith.cmpi ne, %rem3A_54, %ne3A_55 : i32
    %and3A_57 = arith.andi %ne3A_53, %ne3A_56 : i1
    %sub3A_58 = arith.constant 1 : i32
    %sub3A_59 = arith.subi %div3A_38, %sub3A_58 : i32
    %select_n3A_60 = arith.select %and3A_57, %sub3A_59, %div3A_38 : i32
    %add3A_61 = arith.addi %mul3A_36, %select_n3A_60 : i32
    %jit3A_62 = arith.constant 2 : i32
    %eq3A_63 = arith.constant 0 : i32
    %eq3A_64 = arith.cmpi eq, %jit3A_62, %eq3A_63 : i32
    %jit3A_65 = arith.constant 1 : i32
    %select_n3A_66 = arith.select %eq3A_64, %jit3A_65, %jit3A_62 : i32
    %rem3A_67 = arith.remsi %arg1, %select_n3A_66 : i32
    %ne3A_68 = arith.constant 0 : i32
    %ne3A_69 = arith.cmpi ne, %rem3A_67, %ne3A_68 : i32
    %lt3A_70 = arith.constant 0 : i32
    %lt3A_71 = arith.cmpi slt, %rem3A_67, %lt3A_70 : i32
    %lt3A_72 = arith.constant 0 : i32
    %lt3A_73 = arith.cmpi slt, %select_n3A_66, %lt3A_72 : i32
    %ne3A_74 = arith.xori %lt3A_71, %lt3A_73 : i1
    %and3A_75 = arith.andi %ne3A_74, %ne3A_69 : i1
    %add3A_76 = arith.addi %rem3A_67, %select_n3A_66 : i32
    %select_n3A_77 = arith.select %and3A_75, %add3A_76, %rem3A_67 : i32
    %mul3A_78 = arith.constant 40 : i32
    %mul3A_79 = arith.muli %select_n3A_77, %mul3A_78 : i32
    "tpu.region"() ({
      %run_scoped3A = tpu.sem_alloc : memref<!tpu.dma_semaphore, #tpu.memory_space<semaphore_mem>>
      %dma_start3A = arith.constant 0 : i32
      %dma_start3A_112 = arith.constant 0 : i32
      %dma_start3A_113 = tpu.memref_slice %arg6[%add3A_61, %dma_start3A, %dma_start3A_112] : memref<16x80x128xi32, #tpu.memory_space<hbm>> -> memref<1x80x128xi32, #tpu.memory_space<hbm>>
      %dma_start3A_114 = tpu.memref_squeeze %dma_start3A_113 : memref<1x80x128xi32, #tpu.memory_space<hbm>> -> memref<80x128xi32, #tpu.memory_space<hbm>>
      %dma_start3A_115 = arith.constant 0 : i32
      %dma_start3A_116 = tpu.memref_slice %dma_start3A_114[%mul3A_79, %dma_start3A_115] : memref<80x128xi32, #tpu.memory_space<hbm>> -> memref<40x128xi32, #tpu.memory_space<hbm>>
      %dma_start3A_117 = arith.constant 0 : i32
      %dma_start3A_118 = arith.constant 0 : i32
      %dma_start3A_119 = tpu.memref_slice %arg6[%add3A_61, %dma_start3A_117, %dma_start3A_118] : memref<16x80x128xi32, #tpu.memory_space<hbm>> -> memref<1x80x128xi32, #tpu.memory_space<hbm>>
      %dma_start3A_120 = tpu.memref_squeeze %dma_start3A_119 : memref<1x80x128xi32, #tpu.memory_space<hbm>> -> memref<80x128xi32, #tpu.memory_space<hbm>>
      %dma_start3A_121 = arith.constant 0 : i32
      %dma_start3A_122 = tpu.memref_slice %dma_start3A_120[%mul3A_79, %dma_start3A_121] : memref<80x128xi32, #tpu.memory_space<hbm>> -> memref<40x128xi32, #tpu.memory_space<hbm>>
      tpu.enqueue_dma source(%dma_start3A_122 : memref<40x128xi32, #tpu.memory_space<hbm>>) target(%arg14 : memref<40x128xi32, #tpu.memory_space<vmem>>) target_semaphore(%run_scoped3A : memref<!tpu.dma_semaphore, #tpu.memory_space<semaphore_mem>>)
      %dma_wait3A = arith.constant 0 : i32
      %dma_wait3A_123 = arith.constant 0 : i32
      %dma_wait3A_124 = tpu.memref_slice %arg6[%add3A_61, %dma_wait3A, %dma_wait3A_123] : memref<16x80x128xi32, #tpu.memory_space<hbm>> -> memref<1x80x128xi32, #tpu.memory_space<hbm>>
      %dma_wait3A_125 = tpu.memref_squeeze %dma_wait3A_124 : memref<1x80x128xi32, #tpu.memory_space<hbm>> -> memref<80x128xi32, #tpu.memory_space<hbm>>
      %dma_wait3A_126 = arith.constant 0 : i32
      %dma_wait3A_127 = tpu.memref_slice %dma_wait3A_125[%mul3A_79, %dma_wait3A_126] : memref<80x128xi32, #tpu.memory_space<hbm>> -> memref<40x128xi32, #tpu.memory_space<hbm>>
      %dma_wait3A_128 = arith.constant 0 : i32
      %dma_wait3A_129 = arith.constant 0 : i32
      %dma_wait3A_130 = tpu.memref_slice %arg6[%add3A_61, %dma_wait3A_128, %dma_wait3A_129] : memref<16x80x128xi32, #tpu.memory_space<hbm>> -> memref<1x80x128xi32, #tpu.memory_space<hbm>>
      %dma_wait3A_131 = tpu.memref_squeeze %dma_wait3A_130 : memref<1x80x128xi32, #tpu.memory_space<hbm>> -> memref<80x128xi32, #tpu.memory_space<hbm>>
      %dma_wait3A_132 = arith.constant 0 : i32
      %dma_wait3A_133 = tpu.memref_slice %dma_wait3A_131[%mul3A_79, %dma_wait3A_132] : memref<80x128xi32, #tpu.memory_space<hbm>> -> memref<40x128xi32, #tpu.memory_space<hbm>>
      tpu.wait_dma2 semaphore(%run_scoped3A : memref<!tpu.dma_semaphore, #tpu.memory_space<semaphore_mem>>) src(%dma_wait3A_133 : memref<40x128xi32, #tpu.memory_space<hbm>>) dst(%arg14 : memref<40x128xi32, #tpu.memory_space<vmem>>)
      tpu.yield
    }) : () -> ()
    %barrier3A = arith.constant 0 : index
    tpu.barrier barrier_id(%barrier3A)
    %eq3A_80 = arith.constant 0 : i32
    %eq3A_81 = arith.cmpi eq, %arg0, %eq3A_80 : i32
    %convert_element_type3A = arith.extui %eq3A_81 : i1 to i32
    %cond3A = arith.constant 0 : i32
    %cond3A_82 = arith.cmpi ne, %convert_element_type3A, %cond3A : i32
    scf.if %cond3A_82 {
      %scan3A_112 = arith.constant 0 : i32
      %scan3A_113 = arith.constant 0 : i32
      %scan3A_114 = arith.constant 80 : i32
      %scan3A_115 = arith.addi %scan3A_113, %scan3A_114 : i32
      %scan3A_116 = arith.constant 1 : i32
      scf.for %scan3A_118 = %scan3A_113 to %scan3A_115 step %scan3A_116  : i32 {
        %dma_start3A = arith.constant 0 : i32
        %dma_start3A_119 = tpu.memref_slice %arg11[%scan3A_118, %dma_start3A] : memref<80x128xi32, #tpu.memory_space<vmem>> -> memref<1x128xi32, #tpu.memory_space<vmem>>
        %dma_start3A_120 = tpu.memref_squeeze %dma_start3A_119 : memref<1x128xi32, #tpu.memory_space<vmem>> -> memref<128xi32, #tpu.memory_space<vmem>>
        %dma_start3A_121 = arith.constant 0 : i32
        %dma_start3A_122 = arith.constant 0 : i32
        %dma_start3A_123 = tpu.memref_slice %arg2[%dma_start3A_121, %dma_start3A_122] : memref<10240x128xf32, #tpu.memory_space<hbm>> -> memref<10240x128xf32, #tpu.memory_space<hbm>>
        tpu.enqueue_indirect_dma source(%dma_start3A_123 : memref<10240x128xf32, #tpu.memory_space<hbm>>) target(%arg15 : memref<128x128xf32, #tpu.memory_space<vmem>>) offsets(%dma_start3A_120 : memref<128xi32, #tpu.memory_space<vmem>>) semaphore(%arg17 : memref<!tpu.dma_semaphore, #tpu.memory_space<semaphore_mem>>)
        %dma_wait3A = arith.constant 0 : i32
        %dma_wait3A_124 = tpu.memref_slice %arg11[%scan3A_118, %dma_wait3A] : memref<80x128xi32, #tpu.memory_space<vmem>> -> memref<1x128xi32, #tpu.memory_space<vmem>>
        %dma_wait3A_125 = tpu.memref_squeeze %dma_wait3A_124 : memref<1x128xi32, #tpu.memory_space<vmem>> -> memref<128xi32, #tpu.memory_space<vmem>>
        %dma_wait3A_126 = arith.constant 0 : i32
        %dma_wait3A_127 = arith.constant 0 : i32
        %dma_wait3A_128 = tpu.memref_slice %arg2[%dma_wait3A_126, %dma_wait3A_127] : memref<10240x128xf32, #tpu.memory_space<hbm>> -> memref<10240x128xf32, #tpu.memory_space<hbm>>
        tpu.wait_indirect_dma semaphore(%arg17 : memref<!tpu.dma_semaphore, #tpu.memory_space<semaphore_mem>>) src(%dma_wait3A_128 : memref<10240x128xf32, #tpu.memory_space<hbm>>) dst(%arg15 : memref<128x128xf32, #tpu.memory_space<vmem>>)
        "tpu.region"() ({
          %run_scoped3A = tpu.sem_alloc : memref<!tpu.dma_semaphore, #tpu.memory_space<semaphore_mem>>
          %dma_start3A_129 = arith.constant 0 : i32
          %dma_start3A_130 = tpu.memref_slice %arg12[%scan3A_118, %dma_start3A_129] : memref<80x128xi32, #tpu.memory_space<vmem>> -> memref<1x128xi32, #tpu.memory_space<vmem>>
          %dma_start3A_131 = tpu.memref_squeeze %dma_start3A_130 : memref<1x128xi32, #tpu.memory_space<vmem>> -> memref<128xi32, #tpu.memory_space<vmem>>
          %dma_start3A_132 = arith.constant 0 : i32
          %dma_start3A_133 = arith.constant 0 : i32
          %dma_start3A_134 = tpu.memref_slice %arg16[%dma_start3A_132, %dma_start3A_133] : memref<10240x128xf32, #tpu.memory_space<vmem_shared>> -> memref<10240x128xf32, #tpu.memory_space<vmem_shared>>
          tpu.enqueue_indirect_dma source(%arg15 : memref<128x128xf32, #tpu.memory_space<vmem>>) target(%dma_start3A_134 : memref<10240x128xf32, #tpu.memory_space<vmem_shared>>) offsets(%dma_start3A_131 : memref<128xi32, #tpu.memory_space<vmem>>) semaphore(%run_scoped3A : memref<!tpu.dma_semaphore, #tpu.memory_space<semaphore_mem>>) {add = true}
          %dma_wait3A_135 = arith.constant 0 : i32
          %dma_wait3A_136 = tpu.memref_slice %arg12[%scan3A_118, %dma_wait3A_135] : memref<80x128xi32, #tpu.memory_space<vmem>> -> memref<1x128xi32, #tpu.memory_space<vmem>>
          %dma_wait3A_137 = tpu.memref_squeeze %dma_wait3A_136 : memref<1x128xi32, #tpu.memory_space<vmem>> -> memref<128xi32, #tpu.memory_space<vmem>>
          %dma_wait3A_138 = arith.constant 0 : i32
          %dma_wait3A_139 = arith.constant 0 : i32
          %dma_wait3A_140 = tpu.memref_slice %arg16[%dma_wait3A_138, %dma_wait3A_139] : memref<10240x128xf32, #tpu.memory_space<vmem_shared>> -> memref<10240x128xf32, #tpu.memory_space<vmem_shared>>
          tpu.wait_indirect_dma semaphore(%run_scoped3A : memref<!tpu.dma_semaphore, #tpu.memory_space<semaphore_mem>>) src(%arg15 : memref<128x128xf32, #tpu.memory_space<vmem>>) dst(%dma_wait3A_140 : memref<10240x128xf32, #tpu.memory_space<vmem_shared>>)
          tpu.yield
        }) : () -> ()
      }
      %scan3A_117 = arith.constant 80 : i32
    } else {
    }
    %eq3A_83 = arith.constant 1 : i32
    %eq3A_84 = arith.cmpi eq, %arg0, %eq3A_83 : i32
    %convert_element_type3A_85 = arith.extui %eq3A_84 : i1 to i32
    %cond3A_86 = arith.constant 0 : i32
    %cond3A_87 = arith.cmpi ne, %convert_element_type3A_85, %cond3A_86 : i32
    scf.if %cond3A_87 {
      %scan3A_112 = arith.constant 0 : i32
      %scan3A_113 = arith.constant 0 : i32
      %scan3A_114 = arith.constant 80 : i32
      %scan3A_115 = arith.addi %scan3A_113, %scan3A_114 : i32
      %scan3A_116 = arith.constant 1 : i32
      scf.for %scan3A_118 = %scan3A_113 to %scan3A_115 step %scan3A_116  : i32 {
        %dma_start3A = arith.constant 0 : i32
        %dma_start3A_119 = tpu.memref_slice %arg11[%scan3A_118, %dma_start3A] : memref<80x128xi32, #tpu.memory_space<vmem>> -> memref<1x128xi32, #tpu.memory_space<vmem>>
        %dma_start3A_120 = tpu.memref_squeeze %dma_start3A_119 : memref<1x128xi32, #tpu.memory_space<vmem>> -> memref<128xi32, #tpu.memory_space<vmem>>
        %dma_start3A_121 = arith.constant 0 : i32
        %dma_start3A_122 = arith.constant 0 : i32
        %dma_start3A_123 = tpu.memref_slice %arg3[%dma_start3A_121, %dma_start3A_122] : memref<10240x128xf32, #tpu.memory_space<hbm>> -> memref<10240x128xf32, #tpu.memory_space<hbm>>
        tpu.enqueue_indirect_dma source(%dma_start3A_123 : memref<10240x128xf32, #tpu.memory_space<hbm>>) target(%arg15 : memref<128x128xf32, #tpu.memory_space<vmem>>) offsets(%dma_start3A_120 : memref<128xi32, #tpu.memory_space<vmem>>) semaphore(%arg17 : memref<!tpu.dma_semaphore, #tpu.memory_space<semaphore_mem>>)
        %dma_wait3A = arith.constant 0 : i32
        %dma_wait3A_124 = tpu.memref_slice %arg11[%scan3A_118, %dma_wait3A] : memref<80x128xi32, #tpu.memory_space<vmem>> -> memref<1x128xi32, #tpu.memory_space<vmem>>
        %dma_wait3A_125 = tpu.memref_squeeze %dma_wait3A_124 : memref<1x128xi32, #tpu.memory_space<vmem>> -> memref<128xi32, #tpu.memory_space<vmem>>
        %dma_wait3A_126 = arith.constant 0 : i32
        %dma_wait3A_127 = arith.constant 0 : i32
        %dma_wait3A_128 = tpu.memref_slice %arg3[%dma_wait3A_126, %dma_wait3A_127] : memref<10240x128xf32, #tpu.memory_space<hbm>> -> memref<10240x128xf32, #tpu.memory_space<hbm>>
        tpu.wait_indirect_dma semaphore(%arg17 : memref<!tpu.dma_semaphore, #tpu.memory_space<semaphore_mem>>) src(%dma_wait3A_128 : memref<10240x128xf32, #tpu.memory_space<hbm>>) dst(%arg15 : memref<128x128xf32, #tpu.memory_space<vmem>>)
        "tpu.region"() ({
          %run_scoped3A = tpu.sem_alloc : memref<!tpu.dma_semaphore, #tpu.memory_space<semaphore_mem>>
          %dma_start3A_129 = arith.constant 0 : i32
          %dma_start3A_130 = tpu.memref_slice %arg12[%scan3A_118, %dma_start3A_129] : memref<80x128xi32, #tpu.memory_space<vmem>> -> memref<1x128xi32, #tpu.memory_space<vmem>>
          %dma_start3A_131 = tpu.memref_squeeze %dma_start3A_130 : memref<1x128xi32, #tpu.memory_space<vmem>> -> memref<128xi32, #tpu.memory_space<vmem>>
          %dma_start3A_132 = arith.constant 0 : i32
          %dma_start3A_133 = arith.constant 0 : i32
          %dma_start3A_134 = tpu.memref_slice %arg16[%dma_start3A_132, %dma_start3A_133] : memref<10240x128xf32, #tpu.memory_space<vmem_shared>> -> memref<10240x128xf32, #tpu.memory_space<vmem_shared>>
          tpu.enqueue_indirect_dma source(%arg15 : memref<128x128xf32, #tpu.memory_space<vmem>>) target(%dma_start3A_134 : memref<10240x128xf32, #tpu.memory_space<vmem_shared>>) offsets(%dma_start3A_131 : memref<128xi32, #tpu.memory_space<vmem>>) semaphore(%run_scoped3A : memref<!tpu.dma_semaphore, #tpu.memory_space<semaphore_mem>>) {add = true}
          %dma_wait3A_135 = arith.constant 0 : i32
          %dma_wait3A_136 = tpu.memref_slice %arg12[%scan3A_118, %dma_wait3A_135] : memref<80x128xi32, #tpu.memory_space<vmem>> -> memref<1x128xi32, #tpu.memory_space<vmem>>
          %dma_wait3A_137 = tpu.memref_squeeze %dma_wait3A_136 : memref<1x128xi32, #tpu.memory_space<vmem>> -> memref<128xi32, #tpu.memory_space<vmem>>
          %dma_wait3A_138 = arith.constant 0 : i32
          %dma_wait3A_139 = arith.constant 0 : i32
          %dma_wait3A_140 = tpu.memref_slice %arg16[%dma_wait3A_138, %dma_wait3A_139] : memref<10240x128xf32, #tpu.memory_space<vmem_shared>> -> memref<10240x128xf32, #tpu.memory_space<vmem_shared>>
          tpu.wait_indirect_dma semaphore(%run_scoped3A : memref<!tpu.dma_semaphore, #tpu.memory_space<semaphore_mem>>) src(%arg15 : memref<128x128xf32, #tpu.memory_space<vmem>>) dst(%dma_wait3A_140 : memref<10240x128xf32, #tpu.memory_space<vmem_shared>>)
          tpu.yield
        }) : () -> ()
      }
      %scan3A_117 = arith.constant 80 : i32
    } else {
    }
    %barrier3A_88 = arith.constant 0 : index
    tpu.barrier barrier_id(%barrier3A_88)
    %eq3A_89 = arith.constant 0 : i32
    %eq3A_90 = arith.cmpi eq, %arg0, %eq3A_89 : i32
    %convert_element_type3A_91 = arith.extui %eq3A_90 : i1 to i32
    %cond3A_92 = arith.constant 0 : i32
    %cond3A_93 = arith.cmpi ne, %convert_element_type3A_91, %cond3A_92 : i32
    scf.if %cond3A_93 {
      %mul3A_112 = arith.constant 640 : i32
      %mul3A_113 = arith.muli %arg1, %mul3A_112 : i32
      %mul3A_114 = arith.constant 640 : i32
      %mul3A_115 = arith.muli %arg1, %mul3A_114 : i32
      "tpu.region"() ({
        %run_scoped3A = tpu.sem_alloc : memref<!tpu.dma_semaphore, #tpu.memory_space<semaphore_mem>>
        %dma_start3A = arith.constant 0 : i32
        %dma_start3A_116 = tpu.memref_slice %arg8[%mul3A_115, %dma_start3A] : memref<10240x128xf32, #tpu.memory_space<hbm>> -> memref<640x128xf32, #tpu.memory_space<hbm>>
        %dma_start3A_117 = arith.constant 0 : i32
        %dma_start3A_118 = tpu.memref_slice %arg16[%mul3A_113, %dma_start3A_117] : memref<10240x128xf32, #tpu.memory_space<vmem_shared>> -> memref<640x128xf32, #tpu.memory_space<vmem_shared>>
        tpu.enqueue_dma source(%dma_start3A_118 : memref<640x128xf32, #tpu.memory_space<vmem_shared>>) target(%dma_start3A_116 : memref<640x128xf32, #tpu.memory_space<hbm>>) target_semaphore(%run_scoped3A : memref<!tpu.dma_semaphore, #tpu.memory_space<semaphore_mem>>)
        %dma_wait3A = arith.constant 0 : i32
        %dma_wait3A_119 = tpu.memref_slice %arg8[%mul3A_115, %dma_wait3A] : memref<10240x128xf32, #tpu.memory_space<hbm>> -> memref<640x128xf32, #tpu.memory_space<hbm>>
        %dma_wait3A_120 = arith.constant 0 : i32
        %dma_wait3A_121 = tpu.memref_slice %arg16[%mul3A_113, %dma_wait3A_120] : memref<10240x128xf32, #tpu.memory_space<vmem_shared>> -> memref<640x128xf32, #tpu.memory_space<vmem_shared>>
        tpu.wait_dma2 semaphore(%run_scoped3A : memref<!tpu.dma_semaphore, #tpu.memory_space<semaphore_mem>>) src(%dma_wait3A_121 : memref<640x128xf32, #tpu.memory_space<vmem_shared>>) dst(%dma_wait3A_119 : memref<640x128xf32, #tpu.memory_space<hbm>>)
        tpu.yield
      }) : () -> ()
    } else {
    }
    %eq3A_94 = arith.constant 1 : i32
    %eq3A_95 = arith.cmpi eq, %arg0, %eq3A_94 : i32
    %convert_element_type3A_96 = arith.extui %eq3A_95 : i1 to i32
    %cond3A_97 = arith.constant 0 : i32
    %cond3A_98 = arith.cmpi ne, %convert_element_type3A_96, %cond3A_97 : i32
    scf.if %cond3A_98 {
      %mul3A_112 = arith.constant 640 : i32
      %mul3A_113 = arith.muli %arg1, %mul3A_112 : i32
      %mul3A_114 = arith.constant 640 : i32
      %mul3A_115 = arith.muli %arg1, %mul3A_114 : i32
      "tpu.region"() ({
        %run_scoped3A = tpu.sem_alloc : memref<!tpu.dma_semaphore, #tpu.memory_space<semaphore_mem>>
        %dma_start3A = arith.constant 0 : i32
        %dma_start3A_116 = tpu.memref_slice %arg9[%mul3A_115, %dma_start3A] : memref<10240x128xf32, #tpu.memory_space<hbm>> -> memref<640x128xf32, #tpu.memory_space<hbm>>
        %dma_start3A_117 = arith.constant 0 : i32
        %dma_start3A_118 = tpu.memref_slice %arg16[%mul3A_113, %dma_start3A_117] : memref<10240x128xf32, #tpu.memory_space<vmem_shared>> -> memref<640x128xf32, #tpu.memory_space<vmem_shared>>
        tpu.enqueue_dma source(%dma_start3A_118 : memref<640x128xf32, #tpu.memory_space<vmem_shared>>) target(%dma_start3A_116 : memref<640x128xf32, #tpu.memory_space<hbm>>) target_semaphore(%run_scoped3A : memref<!tpu.dma_semaphore, #tpu.memory_space<semaphore_mem>>)
        %dma_wait3A = arith.constant 0 : i32
        %dma_wait3A_119 = tpu.memref_slice %arg9[%mul3A_115, %dma_wait3A] : memref<10240x128xf32, #tpu.memory_space<hbm>> -> memref<640x128xf32, #tpu.memory_space<hbm>>
        %dma_wait3A_120 = arith.constant 0 : i32
        %dma_wait3A_121 = tpu.memref_slice %arg16[%mul3A_113, %dma_wait3A_120] : memref<10240x128xf32, #tpu.memory_space<vmem_shared>> -> memref<640x128xf32, #tpu.memory_space<vmem_shared>>
        tpu.wait_dma2 semaphore(%run_scoped3A : memref<!tpu.dma_semaphore, #tpu.memory_space<semaphore_mem>>) src(%dma_wait3A_121 : memref<640x128xf32, #tpu.memory_space<vmem_shared>>) dst(%dma_wait3A_119 : memref<640x128xf32, #tpu.memory_space<hbm>>)
        tpu.yield
      }) : () -> ()
    } else {
    }
    %mul3A_99 = arith.constant 640 : i32
    %mul3A_100 = arith.muli %arg1, %mul3A_99 : i32
    "tpu.region"() ({
      %run_scoped3A = tpu.sem_alloc : memref<!tpu.dma_semaphore, #tpu.memory_space<semaphore_mem>>
      %dma_start3A = arith.constant 0 : i32
      %dma_start3A_112 = tpu.memref_slice %arg16[%mul3A_100, %dma_start3A] : memref<10240x128xf32, #tpu.memory_space<vmem_shared>> -> memref<640x128xf32, #tpu.memory_space<vmem_shared>>
      tpu.enqueue_dma source(%arg7 : memref<640x128xf32, #tpu.memory_space<hbm>>) target(%dma_start3A_112 : memref<640x128xf32, #tpu.memory_space<vmem_shared>>) target_semaphore(%run_scoped3A : memref<!tpu.dma_semaphore, #tpu.memory_space<semaphore_mem>>)
      %dma_wait3A = arith.constant 0 : i32
      %dma_wait3A_113 = tpu.memref_slice %arg16[%mul3A_100, %dma_wait3A] : memref<10240x128xf32, #tpu.memory_space<vmem_shared>> -> memref<640x128xf32, #tpu.memory_space<vmem_shared>>
      tpu.wait_dma2 semaphore(%run_scoped3A : memref<!tpu.dma_semaphore, #tpu.memory_space<semaphore_mem>>) src(%arg7 : memref<640x128xf32, #tpu.memory_space<hbm>>) dst(%dma_wait3A_113 : memref<640x128xf32, #tpu.memory_space<vmem_shared>>)
      tpu.yield
    }) : () -> ()
    %barrier3A_101 = arith.constant 0 : index
    tpu.barrier barrier_id(%barrier3A_101)
    %scan3A = arith.constant 0 : i32
    %scan3A_102 = arith.constant 0 : i32
    %scan3A_103 = arith.constant 40 : i32
    %scan3A_104 = arith.addi %scan3A_102, %scan3A_103 : i32
    %scan3A_105 = arith.constant 1 : i32
    scf.for %scan3A_112 = %scan3A_102 to %scan3A_104 step %scan3A_105  : i32 {
      %dma_start3A = arith.constant 0 : i32
      %dma_start3A_113 = tpu.memref_slice %arg13[%scan3A_112, %dma_start3A] : memref<40x128xi32, #tpu.memory_space<vmem>> -> memref<1x128xi32, #tpu.memory_space<vmem>>
      %dma_start3A_114 = tpu.memref_squeeze %dma_start3A_113 : memref<1x128xi32, #tpu.memory_space<vmem>> -> memref<128xi32, #tpu.memory_space<vmem>>
      %dma_start3A_115 = arith.constant 0 : i32
      %dma_start3A_116 = arith.constant 0 : i32
      %dma_start3A_117 = tpu.memref_slice %arg4[%dma_start3A_115, %dma_start3A_116] : memref<10240x128xf32, #tpu.memory_space<hbm>> -> memref<10240x128xf32, #tpu.memory_space<hbm>>
      tpu.enqueue_indirect_dma source(%dma_start3A_117 : memref<10240x128xf32, #tpu.memory_space<hbm>>) target(%arg15 : memref<128x128xf32, #tpu.memory_space<vmem>>) offsets(%dma_start3A_114 : memref<128xi32, #tpu.memory_space<vmem>>) semaphore(%arg17 : memref<!tpu.dma_semaphore, #tpu.memory_space<semaphore_mem>>)
      %dma_wait3A = arith.constant 0 : i32
      %dma_wait3A_118 = tpu.memref_slice %arg13[%scan3A_112, %dma_wait3A] : memref<40x128xi32, #tpu.memory_space<vmem>> -> memref<1x128xi32, #tpu.memory_space<vmem>>
      %dma_wait3A_119 = tpu.memref_squeeze %dma_wait3A_118 : memref<1x128xi32, #tpu.memory_space<vmem>> -> memref<128xi32, #tpu.memory_space<vmem>>
      %dma_wait3A_120 = arith.constant 0 : i32
      %dma_wait3A_121 = arith.constant 0 : i32
      %dma_wait3A_122 = tpu.memref_slice %arg4[%dma_wait3A_120, %dma_wait3A_121] : memref<10240x128xf32, #tpu.memory_space<hbm>> -> memref<10240x128xf32, #tpu.memory_space<hbm>>
      tpu.wait_indirect_dma semaphore(%arg17 : memref<!tpu.dma_semaphore, #tpu.memory_space<semaphore_mem>>) src(%dma_wait3A_122 : memref<10240x128xf32, #tpu.memory_space<hbm>>) dst(%arg15 : memref<128x128xf32, #tpu.memory_space<vmem>>)
      "tpu.region"() ({
        %run_scoped3A = tpu.sem_alloc : memref<!tpu.dma_semaphore, #tpu.memory_space<semaphore_mem>>
        %dma_start3A_123 = arith.constant 0 : i32
        %dma_start3A_124 = tpu.memref_slice %arg14[%scan3A_112, %dma_start3A_123] : memref<40x128xi32, #tpu.memory_space<vmem>> -> memref<1x128xi32, #tpu.memory_space<vmem>>
        %dma_start3A_125 = tpu.memref_squeeze %dma_start3A_124 : memref<1x128xi32, #tpu.memory_space<vmem>> -> memref<128xi32, #tpu.memory_space<vmem>>
        %dma_start3A_126 = arith.constant 0 : i32
        %dma_start3A_127 = arith.constant 0 : i32
        %dma_start3A_128 = tpu.memref_slice %arg16[%dma_start3A_126, %dma_start3A_127] : memref<10240x128xf32, #tpu.memory_space<vmem_shared>> -> memref<10240x128xf32, #tpu.memory_space<vmem_shared>>
        tpu.enqueue_indirect_dma source(%arg15 : memref<128x128xf32, #tpu.memory_space<vmem>>) target(%dma_start3A_128 : memref<10240x128xf32, #tpu.memory_space<vmem_shared>>) offsets(%dma_start3A_125 : memref<128xi32, #tpu.memory_space<vmem>>) semaphore(%run_scoped3A : memref<!tpu.dma_semaphore, #tpu.memory_space<semaphore_mem>>) {add = true}
        %dma_wait3A_129 = arith.constant 0 : i32
        %dma_wait3A_130 = tpu.memref_slice %arg14[%scan3A_112, %dma_wait3A_129] : memref<40x128xi32, #tpu.memory_space<vmem>> -> memref<1x128xi32, #tpu.memory_space<vmem>>
        %dma_wait3A_131 = tpu.memref_squeeze %dma_wait3A_130 : memref<1x128xi32, #tpu.memory_space<vmem>> -> memref<128xi32, #tpu.memory_space<vmem>>
        %dma_wait3A_132 = arith.constant 0 : i32
        %dma_wait3A_133 = arith.constant 0 : i32
        %dma_wait3A_134 = tpu.memref_slice %arg16[%dma_wait3A_132, %dma_wait3A_133] : memref<10240x128xf32, #tpu.memory_space<vmem_shared>> -> memref<10240x128xf32, #tpu.memory_space<vmem_shared>>
        tpu.wait_indirect_dma semaphore(%run_scoped3A : memref<!tpu.dma_semaphore, #tpu.memory_space<semaphore_mem>>) src(%arg15 : memref<128x128xf32, #tpu.memory_space<vmem>>) dst(%dma_wait3A_134 : memref<10240x128xf32, #tpu.memory_space<vmem_shared>>)
        tpu.yield
      }) : () -> ()
    }
    %scan3A_106 = arith.constant 40 : i32
    %barrier3A_107 = arith.constant 0 : index
    tpu.barrier barrier_id(%barrier3A_107)
    %mul3A_108 = arith.constant 640 : i32
    %mul3A_109 = arith.muli %arg1, %mul3A_108 : i32
    %mul3A_110 = arith.constant 640 : i32
    %mul3A_111 = arith.muli %arg1, %mul3A_110 : i32
    "tpu.region"() ({
      %run_scoped3A = tpu.sem_alloc : memref<!tpu.dma_semaphore, #tpu.memory_space<semaphore_mem>>
      %dma_start3A = arith.constant 0 : i32
      %dma_start3A_112 = arith.constant 0 : i32
      %dma_start3A_113 = tpu.memref_slice %arg10[%arg0, %dma_start3A, %dma_start3A_112] : memref<2x10240x128xf32, #tpu.memory_space<hbm>> -> memref<1x10240x128xf32, #tpu.memory_space<hbm>>
      %dma_start3A_114 = tpu.memref_squeeze %dma_start3A_113 : memref<1x10240x128xf32, #tpu.memory_space<hbm>> -> memref<10240x128xf32, #tpu.memory_space<hbm>>
      %dma_start3A_115 = arith.constant 0 : i32
      %dma_start3A_116 = tpu.memref_slice %dma_start3A_114[%mul3A_111, %dma_start3A_115] : memref<10240x128xf32, #tpu.memory_space<hbm>> -> memref<640x128xf32, #tpu.memory_space<hbm>>
      %dma_start3A_117 = arith.constant 0 : i32
      %dma_start3A_118 = tpu.memref_slice %arg16[%mul3A_109, %dma_start3A_117] : memref<10240x128xf32, #tpu.memory_space<vmem_shared>> -> memref<640x128xf32, #tpu.memory_space<vmem_shared>>
      tpu.enqueue_dma source(%dma_start3A_118 : memref<640x128xf32, #tpu.memory_space<vmem_shared>>) target(%dma_start3A_116 : memref<640x128xf32, #tpu.memory_space<hbm>>) target_semaphore(%run_scoped3A : memref<!tpu.dma_semaphore, #tpu.memory_space<semaphore_mem>>)
      %dma_wait3A = arith.constant 0 : i32
      %dma_wait3A_119 = arith.constant 0 : i32
      %dma_wait3A_120 = tpu.memref_slice %arg10[%arg0, %dma_wait3A, %dma_wait3A_119] : memref<2x10240x128xf32, #tpu.memory_space<hbm>> -> memref<1x10240x128xf32, #tpu.memory_space<hbm>>
      %dma_wait3A_121 = tpu.memref_squeeze %dma_wait3A_120 : memref<1x10240x128xf32, #tpu.memory_space<hbm>> -> memref<10240x128xf32, #tpu.memory_space<hbm>>
      %dma_wait3A_122 = arith.constant 0 : i32
      %dma_wait3A_123 = tpu.memref_slice %dma_wait3A_121[%mul3A_111, %dma_wait3A_122] : memref<10240x128xf32, #tpu.memory_space<hbm>> -> memref<640x128xf32, #tpu.memory_space<hbm>>
      %dma_wait3A_124 = arith.constant 0 : i32
      %dma_wait3A_125 = tpu.memref_slice %arg16[%mul3A_109, %dma_wait3A_124] : memref<10240x128xf32, #tpu.memory_space<vmem_shared>> -> memref<640x128xf32, #tpu.memory_space<vmem_shared>>
      tpu.wait_dma2 semaphore(%run_scoped3A : memref<!tpu.dma_semaphore, #tpu.memory_space<semaphore_mem>>) src(%dma_wait3A_125 : memref<640x128xf32, #tpu.memory_space<vmem_shared>>) dst(%dma_wait3A_123 : memref<640x128xf32, #tpu.memory_space<hbm>>)
      tpu.yield
    }) : () -> ()
    return
  }
}

#map = affine_map<(d0, d1) -> (0, 0)>
#map1 = affine_map<(d0, d1) -> (0, 0, 0, 0)>
#map2 = affine_map<(d0, d1) -> (0, 0, 0)>
module attributes {stable_mosaic.version = 14 : i64} {
  func.func @_counts(%arg0: i32, %arg1: i32, %arg2: memref<16x128xf32, #tpu.memory_space<hbm>>, %arg3: memref<2x16x40x128xi32, #tpu.memory_space<hbm>>, %arg4: memref<16x80x128xi32, #tpu.memory_space<hbm>>, %arg5: memref<640x128xf32, #tpu.memory_space<hbm>>, %arg6: memref<2x10240x128xf32, #tpu.memory_space<hbm>>, %arg7: memref<40x128xi32, #tpu.memory_space<vmem>>, %arg8: memref<40x128xi32, #tpu.memory_space<vmem>>, %arg9: memref<128x128xf32, #tpu.memory_space<vmem>>, %arg10: memref<10240x128xf32, #tpu.memory_space<vmem_shared>>, %arg11: memref<!tpu.dma_semaphore, #tpu.memory_space<semaphore_mem>>) attributes {dimension_semantics = [#tpu.dimension_semantics<core_parallel>, #tpu.dimension_semantics<subcore_parallel>], iteration_bounds = array<i64: 2, 16>, scalar_prefetch = 0 : i64, scratch_operands = 5 : i64, tpu.core_type = #tpu.core_type<sc_vector_subcore>, window_params = [{transform_indices = #map}, {transform_indices = #map1}, {transform_indices = #map2}, {transform_indices = #map}, {transform_indices = #map2}]} {
    %mul3A = arith.constant 640 : i32
    %mul3A_0 = arith.muli %arg1, %mul3A : i32
    "tpu.region"() ({
      %run_scoped3A = tpu.sem_alloc : memref<!tpu.dma_semaphore, #tpu.memory_space<semaphore_mem>>
      %dma_start3A = arith.constant 0 : i32
      %dma_start3A_45 = tpu.memref_slice %arg10[%mul3A_0, %dma_start3A] : memref<10240x128xf32, #tpu.memory_space<vmem_shared>> -> memref<640x128xf32, #tpu.memory_space<vmem_shared>>
      tpu.enqueue_dma source(%arg5 : memref<640x128xf32, #tpu.memory_space<hbm>>) target(%dma_start3A_45 : memref<640x128xf32, #tpu.memory_space<vmem_shared>>) target_semaphore(%run_scoped3A : memref<!tpu.dma_semaphore, #tpu.memory_space<semaphore_mem>>)
      %dma_wait3A = arith.constant 0 : i32
      %dma_wait3A_46 = tpu.memref_slice %arg10[%mul3A_0, %dma_wait3A] : memref<10240x128xf32, #tpu.memory_space<vmem_shared>> -> memref<640x128xf32, #tpu.memory_space<vmem_shared>>
      tpu.wait_dma2 semaphore(%run_scoped3A : memref<!tpu.dma_semaphore, #tpu.memory_space<semaphore_mem>>) src(%arg5 : memref<640x128xf32, #tpu.memory_space<hbm>>) dst(%dma_wait3A_46 : memref<640x128xf32, #tpu.memory_space<vmem_shared>>)
      tpu.yield
    }) : () -> ()
    "tpu.region"() ({
      %run_scoped3A = tpu.sem_alloc : memref<!tpu.dma_semaphore, #tpu.memory_space<semaphore_mem>>
      %dma_start3A = arith.constant 0 : i32
      %dma_start3A_45 = arith.constant 0 : i32
      %dma_start3A_46 = arith.constant 0 : i32
      %dma_start3A_47 = tpu.memref_slice %arg3[%arg0, %dma_start3A, %dma_start3A_45, %dma_start3A_46] : memref<2x16x40x128xi32, #tpu.memory_space<hbm>> -> memref<1x16x40x128xi32, #tpu.memory_space<hbm>>
      %dma_start3A_48 = tpu.memref_squeeze %dma_start3A_47 : memref<1x16x40x128xi32, #tpu.memory_space<hbm>> -> memref<16x40x128xi32, #tpu.memory_space<hbm>>
      %dma_start3A_49 = arith.constant 0 : i32
      %dma_start3A_50 = arith.constant 0 : i32
      %dma_start3A_51 = tpu.memref_slice %dma_start3A_48[%arg1, %dma_start3A_49, %dma_start3A_50] : memref<16x40x128xi32, #tpu.memory_space<hbm>> -> memref<1x40x128xi32, #tpu.memory_space<hbm>>
      %dma_start3A_52 = tpu.memref_squeeze %dma_start3A_51 : memref<1x40x128xi32, #tpu.memory_space<hbm>> -> memref<40x128xi32, #tpu.memory_space<hbm>>
      %dma_start3A_53 = arith.constant 0 : i32
      %dma_start3A_54 = arith.constant 0 : i32
      %dma_start3A_55 = arith.constant 0 : i32
      %dma_start3A_56 = tpu.memref_slice %arg3[%arg0, %dma_start3A_53, %dma_start3A_54, %dma_start3A_55] : memref<2x16x40x128xi32, #tpu.memory_space<hbm>> -> memref<1x16x40x128xi32, #tpu.memory_space<hbm>>
      %dma_start3A_57 = tpu.memref_squeeze %dma_start3A_56 : memref<1x16x40x128xi32, #tpu.memory_space<hbm>> -> memref<16x40x128xi32, #tpu.memory_space<hbm>>
      %dma_start3A_58 = arith.constant 0 : i32
      %dma_start3A_59 = arith.constant 0 : i32
      %dma_start3A_60 = tpu.memref_slice %dma_start3A_57[%arg1, %dma_start3A_58, %dma_start3A_59] : memref<16x40x128xi32, #tpu.memory_space<hbm>> -> memref<1x40x128xi32, #tpu.memory_space<hbm>>
      %dma_start3A_61 = tpu.memref_squeeze %dma_start3A_60 : memref<1x40x128xi32, #tpu.memory_space<hbm>> -> memref<40x128xi32, #tpu.memory_space<hbm>>
      tpu.enqueue_dma source(%dma_start3A_61 : memref<40x128xi32, #tpu.memory_space<hbm>>) target(%arg7 : memref<40x128xi32, #tpu.memory_space<vmem>>) target_semaphore(%run_scoped3A : memref<!tpu.dma_semaphore, #tpu.memory_space<semaphore_mem>>)
      %dma_wait3A = arith.constant 0 : i32
      %dma_wait3A_62 = arith.constant 0 : i32
      %dma_wait3A_63 = arith.constant 0 : i32
      %dma_wait3A_64 = tpu.memref_slice %arg3[%arg0, %dma_wait3A, %dma_wait3A_62, %dma_wait3A_63] : memref<2x16x40x128xi32, #tpu.memory_space<hbm>> -> memref<1x16x40x128xi32, #tpu.memory_space<hbm>>
      %dma_wait3A_65 = tpu.memref_squeeze %dma_wait3A_64 : memref<1x16x40x128xi32, #tpu.memory_space<hbm>> -> memref<16x40x128xi32, #tpu.memory_space<hbm>>
      %dma_wait3A_66 = arith.constant 0 : i32
      %dma_wait3A_67 = arith.constant 0 : i32
      %dma_wait3A_68 = tpu.memref_slice %dma_wait3A_65[%arg1, %dma_wait3A_66, %dma_wait3A_67] : memref<16x40x128xi32, #tpu.memory_space<hbm>> -> memref<1x40x128xi32, #tpu.memory_space<hbm>>
      %dma_wait3A_69 = tpu.memref_squeeze %dma_wait3A_68 : memref<1x40x128xi32, #tpu.memory_space<hbm>> -> memref<40x128xi32, #tpu.memory_space<hbm>>
      %dma_wait3A_70 = arith.constant 0 : i32
      %dma_wait3A_71 = arith.constant 0 : i32
      %dma_wait3A_72 = arith.constant 0 : i32
      %dma_wait3A_73 = tpu.memref_slice %arg3[%arg0, %dma_wait3A_70, %dma_wait3A_71, %dma_wait3A_72] : memref<2x16x40x128xi32, #tpu.memory_space<hbm>> -> memref<1x16x40x128xi32, #tpu.memory_space<hbm>>
      %dma_wait3A_74 = tpu.memref_squeeze %dma_wait3A_73 : memref<1x16x40x128xi32, #tpu.memory_space<hbm>> -> memref<16x40x128xi32, #tpu.memory_space<hbm>>
      %dma_wait3A_75 = arith.constant 0 : i32
      %dma_wait3A_76 = arith.constant 0 : i32
      %dma_wait3A_77 = tpu.memref_slice %dma_wait3A_74[%arg1, %dma_wait3A_75, %dma_wait3A_76] : memref<16x40x128xi32, #tpu.memory_space<hbm>> -> memref<1x40x128xi32, #tpu.memory_space<hbm>>
      %dma_wait3A_78 = tpu.memref_squeeze %dma_wait3A_77 : memref<1x40x128xi32, #tpu.memory_space<hbm>> -> memref<40x128xi32, #tpu.memory_space<hbm>>
      tpu.wait_dma2 semaphore(%run_scoped3A : memref<!tpu.dma_semaphore, #tpu.memory_space<semaphore_mem>>) src(%dma_wait3A_78 : memref<40x128xi32, #tpu.memory_space<hbm>>) dst(%arg7 : memref<40x128xi32, #tpu.memory_space<vmem>>)
      tpu.yield
    }) : () -> ()
    %mul3A_1 = arith.constant 8 : i32
    %mul3A_2 = arith.muli %arg0, %mul3A_1 : i32
    %jit3A = arith.constant 2 : i32
    %div3A = arith.divsi %arg1, %jit3A : i32
    %sign3A = arith.constant 0 : i32
    %sign3A_3 = arith.cmpi sgt, %arg1, %sign3A : i32
    %sign3A_4 = arith.extui %sign3A_3 : i1 to i32
    %sign3A_5 = arith.constant 0 : i32
    %sign3A_6 = arith.cmpi slt, %arg1, %sign3A_5 : i32
    %sign3A_7 = arith.extui %sign3A_6 : i1 to i32
    %sign3A_8 = arith.subi %sign3A_4, %sign3A_7 : i32
    %sign3A_9 = arith.constant 0 : i32
    %sign3A_10 = arith.cmpi sgt, %jit3A, %sign3A_9 : i32
    %sign3A_11 = arith.extui %sign3A_10 : i1 to i32
    %sign3A_12 = arith.constant 0 : i32
    %sign3A_13 = arith.cmpi slt, %jit3A, %sign3A_12 : i32
    %sign3A_14 = arith.extui %sign3A_13 : i1 to i32
    %sign3A_15 = arith.subi %sign3A_11, %sign3A_14 : i32
    %ne3A = arith.cmpi ne, %sign3A_8, %sign3A_15 : i32
    %rem3A = arith.remsi %arg1, %jit3A : i32
    %ne3A_16 = arith.constant 0 : i32
    %ne3A_17 = arith.cmpi ne, %rem3A, %ne3A_16 : i32
    %and3A = arith.andi %ne3A, %ne3A_17 : i1
    %sub3A = arith.constant 1 : i32
    %sub3A_18 = arith.subi %div3A, %sub3A : i32
    %select_n3A = arith.select %and3A, %sub3A_18, %div3A : i32
    %add3A = arith.addi %mul3A_2, %select_n3A : i32
    %jit3A_19 = arith.constant 2 : i32
    %eq3A = arith.constant 0 : i32
    %eq3A_20 = arith.cmpi eq, %jit3A_19, %eq3A : i32
    %jit3A_21 = arith.constant 1 : i32
    %select_n3A_22 = arith.select %eq3A_20, %jit3A_21, %jit3A_19 : i32
    %rem3A_23 = arith.remsi %arg1, %select_n3A_22 : i32
    %ne3A_24 = arith.constant 0 : i32
    %ne3A_25 = arith.cmpi ne, %rem3A_23, %ne3A_24 : i32
    %lt3A = arith.constant 0 : i32
    %lt3A_26 = arith.cmpi slt, %rem3A_23, %lt3A : i32
    %lt3A_27 = arith.constant 0 : i32
    %lt3A_28 = arith.cmpi slt, %select_n3A_22, %lt3A_27 : i32
    %ne3A_29 = arith.xori %lt3A_26, %lt3A_28 : i1
    %and3A_30 = arith.andi %ne3A_29, %ne3A_25 : i1
    %add3A_31 = arith.addi %rem3A_23, %select_n3A_22 : i32
    %select_n3A_32 = arith.select %and3A_30, %add3A_31, %rem3A_23 : i32
    %mul3A_33 = arith.constant 40 : i32
    %mul3A_34 = arith.muli %select_n3A_32, %mul3A_33 : i32
    "tpu.region"() ({
      %run_scoped3A = tpu.sem_alloc : memref<!tpu.dma_semaphore, #tpu.memory_space<semaphore_mem>>
      %dma_start3A = arith.constant 0 : i32
      %dma_start3A_45 = arith.constant 0 : i32
      %dma_start3A_46 = tpu.memref_slice %arg4[%add3A, %dma_start3A, %dma_start3A_45] : memref<16x80x128xi32, #tpu.memory_space<hbm>> -> memref<1x80x128xi32, #tpu.memory_space<hbm>>
      %dma_start3A_47 = tpu.memref_squeeze %dma_start3A_46 : memref<1x80x128xi32, #tpu.memory_space<hbm>> -> memref<80x128xi32, #tpu.memory_space<hbm>>
      %dma_start3A_48 = arith.constant 0 : i32
      %dma_start3A_49 = tpu.memref_slice %dma_start3A_47[%mul3A_34, %dma_start3A_48] : memref<80x128xi32, #tpu.memory_space<hbm>> -> memref<40x128xi32, #tpu.memory_space<hbm>>
      %dma_start3A_50 = arith.constant 0 : i32
      %dma_start3A_51 = arith.constant 0 : i32
      %dma_start3A_52 = tpu.memref_slice %arg4[%add3A, %dma_start3A_50, %dma_start3A_51] : memref<16x80x128xi32, #tpu.memory_space<hbm>> -> memref<1x80x128xi32, #tpu.memory_space<hbm>>
      %dma_start3A_53 = tpu.memref_squeeze %dma_start3A_52 : memref<1x80x128xi32, #tpu.memory_space<hbm>> -> memref<80x128xi32, #tpu.memory_space<hbm>>
      %dma_start3A_54 = arith.constant 0 : i32
      %dma_start3A_55 = tpu.memref_slice %dma_start3A_53[%mul3A_34, %dma_start3A_54] : memref<80x128xi32, #tpu.memory_space<hbm>> -> memref<40x128xi32, #tpu.memory_space<hbm>>
      tpu.enqueue_dma source(%dma_start3A_55 : memref<40x128xi32, #tpu.memory_space<hbm>>) target(%arg8 : memref<40x128xi32, #tpu.memory_space<vmem>>) target_semaphore(%run_scoped3A : memref<!tpu.dma_semaphore, #tpu.memory_space<semaphore_mem>>)
      %dma_wait3A = arith.constant 0 : i32
      %dma_wait3A_56 = arith.constant 0 : i32
      %dma_wait3A_57 = tpu.memref_slice %arg4[%add3A, %dma_wait3A, %dma_wait3A_56] : memref<16x80x128xi32, #tpu.memory_space<hbm>> -> memref<1x80x128xi32, #tpu.memory_space<hbm>>
      %dma_wait3A_58 = tpu.memref_squeeze %dma_wait3A_57 : memref<1x80x128xi32, #tpu.memory_space<hbm>> -> memref<80x128xi32, #tpu.memory_space<hbm>>
      %dma_wait3A_59 = arith.constant 0 : i32
      %dma_wait3A_60 = tpu.memref_slice %dma_wait3A_58[%mul3A_34, %dma_wait3A_59] : memref<80x128xi32, #tpu.memory_space<hbm>> -> memref<40x128xi32, #tpu.memory_space<hbm>>
      %dma_wait3A_61 = arith.constant 0 : i32
      %dma_wait3A_62 = arith.constant 0 : i32
      %dma_wait3A_63 = tpu.memref_slice %arg4[%add3A, %dma_wait3A_61, %dma_wait3A_62] : memref<16x80x128xi32, #tpu.memory_space<hbm>> -> memref<1x80x128xi32, #tpu.memory_space<hbm>>
      %dma_wait3A_64 = tpu.memref_squeeze %dma_wait3A_63 : memref<1x80x128xi32, #tpu.memory_space<hbm>> -> memref<80x128xi32, #tpu.memory_space<hbm>>
      %dma_wait3A_65 = arith.constant 0 : i32
      %dma_wait3A_66 = tpu.memref_slice %dma_wait3A_64[%mul3A_34, %dma_wait3A_65] : memref<80x128xi32, #tpu.memory_space<hbm>> -> memref<40x128xi32, #tpu.memory_space<hbm>>
      tpu.wait_dma2 semaphore(%run_scoped3A : memref<!tpu.dma_semaphore, #tpu.memory_space<semaphore_mem>>) src(%dma_wait3A_66 : memref<40x128xi32, #tpu.memory_space<hbm>>) dst(%arg8 : memref<40x128xi32, #tpu.memory_space<vmem>>)
      tpu.yield
    }) : () -> ()
    %barrier3A = arith.constant 0 : index
    tpu.barrier barrier_id(%barrier3A)
    %scan3A = arith.constant 0 : i32
    %scan3A_35 = arith.constant 0 : i32
    %scan3A_36 = arith.constant 40 : i32
    %scan3A_37 = arith.addi %scan3A_35, %scan3A_36 : i32
    %scan3A_38 = arith.constant 1 : i32
    scf.for %scan3A_45 = %scan3A_35 to %scan3A_37 step %scan3A_38  : i32 {
      %dma_start3A = arith.constant 0 : i32
      %dma_start3A_46 = tpu.memref_slice %arg7[%scan3A_45, %dma_start3A] : memref<40x128xi32, #tpu.memory_space<vmem>> -> memref<1x128xi32, #tpu.memory_space<vmem>>
      %dma_start3A_47 = tpu.memref_squeeze %dma_start3A_46 : memref<1x128xi32, #tpu.memory_space<vmem>> -> memref<128xi32, #tpu.memory_space<vmem>>
      %dma_start3A_48 = arith.constant 0 : i32
      %dma_start3A_49 = arith.constant 0 : i32
      %dma_start3A_50 = tpu.memref_slice %arg2[%dma_start3A_48, %dma_start3A_49] : memref<16x128xf32, #tpu.memory_space<hbm>> -> memref<16x128xf32, #tpu.memory_space<hbm>>
      tpu.enqueue_indirect_dma source(%dma_start3A_50 : memref<16x128xf32, #tpu.memory_space<hbm>>) target(%arg9 : memref<128x128xf32, #tpu.memory_space<vmem>>) offsets(%dma_start3A_47 : memref<128xi32, #tpu.memory_space<vmem>>) semaphore(%arg11 : memref<!tpu.dma_semaphore, #tpu.memory_space<semaphore_mem>>)
      %dma_wait3A = arith.constant 0 : i32
      %dma_wait3A_51 = tpu.memref_slice %arg7[%scan3A_45, %dma_wait3A] : memref<40x128xi32, #tpu.memory_space<vmem>> -> memref<1x128xi32, #tpu.memory_space<vmem>>
      %dma_wait3A_52 = tpu.memref_squeeze %dma_wait3A_51 : memref<1x128xi32, #tpu.memory_space<vmem>> -> memref<128xi32, #tpu.memory_space<vmem>>
      %dma_wait3A_53 = arith.constant 0 : i32
      %dma_wait3A_54 = arith.constant 0 : i32
      %dma_wait3A_55 = tpu.memref_slice %arg2[%dma_wait3A_53, %dma_wait3A_54] : memref<16x128xf32, #tpu.memory_space<hbm>> -> memref<16x128xf32, #tpu.memory_space<hbm>>
      tpu.wait_indirect_dma semaphore(%arg11 : memref<!tpu.dma_semaphore, #tpu.memory_space<semaphore_mem>>) src(%dma_wait3A_55 : memref<16x128xf32, #tpu.memory_space<hbm>>) dst(%arg9 : memref<128x128xf32, #tpu.memory_space<vmem>>)
      "tpu.region"() ({
        %run_scoped3A = tpu.sem_alloc : memref<!tpu.dma_semaphore, #tpu.memory_space<semaphore_mem>>
        %dma_start3A_56 = arith.constant 0 : i32
        %dma_start3A_57 = tpu.memref_slice %arg8[%scan3A_45, %dma_start3A_56] : memref<40x128xi32, #tpu.memory_space<vmem>> -> memref<1x128xi32, #tpu.memory_space<vmem>>
        %dma_start3A_58 = tpu.memref_squeeze %dma_start3A_57 : memref<1x128xi32, #tpu.memory_space<vmem>> -> memref<128xi32, #tpu.memory_space<vmem>>
        %dma_start3A_59 = arith.constant 0 : i32
        %dma_start3A_60 = arith.constant 0 : i32
        %dma_start3A_61 = tpu.memref_slice %arg10[%dma_start3A_59, %dma_start3A_60] : memref<10240x128xf32, #tpu.memory_space<vmem_shared>> -> memref<10240x128xf32, #tpu.memory_space<vmem_shared>>
        tpu.enqueue_indirect_dma source(%arg9 : memref<128x128xf32, #tpu.memory_space<vmem>>) target(%dma_start3A_61 : memref<10240x128xf32, #tpu.memory_space<vmem_shared>>) offsets(%dma_start3A_58 : memref<128xi32, #tpu.memory_space<vmem>>) semaphore(%run_scoped3A : memref<!tpu.dma_semaphore, #tpu.memory_space<semaphore_mem>>) {add = true}
        %dma_wait3A_62 = arith.constant 0 : i32
        %dma_wait3A_63 = tpu.memref_slice %arg8[%scan3A_45, %dma_wait3A_62] : memref<40x128xi32, #tpu.memory_space<vmem>> -> memref<1x128xi32, #tpu.memory_space<vmem>>
        %dma_wait3A_64 = tpu.memref_squeeze %dma_wait3A_63 : memref<1x128xi32, #tpu.memory_space<vmem>> -> memref<128xi32, #tpu.memory_space<vmem>>
        %dma_wait3A_65 = arith.constant 0 : i32
        %dma_wait3A_66 = arith.constant 0 : i32
        %dma_wait3A_67 = tpu.memref_slice %arg10[%dma_wait3A_65, %dma_wait3A_66] : memref<10240x128xf32, #tpu.memory_space<vmem_shared>> -> memref<10240x128xf32, #tpu.memory_space<vmem_shared>>
        tpu.wait_indirect_dma semaphore(%run_scoped3A : memref<!tpu.dma_semaphore, #tpu.memory_space<semaphore_mem>>) src(%arg9 : memref<128x128xf32, #tpu.memory_space<vmem>>) dst(%dma_wait3A_67 : memref<10240x128xf32, #tpu.memory_space<vmem_shared>>)
        tpu.yield
      }) : () -> ()
    }
    %scan3A_39 = arith.constant 40 : i32
    %barrier3A_40 = arith.constant 0 : index
    tpu.barrier barrier_id(%barrier3A_40)
    %mul3A_41 = arith.constant 640 : i32
    %mul3A_42 = arith.muli %arg1, %mul3A_41 : i32
    %mul3A_43 = arith.constant 640 : i32
    %mul3A_44 = arith.muli %arg1, %mul3A_43 : i32
    "tpu.region"() ({
      %run_scoped3A = tpu.sem_alloc : memref<!tpu.dma_semaphore, #tpu.memory_space<semaphore_mem>>
      %dma_start3A = arith.constant 0 : i32
      %dma_start3A_45 = arith.constant 0 : i32
      %dma_start3A_46 = tpu.memref_slice %arg6[%arg0, %dma_start3A, %dma_start3A_45] : memref<2x10240x128xf32, #tpu.memory_space<hbm>> -> memref<1x10240x128xf32, #tpu.memory_space<hbm>>
      %dma_start3A_47 = tpu.memref_squeeze %dma_start3A_46 : memref<1x10240x128xf32, #tpu.memory_space<hbm>> -> memref<10240x128xf32, #tpu.memory_space<hbm>>
      %dma_start3A_48 = arith.constant 0 : i32
      %dma_start3A_49 = tpu.memref_slice %dma_start3A_47[%mul3A_44, %dma_start3A_48] : memref<10240x128xf32, #tpu.memory_space<hbm>> -> memref<640x128xf32, #tpu.memory_space<hbm>>
      %dma_start3A_50 = arith.constant 0 : i32
      %dma_start3A_51 = tpu.memref_slice %arg10[%mul3A_42, %dma_start3A_50] : memref<10240x128xf32, #tpu.memory_space<vmem_shared>> -> memref<640x128xf32, #tpu.memory_space<vmem_shared>>
      tpu.enqueue_dma source(%dma_start3A_51 : memref<640x128xf32, #tpu.memory_space<vmem_shared>>) target(%dma_start3A_49 : memref<640x128xf32, #tpu.memory_space<hbm>>) target_semaphore(%run_scoped3A : memref<!tpu.dma_semaphore, #tpu.memory_space<semaphore_mem>>)
      %dma_wait3A = arith.constant 0 : i32
      %dma_wait3A_52 = arith.constant 0 : i32
      %dma_wait3A_53 = tpu.memref_slice %arg6[%arg0, %dma_wait3A, %dma_wait3A_52] : memref<2x10240x128xf32, #tpu.memory_space<hbm>> -> memref<1x10240x128xf32, #tpu.memory_space<hbm>>
      %dma_wait3A_54 = tpu.memref_squeeze %dma_wait3A_53 : memref<1x10240x128xf32, #tpu.memory_space<hbm>> -> memref<10240x128xf32, #tpu.memory_space<hbm>>
      %dma_wait3A_55 = arith.constant 0 : i32
      %dma_wait3A_56 = tpu.memref_slice %dma_wait3A_54[%mul3A_44, %dma_wait3A_55] : memref<10240x128xf32, #tpu.memory_space<hbm>> -> memref<640x128xf32, #tpu.memory_space<hbm>>
      %dma_wait3A_57 = arith.constant 0 : i32
      %dma_wait3A_58 = tpu.memref_slice %arg10[%mul3A_42, %dma_wait3A_57] : memref<10240x128xf32, #tpu.memory_space<vmem_shared>> -> memref<640x128xf32, #tpu.memory_space<vmem_shared>>
      tpu.wait_dma2 semaphore(%run_scoped3A : memref<!tpu.dma_semaphore, #tpu.memory_space<semaphore_mem>>) src(%dma_wait3A_58 : memref<640x128xf32, #tpu.memory_space<vmem_shared>>) dst(%dma_wait3A_56 : memref<640x128xf32, #tpu.memory_space<hbm>>)
      tpu.yield
    }) : () -> ()
    return
  }
}

#map = affine_map<(d0, d1) -> (0, 0)>
#map1 = affine_map<(d0, d1) -> (0, 0, 0)>
module attributes {stable_mosaic.version = 14 : i64} {
  func.func @_spmm(%arg0: i32, %arg1: i32, %arg2: memref<10240x128xf32, #tpu.memory_space<hbm>>, %arg3: memref<10240x128xf32, #tpu.memory_space<hbm>>, %arg4: memref<10240x128xf32, #tpu.memory_space<hbm>>, %arg5: memref<16x80x128xi32, #tpu.memory_space<hbm>>, %arg6: memref<16x80x128xi32, #tpu.memory_space<hbm>>, %arg7: memref<640x128xf32, #tpu.memory_space<hbm>>, %arg8: memref<10240x128xf32, #tpu.memory_space<hbm>>, %arg9: memref<10240x128xf32, #tpu.memory_space<hbm>>, %arg10: memref<2x10240x128xf32, #tpu.memory_space<hbm>>, %arg11: memref<80x128xi32, #tpu.memory_space<vmem>>, %arg12: memref<80x128xi32, #tpu.memory_space<vmem>>, %arg13: memref<40x128xi32, #tpu.memory_space<vmem>>, %arg14: memref<40x128xi32, #tpu.memory_space<vmem>>, %arg15: memref<128x128xf32, #tpu.memory_space<vmem>>, %arg16: memref<10240x128xf32, #tpu.memory_space<vmem_shared>>, %arg17: memref<!tpu.dma_semaphore, #tpu.memory_space<semaphore_mem>>) attributes {dimension_semantics = [#tpu.dimension_semantics<core_parallel>, #tpu.dimension_semantics<subcore_parallel>], iteration_bounds = array<i64: 2, 16>, scalar_prefetch = 0 : i64, scratch_operands = 7 : i64, tpu.core_type = #tpu.core_type<sc_vector_subcore>, window_params = [{transform_indices = #map}, {transform_indices = #map}, {transform_indices = #map}, {transform_indices = #map1}, {transform_indices = #map1}, {transform_indices = #map}, {transform_indices = #map}, {transform_indices = #map}, {transform_indices = #map1}]} {
    %mul3A = arith.constant 640 : i32
    %mul3A_0 = arith.muli %arg1, %mul3A : i32
    "tpu.region"() ({
      %run_scoped3A = tpu.sem_alloc : memref<!tpu.dma_semaphore, #tpu.memory_space<semaphore_mem>>
      %dma_start3A = arith.constant 0 : i32
      %dma_start3A_112 = tpu.memref_slice %arg16[%mul3A_0, %dma_start3A] : memref<10240x128xf32, #tpu.memory_space<vmem_shared>> -> memref<640x128xf32, #tpu.memory_space<vmem_shared>>
      tpu.enqueue_dma source(%arg7 : memref<640x128xf32, #tpu.memory_space<hbm>>) target(%dma_start3A_112 : memref<640x128xf32, #tpu.memory_space<vmem_shared>>) target_semaphore(%run_scoped3A : memref<!tpu.dma_semaphore, #tpu.memory_space<semaphore_mem>>)
      %dma_wait3A = arith.constant 0 : i32
      %dma_wait3A_113 = tpu.memref_slice %arg16[%mul3A_0, %dma_wait3A] : memref<10240x128xf32, #tpu.memory_space<vmem_shared>> -> memref<640x128xf32, #tpu.memory_space<vmem_shared>>
      tpu.wait_dma2 semaphore(%run_scoped3A : memref<!tpu.dma_semaphore, #tpu.memory_space<semaphore_mem>>) src(%arg7 : memref<640x128xf32, #tpu.memory_space<hbm>>) dst(%dma_wait3A_113 : memref<640x128xf32, #tpu.memory_space<vmem_shared>>)
      tpu.yield
    }) : () -> ()
    "tpu.region"() ({
      %run_scoped3A = tpu.sem_alloc : memref<!tpu.dma_semaphore, #tpu.memory_space<semaphore_mem>>
      %dma_start3A = arith.constant 0 : i32
      %dma_start3A_112 = arith.constant 0 : i32
      %dma_start3A_113 = tpu.memref_slice %arg5[%arg1, %dma_start3A, %dma_start3A_112] : memref<16x80x128xi32, #tpu.memory_space<hbm>> -> memref<1x80x128xi32, #tpu.memory_space<hbm>>
      %dma_start3A_114 = tpu.memref_squeeze %dma_start3A_113 : memref<1x80x128xi32, #tpu.memory_space<hbm>> -> memref<80x128xi32, #tpu.memory_space<hbm>>
      %dma_start3A_115 = arith.constant 0 : i32
      %dma_start3A_116 = arith.constant 0 : i32
      %dma_start3A_117 = tpu.memref_slice %arg5[%arg1, %dma_start3A_115, %dma_start3A_116] : memref<16x80x128xi32, #tpu.memory_space<hbm>> -> memref<1x80x128xi32, #tpu.memory_space<hbm>>
      %dma_start3A_118 = tpu.memref_squeeze %dma_start3A_117 : memref<1x80x128xi32, #tpu.memory_space<hbm>> -> memref<80x128xi32, #tpu.memory_space<hbm>>
      tpu.enqueue_dma source(%dma_start3A_118 : memref<80x128xi32, #tpu.memory_space<hbm>>) target(%arg11 : memref<80x128xi32, #tpu.memory_space<vmem>>) target_semaphore(%run_scoped3A : memref<!tpu.dma_semaphore, #tpu.memory_space<semaphore_mem>>)
      %dma_wait3A = arith.constant 0 : i32
      %dma_wait3A_119 = arith.constant 0 : i32
      %dma_wait3A_120 = tpu.memref_slice %arg5[%arg1, %dma_wait3A, %dma_wait3A_119] : memref<16x80x128xi32, #tpu.memory_space<hbm>> -> memref<1x80x128xi32, #tpu.memory_space<hbm>>
      %dma_wait3A_121 = tpu.memref_squeeze %dma_wait3A_120 : memref<1x80x128xi32, #tpu.memory_space<hbm>> -> memref<80x128xi32, #tpu.memory_space<hbm>>
      %dma_wait3A_122 = arith.constant 0 : i32
      %dma_wait3A_123 = arith.constant 0 : i32
      %dma_wait3A_124 = tpu.memref_slice %arg5[%arg1, %dma_wait3A_122, %dma_wait3A_123] : memref<16x80x128xi32, #tpu.memory_space<hbm>> -> memref<1x80x128xi32, #tpu.memory_space<hbm>>
      %dma_wait3A_125 = tpu.memref_squeeze %dma_wait3A_124 : memref<1x80x128xi32, #tpu.memory_space<hbm>> -> memref<80x128xi32, #tpu.memory_space<hbm>>
      tpu.wait_dma2 semaphore(%run_scoped3A : memref<!tpu.dma_semaphore, #tpu.memory_space<semaphore_mem>>) src(%dma_wait3A_125 : memref<80x128xi32, #tpu.memory_space<hbm>>) dst(%arg11 : memref<80x128xi32, #tpu.memory_space<vmem>>)
      tpu.yield
    }) : () -> ()
    "tpu.region"() ({
      %run_scoped3A = tpu.sem_alloc : memref<!tpu.dma_semaphore, #tpu.memory_space<semaphore_mem>>
      %dma_start3A = arith.constant 0 : i32
      %dma_start3A_112 = arith.constant 0 : i32
      %dma_start3A_113 = tpu.memref_slice %arg6[%arg1, %dma_start3A, %dma_start3A_112] : memref<16x80x128xi32, #tpu.memory_space<hbm>> -> memref<1x80x128xi32, #tpu.memory_space<hbm>>
      %dma_start3A_114 = tpu.memref_squeeze %dma_start3A_113 : memref<1x80x128xi32, #tpu.memory_space<hbm>> -> memref<80x128xi32, #tpu.memory_space<hbm>>
      %dma_start3A_115 = arith.constant 0 : i32
      %dma_start3A_116 = arith.constant 0 : i32
      %dma_start3A_117 = tpu.memref_slice %arg6[%arg1, %dma_start3A_115, %dma_start3A_116] : memref<16x80x128xi32, #tpu.memory_space<hbm>> -> memref<1x80x128xi32, #tpu.memory_space<hbm>>
      %dma_start3A_118 = tpu.memref_squeeze %dma_start3A_117 : memref<1x80x128xi32, #tpu.memory_space<hbm>> -> memref<80x128xi32, #tpu.memory_space<hbm>>
      tpu.enqueue_dma source(%dma_start3A_118 : memref<80x128xi32, #tpu.memory_space<hbm>>) target(%arg12 : memref<80x128xi32, #tpu.memory_space<vmem>>) target_semaphore(%run_scoped3A : memref<!tpu.dma_semaphore, #tpu.memory_space<semaphore_mem>>)
      %dma_wait3A = arith.constant 0 : i32
      %dma_wait3A_119 = arith.constant 0 : i32
      %dma_wait3A_120 = tpu.memref_slice %arg6[%arg1, %dma_wait3A, %dma_wait3A_119] : memref<16x80x128xi32, #tpu.memory_space<hbm>> -> memref<1x80x128xi32, #tpu.memory_space<hbm>>
      %dma_wait3A_121 = tpu.memref_squeeze %dma_wait3A_120 : memref<1x80x128xi32, #tpu.memory_space<hbm>> -> memref<80x128xi32, #tpu.memory_space<hbm>>
      %dma_wait3A_122 = arith.constant 0 : i32
      %dma_wait3A_123 = arith.constant 0 : i32
      %dma_wait3A_124 = tpu.memref_slice %arg6[%arg1, %dma_wait3A_122, %dma_wait3A_123] : memref<16x80x128xi32, #tpu.memory_space<hbm>> -> memref<1x80x128xi32, #tpu.memory_space<hbm>>
      %dma_wait3A_125 = tpu.memref_squeeze %dma_wait3A_124 : memref<1x80x128xi32, #tpu.memory_space<hbm>> -> memref<80x128xi32, #tpu.memory_space<hbm>>
      tpu.wait_dma2 semaphore(%run_scoped3A : memref<!tpu.dma_semaphore, #tpu.memory_space<semaphore_mem>>) src(%dma_wait3A_125 : memref<80x128xi32, #tpu.memory_space<hbm>>) dst(%arg12 : memref<80x128xi32, #tpu.memory_space<vmem>>)
      tpu.yield
    }) : () -> ()
    %mul3A_1 = arith.constant 8 : i32
    %mul3A_2 = arith.muli %arg0, %mul3A_1 : i32
    %jit3A = arith.constant 2 : i32
    %div3A = arith.divsi %arg1, %jit3A : i32
    %sign3A = arith.constant 0 : i32
    %sign3A_3 = arith.cmpi sgt, %arg1, %sign3A : i32
    %sign3A_4 = arith.extui %sign3A_3 : i1 to i32
    %sign3A_5 = arith.constant 0 : i32
    %sign3A_6 = arith.cmpi slt, %arg1, %sign3A_5 : i32
    %sign3A_7 = arith.extui %sign3A_6 : i1 to i32
    %sign3A_8 = arith.subi %sign3A_4, %sign3A_7 : i32
    %sign3A_9 = arith.constant 0 : i32
    %sign3A_10 = arith.cmpi sgt, %jit3A, %sign3A_9 : i32
    %sign3A_11 = arith.extui %sign3A_10 : i1 to i32
    %sign3A_12 = arith.constant 0 : i32
    %sign3A_13 = arith.cmpi slt, %jit3A, %sign3A_12 : i32
    %sign3A_14 = arith.extui %sign3A_13 : i1 to i32
    %sign3A_15 = arith.subi %sign3A_11, %sign3A_14 : i32
    %ne3A = arith.cmpi ne, %sign3A_8, %sign3A_15 : i32
    %rem3A = arith.remsi %arg1, %jit3A : i32
    %ne3A_16 = arith.constant 0 : i32
    %ne3A_17 = arith.cmpi ne, %rem3A, %ne3A_16 : i32
    %and3A = arith.andi %ne3A, %ne3A_17 : i1
    %sub3A = arith.constant 1 : i32
    %sub3A_18 = arith.subi %div3A, %sub3A : i32
    %select_n3A = arith.select %and3A, %sub3A_18, %div3A : i32
    %add3A = arith.addi %mul3A_2, %select_n3A : i32
    %jit3A_19 = arith.constant 2 : i32
    %eq3A = arith.constant 0 : i32
    %eq3A_20 = arith.cmpi eq, %jit3A_19, %eq3A : i32
    %jit3A_21 = arith.constant 1 : i32
    %select_n3A_22 = arith.select %eq3A_20, %jit3A_21, %jit3A_19 : i32
    %rem3A_23 = arith.remsi %arg1, %select_n3A_22 : i32
    %ne3A_24 = arith.constant 0 : i32
    %ne3A_25 = arith.cmpi ne, %rem3A_23, %ne3A_24 : i32
    %lt3A = arith.constant 0 : i32
    %lt3A_26 = arith.cmpi slt, %rem3A_23, %lt3A : i32
    %lt3A_27 = arith.constant 0 : i32
    %lt3A_28 = arith.cmpi slt, %select_n3A_22, %lt3A_27 : i32
    %ne3A_29 = arith.xori %lt3A_26, %lt3A_28 : i1
    %and3A_30 = arith.andi %ne3A_29, %ne3A_25 : i1
    %add3A_31 = arith.addi %rem3A_23, %select_n3A_22 : i32
    %select_n3A_32 = arith.select %and3A_30, %add3A_31, %rem3A_23 : i32
    %mul3A_33 = arith.constant 40 : i32
    %mul3A_34 = arith.muli %select_n3A_32, %mul3A_33 : i32
    "tpu.region"() ({
      %run_scoped3A = tpu.sem_alloc : memref<!tpu.dma_semaphore, #tpu.memory_space<semaphore_mem>>
      %dma_start3A = arith.constant 0 : i32
      %dma_start3A_112 = arith.constant 0 : i32
      %dma_start3A_113 = tpu.memref_slice %arg5[%add3A, %dma_start3A, %dma_start3A_112] : memref<16x80x128xi32, #tpu.memory_space<hbm>> -> memref<1x80x128xi32, #tpu.memory_space<hbm>>
      %dma_start3A_114 = tpu.memref_squeeze %dma_start3A_113 : memref<1x80x128xi32, #tpu.memory_space<hbm>> -> memref<80x128xi32, #tpu.memory_space<hbm>>
      %dma_start3A_115 = arith.constant 0 : i32
      %dma_start3A_116 = tpu.memref_slice %dma_start3A_114[%mul3A_34, %dma_start3A_115] : memref<80x128xi32, #tpu.memory_space<hbm>> -> memref<40x128xi32, #tpu.memory_space<hbm>>
      %dma_start3A_117 = arith.constant 0 : i32
      %dma_start3A_118 = arith.constant 0 : i32
      %dma_start3A_119 = tpu.memref_slice %arg5[%add3A, %dma_start3A_117, %dma_start3A_118] : memref<16x80x128xi32, #tpu.memory_space<hbm>> -> memref<1x80x128xi32, #tpu.memory_space<hbm>>
      %dma_start3A_120 = tpu.memref_squeeze %dma_start3A_119 : memref<1x80x128xi32, #tpu.memory_space<hbm>> -> memref<80x128xi32, #tpu.memory_space<hbm>>
      %dma_start3A_121 = arith.constant 0 : i32
      %dma_start3A_122 = tpu.memref_slice %dma_start3A_120[%mul3A_34, %dma_start3A_121] : memref<80x128xi32, #tpu.memory_space<hbm>> -> memref<40x128xi32, #tpu.memory_space<hbm>>
      tpu.enqueue_dma source(%dma_start3A_122 : memref<40x128xi32, #tpu.memory_space<hbm>>) target(%arg13 : memref<40x128xi32, #tpu.memory_space<vmem>>) target_semaphore(%run_scoped3A : memref<!tpu.dma_semaphore, #tpu.memory_space<semaphore_mem>>)
      %dma_wait3A = arith.constant 0 : i32
      %dma_wait3A_123 = arith.constant 0 : i32
      %dma_wait3A_124 = tpu.memref_slice %arg5[%add3A, %dma_wait3A, %dma_wait3A_123] : memref<16x80x128xi32, #tpu.memory_space<hbm>> -> memref<1x80x128xi32, #tpu.memory_space<hbm>>
      %dma_wait3A_125 = tpu.memref_squeeze %dma_wait3A_124 : memref<1x80x128xi32, #tpu.memory_space<hbm>> -> memref<80x128xi32, #tpu.memory_space<hbm>>
      %dma_wait3A_126 = arith.constant 0 : i32
      %dma_wait3A_127 = tpu.memref_slice %dma_wait3A_125[%mul3A_34, %dma_wait3A_126] : memref<80x128xi32, #tpu.memory_space<hbm>> -> memref<40x128xi32, #tpu.memory_space<hbm>>
      %dma_wait3A_128 = arith.constant 0 : i32
      %dma_wait3A_129 = arith.constant 0 : i32
      %dma_wait3A_130 = tpu.memref_slice %arg5[%add3A, %dma_wait3A_128, %dma_wait3A_129] : memref<16x80x128xi32, #tpu.memory_space<hbm>> -> memref<1x80x128xi32, #tpu.memory_space<hbm>>
      %dma_wait3A_131 = tpu.memref_squeeze %dma_wait3A_130 : memref<1x80x128xi32, #tpu.memory_space<hbm>> -> memref<80x128xi32, #tpu.memory_space<hbm>>
      %dma_wait3A_132 = arith.constant 0 : i32
      %dma_wait3A_133 = tpu.memref_slice %dma_wait3A_131[%mul3A_34, %dma_wait3A_132] : memref<80x128xi32, #tpu.memory_space<hbm>> -> memref<40x128xi32, #tpu.memory_space<hbm>>
      tpu.wait_dma2 semaphore(%run_scoped3A : memref<!tpu.dma_semaphore, #tpu.memory_space<semaphore_mem>>) src(%dma_wait3A_133 : memref<40x128xi32, #tpu.memory_space<hbm>>) dst(%arg13 : memref<40x128xi32, #tpu.memory_space<vmem>>)
      tpu.yield
    }) : () -> ()
    %mul3A_35 = arith.constant 8 : i32
    %mul3A_36 = arith.muli %arg0, %mul3A_35 : i32
    %jit3A_37 = arith.constant 2 : i32
    %div3A_38 = arith.divsi %arg1, %jit3A_37 : i32
    %sign3A_39 = arith.constant 0 : i32
    %sign3A_40 = arith.cmpi sgt, %arg1, %sign3A_39 : i32
    %sign3A_41 = arith.extui %sign3A_40 : i1 to i32
    %sign3A_42 = arith.constant 0 : i32
    %sign3A_43 = arith.cmpi slt, %arg1, %sign3A_42 : i32
    %sign3A_44 = arith.extui %sign3A_43 : i1 to i32
    %sign3A_45 = arith.subi %sign3A_41, %sign3A_44 : i32
    %sign3A_46 = arith.constant 0 : i32
    %sign3A_47 = arith.cmpi sgt, %jit3A_37, %sign3A_46 : i32
    %sign3A_48 = arith.extui %sign3A_47 : i1 to i32
    %sign3A_49 = arith.constant 0 : i32
    %sign3A_50 = arith.cmpi slt, %jit3A_37, %sign3A_49 : i32
    %sign3A_51 = arith.extui %sign3A_50 : i1 to i32
    %sign3A_52 = arith.subi %sign3A_48, %sign3A_51 : i32
    %ne3A_53 = arith.cmpi ne, %sign3A_45, %sign3A_52 : i32
    %rem3A_54 = arith.remsi %arg1, %jit3A_37 : i32
    %ne3A_55 = arith.constant 0 : i32
    %ne3A_56 = arith.cmpi ne, %rem3A_54, %ne3A_55 : i32
    %and3A_57 = arith.andi %ne3A_53, %ne3A_56 : i1
    %sub3A_58 = arith.constant 1 : i32
    %sub3A_59 = arith.subi %div3A_38, %sub3A_58 : i32
    %select_n3A_60 = arith.select %and3A_57, %sub3A_59, %div3A_38 : i32
    %add3A_61 = arith.addi %mul3A_36, %select_n3A_60 : i32
    %jit3A_62 = arith.constant 2 : i32
    %eq3A_63 = arith.constant 0 : i32
    %eq3A_64 = arith.cmpi eq, %jit3A_62, %eq3A_63 : i32
    %jit3A_65 = arith.constant 1 : i32
    %select_n3A_66 = arith.select %eq3A_64, %jit3A_65, %jit3A_62 : i32
    %rem3A_67 = arith.remsi %arg1, %select_n3A_66 : i32
    %ne3A_68 = arith.constant 0 : i32
    %ne3A_69 = arith.cmpi ne, %rem3A_67, %ne3A_68 : i32
    %lt3A_70 = arith.constant 0 : i32
    %lt3A_71 = arith.cmpi slt, %rem3A_67, %lt3A_70 : i32
    %lt3A_72 = arith.constant 0 : i32
    %lt3A_73 = arith.cmpi slt, %select_n3A_66, %lt3A_72 : i32
    %ne3A_74 = arith.xori %lt3A_71, %lt3A_73 : i1
    %and3A_75 = arith.andi %ne3A_74, %ne3A_69 : i1
    %add3A_76 = arith.addi %rem3A_67, %select_n3A_66 : i32
    %select_n3A_77 = arith.select %and3A_75, %add3A_76, %rem3A_67 : i32
    %mul3A_78 = arith.constant 40 : i32
    %mul3A_79 = arith.muli %select_n3A_77, %mul3A_78 : i32
    "tpu.region"() ({
      %run_scoped3A = tpu.sem_alloc : memref<!tpu.dma_semaphore, #tpu.memory_space<semaphore_mem>>
      %dma_start3A = arith.constant 0 : i32
      %dma_start3A_112 = arith.constant 0 : i32
      %dma_start3A_113 = tpu.memref_slice %arg6[%add3A_61, %dma_start3A, %dma_start3A_112] : memref<16x80x128xi32, #tpu.memory_space<hbm>> -> memref<1x80x128xi32, #tpu.memory_space<hbm>>
      %dma_start3A_114 = tpu.memref_squeeze %dma_start3A_113 : memref<1x80x128xi32, #tpu.memory_space<hbm>> -> memref<80x128xi32, #tpu.memory_space<hbm>>
      %dma_start3A_115 = arith.constant 0 : i32
      %dma_start3A_116 = tpu.memref_slice %dma_start3A_114[%mul3A_79, %dma_start3A_115] : memref<80x128xi32, #tpu.memory_space<hbm>> -> memref<40x128xi32, #tpu.memory_space<hbm>>
      %dma_start3A_117 = arith.constant 0 : i32
      %dma_start3A_118 = arith.constant 0 : i32
      %dma_start3A_119 = tpu.memref_slice %arg6[%add3A_61, %dma_start3A_117, %dma_start3A_118] : memref<16x80x128xi32, #tpu.memory_space<hbm>> -> memref<1x80x128xi32, #tpu.memory_space<hbm>>
      %dma_start3A_120 = tpu.memref_squeeze %dma_start3A_119 : memref<1x80x128xi32, #tpu.memory_space<hbm>> -> memref<80x128xi32, #tpu.memory_space<hbm>>
      %dma_start3A_121 = arith.constant 0 : i32
      %dma_start3A_122 = tpu.memref_slice %dma_start3A_120[%mul3A_79, %dma_start3A_121] : memref<80x128xi32, #tpu.memory_space<hbm>> -> memref<40x128xi32, #tpu.memory_space<hbm>>
      tpu.enqueue_dma source(%dma_start3A_122 : memref<40x128xi32, #tpu.memory_space<hbm>>) target(%arg14 : memref<40x128xi32, #tpu.memory_space<vmem>>) target_semaphore(%run_scoped3A : memref<!tpu.dma_semaphore, #tpu.memory_space<semaphore_mem>>)
      %dma_wait3A = arith.constant 0 : i32
      %dma_wait3A_123 = arith.constant 0 : i32
      %dma_wait3A_124 = tpu.memref_slice %arg6[%add3A_61, %dma_wait3A, %dma_wait3A_123] : memref<16x80x128xi32, #tpu.memory_space<hbm>> -> memref<1x80x128xi32, #tpu.memory_space<hbm>>
      %dma_wait3A_125 = tpu.memref_squeeze %dma_wait3A_124 : memref<1x80x128xi32, #tpu.memory_space<hbm>> -> memref<80x128xi32, #tpu.memory_space<hbm>>
      %dma_wait3A_126 = arith.constant 0 : i32
      %dma_wait3A_127 = tpu.memref_slice %dma_wait3A_125[%mul3A_79, %dma_wait3A_126] : memref<80x128xi32, #tpu.memory_space<hbm>> -> memref<40x128xi32, #tpu.memory_space<hbm>>
      %dma_wait3A_128 = arith.constant 0 : i32
      %dma_wait3A_129 = arith.constant 0 : i32
      %dma_wait3A_130 = tpu.memref_slice %arg6[%add3A_61, %dma_wait3A_128, %dma_wait3A_129] : memref<16x80x128xi32, #tpu.memory_space<hbm>> -> memref<1x80x128xi32, #tpu.memory_space<hbm>>
      %dma_wait3A_131 = tpu.memref_squeeze %dma_wait3A_130 : memref<1x80x128xi32, #tpu.memory_space<hbm>> -> memref<80x128xi32, #tpu.memory_space<hbm>>
      %dma_wait3A_132 = arith.constant 0 : i32
      %dma_wait3A_133 = tpu.memref_slice %dma_wait3A_131[%mul3A_79, %dma_wait3A_132] : memref<80x128xi32, #tpu.memory_space<hbm>> -> memref<40x128xi32, #tpu.memory_space<hbm>>
      tpu.wait_dma2 semaphore(%run_scoped3A : memref<!tpu.dma_semaphore, #tpu.memory_space<semaphore_mem>>) src(%dma_wait3A_133 : memref<40x128xi32, #tpu.memory_space<hbm>>) dst(%arg14 : memref<40x128xi32, #tpu.memory_space<vmem>>)
      tpu.yield
    }) : () -> ()
    %barrier3A = arith.constant 0 : index
    tpu.barrier barrier_id(%barrier3A)
    %eq3A_80 = arith.constant 0 : i32
    %eq3A_81 = arith.cmpi eq, %arg0, %eq3A_80 : i32
    %convert_element_type3A = arith.extui %eq3A_81 : i1 to i32
    %cond3A = arith.constant 0 : i32
    %cond3A_82 = arith.cmpi ne, %convert_element_type3A, %cond3A : i32
    scf.if %cond3A_82 {
      %scan3A_112 = arith.constant 0 : i32
      %scan3A_113 = arith.constant 0 : i32
      %scan3A_114 = arith.constant 80 : i32
      %scan3A_115 = arith.addi %scan3A_113, %scan3A_114 : i32
      %scan3A_116 = arith.constant 1 : i32
      scf.for %scan3A_118 = %scan3A_113 to %scan3A_115 step %scan3A_116  : i32 {
        %dma_start3A = arith.constant 0 : i32
        %dma_start3A_119 = tpu.memref_slice %arg11[%scan3A_118, %dma_start3A] : memref<80x128xi32, #tpu.memory_space<vmem>> -> memref<1x128xi32, #tpu.memory_space<vmem>>
        %dma_start3A_120 = tpu.memref_squeeze %dma_start3A_119 : memref<1x128xi32, #tpu.memory_space<vmem>> -> memref<128xi32, #tpu.memory_space<vmem>>
        %dma_start3A_121 = arith.constant 0 : i32
        %dma_start3A_122 = arith.constant 0 : i32
        %dma_start3A_123 = tpu.memref_slice %arg2[%dma_start3A_121, %dma_start3A_122] : memref<10240x128xf32, #tpu.memory_space<hbm>> -> memref<10240x128xf32, #tpu.memory_space<hbm>>
        tpu.enqueue_indirect_dma source(%dma_start3A_123 : memref<10240x128xf32, #tpu.memory_space<hbm>>) target(%arg15 : memref<128x128xf32, #tpu.memory_space<vmem>>) offsets(%dma_start3A_120 : memref<128xi32, #tpu.memory_space<vmem>>) semaphore(%arg17 : memref<!tpu.dma_semaphore, #tpu.memory_space<semaphore_mem>>)
        %dma_wait3A = arith.constant 0 : i32
        %dma_wait3A_124 = tpu.memref_slice %arg11[%scan3A_118, %dma_wait3A] : memref<80x128xi32, #tpu.memory_space<vmem>> -> memref<1x128xi32, #tpu.memory_space<vmem>>
        %dma_wait3A_125 = tpu.memref_squeeze %dma_wait3A_124 : memref<1x128xi32, #tpu.memory_space<vmem>> -> memref<128xi32, #tpu.memory_space<vmem>>
        %dma_wait3A_126 = arith.constant 0 : i32
        %dma_wait3A_127 = arith.constant 0 : i32
        %dma_wait3A_128 = tpu.memref_slice %arg2[%dma_wait3A_126, %dma_wait3A_127] : memref<10240x128xf32, #tpu.memory_space<hbm>> -> memref<10240x128xf32, #tpu.memory_space<hbm>>
        tpu.wait_indirect_dma semaphore(%arg17 : memref<!tpu.dma_semaphore, #tpu.memory_space<semaphore_mem>>) src(%dma_wait3A_128 : memref<10240x128xf32, #tpu.memory_space<hbm>>) dst(%arg15 : memref<128x128xf32, #tpu.memory_space<vmem>>)
        "tpu.region"() ({
          %run_scoped3A = tpu.sem_alloc : memref<!tpu.dma_semaphore, #tpu.memory_space<semaphore_mem>>
          %dma_start3A_129 = arith.constant 0 : i32
          %dma_start3A_130 = tpu.memref_slice %arg12[%scan3A_118, %dma_start3A_129] : memref<80x128xi32, #tpu.memory_space<vmem>> -> memref<1x128xi32, #tpu.memory_space<vmem>>
          %dma_start3A_131 = tpu.memref_squeeze %dma_start3A_130 : memref<1x128xi32, #tpu.memory_space<vmem>> -> memref<128xi32, #tpu.memory_space<vmem>>
          %dma_start3A_132 = arith.constant 0 : i32
          %dma_start3A_133 = arith.constant 0 : i32
          %dma_start3A_134 = tpu.memref_slice %arg16[%dma_start3A_132, %dma_start3A_133] : memref<10240x128xf32, #tpu.memory_space<vmem_shared>> -> memref<10240x128xf32, #tpu.memory_space<vmem_shared>>
          tpu.enqueue_indirect_dma source(%arg15 : memref<128x128xf32, #tpu.memory_space<vmem>>) target(%dma_start3A_134 : memref<10240x128xf32, #tpu.memory_space<vmem_shared>>) offsets(%dma_start3A_131 : memref<128xi32, #tpu.memory_space<vmem>>) semaphore(%run_scoped3A : memref<!tpu.dma_semaphore, #tpu.memory_space<semaphore_mem>>) {add = true}
          %dma_wait3A_135 = arith.constant 0 : i32
          %dma_wait3A_136 = tpu.memref_slice %arg12[%scan3A_118, %dma_wait3A_135] : memref<80x128xi32, #tpu.memory_space<vmem>> -> memref<1x128xi32, #tpu.memory_space<vmem>>
          %dma_wait3A_137 = tpu.memref_squeeze %dma_wait3A_136 : memref<1x128xi32, #tpu.memory_space<vmem>> -> memref<128xi32, #tpu.memory_space<vmem>>
          %dma_wait3A_138 = arith.constant 0 : i32
          %dma_wait3A_139 = arith.constant 0 : i32
          %dma_wait3A_140 = tpu.memref_slice %arg16[%dma_wait3A_138, %dma_wait3A_139] : memref<10240x128xf32, #tpu.memory_space<vmem_shared>> -> memref<10240x128xf32, #tpu.memory_space<vmem_shared>>
          tpu.wait_indirect_dma semaphore(%run_scoped3A : memref<!tpu.dma_semaphore, #tpu.memory_space<semaphore_mem>>) src(%arg15 : memref<128x128xf32, #tpu.memory_space<vmem>>) dst(%dma_wait3A_140 : memref<10240x128xf32, #tpu.memory_space<vmem_shared>>)
          tpu.yield
        }) : () -> ()
      }
      %scan3A_117 = arith.constant 80 : i32
    } else {
    }
    %eq3A_83 = arith.constant 1 : i32
    %eq3A_84 = arith.cmpi eq, %arg0, %eq3A_83 : i32
    %convert_element_type3A_85 = arith.extui %eq3A_84 : i1 to i32
    %cond3A_86 = arith.constant 0 : i32
    %cond3A_87 = arith.cmpi ne, %convert_element_type3A_85, %cond3A_86 : i32
    scf.if %cond3A_87 {
      %scan3A_112 = arith.constant 0 : i32
      %scan3A_113 = arith.constant 0 : i32
      %scan3A_114 = arith.constant 80 : i32
      %scan3A_115 = arith.addi %scan3A_113, %scan3A_114 : i32
      %scan3A_116 = arith.constant 1 : i32
      scf.for %scan3A_118 = %scan3A_113 to %scan3A_115 step %scan3A_116  : i32 {
        %dma_start3A = arith.constant 0 : i32
        %dma_start3A_119 = tpu.memref_slice %arg11[%scan3A_118, %dma_start3A] : memref<80x128xi32, #tpu.memory_space<vmem>> -> memref<1x128xi32, #tpu.memory_space<vmem>>
        %dma_start3A_120 = tpu.memref_squeeze %dma_start3A_119 : memref<1x128xi32, #tpu.memory_space<vmem>> -> memref<128xi32, #tpu.memory_space<vmem>>
        %dma_start3A_121 = arith.constant 0 : i32
        %dma_start3A_122 = arith.constant 0 : i32
        %dma_start3A_123 = tpu.memref_slice %arg3[%dma_start3A_121, %dma_start3A_122] : memref<10240x128xf32, #tpu.memory_space<hbm>> -> memref<10240x128xf32, #tpu.memory_space<hbm>>
        tpu.enqueue_indirect_dma source(%dma_start3A_123 : memref<10240x128xf32, #tpu.memory_space<hbm>>) target(%arg15 : memref<128x128xf32, #tpu.memory_space<vmem>>) offsets(%dma_start3A_120 : memref<128xi32, #tpu.memory_space<vmem>>) semaphore(%arg17 : memref<!tpu.dma_semaphore, #tpu.memory_space<semaphore_mem>>)
        %dma_wait3A = arith.constant 0 : i32
        %dma_wait3A_124 = tpu.memref_slice %arg11[%scan3A_118, %dma_wait3A] : memref<80x128xi32, #tpu.memory_space<vmem>> -> memref<1x128xi32, #tpu.memory_space<vmem>>
        %dma_wait3A_125 = tpu.memref_squeeze %dma_wait3A_124 : memref<1x128xi32, #tpu.memory_space<vmem>> -> memref<128xi32, #tpu.memory_space<vmem>>
        %dma_wait3A_126 = arith.constant 0 : i32
        %dma_wait3A_127 = arith.constant 0 : i32
        %dma_wait3A_128 = tpu.memref_slice %arg3[%dma_wait3A_126, %dma_wait3A_127] : memref<10240x128xf32, #tpu.memory_space<hbm>> -> memref<10240x128xf32, #tpu.memory_space<hbm>>
        tpu.wait_indirect_dma semaphore(%arg17 : memref<!tpu.dma_semaphore, #tpu.memory_space<semaphore_mem>>) src(%dma_wait3A_128 : memref<10240x128xf32, #tpu.memory_space<hbm>>) dst(%arg15 : memref<128x128xf32, #tpu.memory_space<vmem>>)
        "tpu.region"() ({
          %run_scoped3A = tpu.sem_alloc : memref<!tpu.dma_semaphore, #tpu.memory_space<semaphore_mem>>
          %dma_start3A_129 = arith.constant 0 : i32
          %dma_start3A_130 = tpu.memref_slice %arg12[%scan3A_118, %dma_start3A_129] : memref<80x128xi32, #tpu.memory_space<vmem>> -> memref<1x128xi32, #tpu.memory_space<vmem>>
          %dma_start3A_131 = tpu.memref_squeeze %dma_start3A_130 : memref<1x128xi32, #tpu.memory_space<vmem>> -> memref<128xi32, #tpu.memory_space<vmem>>
          %dma_start3A_132 = arith.constant 0 : i32
          %dma_start3A_133 = arith.constant 0 : i32
          %dma_start3A_134 = tpu.memref_slice %arg16[%dma_start3A_132, %dma_start3A_133] : memref<10240x128xf32, #tpu.memory_space<vmem_shared>> -> memref<10240x128xf32, #tpu.memory_space<vmem_shared>>
          tpu.enqueue_indirect_dma source(%arg15 : memref<128x128xf32, #tpu.memory_space<vmem>>) target(%dma_start3A_134 : memref<10240x128xf32, #tpu.memory_space<vmem_shared>>) offsets(%dma_start3A_131 : memref<128xi32, #tpu.memory_space<vmem>>) semaphore(%run_scoped3A : memref<!tpu.dma_semaphore, #tpu.memory_space<semaphore_mem>>) {add = true}
          %dma_wait3A_135 = arith.constant 0 : i32
          %dma_wait3A_136 = tpu.memref_slice %arg12[%scan3A_118, %dma_wait3A_135] : memref<80x128xi32, #tpu.memory_space<vmem>> -> memref<1x128xi32, #tpu.memory_space<vmem>>
          %dma_wait3A_137 = tpu.memref_squeeze %dma_wait3A_136 : memref<1x128xi32, #tpu.memory_space<vmem>> -> memref<128xi32, #tpu.memory_space<vmem>>
          %dma_wait3A_138 = arith.constant 0 : i32
          %dma_wait3A_139 = arith.constant 0 : i32
          %dma_wait3A_140 = tpu.memref_slice %arg16[%dma_wait3A_138, %dma_wait3A_139] : memref<10240x128xf32, #tpu.memory_space<vmem_shared>> -> memref<10240x128xf32, #tpu.memory_space<vmem_shared>>
          tpu.wait_indirect_dma semaphore(%run_scoped3A : memref<!tpu.dma_semaphore, #tpu.memory_space<semaphore_mem>>) src(%arg15 : memref<128x128xf32, #tpu.memory_space<vmem>>) dst(%dma_wait3A_140 : memref<10240x128xf32, #tpu.memory_space<vmem_shared>>)
          tpu.yield
        }) : () -> ()
      }
      %scan3A_117 = arith.constant 80 : i32
    } else {
    }
    %barrier3A_88 = arith.constant 0 : index
    tpu.barrier barrier_id(%barrier3A_88)
    %eq3A_89 = arith.constant 0 : i32
    %eq3A_90 = arith.cmpi eq, %arg0, %eq3A_89 : i32
    %convert_element_type3A_91 = arith.extui %eq3A_90 : i1 to i32
    %cond3A_92 = arith.constant 0 : i32
    %cond3A_93 = arith.cmpi ne, %convert_element_type3A_91, %cond3A_92 : i32
    scf.if %cond3A_93 {
      %mul3A_112 = arith.constant 640 : i32
      %mul3A_113 = arith.muli %arg1, %mul3A_112 : i32
      %mul3A_114 = arith.constant 640 : i32
      %mul3A_115 = arith.muli %arg1, %mul3A_114 : i32
      "tpu.region"() ({
        %run_scoped3A = tpu.sem_alloc : memref<!tpu.dma_semaphore, #tpu.memory_space<semaphore_mem>>
        %dma_start3A = arith.constant 0 : i32
        %dma_start3A_116 = tpu.memref_slice %arg8[%mul3A_115, %dma_start3A] : memref<10240x128xf32, #tpu.memory_space<hbm>> -> memref<640x128xf32, #tpu.memory_space<hbm>>
        %dma_start3A_117 = arith.constant 0 : i32
        %dma_start3A_118 = tpu.memref_slice %arg16[%mul3A_113, %dma_start3A_117] : memref<10240x128xf32, #tpu.memory_space<vmem_shared>> -> memref<640x128xf32, #tpu.memory_space<vmem_shared>>
        tpu.enqueue_dma source(%dma_start3A_118 : memref<640x128xf32, #tpu.memory_space<vmem_shared>>) target(%dma_start3A_116 : memref<640x128xf32, #tpu.memory_space<hbm>>) target_semaphore(%run_scoped3A : memref<!tpu.dma_semaphore, #tpu.memory_space<semaphore_mem>>)
        %dma_wait3A = arith.constant 0 : i32
        %dma_wait3A_119 = tpu.memref_slice %arg8[%mul3A_115, %dma_wait3A] : memref<10240x128xf32, #tpu.memory_space<hbm>> -> memref<640x128xf32, #tpu.memory_space<hbm>>
        %dma_wait3A_120 = arith.constant 0 : i32
        %dma_wait3A_121 = tpu.memref_slice %arg16[%mul3A_113, %dma_wait3A_120] : memref<10240x128xf32, #tpu.memory_space<vmem_shared>> -> memref<640x128xf32, #tpu.memory_space<vmem_shared>>
        tpu.wait_dma2 semaphore(%run_scoped3A : memref<!tpu.dma_semaphore, #tpu.memory_space<semaphore_mem>>) src(%dma_wait3A_121 : memref<640x128xf32, #tpu.memory_space<vmem_shared>>) dst(%dma_wait3A_119 : memref<640x128xf32, #tpu.memory_space<hbm>>)
        tpu.yield
      }) : () -> ()
    } else {
    }
    %eq3A_94 = arith.constant 1 : i32
    %eq3A_95 = arith.cmpi eq, %arg0, %eq3A_94 : i32
    %convert_element_type3A_96 = arith.extui %eq3A_95 : i1 to i32
    %cond3A_97 = arith.constant 0 : i32
    %cond3A_98 = arith.cmpi ne, %convert_element_type3A_96, %cond3A_97 : i32
    scf.if %cond3A_98 {
      %mul3A_112 = arith.constant 640 : i32
      %mul3A_113 = arith.muli %arg1, %mul3A_112 : i32
      %mul3A_114 = arith.constant 640 : i32
      %mul3A_115 = arith.muli %arg1, %mul3A_114 : i32
      "tpu.region"() ({
        %run_scoped3A = tpu.sem_alloc : memref<!tpu.dma_semaphore, #tpu.memory_space<semaphore_mem>>
        %dma_start3A = arith.constant 0 : i32
        %dma_start3A_116 = tpu.memref_slice %arg9[%mul3A_115, %dma_start3A] : memref<10240x128xf32, #tpu.memory_space<hbm>> -> memref<640x128xf32, #tpu.memory_space<hbm>>
        %dma_start3A_117 = arith.constant 0 : i32
        %dma_start3A_118 = tpu.memref_slice %arg16[%mul3A_113, %dma_start3A_117] : memref<10240x128xf32, #tpu.memory_space<vmem_shared>> -> memref<640x128xf32, #tpu.memory_space<vmem_shared>>
        tpu.enqueue_dma source(%dma_start3A_118 : memref<640x128xf32, #tpu.memory_space<vmem_shared>>) target(%dma_start3A_116 : memref<640x128xf32, #tpu.memory_space<hbm>>) target_semaphore(%run_scoped3A : memref<!tpu.dma_semaphore, #tpu.memory_space<semaphore_mem>>)
        %dma_wait3A = arith.constant 0 : i32
        %dma_wait3A_119 = tpu.memref_slice %arg9[%mul3A_115, %dma_wait3A] : memref<10240x128xf32, #tpu.memory_space<hbm>> -> memref<640x128xf32, #tpu.memory_space<hbm>>
        %dma_wait3A_120 = arith.constant 0 : i32
        %dma_wait3A_121 = tpu.memref_slice %arg16[%mul3A_113, %dma_wait3A_120] : memref<10240x128xf32, #tpu.memory_space<vmem_shared>> -> memref<640x128xf32, #tpu.memory_space<vmem_shared>>
        tpu.wait_dma2 semaphore(%run_scoped3A : memref<!tpu.dma_semaphore, #tpu.memory_space<semaphore_mem>>) src(%dma_wait3A_121 : memref<640x128xf32, #tpu.memory_space<vmem_shared>>) dst(%dma_wait3A_119 : memref<640x128xf32, #tpu.memory_space<hbm>>)
        tpu.yield
      }) : () -> ()
    } else {
    }
    %mul3A_99 = arith.constant 640 : i32
    %mul3A_100 = arith.muli %arg1, %mul3A_99 : i32
    "tpu.region"() ({
      %run_scoped3A = tpu.sem_alloc : memref<!tpu.dma_semaphore, #tpu.memory_space<semaphore_mem>>
      %dma_start3A = arith.constant 0 : i32
      %dma_start3A_112 = tpu.memref_slice %arg16[%mul3A_100, %dma_start3A] : memref<10240x128xf32, #tpu.memory_space<vmem_shared>> -> memref<640x128xf32, #tpu.memory_space<vmem_shared>>
      tpu.enqueue_dma source(%arg7 : memref<640x128xf32, #tpu.memory_space<hbm>>) target(%dma_start3A_112 : memref<640x128xf32, #tpu.memory_space<vmem_shared>>) target_semaphore(%run_scoped3A : memref<!tpu.dma_semaphore, #tpu.memory_space<semaphore_mem>>)
      %dma_wait3A = arith.constant 0 : i32
      %dma_wait3A_113 = tpu.memref_slice %arg16[%mul3A_100, %dma_wait3A] : memref<10240x128xf32, #tpu.memory_space<vmem_shared>> -> memref<640x128xf32, #tpu.memory_space<vmem_shared>>
      tpu.wait_dma2 semaphore(%run_scoped3A : memref<!tpu.dma_semaphore, #tpu.memory_space<semaphore_mem>>) src(%arg7 : memref<640x128xf32, #tpu.memory_space<hbm>>) dst(%dma_wait3A_113 : memref<640x128xf32, #tpu.memory_space<vmem_shared>>)
      tpu.yield
    }) : () -> ()
    %barrier3A_101 = arith.constant 0 : index
    tpu.barrier barrier_id(%barrier3A_101)
    %scan3A = arith.constant 0 : i32
    %scan3A_102 = arith.constant 0 : i32
    %scan3A_103 = arith.constant 40 : i32
    %scan3A_104 = arith.addi %scan3A_102, %scan3A_103 : i32
    %scan3A_105 = arith.constant 1 : i32
    scf.for %scan3A_112 = %scan3A_102 to %scan3A_104 step %scan3A_105  : i32 {
      %dma_start3A = arith.constant 0 : i32
      %dma_start3A_113 = tpu.memref_slice %arg13[%scan3A_112, %dma_start3A] : memref<40x128xi32, #tpu.memory_space<vmem>> -> memref<1x128xi32, #tpu.memory_space<vmem>>
      %dma_start3A_114 = tpu.memref_squeeze %dma_start3A_113 : memref<1x128xi32, #tpu.memory_space<vmem>> -> memref<128xi32, #tpu.memory_space<vmem>>
      %dma_start3A_115 = arith.constant 0 : i32
      %dma_start3A_116 = arith.constant 0 : i32
      %dma_start3A_117 = tpu.memref_slice %arg4[%dma_start3A_115, %dma_start3A_116] : memref<10240x128xf32, #tpu.memory_space<hbm>> -> memref<10240x128xf32, #tpu.memory_space<hbm>>
      tpu.enqueue_indirect_dma source(%dma_start3A_117 : memref<10240x128xf32, #tpu.memory_space<hbm>>) target(%arg15 : memref<128x128xf32, #tpu.memory_space<vmem>>) offsets(%dma_start3A_114 : memref<128xi32, #tpu.memory_space<vmem>>) semaphore(%arg17 : memref<!tpu.dma_semaphore, #tpu.memory_space<semaphore_mem>>)
      %dma_wait3A = arith.constant 0 : i32
      %dma_wait3A_118 = tpu.memref_slice %arg13[%scan3A_112, %dma_wait3A] : memref<40x128xi32, #tpu.memory_space<vmem>> -> memref<1x128xi32, #tpu.memory_space<vmem>>
      %dma_wait3A_119 = tpu.memref_squeeze %dma_wait3A_118 : memref<1x128xi32, #tpu.memory_space<vmem>> -> memref<128xi32, #tpu.memory_space<vmem>>
      %dma_wait3A_120 = arith.constant 0 : i32
      %dma_wait3A_121 = arith.constant 0 : i32
      %dma_wait3A_122 = tpu.memref_slice %arg4[%dma_wait3A_120, %dma_wait3A_121] : memref<10240x128xf32, #tpu.memory_space<hbm>> -> memref<10240x128xf32, #tpu.memory_space<hbm>>
      tpu.wait_indirect_dma semaphore(%arg17 : memref<!tpu.dma_semaphore, #tpu.memory_space<semaphore_mem>>) src(%dma_wait3A_122 : memref<10240x128xf32, #tpu.memory_space<hbm>>) dst(%arg15 : memref<128x128xf32, #tpu.memory_space<vmem>>)
      "tpu.region"() ({
        %run_scoped3A = tpu.sem_alloc : memref<!tpu.dma_semaphore, #tpu.memory_space<semaphore_mem>>
        %dma_start3A_123 = arith.constant 0 : i32
        %dma_start3A_124 = tpu.memref_slice %arg14[%scan3A_112, %dma_start3A_123] : memref<40x128xi32, #tpu.memory_space<vmem>> -> memref<1x128xi32, #tpu.memory_space<vmem>>
        %dma_start3A_125 = tpu.memref_squeeze %dma_start3A_124 : memref<1x128xi32, #tpu.memory_space<vmem>> -> memref<128xi32, #tpu.memory_space<vmem>>
        %dma_start3A_126 = arith.constant 0 : i32
        %dma_start3A_127 = arith.constant 0 : i32
        %dma_start3A_128 = tpu.memref_slice %arg16[%dma_start3A_126, %dma_start3A_127] : memref<10240x128xf32, #tpu.memory_space<vmem_shared>> -> memref<10240x128xf32, #tpu.memory_space<vmem_shared>>
        tpu.enqueue_indirect_dma source(%arg15 : memref<128x128xf32, #tpu.memory_space<vmem>>) target(%dma_start3A_128 : memref<10240x128xf32, #tpu.memory_space<vmem_shared>>) offsets(%dma_start3A_125 : memref<128xi32, #tpu.memory_space<vmem>>) semaphore(%run_scoped3A : memref<!tpu.dma_semaphore, #tpu.memory_space<semaphore_mem>>) {add = true}
        %dma_wait3A_129 = arith.constant 0 : i32
        %dma_wait3A_130 = tpu.memref_slice %arg14[%scan3A_112, %dma_wait3A_129] : memref<40x128xi32, #tpu.memory_space<vmem>> -> memref<1x128xi32, #tpu.memory_space<vmem>>
        %dma_wait3A_131 = tpu.memref_squeeze %dma_wait3A_130 : memref<1x128xi32, #tpu.memory_space<vmem>> -> memref<128xi32, #tpu.memory_space<vmem>>
        %dma_wait3A_132 = arith.constant 0 : i32
        %dma_wait3A_133 = arith.constant 0 : i32
        %dma_wait3A_134 = tpu.memref_slice %arg16[%dma_wait3A_132, %dma_wait3A_133] : memref<10240x128xf32, #tpu.memory_space<vmem_shared>> -> memref<10240x128xf32, #tpu.memory_space<vmem_shared>>
        tpu.wait_indirect_dma semaphore(%run_scoped3A : memref<!tpu.dma_semaphore, #tpu.memory_space<semaphore_mem>>) src(%arg15 : memref<128x128xf32, #tpu.memory_space<vmem>>) dst(%dma_wait3A_134 : memref<10240x128xf32, #tpu.memory_space<vmem_shared>>)
        tpu.yield
      }) : () -> ()
    }
    %scan3A_106 = arith.constant 40 : i32
    %barrier3A_107 = arith.constant 0 : index
    tpu.barrier barrier_id(%barrier3A_107)
    %mul3A_108 = arith.constant 640 : i32
    %mul3A_109 = arith.muli %arg1, %mul3A_108 : i32
    %mul3A_110 = arith.constant 640 : i32
    %mul3A_111 = arith.muli %arg1, %mul3A_110 : i32
    "tpu.region"() ({
      %run_scoped3A = tpu.sem_alloc : memref<!tpu.dma_semaphore, #tpu.memory_space<semaphore_mem>>
      %dma_start3A = arith.constant 0 : i32
      %dma_start3A_112 = arith.constant 0 : i32
      %dma_start3A_113 = tpu.memref_slice %arg10[%arg0, %dma_start3A, %dma_start3A_112] : memref<2x10240x128xf32, #tpu.memory_space<hbm>> -> memref<1x10240x128xf32, #tpu.memory_space<hbm>>
      %dma_start3A_114 = tpu.memref_squeeze %dma_start3A_113 : memref<1x10240x128xf32, #tpu.memory_space<hbm>> -> memref<10240x128xf32, #tpu.memory_space<hbm>>
      %dma_start3A_115 = arith.constant 0 : i32
      %dma_start3A_116 = tpu.memref_slice %dma_start3A_114[%mul3A_111, %dma_start3A_115] : memref<10240x128xf32, #tpu.memory_space<hbm>> -> memref<640x128xf32, #tpu.memory_space<hbm>>
      %dma_start3A_117 = arith.constant 0 : i32
      %dma_start3A_118 = tpu.memref_slice %arg16[%mul3A_109, %dma_start3A_117] : memref<10240x128xf32, #tpu.memory_space<vmem_shared>> -> memref<640x128xf32, #tpu.memory_space<vmem_shared>>
      tpu.enqueue_dma source(%dma_start3A_118 : memref<640x128xf32, #tpu.memory_space<vmem_shared>>) target(%dma_start3A_116 : memref<640x128xf32, #tpu.memory_space<hbm>>) target_semaphore(%run_scoped3A : memref<!tpu.dma_semaphore, #tpu.memory_space<semaphore_mem>>)
      %dma_wait3A = arith.constant 0 : i32
      %dma_wait3A_119 = arith.constant 0 : i32
      %dma_wait3A_120 = tpu.memref_slice %arg10[%arg0, %dma_wait3A, %dma_wait3A_119] : memref<2x10240x128xf32, #tpu.memory_space<hbm>> -> memref<1x10240x128xf32, #tpu.memory_space<hbm>>
      %dma_wait3A_121 = tpu.memref_squeeze %dma_wait3A_120 : memref<1x10240x128xf32, #tpu.memory_space<hbm>> -> memref<10240x128xf32, #tpu.memory_space<hbm>>
      %dma_wait3A_122 = arith.constant 0 : i32
      %dma_wait3A_123 = tpu.memref_slice %dma_wait3A_121[%mul3A_111, %dma_wait3A_122] : memref<10240x128xf32, #tpu.memory_space<hbm>> -> memref<640x128xf32, #tpu.memory_space<hbm>>
      %dma_wait3A_124 = arith.constant 0 : i32
      %dma_wait3A_125 = tpu.memref_slice %arg16[%mul3A_109, %dma_wait3A_124] : memref<10240x128xf32, #tpu.memory_space<vmem_shared>> -> memref<640x128xf32, #tpu.memory_space<vmem_shared>>
      tpu.wait_dma2 semaphore(%run_scoped3A : memref<!tpu.dma_semaphore, #tpu.memory_space<semaphore_mem>>) src(%dma_wait3A_125 : memref<640x128xf32, #tpu.memory_space<vmem_shared>>) dst(%dma_wait3A_123 : memref<640x128xf32, #tpu.memory_space<hbm>>)
      tpu.yield
    }) : () -> ()
    return
  }
}

#map = affine_map<(d0, d1) -> (0, 0)>
#map1 = affine_map<(d0, d1) -> (0, 0, 0)>
module attributes {stable_mosaic.version = 14 : i64} {
  func.func @_spmm(%arg0: i32, %arg1: i32, %arg2: memref<10240x128xf32, #tpu.memory_space<hbm>>, %arg3: memref<10240x128xf32, #tpu.memory_space<hbm>>, %arg4: memref<10240x128xf32, #tpu.memory_space<hbm>>, %arg5: memref<16x80x128xi32, #tpu.memory_space<hbm>>, %arg6: memref<16x80x128xi32, #tpu.memory_space<hbm>>, %arg7: memref<640x128xf32, #tpu.memory_space<hbm>>, %arg8: memref<10240x128xf32, #tpu.memory_space<hbm>>, %arg9: memref<10240x128xf32, #tpu.memory_space<hbm>>, %arg10: memref<2x10240x128xf32, #tpu.memory_space<hbm>>, %arg11: memref<80x128xi32, #tpu.memory_space<vmem>>, %arg12: memref<80x128xi32, #tpu.memory_space<vmem>>, %arg13: memref<40x128xi32, #tpu.memory_space<vmem>>, %arg14: memref<40x128xi32, #tpu.memory_space<vmem>>, %arg15: memref<128x128xf32, #tpu.memory_space<vmem>>, %arg16: memref<10240x128xf32, #tpu.memory_space<vmem_shared>>, %arg17: memref<!tpu.dma_semaphore, #tpu.memory_space<semaphore_mem>>) attributes {dimension_semantics = [#tpu.dimension_semantics<core_parallel>, #tpu.dimension_semantics<subcore_parallel>], iteration_bounds = array<i64: 2, 16>, scalar_prefetch = 0 : i64, scratch_operands = 7 : i64, tpu.core_type = #tpu.core_type<sc_vector_subcore>, window_params = [{transform_indices = #map}, {transform_indices = #map}, {transform_indices = #map}, {transform_indices = #map1}, {transform_indices = #map1}, {transform_indices = #map}, {transform_indices = #map}, {transform_indices = #map}, {transform_indices = #map1}]} {
    %mul3A = arith.constant 640 : i32
    %mul3A_0 = arith.muli %arg1, %mul3A : i32
    "tpu.region"() ({
      %run_scoped3A = tpu.sem_alloc : memref<!tpu.dma_semaphore, #tpu.memory_space<semaphore_mem>>
      %dma_start3A = arith.constant 0 : i32
      %dma_start3A_112 = tpu.memref_slice %arg16[%mul3A_0, %dma_start3A] : memref<10240x128xf32, #tpu.memory_space<vmem_shared>> -> memref<640x128xf32, #tpu.memory_space<vmem_shared>>
      tpu.enqueue_dma source(%arg7 : memref<640x128xf32, #tpu.memory_space<hbm>>) target(%dma_start3A_112 : memref<640x128xf32, #tpu.memory_space<vmem_shared>>) target_semaphore(%run_scoped3A : memref<!tpu.dma_semaphore, #tpu.memory_space<semaphore_mem>>)
      %dma_wait3A = arith.constant 0 : i32
      %dma_wait3A_113 = tpu.memref_slice %arg16[%mul3A_0, %dma_wait3A] : memref<10240x128xf32, #tpu.memory_space<vmem_shared>> -> memref<640x128xf32, #tpu.memory_space<vmem_shared>>
      tpu.wait_dma2 semaphore(%run_scoped3A : memref<!tpu.dma_semaphore, #tpu.memory_space<semaphore_mem>>) src(%arg7 : memref<640x128xf32, #tpu.memory_space<hbm>>) dst(%dma_wait3A_113 : memref<640x128xf32, #tpu.memory_space<vmem_shared>>)
      tpu.yield
    }) : () -> ()
    "tpu.region"() ({
      %run_scoped3A = tpu.sem_alloc : memref<!tpu.dma_semaphore, #tpu.memory_space<semaphore_mem>>
      %dma_start3A = arith.constant 0 : i32
      %dma_start3A_112 = arith.constant 0 : i32
      %dma_start3A_113 = tpu.memref_slice %arg5[%arg1, %dma_start3A, %dma_start3A_112] : memref<16x80x128xi32, #tpu.memory_space<hbm>> -> memref<1x80x128xi32, #tpu.memory_space<hbm>>
      %dma_start3A_114 = tpu.memref_squeeze %dma_start3A_113 : memref<1x80x128xi32, #tpu.memory_space<hbm>> -> memref<80x128xi32, #tpu.memory_space<hbm>>
      %dma_start3A_115 = arith.constant 0 : i32
      %dma_start3A_116 = arith.constant 0 : i32
      %dma_start3A_117 = tpu.memref_slice %arg5[%arg1, %dma_start3A_115, %dma_start3A_116] : memref<16x80x128xi32, #tpu.memory_space<hbm>> -> memref<1x80x128xi32, #tpu.memory_space<hbm>>
      %dma_start3A_118 = tpu.memref_squeeze %dma_start3A_117 : memref<1x80x128xi32, #tpu.memory_space<hbm>> -> memref<80x128xi32, #tpu.memory_space<hbm>>
      tpu.enqueue_dma source(%dma_start3A_118 : memref<80x128xi32, #tpu.memory_space<hbm>>) target(%arg11 : memref<80x128xi32, #tpu.memory_space<vmem>>) target_semaphore(%run_scoped3A : memref<!tpu.dma_semaphore, #tpu.memory_space<semaphore_mem>>)
      %dma_wait3A = arith.constant 0 : i32
      %dma_wait3A_119 = arith.constant 0 : i32
      %dma_wait3A_120 = tpu.memref_slice %arg5[%arg1, %dma_wait3A, %dma_wait3A_119] : memref<16x80x128xi32, #tpu.memory_space<hbm>> -> memref<1x80x128xi32, #tpu.memory_space<hbm>>
      %dma_wait3A_121 = tpu.memref_squeeze %dma_wait3A_120 : memref<1x80x128xi32, #tpu.memory_space<hbm>> -> memref<80x128xi32, #tpu.memory_space<hbm>>
      %dma_wait3A_122 = arith.constant 0 : i32
      %dma_wait3A_123 = arith.constant 0 : i32
      %dma_wait3A_124 = tpu.memref_slice %arg5[%arg1, %dma_wait3A_122, %dma_wait3A_123] : memref<16x80x128xi32, #tpu.memory_space<hbm>> -> memref<1x80x128xi32, #tpu.memory_space<hbm>>
      %dma_wait3A_125 = tpu.memref_squeeze %dma_wait3A_124 : memref<1x80x128xi32, #tpu.memory_space<hbm>> -> memref<80x128xi32, #tpu.memory_space<hbm>>
      tpu.wait_dma2 semaphore(%run_scoped3A : memref<!tpu.dma_semaphore, #tpu.memory_space<semaphore_mem>>) src(%dma_wait3A_125 : memref<80x128xi32, #tpu.memory_space<hbm>>) dst(%arg11 : memref<80x128xi32, #tpu.memory_space<vmem>>)
      tpu.yield
    }) : () -> ()
    "tpu.region"() ({
      %run_scoped3A = tpu.sem_alloc : memref<!tpu.dma_semaphore, #tpu.memory_space<semaphore_mem>>
      %dma_start3A = arith.constant 0 : i32
      %dma_start3A_112 = arith.constant 0 : i32
      %dma_start3A_113 = tpu.memref_slice %arg6[%arg1, %dma_start3A, %dma_start3A_112] : memref<16x80x128xi32, #tpu.memory_space<hbm>> -> memref<1x80x128xi32, #tpu.memory_space<hbm>>
      %dma_start3A_114 = tpu.memref_squeeze %dma_start3A_113 : memref<1x80x128xi32, #tpu.memory_space<hbm>> -> memref<80x128xi32, #tpu.memory_space<hbm>>
      %dma_start3A_115 = arith.constant 0 : i32
      %dma_start3A_116 = arith.constant 0 : i32
      %dma_start3A_117 = tpu.memref_slice %arg6[%arg1, %dma_start3A_115, %dma_start3A_116] : memref<16x80x128xi32, #tpu.memory_space<hbm>> -> memref<1x80x128xi32, #tpu.memory_space<hbm>>
      %dma_start3A_118 = tpu.memref_squeeze %dma_start3A_117 : memref<1x80x128xi32, #tpu.memory_space<hbm>> -> memref<80x128xi32, #tpu.memory_space<hbm>>
      tpu.enqueue_dma source(%dma_start3A_118 : memref<80x128xi32, #tpu.memory_space<hbm>>) target(%arg12 : memref<80x128xi32, #tpu.memory_space<vmem>>) target_semaphore(%run_scoped3A : memref<!tpu.dma_semaphore, #tpu.memory_space<semaphore_mem>>)
      %dma_wait3A = arith.constant 0 : i32
      %dma_wait3A_119 = arith.constant 0 : i32
      %dma_wait3A_120 = tpu.memref_slice %arg6[%arg1, %dma_wait3A, %dma_wait3A_119] : memref<16x80x128xi32, #tpu.memory_space<hbm>> -> memref<1x80x128xi32, #tpu.memory_space<hbm>>
      %dma_wait3A_121 = tpu.memref_squeeze %dma_wait3A_120 : memref<1x80x128xi32, #tpu.memory_space<hbm>> -> memref<80x128xi32, #tpu.memory_space<hbm>>
      %dma_wait3A_122 = arith.constant 0 : i32
      %dma_wait3A_123 = arith.constant 0 : i32
      %dma_wait3A_124 = tpu.memref_slice %arg6[%arg1, %dma_wait3A_122, %dma_wait3A_123] : memref<16x80x128xi32, #tpu.memory_space<hbm>> -> memref<1x80x128xi32, #tpu.memory_space<hbm>>
      %dma_wait3A_125 = tpu.memref_squeeze %dma_wait3A_124 : memref<1x80x128xi32, #tpu.memory_space<hbm>> -> memref<80x128xi32, #tpu.memory_space<hbm>>
      tpu.wait_dma2 semaphore(%run_scoped3A : memref<!tpu.dma_semaphore, #tpu.memory_space<semaphore_mem>>) src(%dma_wait3A_125 : memref<80x128xi32, #tpu.memory_space<hbm>>) dst(%arg12 : memref<80x128xi32, #tpu.memory_space<vmem>>)
      tpu.yield
    }) : () -> ()
    %mul3A_1 = arith.constant 8 : i32
    %mul3A_2 = arith.muli %arg0, %mul3A_1 : i32
    %jit3A = arith.constant 2 : i32
    %div3A = arith.divsi %arg1, %jit3A : i32
    %sign3A = arith.constant 0 : i32
    %sign3A_3 = arith.cmpi sgt, %arg1, %sign3A : i32
    %sign3A_4 = arith.extui %sign3A_3 : i1 to i32
    %sign3A_5 = arith.constant 0 : i32
    %sign3A_6 = arith.cmpi slt, %arg1, %sign3A_5 : i32
    %sign3A_7 = arith.extui %sign3A_6 : i1 to i32
    %sign3A_8 = arith.subi %sign3A_4, %sign3A_7 : i32
    %sign3A_9 = arith.constant 0 : i32
    %sign3A_10 = arith.cmpi sgt, %jit3A, %sign3A_9 : i32
    %sign3A_11 = arith.extui %sign3A_10 : i1 to i32
    %sign3A_12 = arith.constant 0 : i32
    %sign3A_13 = arith.cmpi slt, %jit3A, %sign3A_12 : i32
    %sign3A_14 = arith.extui %sign3A_13 : i1 to i32
    %sign3A_15 = arith.subi %sign3A_11, %sign3A_14 : i32
    %ne3A = arith.cmpi ne, %sign3A_8, %sign3A_15 : i32
    %rem3A = arith.remsi %arg1, %jit3A : i32
    %ne3A_16 = arith.constant 0 : i32
    %ne3A_17 = arith.cmpi ne, %rem3A, %ne3A_16 : i32
    %and3A = arith.andi %ne3A, %ne3A_17 : i1
    %sub3A = arith.constant 1 : i32
    %sub3A_18 = arith.subi %div3A, %sub3A : i32
    %select_n3A = arith.select %and3A, %sub3A_18, %div3A : i32
    %add3A = arith.addi %mul3A_2, %select_n3A : i32
    %jit3A_19 = arith.constant 2 : i32
    %eq3A = arith.constant 0 : i32
    %eq3A_20 = arith.cmpi eq, %jit3A_19, %eq3A : i32
    %jit3A_21 = arith.constant 1 : i32
    %select_n3A_22 = arith.select %eq3A_20, %jit3A_21, %jit3A_19 : i32
    %rem3A_23 = arith.remsi %arg1, %select_n3A_22 : i32
    %ne3A_24 = arith.constant 0 : i32
    %ne3A_25 = arith.cmpi ne, %rem3A_23, %ne3A_24 : i32
    %lt3A = arith.constant 0 : i32
    %lt3A_26 = arith.cmpi slt, %rem3A_23, %lt3A : i32
    %lt3A_27 = arith.constant 0 : i32
    %lt3A_28 = arith.cmpi slt, %select_n3A_22, %lt3A_27 : i32
    %ne3A_29 = arith.xori %lt3A_26, %lt3A_28 : i1
    %and3A_30 = arith.andi %ne3A_29, %ne3A_25 : i1
    %add3A_31 = arith.addi %rem3A_23, %select_n3A_22 : i32
    %select_n3A_32 = arith.select %and3A_30, %add3A_31, %rem3A_23 : i32
    %mul3A_33 = arith.constant 40 : i32
    %mul3A_34 = arith.muli %select_n3A_32, %mul3A_33 : i32
    "tpu.region"() ({
      %run_scoped3A = tpu.sem_alloc : memref<!tpu.dma_semaphore, #tpu.memory_space<semaphore_mem>>
      %dma_start3A = arith.constant 0 : i32
      %dma_start3A_112 = arith.constant 0 : i32
      %dma_start3A_113 = tpu.memref_slice %arg5[%add3A, %dma_start3A, %dma_start3A_112] : memref<16x80x128xi32, #tpu.memory_space<hbm>> -> memref<1x80x128xi32, #tpu.memory_space<hbm>>
      %dma_start3A_114 = tpu.memref_squeeze %dma_start3A_113 : memref<1x80x128xi32, #tpu.memory_space<hbm>> -> memref<80x128xi32, #tpu.memory_space<hbm>>
      %dma_start3A_115 = arith.constant 0 : i32
      %dma_start3A_116 = tpu.memref_slice %dma_start3A_114[%mul3A_34, %dma_start3A_115] : memref<80x128xi32, #tpu.memory_space<hbm>> -> memref<40x128xi32, #tpu.memory_space<hbm>>
      %dma_start3A_117 = arith.constant 0 : i32
      %dma_start3A_118 = arith.constant 0 : i32
      %dma_start3A_119 = tpu.memref_slice %arg5[%add3A, %dma_start3A_117, %dma_start3A_118] : memref<16x80x128xi32, #tpu.memory_space<hbm>> -> memref<1x80x128xi32, #tpu.memory_space<hbm>>
      %dma_start3A_120 = tpu.memref_squeeze %dma_start3A_119 : memref<1x80x128xi32, #tpu.memory_space<hbm>> -> memref<80x128xi32, #tpu.memory_space<hbm>>
      %dma_start3A_121 = arith.constant 0 : i32
      %dma_start3A_122 = tpu.memref_slice %dma_start3A_120[%mul3A_34, %dma_start3A_121] : memref<80x128xi32, #tpu.memory_space<hbm>> -> memref<40x128xi32, #tpu.memory_space<hbm>>
      tpu.enqueue_dma source(%dma_start3A_122 : memref<40x128xi32, #tpu.memory_space<hbm>>) target(%arg13 : memref<40x128xi32, #tpu.memory_space<vmem>>) target_semaphore(%run_scoped3A : memref<!tpu.dma_semaphore, #tpu.memory_space<semaphore_mem>>)
      %dma_wait3A = arith.constant 0 : i32
      %dma_wait3A_123 = arith.constant 0 : i32
      %dma_wait3A_124 = tpu.memref_slice %arg5[%add3A, %dma_wait3A, %dma_wait3A_123] : memref<16x80x128xi32, #tpu.memory_space<hbm>> -> memref<1x80x128xi32, #tpu.memory_space<hbm>>
      %dma_wait3A_125 = tpu.memref_squeeze %dma_wait3A_124 : memref<1x80x128xi32, #tpu.memory_space<hbm>> -> memref<80x128xi32, #tpu.memory_space<hbm>>
      %dma_wait3A_126 = arith.constant 0 : i32
      %dma_wait3A_127 = tpu.memref_slice %dma_wait3A_125[%mul3A_34, %dma_wait3A_126] : memref<80x128xi32, #tpu.memory_space<hbm>> -> memref<40x128xi32, #tpu.memory_space<hbm>>
      %dma_wait3A_128 = arith.constant 0 : i32
      %dma_wait3A_129 = arith.constant 0 : i32
      %dma_wait3A_130 = tpu.memref_slice %arg5[%add3A, %dma_wait3A_128, %dma_wait3A_129] : memref<16x80x128xi32, #tpu.memory_space<hbm>> -> memref<1x80x128xi32, #tpu.memory_space<hbm>>
      %dma_wait3A_131 = tpu.memref_squeeze %dma_wait3A_130 : memref<1x80x128xi32, #tpu.memory_space<hbm>> -> memref<80x128xi32, #tpu.memory_space<hbm>>
      %dma_wait3A_132 = arith.constant 0 : i32
      %dma_wait3A_133 = tpu.memref_slice %dma_wait3A_131[%mul3A_34, %dma_wait3A_132] : memref<80x128xi32, #tpu.memory_space<hbm>> -> memref<40x128xi32, #tpu.memory_space<hbm>>
      tpu.wait_dma2 semaphore(%run_scoped3A : memref<!tpu.dma_semaphore, #tpu.memory_space<semaphore_mem>>) src(%dma_wait3A_133 : memref<40x128xi32, #tpu.memory_space<hbm>>) dst(%arg13 : memref<40x128xi32, #tpu.memory_space<vmem>>)
      tpu.yield
    }) : () -> ()
    %mul3A_35 = arith.constant 8 : i32
    %mul3A_36 = arith.muli %arg0, %mul3A_35 : i32
    %jit3A_37 = arith.constant 2 : i32
    %div3A_38 = arith.divsi %arg1, %jit3A_37 : i32
    %sign3A_39 = arith.constant 0 : i32
    %sign3A_40 = arith.cmpi sgt, %arg1, %sign3A_39 : i32
    %sign3A_41 = arith.extui %sign3A_40 : i1 to i32
    %sign3A_42 = arith.constant 0 : i32
    %sign3A_43 = arith.cmpi slt, %arg1, %sign3A_42 : i32
    %sign3A_44 = arith.extui %sign3A_43 : i1 to i32
    %sign3A_45 = arith.subi %sign3A_41, %sign3A_44 : i32
    %sign3A_46 = arith.constant 0 : i32
    %sign3A_47 = arith.cmpi sgt, %jit3A_37, %sign3A_46 : i32
    %sign3A_48 = arith.extui %sign3A_47 : i1 to i32
    %sign3A_49 = arith.constant 0 : i32
    %sign3A_50 = arith.cmpi slt, %jit3A_37, %sign3A_49 : i32
    %sign3A_51 = arith.extui %sign3A_50 : i1 to i32
    %sign3A_52 = arith.subi %sign3A_48, %sign3A_51 : i32
    %ne3A_53 = arith.cmpi ne, %sign3A_45, %sign3A_52 : i32
    %rem3A_54 = arith.remsi %arg1, %jit3A_37 : i32
    %ne3A_55 = arith.constant 0 : i32
    %ne3A_56 = arith.cmpi ne, %rem3A_54, %ne3A_55 : i32
    %and3A_57 = arith.andi %ne3A_53, %ne3A_56 : i1
    %sub3A_58 = arith.constant 1 : i32
    %sub3A_59 = arith.subi %div3A_38, %sub3A_58 : i32
    %select_n3A_60 = arith.select %and3A_57, %sub3A_59, %div3A_38 : i32
    %add3A_61 = arith.addi %mul3A_36, %select_n3A_60 : i32
    %jit3A_62 = arith.constant 2 : i32
    %eq3A_63 = arith.constant 0 : i32
    %eq3A_64 = arith.cmpi eq, %jit3A_62, %eq3A_63 : i32
    %jit3A_65 = arith.constant 1 : i32
    %select_n3A_66 = arith.select %eq3A_64, %jit3A_65, %jit3A_62 : i32
    %rem3A_67 = arith.remsi %arg1, %select_n3A_66 : i32
    %ne3A_68 = arith.constant 0 : i32
    %ne3A_69 = arith.cmpi ne, %rem3A_67, %ne3A_68 : i32
    %lt3A_70 = arith.constant 0 : i32
    %lt3A_71 = arith.cmpi slt, %rem3A_67, %lt3A_70 : i32
    %lt3A_72 = arith.constant 0 : i32
    %lt3A_73 = arith.cmpi slt, %select_n3A_66, %lt3A_72 : i32
    %ne3A_74 = arith.xori %lt3A_71, %lt3A_73 : i1
    %and3A_75 = arith.andi %ne3A_74, %ne3A_69 : i1
    %add3A_76 = arith.addi %rem3A_67, %select_n3A_66 : i32
    %select_n3A_77 = arith.select %and3A_75, %add3A_76, %rem3A_67 : i32
    %mul3A_78 = arith.constant 40 : i32
    %mul3A_79 = arith.muli %select_n3A_77, %mul3A_78 : i32
    "tpu.region"() ({
      %run_scoped3A = tpu.sem_alloc : memref<!tpu.dma_semaphore, #tpu.memory_space<semaphore_mem>>
      %dma_start3A = arith.constant 0 : i32
      %dma_start3A_112 = arith.constant 0 : i32
      %dma_start3A_113 = tpu.memref_slice %arg6[%add3A_61, %dma_start3A, %dma_start3A_112] : memref<16x80x128xi32, #tpu.memory_space<hbm>> -> memref<1x80x128xi32, #tpu.memory_space<hbm>>
      %dma_start3A_114 = tpu.memref_squeeze %dma_start3A_113 : memref<1x80x128xi32, #tpu.memory_space<hbm>> -> memref<80x128xi32, #tpu.memory_space<hbm>>
      %dma_start3A_115 = arith.constant 0 : i32
      %dma_start3A_116 = tpu.memref_slice %dma_start3A_114[%mul3A_79, %dma_start3A_115] : memref<80x128xi32, #tpu.memory_space<hbm>> -> memref<40x128xi32, #tpu.memory_space<hbm>>
      %dma_start3A_117 = arith.constant 0 : i32
      %dma_start3A_118 = arith.constant 0 : i32
      %dma_start3A_119 = tpu.memref_slice %arg6[%add3A_61, %dma_start3A_117, %dma_start3A_118] : memref<16x80x128xi32, #tpu.memory_space<hbm>> -> memref<1x80x128xi32, #tpu.memory_space<hbm>>
      %dma_start3A_120 = tpu.memref_squeeze %dma_start3A_119 : memref<1x80x128xi32, #tpu.memory_space<hbm>> -> memref<80x128xi32, #tpu.memory_space<hbm>>
      %dma_start3A_121 = arith.constant 0 : i32
      %dma_start3A_122 = tpu.memref_slice %dma_start3A_120[%mul3A_79, %dma_start3A_121] : memref<80x128xi32, #tpu.memory_space<hbm>> -> memref<40x128xi32, #tpu.memory_space<hbm>>
      tpu.enqueue_dma source(%dma_start3A_122 : memref<40x128xi32, #tpu.memory_space<hbm>>) target(%arg14 : memref<40x128xi32, #tpu.memory_space<vmem>>) target_semaphore(%run_scoped3A : memref<!tpu.dma_semaphore, #tpu.memory_space<semaphore_mem>>)
      %dma_wait3A = arith.constant 0 : i32
      %dma_wait3A_123 = arith.constant 0 : i32
      %dma_wait3A_124 = tpu.memref_slice %arg6[%add3A_61, %dma_wait3A, %dma_wait3A_123] : memref<16x80x128xi32, #tpu.memory_space<hbm>> -> memref<1x80x128xi32, #tpu.memory_space<hbm>>
      %dma_wait3A_125 = tpu.memref_squeeze %dma_wait3A_124 : memref<1x80x128xi32, #tpu.memory_space<hbm>> -> memref<80x128xi32, #tpu.memory_space<hbm>>
      %dma_wait3A_126 = arith.constant 0 : i32
      %dma_wait3A_127 = tpu.memref_slice %dma_wait3A_125[%mul3A_79, %dma_wait3A_126] : memref<80x128xi32, #tpu.memory_space<hbm>> -> memref<40x128xi32, #tpu.memory_space<hbm>>
      %dma_wait3A_128 = arith.constant 0 : i32
      %dma_wait3A_129 = arith.constant 0 : i32
      %dma_wait3A_130 = tpu.memref_slice %arg6[%add3A_61, %dma_wait3A_128, %dma_wait3A_129] : memref<16x80x128xi32, #tpu.memory_space<hbm>> -> memref<1x80x128xi32, #tpu.memory_space<hbm>>
      %dma_wait3A_131 = tpu.memref_squeeze %dma_wait3A_130 : memref<1x80x128xi32, #tpu.memory_space<hbm>> -> memref<80x128xi32, #tpu.memory_space<hbm>>
      %dma_wait3A_132 = arith.constant 0 : i32
      %dma_wait3A_133 = tpu.memref_slice %dma_wait3A_131[%mul3A_79, %dma_wait3A_132] : memref<80x128xi32, #tpu.memory_space<hbm>> -> memref<40x128xi32, #tpu.memory_space<hbm>>
      tpu.wait_dma2 semaphore(%run_scoped3A : memref<!tpu.dma_semaphore, #tpu.memory_space<semaphore_mem>>) src(%dma_wait3A_133 : memref<40x128xi32, #tpu.memory_space<hbm>>) dst(%arg14 : memref<40x128xi32, #tpu.memory_space<vmem>>)
      tpu.yield
    }) : () -> ()
    %barrier3A = arith.constant 0 : index
    tpu.barrier barrier_id(%barrier3A)
    %eq3A_80 = arith.constant 0 : i32
    %eq3A_81 = arith.cmpi eq, %arg0, %eq3A_80 : i32
    %convert_element_type3A = arith.extui %eq3A_81 : i1 to i32
    %cond3A = arith.constant 0 : i32
    %cond3A_82 = arith.cmpi ne, %convert_element_type3A, %cond3A : i32
    scf.if %cond3A_82 {
      %scan3A_112 = arith.constant 0 : i32
      %scan3A_113 = arith.constant 0 : i32
      %scan3A_114 = arith.constant 80 : i32
      %scan3A_115 = arith.addi %scan3A_113, %scan3A_114 : i32
      %scan3A_116 = arith.constant 1 : i32
      scf.for %scan3A_118 = %scan3A_113 to %scan3A_115 step %scan3A_116  : i32 {
        %dma_start3A = arith.constant 0 : i32
        %dma_start3A_119 = tpu.memref_slice %arg11[%scan3A_118, %dma_start3A] : memref<80x128xi32, #tpu.memory_space<vmem>> -> memref<1x128xi32, #tpu.memory_space<vmem>>
        %dma_start3A_120 = tpu.memref_squeeze %dma_start3A_119 : memref<1x128xi32, #tpu.memory_space<vmem>> -> memref<128xi32, #tpu.memory_space<vmem>>
        %dma_start3A_121 = arith.constant 0 : i32
        %dma_start3A_122 = arith.constant 0 : i32
        %dma_start3A_123 = tpu.memref_slice %arg2[%dma_start3A_121, %dma_start3A_122] : memref<10240x128xf32, #tpu.memory_space<hbm>> -> memref<10240x128xf32, #tpu.memory_space<hbm>>
        tpu.enqueue_indirect_dma source(%dma_start3A_123 : memref<10240x128xf32, #tpu.memory_space<hbm>>) target(%arg15 : memref<128x128xf32, #tpu.memory_space<vmem>>) offsets(%dma_start3A_120 : memref<128xi32, #tpu.memory_space<vmem>>) semaphore(%arg17 : memref<!tpu.dma_semaphore, #tpu.memory_space<semaphore_mem>>)
        %dma_wait3A = arith.constant 0 : i32
        %dma_wait3A_124 = tpu.memref_slice %arg11[%scan3A_118, %dma_wait3A] : memref<80x128xi32, #tpu.memory_space<vmem>> -> memref<1x128xi32, #tpu.memory_space<vmem>>
        %dma_wait3A_125 = tpu.memref_squeeze %dma_wait3A_124 : memref<1x128xi32, #tpu.memory_space<vmem>> -> memref<128xi32, #tpu.memory_space<vmem>>
        %dma_wait3A_126 = arith.constant 0 : i32
        %dma_wait3A_127 = arith.constant 0 : i32
        %dma_wait3A_128 = tpu.memref_slice %arg2[%dma_wait3A_126, %dma_wait3A_127] : memref<10240x128xf32, #tpu.memory_space<hbm>> -> memref<10240x128xf32, #tpu.memory_space<hbm>>
        tpu.wait_indirect_dma semaphore(%arg17 : memref<!tpu.dma_semaphore, #tpu.memory_space<semaphore_mem>>) src(%dma_wait3A_128 : memref<10240x128xf32, #tpu.memory_space<hbm>>) dst(%arg15 : memref<128x128xf32, #tpu.memory_space<vmem>>)
        "tpu.region"() ({
          %run_scoped3A = tpu.sem_alloc : memref<!tpu.dma_semaphore, #tpu.memory_space<semaphore_mem>>
          %dma_start3A_129 = arith.constant 0 : i32
          %dma_start3A_130 = tpu.memref_slice %arg12[%scan3A_118, %dma_start3A_129] : memref<80x128xi32, #tpu.memory_space<vmem>> -> memref<1x128xi32, #tpu.memory_space<vmem>>
          %dma_start3A_131 = tpu.memref_squeeze %dma_start3A_130 : memref<1x128xi32, #tpu.memory_space<vmem>> -> memref<128xi32, #tpu.memory_space<vmem>>
          %dma_start3A_132 = arith.constant 0 : i32
          %dma_start3A_133 = arith.constant 0 : i32
          %dma_start3A_134 = tpu.memref_slice %arg16[%dma_start3A_132, %dma_start3A_133] : memref<10240x128xf32, #tpu.memory_space<vmem_shared>> -> memref<10240x128xf32, #tpu.memory_space<vmem_shared>>
          tpu.enqueue_indirect_dma source(%arg15 : memref<128x128xf32, #tpu.memory_space<vmem>>) target(%dma_start3A_134 : memref<10240x128xf32, #tpu.memory_space<vmem_shared>>) offsets(%dma_start3A_131 : memref<128xi32, #tpu.memory_space<vmem>>) semaphore(%run_scoped3A : memref<!tpu.dma_semaphore, #tpu.memory_space<semaphore_mem>>) {add = true}
          %dma_wait3A_135 = arith.constant 0 : i32
          %dma_wait3A_136 = tpu.memref_slice %arg12[%scan3A_118, %dma_wait3A_135] : memref<80x128xi32, #tpu.memory_space<vmem>> -> memref<1x128xi32, #tpu.memory_space<vmem>>
          %dma_wait3A_137 = tpu.memref_squeeze %dma_wait3A_136 : memref<1x128xi32, #tpu.memory_space<vmem>> -> memref<128xi32, #tpu.memory_space<vmem>>
          %dma_wait3A_138 = arith.constant 0 : i32
          %dma_wait3A_139 = arith.constant 0 : i32
          %dma_wait3A_140 = tpu.memref_slice %arg16[%dma_wait3A_138, %dma_wait3A_139] : memref<10240x128xf32, #tpu.memory_space<vmem_shared>> -> memref<10240x128xf32, #tpu.memory_space<vmem_shared>>
          tpu.wait_indirect_dma semaphore(%run_scoped3A : memref<!tpu.dma_semaphore, #tpu.memory_space<semaphore_mem>>) src(%arg15 : memref<128x128xf32, #tpu.memory_space<vmem>>) dst(%dma_wait3A_140 : memref<10240x128xf32, #tpu.memory_space<vmem_shared>>)
          tpu.yield
        }) : () -> ()
      }
      %scan3A_117 = arith.constant 80 : i32
    } else {
    }
    %eq3A_83 = arith.constant 1 : i32
    %eq3A_84 = arith.cmpi eq, %arg0, %eq3A_83 : i32
    %convert_element_type3A_85 = arith.extui %eq3A_84 : i1 to i32
    %cond3A_86 = arith.constant 0 : i32
    %cond3A_87 = arith.cmpi ne, %convert_element_type3A_85, %cond3A_86 : i32
    scf.if %cond3A_87 {
      %scan3A_112 = arith.constant 0 : i32
      %scan3A_113 = arith.constant 0 : i32
      %scan3A_114 = arith.constant 80 : i32
      %scan3A_115 = arith.addi %scan3A_113, %scan3A_114 : i32
      %scan3A_116 = arith.constant 1 : i32
      scf.for %scan3A_118 = %scan3A_113 to %scan3A_115 step %scan3A_116  : i32 {
        %dma_start3A = arith.constant 0 : i32
        %dma_start3A_119 = tpu.memref_slice %arg11[%scan3A_118, %dma_start3A] : memref<80x128xi32, #tpu.memory_space<vmem>> -> memref<1x128xi32, #tpu.memory_space<vmem>>
        %dma_start3A_120 = tpu.memref_squeeze %dma_start3A_119 : memref<1x128xi32, #tpu.memory_space<vmem>> -> memref<128xi32, #tpu.memory_space<vmem>>
        %dma_start3A_121 = arith.constant 0 : i32
        %dma_start3A_122 = arith.constant 0 : i32
        %dma_start3A_123 = tpu.memref_slice %arg3[%dma_start3A_121, %dma_start3A_122] : memref<10240x128xf32, #tpu.memory_space<hbm>> -> memref<10240x128xf32, #tpu.memory_space<hbm>>
        tpu.enqueue_indirect_dma source(%dma_start3A_123 : memref<10240x128xf32, #tpu.memory_space<hbm>>) target(%arg15 : memref<128x128xf32, #tpu.memory_space<vmem>>) offsets(%dma_start3A_120 : memref<128xi32, #tpu.memory_space<vmem>>) semaphore(%arg17 : memref<!tpu.dma_semaphore, #tpu.memory_space<semaphore_mem>>)
        %dma_wait3A = arith.constant 0 : i32
        %dma_wait3A_124 = tpu.memref_slice %arg11[%scan3A_118, %dma_wait3A] : memref<80x128xi32, #tpu.memory_space<vmem>> -> memref<1x128xi32, #tpu.memory_space<vmem>>
        %dma_wait3A_125 = tpu.memref_squeeze %dma_wait3A_124 : memref<1x128xi32, #tpu.memory_space<vmem>> -> memref<128xi32, #tpu.memory_space<vmem>>
        %dma_wait3A_126 = arith.constant 0 : i32
        %dma_wait3A_127 = arith.constant 0 : i32
        %dma_wait3A_128 = tpu.memref_slice %arg3[%dma_wait3A_126, %dma_wait3A_127] : memref<10240x128xf32, #tpu.memory_space<hbm>> -> memref<10240x128xf32, #tpu.memory_space<hbm>>
        tpu.wait_indirect_dma semaphore(%arg17 : memref<!tpu.dma_semaphore, #tpu.memory_space<semaphore_mem>>) src(%dma_wait3A_128 : memref<10240x128xf32, #tpu.memory_space<hbm>>) dst(%arg15 : memref<128x128xf32, #tpu.memory_space<vmem>>)
        "tpu.region"() ({
          %run_scoped3A = tpu.sem_alloc : memref<!tpu.dma_semaphore, #tpu.memory_space<semaphore_mem>>
          %dma_start3A_129 = arith.constant 0 : i32
          %dma_start3A_130 = tpu.memref_slice %arg12[%scan3A_118, %dma_start3A_129] : memref<80x128xi32, #tpu.memory_space<vmem>> -> memref<1x128xi32, #tpu.memory_space<vmem>>
          %dma_start3A_131 = tpu.memref_squeeze %dma_start3A_130 : memref<1x128xi32, #tpu.memory_space<vmem>> -> memref<128xi32, #tpu.memory_space<vmem>>
          %dma_start3A_132 = arith.constant 0 : i32
          %dma_start3A_133 = arith.constant 0 : i32
          %dma_start3A_134 = tpu.memref_slice %arg16[%dma_start3A_132, %dma_start3A_133] : memref<10240x128xf32, #tpu.memory_space<vmem_shared>> -> memref<10240x128xf32, #tpu.memory_space<vmem_shared>>
          tpu.enqueue_indirect_dma source(%arg15 : memref<128x128xf32, #tpu.memory_space<vmem>>) target(%dma_start3A_134 : memref<10240x128xf32, #tpu.memory_space<vmem_shared>>) offsets(%dma_start3A_131 : memref<128xi32, #tpu.memory_space<vmem>>) semaphore(%run_scoped3A : memref<!tpu.dma_semaphore, #tpu.memory_space<semaphore_mem>>) {add = true}
          %dma_wait3A_135 = arith.constant 0 : i32
          %dma_wait3A_136 = tpu.memref_slice %arg12[%scan3A_118, %dma_wait3A_135] : memref<80x128xi32, #tpu.memory_space<vmem>> -> memref<1x128xi32, #tpu.memory_space<vmem>>
          %dma_wait3A_137 = tpu.memref_squeeze %dma_wait3A_136 : memref<1x128xi32, #tpu.memory_space<vmem>> -> memref<128xi32, #tpu.memory_space<vmem>>
          %dma_wait3A_138 = arith.constant 0 : i32
          %dma_wait3A_139 = arith.constant 0 : i32
          %dma_wait3A_140 = tpu.memref_slice %arg16[%dma_wait3A_138, %dma_wait3A_139] : memref<10240x128xf32, #tpu.memory_space<vmem_shared>> -> memref<10240x128xf32, #tpu.memory_space<vmem_shared>>
          tpu.wait_indirect_dma semaphore(%run_scoped3A : memref<!tpu.dma_semaphore, #tpu.memory_space<semaphore_mem>>) src(%arg15 : memref<128x128xf32, #tpu.memory_space<vmem>>) dst(%dma_wait3A_140 : memref<10240x128xf32, #tpu.memory_space<vmem_shared>>)
          tpu.yield
        }) : () -> ()
      }
      %scan3A_117 = arith.constant 80 : i32
    } else {
    }
    %barrier3A_88 = arith.constant 0 : index
    tpu.barrier barrier_id(%barrier3A_88)
    %eq3A_89 = arith.constant 0 : i32
    %eq3A_90 = arith.cmpi eq, %arg0, %eq3A_89 : i32
    %convert_element_type3A_91 = arith.extui %eq3A_90 : i1 to i32
    %cond3A_92 = arith.constant 0 : i32
    %cond3A_93 = arith.cmpi ne, %convert_element_type3A_91, %cond3A_92 : i32
    scf.if %cond3A_93 {
      %mul3A_112 = arith.constant 640 : i32
      %mul3A_113 = arith.muli %arg1, %mul3A_112 : i32
      %mul3A_114 = arith.constant 640 : i32
      %mul3A_115 = arith.muli %arg1, %mul3A_114 : i32
      "tpu.region"() ({
        %run_scoped3A = tpu.sem_alloc : memref<!tpu.dma_semaphore, #tpu.memory_space<semaphore_mem>>
        %dma_start3A = arith.constant 0 : i32
        %dma_start3A_116 = tpu.memref_slice %arg8[%mul3A_115, %dma_start3A] : memref<10240x128xf32, #tpu.memory_space<hbm>> -> memref<640x128xf32, #tpu.memory_space<hbm>>
        %dma_start3A_117 = arith.constant 0 : i32
        %dma_start3A_118 = tpu.memref_slice %arg16[%mul3A_113, %dma_start3A_117] : memref<10240x128xf32, #tpu.memory_space<vmem_shared>> -> memref<640x128xf32, #tpu.memory_space<vmem_shared>>
        tpu.enqueue_dma source(%dma_start3A_118 : memref<640x128xf32, #tpu.memory_space<vmem_shared>>) target(%dma_start3A_116 : memref<640x128xf32, #tpu.memory_space<hbm>>) target_semaphore(%run_scoped3A : memref<!tpu.dma_semaphore, #tpu.memory_space<semaphore_mem>>)
        %dma_wait3A = arith.constant 0 : i32
        %dma_wait3A_119 = tpu.memref_slice %arg8[%mul3A_115, %dma_wait3A] : memref<10240x128xf32, #tpu.memory_space<hbm>> -> memref<640x128xf32, #tpu.memory_space<hbm>>
        %dma_wait3A_120 = arith.constant 0 : i32
        %dma_wait3A_121 = tpu.memref_slice %arg16[%mul3A_113, %dma_wait3A_120] : memref<10240x128xf32, #tpu.memory_space<vmem_shared>> -> memref<640x128xf32, #tpu.memory_space<vmem_shared>>
        tpu.wait_dma2 semaphore(%run_scoped3A : memref<!tpu.dma_semaphore, #tpu.memory_space<semaphore_mem>>) src(%dma_wait3A_121 : memref<640x128xf32, #tpu.memory_space<vmem_shared>>) dst(%dma_wait3A_119 : memref<640x128xf32, #tpu.memory_space<hbm>>)
        tpu.yield
      }) : () -> ()
    } else {
    }
    %eq3A_94 = arith.constant 1 : i32
    %eq3A_95 = arith.cmpi eq, %arg0, %eq3A_94 : i32
    %convert_element_type3A_96 = arith.extui %eq3A_95 : i1 to i32
    %cond3A_97 = arith.constant 0 : i32
    %cond3A_98 = arith.cmpi ne, %convert_element_type3A_96, %cond3A_97 : i32
    scf.if %cond3A_98 {
      %mul3A_112 = arith.constant 640 : i32
      %mul3A_113 = arith.muli %arg1, %mul3A_112 : i32
      %mul3A_114 = arith.constant 640 : i32
      %mul3A_115 = arith.muli %arg1, %mul3A_114 : i32
      "tpu.region"() ({
        %run_scoped3A = tpu.sem_alloc : memref<!tpu.dma_semaphore, #tpu.memory_space<semaphore_mem>>
        %dma_start3A = arith.constant 0 : i32
        %dma_start3A_116 = tpu.memref_slice %arg9[%mul3A_115, %dma_start3A] : memref<10240x128xf32, #tpu.memory_space<hbm>> -> memref<640x128xf32, #tpu.memory_space<hbm>>
        %dma_start3A_117 = arith.constant 0 : i32
        %dma_start3A_118 = tpu.memref_slice %arg16[%mul3A_113, %dma_start3A_117] : memref<10240x128xf32, #tpu.memory_space<vmem_shared>> -> memref<640x128xf32, #tpu.memory_space<vmem_shared>>
        tpu.enqueue_dma source(%dma_start3A_118 : memref<640x128xf32, #tpu.memory_space<vmem_shared>>) target(%dma_start3A_116 : memref<640x128xf32, #tpu.memory_space<hbm>>) target_semaphore(%run_scoped3A : memref<!tpu.dma_semaphore, #tpu.memory_space<semaphore_mem>>)
        %dma_wait3A = arith.constant 0 : i32
        %dma_wait3A_119 = tpu.memref_slice %arg9[%mul3A_115, %dma_wait3A] : memref<10240x128xf32, #tpu.memory_space<hbm>> -> memref<640x128xf32, #tpu.memory_space<hbm>>
        %dma_wait3A_120 = arith.constant 0 : i32
        %dma_wait3A_121 = tpu.memref_slice %arg16[%mul3A_113, %dma_wait3A_120] : memref<10240x128xf32, #tpu.memory_space<vmem_shared>> -> memref<640x128xf32, #tpu.memory_space<vmem_shared>>
        tpu.wait_dma2 semaphore(%run_scoped3A : memref<!tpu.dma_semaphore, #tpu.memory_space<semaphore_mem>>) src(%dma_wait3A_121 : memref<640x128xf32, #tpu.memory_space<vmem_shared>>) dst(%dma_wait3A_119 : memref<640x128xf32, #tpu.memory_space<hbm>>)
        tpu.yield
      }) : () -> ()
    } else {
    }
    %mul3A_99 = arith.constant 640 : i32
    %mul3A_100 = arith.muli %arg1, %mul3A_99 : i32
    "tpu.region"() ({
      %run_scoped3A = tpu.sem_alloc : memref<!tpu.dma_semaphore, #tpu.memory_space<semaphore_mem>>
      %dma_start3A = arith.constant 0 : i32
      %dma_start3A_112 = tpu.memref_slice %arg16[%mul3A_100, %dma_start3A] : memref<10240x128xf32, #tpu.memory_space<vmem_shared>> -> memref<640x128xf32, #tpu.memory_space<vmem_shared>>
      tpu.enqueue_dma source(%arg7 : memref<640x128xf32, #tpu.memory_space<hbm>>) target(%dma_start3A_112 : memref<640x128xf32, #tpu.memory_space<vmem_shared>>) target_semaphore(%run_scoped3A : memref<!tpu.dma_semaphore, #tpu.memory_space<semaphore_mem>>)
      %dma_wait3A = arith.constant 0 : i32
      %dma_wait3A_113 = tpu.memref_slice %arg16[%mul3A_100, %dma_wait3A] : memref<10240x128xf32, #tpu.memory_space<vmem_shared>> -> memref<640x128xf32, #tpu.memory_space<vmem_shared>>
      tpu.wait_dma2 semaphore(%run_scoped3A : memref<!tpu.dma_semaphore, #tpu.memory_space<semaphore_mem>>) src(%arg7 : memref<640x128xf32, #tpu.memory_space<hbm>>) dst(%dma_wait3A_113 : memref<640x128xf32, #tpu.memory_space<vmem_shared>>)
      tpu.yield
    }) : () -> ()
    %barrier3A_101 = arith.constant 0 : index
    tpu.barrier barrier_id(%barrier3A_101)
    %scan3A = arith.constant 0 : i32
    %scan3A_102 = arith.constant 0 : i32
    %scan3A_103 = arith.constant 40 : i32
    %scan3A_104 = arith.addi %scan3A_102, %scan3A_103 : i32
    %scan3A_105 = arith.constant 1 : i32
    scf.for %scan3A_112 = %scan3A_102 to %scan3A_104 step %scan3A_105  : i32 {
      %dma_start3A = arith.constant 0 : i32
      %dma_start3A_113 = tpu.memref_slice %arg13[%scan3A_112, %dma_start3A] : memref<40x128xi32, #tpu.memory_space<vmem>> -> memref<1x128xi32, #tpu.memory_space<vmem>>
      %dma_start3A_114 = tpu.memref_squeeze %dma_start3A_113 : memref<1x128xi32, #tpu.memory_space<vmem>> -> memref<128xi32, #tpu.memory_space<vmem>>
      %dma_start3A_115 = arith.constant 0 : i32
      %dma_start3A_116 = arith.constant 0 : i32
      %dma_start3A_117 = tpu.memref_slice %arg4[%dma_start3A_115, %dma_start3A_116] : memref<10240x128xf32, #tpu.memory_space<hbm>> -> memref<10240x128xf32, #tpu.memory_space<hbm>>
      tpu.enqueue_indirect_dma source(%dma_start3A_117 : memref<10240x128xf32, #tpu.memory_space<hbm>>) target(%arg15 : memref<128x128xf32, #tpu.memory_space<vmem>>) offsets(%dma_start3A_114 : memref<128xi32, #tpu.memory_space<vmem>>) semaphore(%arg17 : memref<!tpu.dma_semaphore, #tpu.memory_space<semaphore_mem>>)
      %dma_wait3A = arith.constant 0 : i32
      %dma_wait3A_118 = tpu.memref_slice %arg13[%scan3A_112, %dma_wait3A] : memref<40x128xi32, #tpu.memory_space<vmem>> -> memref<1x128xi32, #tpu.memory_space<vmem>>
      %dma_wait3A_119 = tpu.memref_squeeze %dma_wait3A_118 : memref<1x128xi32, #tpu.memory_space<vmem>> -> memref<128xi32, #tpu.memory_space<vmem>>
      %dma_wait3A_120 = arith.constant 0 : i32
      %dma_wait3A_121 = arith.constant 0 : i32
      %dma_wait3A_122 = tpu.memref_slice %arg4[%dma_wait3A_120, %dma_wait3A_121] : memref<10240x128xf32, #tpu.memory_space<hbm>> -> memref<10240x128xf32, #tpu.memory_space<hbm>>
      tpu.wait_indirect_dma semaphore(%arg17 : memref<!tpu.dma_semaphore, #tpu.memory_space<semaphore_mem>>) src(%dma_wait3A_122 : memref<10240x128xf32, #tpu.memory_space<hbm>>) dst(%arg15 : memref<128x128xf32, #tpu.memory_space<vmem>>)
      "tpu.region"() ({
        %run_scoped3A = tpu.sem_alloc : memref<!tpu.dma_semaphore, #tpu.memory_space<semaphore_mem>>
        %dma_start3A_123 = arith.constant 0 : i32
        %dma_start3A_124 = tpu.memref_slice %arg14[%scan3A_112, %dma_start3A_123] : memref<40x128xi32, #tpu.memory_space<vmem>> -> memref<1x128xi32, #tpu.memory_space<vmem>>
        %dma_start3A_125 = tpu.memref_squeeze %dma_start3A_124 : memref<1x128xi32, #tpu.memory_space<vmem>> -> memref<128xi32, #tpu.memory_space<vmem>>
        %dma_start3A_126 = arith.constant 0 : i32
        %dma_start3A_127 = arith.constant 0 : i32
        %dma_start3A_128 = tpu.memref_slice %arg16[%dma_start3A_126, %dma_start3A_127] : memref<10240x128xf32, #tpu.memory_space<vmem_shared>> -> memref<10240x128xf32, #tpu.memory_space<vmem_shared>>
        tpu.enqueue_indirect_dma source(%arg15 : memref<128x128xf32, #tpu.memory_space<vmem>>) target(%dma_start3A_128 : memref<10240x128xf32, #tpu.memory_space<vmem_shared>>) offsets(%dma_start3A_125 : memref<128xi32, #tpu.memory_space<vmem>>) semaphore(%run_scoped3A : memref<!tpu.dma_semaphore, #tpu.memory_space<semaphore_mem>>) {add = true}
        %dma_wait3A_129 = arith.constant 0 : i32
        %dma_wait3A_130 = tpu.memref_slice %arg14[%scan3A_112, %dma_wait3A_129] : memref<40x128xi32, #tpu.memory_space<vmem>> -> memref<1x128xi32, #tpu.memory_space<vmem>>
        %dma_wait3A_131 = tpu.memref_squeeze %dma_wait3A_130 : memref<1x128xi32, #tpu.memory_space<vmem>> -> memref<128xi32, #tpu.memory_space<vmem>>
        %dma_wait3A_132 = arith.constant 0 : i32
        %dma_wait3A_133 = arith.constant 0 : i32
        %dma_wait3A_134 = tpu.memref_slice %arg16[%dma_wait3A_132, %dma_wait3A_133] : memref<10240x128xf32, #tpu.memory_space<vmem_shared>> -> memref<10240x128xf32, #tpu.memory_space<vmem_shared>>
        tpu.wait_indirect_dma semaphore(%run_scoped3A : memref<!tpu.dma_semaphore, #tpu.memory_space<semaphore_mem>>) src(%arg15 : memref<128x128xf32, #tpu.memory_space<vmem>>) dst(%dma_wait3A_134 : memref<10240x128xf32, #tpu.memory_space<vmem_shared>>)
        tpu.yield
      }) : () -> ()
    }
    %scan3A_106 = arith.constant 40 : i32
    %barrier3A_107 = arith.constant 0 : index
    tpu.barrier barrier_id(%barrier3A_107)
    %mul3A_108 = arith.constant 640 : i32
    %mul3A_109 = arith.muli %arg1, %mul3A_108 : i32
    %mul3A_110 = arith.constant 640 : i32
    %mul3A_111 = arith.muli %arg1, %mul3A_110 : i32
    "tpu.region"() ({
      %run_scoped3A = tpu.sem_alloc : memref<!tpu.dma_semaphore, #tpu.memory_space<semaphore_mem>>
      %dma_start3A = arith.constant 0 : i32
      %dma_start3A_112 = arith.constant 0 : i32
      %dma_start3A_113 = tpu.memref_slice %arg10[%arg0, %dma_start3A, %dma_start3A_112] : memref<2x10240x128xf32, #tpu.memory_space<hbm>> -> memref<1x10240x128xf32, #tpu.memory_space<hbm>>
      %dma_start3A_114 = tpu.memref_squeeze %dma_start3A_113 : memref<1x10240x128xf32, #tpu.memory_space<hbm>> -> memref<10240x128xf32, #tpu.memory_space<hbm>>
      %dma_start3A_115 = arith.constant 0 : i32
      %dma_start3A_116 = tpu.memref_slice %dma_start3A_114[%mul3A_111, %dma_start3A_115] : memref<10240x128xf32, #tpu.memory_space<hbm>> -> memref<640x128xf32, #tpu.memory_space<hbm>>
      %dma_start3A_117 = arith.constant 0 : i32
      %dma_start3A_118 = tpu.memref_slice %arg16[%mul3A_109, %dma_start3A_117] : memref<10240x128xf32, #tpu.memory_space<vmem_shared>> -> memref<640x128xf32, #tpu.memory_space<vmem_shared>>
      tpu.enqueue_dma source(%dma_start3A_118 : memref<640x128xf32, #tpu.memory_space<vmem_shared>>) target(%dma_start3A_116 : memref<640x128xf32, #tpu.memory_space<hbm>>) target_semaphore(%run_scoped3A : memref<!tpu.dma_semaphore, #tpu.memory_space<semaphore_mem>>)
      %dma_wait3A = arith.constant 0 : i32
      %dma_wait3A_119 = arith.constant 0 : i32
      %dma_wait3A_120 = tpu.memref_slice %arg10[%arg0, %dma_wait3A, %dma_wait3A_119] : memref<2x10240x128xf32, #tpu.memory_space<hbm>> -> memref<1x10240x128xf32, #tpu.memory_space<hbm>>
      %dma_wait3A_121 = tpu.memref_squeeze %dma_wait3A_120 : memref<1x10240x128xf32, #tpu.memory_space<hbm>> -> memref<10240x128xf32, #tpu.memory_space<hbm>>
      %dma_wait3A_122 = arith.constant 0 : i32
      %dma_wait3A_123 = tpu.memref_slice %dma_wait3A_121[%mul3A_111, %dma_wait3A_122] : memref<10240x128xf32, #tpu.memory_space<hbm>> -> memref<640x128xf32, #tpu.memory_space<hbm>>
      %dma_wait3A_124 = arith.constant 0 : i32
      %dma_wait3A_125 = tpu.memref_slice %arg16[%mul3A_109, %dma_wait3A_124] : memref<10240x128xf32, #tpu.memory_space<vmem_shared>> -> memref<640x128xf32, #tpu.memory_space<vmem_shared>>
      tpu.wait_dma2 semaphore(%run_scoped3A : memref<!tpu.dma_semaphore, #tpu.memory_space<semaphore_mem>>) src(%dma_wait3A_125 : memref<640x128xf32, #tpu.memory_space<vmem_shared>>) dst(%dma_wait3A_123 : memref<640x128xf32, #tpu.memory_space<hbm>>)
      tpu.yield
    }) : () -> ()
    return
  }
}

#map = affine_map<(d0, d1) -> (0, 0)>
#map1 = affine_map<(d0, d1) -> (0, 0, 0, 0)>
module attributes {stable_mosaic.version = 14 : i64} {
  func.func @_gather_uv(%arg0: i32, %arg1: i32, %arg2: memref<10240x128xf32, #tpu.memory_space<hbm>>, %arg3: memref<10240x128xf32, #tpu.memory_space<hbm>>, %arg4: memref<10240x128xf32, #tpu.memory_space<hbm>>, %arg5: memref<2x16x2x128xi32, #tpu.memory_space<hbm>>, %arg6: memref<8192x128xf32, #tpu.memory_space<hbm>>, %arg7: memref<8192x128xf32, #tpu.memory_space<hbm>>, %arg8: memref<8192x128xf32, #tpu.memory_space<hbm>>, %arg9: memref<2x128xi32, #tpu.memory_space<vmem>>, %arg10: memref<128x128xf32, #tpu.memory_space<vmem>>, %arg11: memref<!tpu.dma_semaphore, #tpu.memory_space<semaphore_mem>>) attributes {dimension_semantics = [#tpu.dimension_semantics<core_parallel>, #tpu.dimension_semantics<subcore_parallel>], iteration_bounds = array<i64: 2, 16>, scalar_prefetch = 0 : i64, scratch_operands = 3 : i64, tpu.core_type = #tpu.core_type<sc_vector_subcore>, window_params = [{transform_indices = #map}, {transform_indices = #map}, {transform_indices = #map}, {transform_indices = #map1}, {transform_indices = #map}, {transform_indices = #map}, {transform_indices = #map}]} {
    %mul3A = arith.constant 4096 : i32
    %mul3A_0 = arith.muli %arg0, %mul3A : i32
    %mul3A_1 = arith.constant 256 : i32
    %mul3A_2 = arith.muli %arg1, %mul3A_1 : i32
    %add3A = arith.addi %mul3A_0, %mul3A_2 : i32
    "tpu.region"() ({
      %run_scoped3A = tpu.sem_alloc : memref<!tpu.dma_semaphore, #tpu.memory_space<semaphore_mem>>
      %dma_start3A = arith.constant 0 : i32
      %dma_start3A_20 = arith.constant 0 : i32
      %dma_start3A_21 = arith.constant 0 : i32
      %dma_start3A_22 = tpu.memref_slice %arg5[%arg0, %dma_start3A, %dma_start3A_20, %dma_start3A_21] : memref<2x16x2x128xi32, #tpu.memory_space<hbm>> -> memref<1x16x2x128xi32, #tpu.memory_space<hbm>>
      %dma_start3A_23 = tpu.memref_squeeze %dma_start3A_22 : memref<1x16x2x128xi32, #tpu.memory_space<hbm>> -> memref<16x2x128xi32, #tpu.memory_space<hbm>>
      %dma_start3A_24 = arith.constant 0 : i32
      %dma_start3A_25 = arith.constant 0 : i32
      %dma_start3A_26 = tpu.memref_slice %dma_start3A_23[%arg1, %dma_start3A_24, %dma_start3A_25] : memref<16x2x128xi32, #tpu.memory_space<hbm>> -> memref<1x2x128xi32, #tpu.memory_space<hbm>>
      %dma_start3A_27 = tpu.memref_squeeze %dma_start3A_26 : memref<1x2x128xi32, #tpu.memory_space<hbm>> -> memref<2x128xi32, #tpu.memory_space<hbm>>
      %dma_start3A_28 = arith.constant 0 : i32
      %dma_start3A_29 = arith.constant 0 : i32
      %dma_start3A_30 = arith.constant 0 : i32
      %dma_start3A_31 = tpu.memref_slice %arg5[%arg0, %dma_start3A_28, %dma_start3A_29, %dma_start3A_30] : memref<2x16x2x128xi32, #tpu.memory_space<hbm>> -> memref<1x16x2x128xi32, #tpu.memory_space<hbm>>
      %dma_start3A_32 = tpu.memref_squeeze %dma_start3A_31 : memref<1x16x2x128xi32, #tpu.memory_space<hbm>> -> memref<16x2x128xi32, #tpu.memory_space<hbm>>
      %dma_start3A_33 = arith.constant 0 : i32
      %dma_start3A_34 = arith.constant 0 : i32
      %dma_start3A_35 = tpu.memref_slice %dma_start3A_32[%arg1, %dma_start3A_33, %dma_start3A_34] : memref<16x2x128xi32, #tpu.memory_space<hbm>> -> memref<1x2x128xi32, #tpu.memory_space<hbm>>
      %dma_start3A_36 = tpu.memref_squeeze %dma_start3A_35 : memref<1x2x128xi32, #tpu.memory_space<hbm>> -> memref<2x128xi32, #tpu.memory_space<hbm>>
      tpu.enqueue_dma source(%dma_start3A_36 : memref<2x128xi32, #tpu.memory_space<hbm>>) target(%arg9 : memref<2x128xi32, #tpu.memory_space<vmem>>) target_semaphore(%run_scoped3A : memref<!tpu.dma_semaphore, #tpu.memory_space<semaphore_mem>>)
      %dma_wait3A = arith.constant 0 : i32
      %dma_wait3A_37 = arith.constant 0 : i32
      %dma_wait3A_38 = arith.constant 0 : i32
      %dma_wait3A_39 = tpu.memref_slice %arg5[%arg0, %dma_wait3A, %dma_wait3A_37, %dma_wait3A_38] : memref<2x16x2x128xi32, #tpu.memory_space<hbm>> -> memref<1x16x2x128xi32, #tpu.memory_space<hbm>>
      %dma_wait3A_40 = tpu.memref_squeeze %dma_wait3A_39 : memref<1x16x2x128xi32, #tpu.memory_space<hbm>> -> memref<16x2x128xi32, #tpu.memory_space<hbm>>
      %dma_wait3A_41 = arith.constant 0 : i32
      %dma_wait3A_42 = arith.constant 0 : i32
      %dma_wait3A_43 = tpu.memref_slice %dma_wait3A_40[%arg1, %dma_wait3A_41, %dma_wait3A_42] : memref<16x2x128xi32, #tpu.memory_space<hbm>> -> memref<1x2x128xi32, #tpu.memory_space<hbm>>
      %dma_wait3A_44 = tpu.memref_squeeze %dma_wait3A_43 : memref<1x2x128xi32, #tpu.memory_space<hbm>> -> memref<2x128xi32, #tpu.memory_space<hbm>>
      %dma_wait3A_45 = arith.constant 0 : i32
      %dma_wait3A_46 = arith.constant 0 : i32
      %dma_wait3A_47 = arith.constant 0 : i32
      %dma_wait3A_48 = tpu.memref_slice %arg5[%arg0, %dma_wait3A_45, %dma_wait3A_46, %dma_wait3A_47] : memref<2x16x2x128xi32, #tpu.memory_space<hbm>> -> memref<1x16x2x128xi32, #tpu.memory_space<hbm>>
      %dma_wait3A_49 = tpu.memref_squeeze %dma_wait3A_48 : memref<1x16x2x128xi32, #tpu.memory_space<hbm>> -> memref<16x2x128xi32, #tpu.memory_space<hbm>>
      %dma_wait3A_50 = arith.constant 0 : i32
      %dma_wait3A_51 = arith.constant 0 : i32
      %dma_wait3A_52 = tpu.memref_slice %dma_wait3A_49[%arg1, %dma_wait3A_50, %dma_wait3A_51] : memref<16x2x128xi32, #tpu.memory_space<hbm>> -> memref<1x2x128xi32, #tpu.memory_space<hbm>>
      %dma_wait3A_53 = tpu.memref_squeeze %dma_wait3A_52 : memref<1x2x128xi32, #tpu.memory_space<hbm>> -> memref<2x128xi32, #tpu.memory_space<hbm>>
      tpu.wait_dma2 semaphore(%run_scoped3A : memref<!tpu.dma_semaphore, #tpu.memory_space<semaphore_mem>>) src(%dma_wait3A_53 : memref<2x128xi32, #tpu.memory_space<hbm>>) dst(%arg9 : memref<2x128xi32, #tpu.memory_space<vmem>>)
      tpu.yield
    }) : () -> ()
    %scan3A = arith.constant 0 : i32
    %scan3A_3 = arith.constant 0 : i32
    %scan3A_4 = arith.constant 2 : i32
    %scan3A_5 = arith.addi %scan3A_3, %scan3A_4 : i32
    %scan3A_6 = arith.constant 1 : i32
    scf.for %scan3A_20 = %scan3A_3 to %scan3A_5 step %scan3A_6  : i32 {
      %dma_start3A = arith.constant 0 : i32
      %dma_start3A_21 = tpu.memref_slice %arg9[%scan3A_20, %dma_start3A] : memref<2x128xi32, #tpu.memory_space<vmem>> -> memref<1x128xi32, #tpu.memory_space<vmem>>
      %dma_start3A_22 = tpu.memref_squeeze %dma_start3A_21 : memref<1x128xi32, #tpu.memory_space<vmem>> -> memref<128xi32, #tpu.memory_space<vmem>>
      %dma_start3A_23 = arith.constant 0 : i32
      %dma_start3A_24 = arith.constant 0 : i32
      %dma_start3A_25 = tpu.memref_slice %arg2[%dma_start3A_23, %dma_start3A_24] : memref<10240x128xf32, #tpu.memory_space<hbm>> -> memref<10240x128xf32, #tpu.memory_space<hbm>>
      tpu.enqueue_indirect_dma source(%dma_start3A_25 : memref<10240x128xf32, #tpu.memory_space<hbm>>) target(%arg10 : memref<128x128xf32, #tpu.memory_space<vmem>>) offsets(%dma_start3A_22 : memref<128xi32, #tpu.memory_space<vmem>>) semaphore(%arg11 : memref<!tpu.dma_semaphore, #tpu.memory_space<semaphore_mem>>)
      %dma_wait3A = arith.constant 0 : i32
      %dma_wait3A_26 = tpu.memref_slice %arg9[%scan3A_20, %dma_wait3A] : memref<2x128xi32, #tpu.memory_space<vmem>> -> memref<1x128xi32, #tpu.memory_space<vmem>>
      %dma_wait3A_27 = tpu.memref_squeeze %dma_wait3A_26 : memref<1x128xi32, #tpu.memory_space<vmem>> -> memref<128xi32, #tpu.memory_space<vmem>>
      %dma_wait3A_28 = arith.constant 0 : i32
      %dma_wait3A_29 = arith.constant 0 : i32
      %dma_wait3A_30 = tpu.memref_slice %arg2[%dma_wait3A_28, %dma_wait3A_29] : memref<10240x128xf32, #tpu.memory_space<hbm>> -> memref<10240x128xf32, #tpu.memory_space<hbm>>
      tpu.wait_indirect_dma semaphore(%arg11 : memref<!tpu.dma_semaphore, #tpu.memory_space<semaphore_mem>>) src(%dma_wait3A_30 : memref<10240x128xf32, #tpu.memory_space<hbm>>) dst(%arg10 : memref<128x128xf32, #tpu.memory_space<vmem>>)
      %mul3A_31 = arith.constant 128 : i32
      %mul3A_32 = arith.muli %scan3A_20, %mul3A_31 : i32
      %add3A_33 = arith.addi %add3A, %mul3A_32 : i32
      "tpu.region"() ({
        %run_scoped3A = tpu.sem_alloc : memref<!tpu.dma_semaphore, #tpu.memory_space<semaphore_mem>>
        %dma_start3A_34 = arith.constant 0 : i32
        %dma_start3A_35 = tpu.memref_slice %arg6[%add3A_33, %dma_start3A_34] : memref<8192x128xf32, #tpu.memory_space<hbm>> -> memref<128x128xf32, #tpu.memory_space<hbm>>
        %dma_start3A_36 = arith.constant 0 : i32
        %dma_start3A_37 = tpu.memref_slice %arg6[%add3A_33, %dma_start3A_36] : memref<8192x128xf32, #tpu.memory_space<hbm>> -> memref<128x128xf32, #tpu.memory_space<hbm>>
        tpu.enqueue_dma source(%arg10 : memref<128x128xf32, #tpu.memory_space<vmem>>) target(%dma_start3A_37 : memref<128x128xf32, #tpu.memory_space<hbm>>) target_semaphore(%run_scoped3A : memref<!tpu.dma_semaphore, #tpu.memory_space<semaphore_mem>>)
        %dma_wait3A_38 = arith.constant 0 : i32
        %dma_wait3A_39 = tpu.memref_slice %arg6[%add3A_33, %dma_wait3A_38] : memref<8192x128xf32, #tpu.memory_space<hbm>> -> memref<128x128xf32, #tpu.memory_space<hbm>>
        %dma_wait3A_40 = arith.constant 0 : i32
        %dma_wait3A_41 = tpu.memref_slice %arg6[%add3A_33, %dma_wait3A_40] : memref<8192x128xf32, #tpu.memory_space<hbm>> -> memref<128x128xf32, #tpu.memory_space<hbm>>
        tpu.wait_dma2 semaphore(%run_scoped3A : memref<!tpu.dma_semaphore, #tpu.memory_space<semaphore_mem>>) src(%arg10 : memref<128x128xf32, #tpu.memory_space<vmem>>) dst(%dma_wait3A_41 : memref<128x128xf32, #tpu.memory_space<hbm>>)
        tpu.yield
      }) : () -> ()
    }
    %scan3A_7 = arith.constant 2 : i32
    %scan3A_8 = arith.constant 0 : i32
    %scan3A_9 = arith.constant 0 : i32
    %scan3A_10 = arith.constant 2 : i32
    %scan3A_11 = arith.addi %scan3A_9, %scan3A_10 : i32
    %scan3A_12 = arith.constant 1 : i32
    scf.for %scan3A_20 = %scan3A_9 to %scan3A_11 step %scan3A_12  : i32 {
      %dma_start3A = arith.constant 0 : i32
      %dma_start3A_21 = tpu.memref_slice %arg9[%scan3A_20, %dma_start3A] : memref<2x128xi32, #tpu.memory_space<vmem>> -> memref<1x128xi32, #tpu.memory_space<vmem>>
      %dma_start3A_22 = tpu.memref_squeeze %dma_start3A_21 : memref<1x128xi32, #tpu.memory_space<vmem>> -> memref<128xi32, #tpu.memory_space<vmem>>
      %dma_start3A_23 = arith.constant 0 : i32
      %dma_start3A_24 = arith.constant 0 : i32
      %dma_start3A_25 = tpu.memref_slice %arg3[%dma_start3A_23, %dma_start3A_24] : memref<10240x128xf32, #tpu.memory_space<hbm>> -> memref<10240x128xf32, #tpu.memory_space<hbm>>
      tpu.enqueue_indirect_dma source(%dma_start3A_25 : memref<10240x128xf32, #tpu.memory_space<hbm>>) target(%arg10 : memref<128x128xf32, #tpu.memory_space<vmem>>) offsets(%dma_start3A_22 : memref<128xi32, #tpu.memory_space<vmem>>) semaphore(%arg11 : memref<!tpu.dma_semaphore, #tpu.memory_space<semaphore_mem>>)
      %dma_wait3A = arith.constant 0 : i32
      %dma_wait3A_26 = tpu.memref_slice %arg9[%scan3A_20, %dma_wait3A] : memref<2x128xi32, #tpu.memory_space<vmem>> -> memref<1x128xi32, #tpu.memory_space<vmem>>
      %dma_wait3A_27 = tpu.memref_squeeze %dma_wait3A_26 : memref<1x128xi32, #tpu.memory_space<vmem>> -> memref<128xi32, #tpu.memory_space<vmem>>
      %dma_wait3A_28 = arith.constant 0 : i32
      %dma_wait3A_29 = arith.constant 0 : i32
      %dma_wait3A_30 = tpu.memref_slice %arg3[%dma_wait3A_28, %dma_wait3A_29] : memref<10240x128xf32, #tpu.memory_space<hbm>> -> memref<10240x128xf32, #tpu.memory_space<hbm>>
      tpu.wait_indirect_dma semaphore(%arg11 : memref<!tpu.dma_semaphore, #tpu.memory_space<semaphore_mem>>) src(%dma_wait3A_30 : memref<10240x128xf32, #tpu.memory_space<hbm>>) dst(%arg10 : memref<128x128xf32, #tpu.memory_space<vmem>>)
      %mul3A_31 = arith.constant 128 : i32
      %mul3A_32 = arith.muli %scan3A_20, %mul3A_31 : i32
      %add3A_33 = arith.addi %add3A, %mul3A_32 : i32
      "tpu.region"() ({
        %run_scoped3A = tpu.sem_alloc : memref<!tpu.dma_semaphore, #tpu.memory_space<semaphore_mem>>
        %dma_start3A_34 = arith.constant 0 : i32
        %dma_start3A_35 = tpu.memref_slice %arg7[%add3A_33, %dma_start3A_34] : memref<8192x128xf32, #tpu.memory_space<hbm>> -> memref<128x128xf32, #tpu.memory_space<hbm>>
        %dma_start3A_36 = arith.constant 0 : i32
        %dma_start3A_37 = tpu.memref_slice %arg7[%add3A_33, %dma_start3A_36] : memref<8192x128xf32, #tpu.memory_space<hbm>> -> memref<128x128xf32, #tpu.memory_space<hbm>>
        tpu.enqueue_dma source(%arg10 : memref<128x128xf32, #tpu.memory_space<vmem>>) target(%dma_start3A_37 : memref<128x128xf32, #tpu.memory_space<hbm>>) target_semaphore(%run_scoped3A : memref<!tpu.dma_semaphore, #tpu.memory_space<semaphore_mem>>)
        %dma_wait3A_38 = arith.constant 0 : i32
        %dma_wait3A_39 = tpu.memref_slice %arg7[%add3A_33, %dma_wait3A_38] : memref<8192x128xf32, #tpu.memory_space<hbm>> -> memref<128x128xf32, #tpu.memory_space<hbm>>
        %dma_wait3A_40 = arith.constant 0 : i32
        %dma_wait3A_41 = tpu.memref_slice %arg7[%add3A_33, %dma_wait3A_40] : memref<8192x128xf32, #tpu.memory_space<hbm>> -> memref<128x128xf32, #tpu.memory_space<hbm>>
        tpu.wait_dma2 semaphore(%run_scoped3A : memref<!tpu.dma_semaphore, #tpu.memory_space<semaphore_mem>>) src(%arg10 : memref<128x128xf32, #tpu.memory_space<vmem>>) dst(%dma_wait3A_41 : memref<128x128xf32, #tpu.memory_space<hbm>>)
        tpu.yield
      }) : () -> ()
    }
    %scan3A_13 = arith.constant 2 : i32
    %scan3A_14 = arith.constant 0 : i32
    %scan3A_15 = arith.constant 0 : i32
    %scan3A_16 = arith.constant 2 : i32
    %scan3A_17 = arith.addi %scan3A_15, %scan3A_16 : i32
    %scan3A_18 = arith.constant 1 : i32
    scf.for %scan3A_20 = %scan3A_15 to %scan3A_17 step %scan3A_18  : i32 {
      %dma_start3A = arith.constant 0 : i32
      %dma_start3A_21 = tpu.memref_slice %arg9[%scan3A_20, %dma_start3A] : memref<2x128xi32, #tpu.memory_space<vmem>> -> memref<1x128xi32, #tpu.memory_space<vmem>>
      %dma_start3A_22 = tpu.memref_squeeze %dma_start3A_21 : memref<1x128xi32, #tpu.memory_space<vmem>> -> memref<128xi32, #tpu.memory_space<vmem>>
      %dma_start3A_23 = arith.constant 0 : i32
      %dma_start3A_24 = arith.constant 0 : i32
      %dma_start3A_25 = tpu.memref_slice %arg4[%dma_start3A_23, %dma_start3A_24] : memref<10240x128xf32, #tpu.memory_space<hbm>> -> memref<10240x128xf32, #tpu.memory_space<hbm>>
      tpu.enqueue_indirect_dma source(%dma_start3A_25 : memref<10240x128xf32, #tpu.memory_space<hbm>>) target(%arg10 : memref<128x128xf32, #tpu.memory_space<vmem>>) offsets(%dma_start3A_22 : memref<128xi32, #tpu.memory_space<vmem>>) semaphore(%arg11 : memref<!tpu.dma_semaphore, #tpu.memory_space<semaphore_mem>>)
      %dma_wait3A = arith.constant 0 : i32
      %dma_wait3A_26 = tpu.memref_slice %arg9[%scan3A_20, %dma_wait3A] : memref<2x128xi32, #tpu.memory_space<vmem>> -> memref<1x128xi32, #tpu.memory_space<vmem>>
      %dma_wait3A_27 = tpu.memref_squeeze %dma_wait3A_26 : memref<1x128xi32, #tpu.memory_space<vmem>> -> memref<128xi32, #tpu.memory_space<vmem>>
      %dma_wait3A_28 = arith.constant 0 : i32
      %dma_wait3A_29 = arith.constant 0 : i32
      %dma_wait3A_30 = tpu.memref_slice %arg4[%dma_wait3A_28, %dma_wait3A_29] : memref<10240x128xf32, #tpu.memory_space<hbm>> -> memref<10240x128xf32, #tpu.memory_space<hbm>>
      tpu.wait_indirect_dma semaphore(%arg11 : memref<!tpu.dma_semaphore, #tpu.memory_space<semaphore_mem>>) src(%dma_wait3A_30 : memref<10240x128xf32, #tpu.memory_space<hbm>>) dst(%arg10 : memref<128x128xf32, #tpu.memory_space<vmem>>)
      %mul3A_31 = arith.constant 128 : i32
      %mul3A_32 = arith.muli %scan3A_20, %mul3A_31 : i32
      %add3A_33 = arith.addi %add3A, %mul3A_32 : i32
      "tpu.region"() ({
        %run_scoped3A = tpu.sem_alloc : memref<!tpu.dma_semaphore, #tpu.memory_space<semaphore_mem>>
        %dma_start3A_34 = arith.constant 0 : i32
        %dma_start3A_35 = tpu.memref_slice %arg8[%add3A_33, %dma_start3A_34] : memref<8192x128xf32, #tpu.memory_space<hbm>> -> memref<128x128xf32, #tpu.memory_space<hbm>>
        %dma_start3A_36 = arith.constant 0 : i32
        %dma_start3A_37 = tpu.memref_slice %arg8[%add3A_33, %dma_start3A_36] : memref<8192x128xf32, #tpu.memory_space<hbm>> -> memref<128x128xf32, #tpu.memory_space<hbm>>
        tpu.enqueue_dma source(%arg10 : memref<128x128xf32, #tpu.memory_space<vmem>>) target(%dma_start3A_37 : memref<128x128xf32, #tpu.memory_space<hbm>>) target_semaphore(%run_scoped3A : memref<!tpu.dma_semaphore, #tpu.memory_space<semaphore_mem>>)
        %dma_wait3A_38 = arith.constant 0 : i32
        %dma_wait3A_39 = tpu.memref_slice %arg8[%add3A_33, %dma_wait3A_38] : memref<8192x128xf32, #tpu.memory_space<hbm>> -> memref<128x128xf32, #tpu.memory_space<hbm>>
        %dma_wait3A_40 = arith.constant 0 : i32
        %dma_wait3A_41 = tpu.memref_slice %arg8[%add3A_33, %dma_wait3A_40] : memref<8192x128xf32, #tpu.memory_space<hbm>> -> memref<128x128xf32, #tpu.memory_space<hbm>>
        tpu.wait_dma2 semaphore(%run_scoped3A : memref<!tpu.dma_semaphore, #tpu.memory_space<semaphore_mem>>) src(%arg10 : memref<128x128xf32, #tpu.memory_space<vmem>>) dst(%dma_wait3A_41 : memref<128x128xf32, #tpu.memory_space<hbm>>)
        tpu.yield
      }) : () -> ()
    }
    %scan3A_19 = arith.constant 2 : i32
    return
  }
}

module attributes {stable_mosaic.version = 14 : i64} {
  func.func @_embed_body(%arg0: i32, %arg1: memref<1280x2xi32, #tpu.memory_space<vmem>>, %arg2: memref<16x384xf32, #tpu.memory_space<vmem>>, %arg3: memref<1280x128xf32, #tpu.memory_space<vmem>>, %arg4: memref<1280x128xf32, #tpu.memory_space<vmem>>, %arg5: memref<1280x128xf32, #tpu.memory_space<vmem>>) attributes {dimension_semantics = [#tpu.dimension_semantics<arbitrary>], iteration_bounds = array<i64: 8>, scalar_prefetch = 0 : i64, scratch_operands = 0 : i64, tpu.core_type = #tpu.core_type<tc>, window_params = [{transform_indices = @transform_0, window_bounds = array<i64: 1280, 2>}, {pipeline_mode = #tpu.pipeline_mode<synchronous>, transform_indices = @transform_1, window_bounds = array<i64: 16, 384>}, {transform_indices = @transform_2, window_bounds = array<i64: 1280, 128>}, {transform_indices = @transform_3, window_bounds = array<i64: 1280, 128>}, {transform_indices = @transform_4, window_bounds = array<i64: 1280, 128>}]} {
    %get3A = arith.constant 0 : index
    %get3A_0 = arith.constant 0 : index
    %get3A_1 = vector.load %arg1[%get3A, %get3A_0] : memref<1280x2xi32, #tpu.memory_space<vmem>>, vector<1280x1xi32>
    %get3A_2 = vector.shape_cast %get3A_1 : vector<1280x1xi32> to vector<1280xi32>
    %get3A_3 = arith.constant 0 : index
    %get3A_4 = arith.constant 1 : index
    %get3A_5 = vector.load %arg1[%get3A_3, %get3A_4] : memref<1280x2xi32, #tpu.memory_space<vmem>>, vector<1280x1xi32>
    %get3A_6 = vector.shape_cast %get3A_5 : vector<1280x1xi32> to vector<1280xi32>
    %add3A = arith.constant 8 : i32
    %add3A_7 = vector.broadcast %add3A : i32 to vector<1280xi32>
    %add3A_8 = arith.addi %get3A_6, %add3A_7 : vector<1280xi32>
    %iota3A = tpu.iota {dimensions = array<i32: 1>} : vector<1280x16xi32>
    %broadcast_in_dim3A = vector.shape_cast %get3A_2 : vector<1280xi32> to vector<1280x1xi32>
    %eq3A = vector.broadcast %broadcast_in_dim3A : vector<1280x1xi32> to vector<1280x16xi32>
    %eq3A_9 = arith.cmpi eq, %iota3A, %eq3A : vector<1280x16xi32>
    %convert_element_type3A = arith.extui %eq3A_9 : vector<1280x16xi1> to vector<1280x16xi32>
    %convert_element_type3A_10 = arith.sitofp %convert_element_type3A : vector<1280x16xi32> to vector<1280x16xf32>
    %broadcast_in_dim3A_11 = vector.shape_cast %add3A_8 : vector<1280xi32> to vector<1280x1xi32>
    %eq3A_12 = vector.broadcast %broadcast_in_dim3A_11 : vector<1280x1xi32> to vector<1280x16xi32>
    %eq3A_13 = arith.cmpi eq, %iota3A, %eq3A_12 : vector<1280x16xi32>
    %convert_element_type3A_14 = arith.extui %eq3A_13 : vector<1280x16xi1> to vector<1280x16xi32>
    %convert_element_type3A_15 = arith.sitofp %convert_element_type3A_14 : vector<1280x16xi32> to vector<1280x16xf32>
    %add3A_16 = arith.addf %convert_element_type3A_10, %convert_element_type3A_15 : vector<1280x16xf32>
    %get3A_17 = arith.constant 0 : index
    %get3A_18 = arith.constant 0 : index
    %get3A_19 = vector.load %arg2[%get3A_17, %get3A_18] : memref<16x384xf32, #tpu.memory_space<vmem>>, vector<16x384xf32>
    %dot_general3A = arith.constant dense<0.000000e+00> : vector<1280x384xf32>
    %dot_general3A_20 = tpu.matmul %add3A_16, %get3A_19, %dot_general3A {dimension_numbers = #tpu.dot_dimension_numbers<[1], [0], [0], [1], [0, 0, 1, 1], [], []>, precision = #tpu.contract_precision<fp32>, transpose_lhs_hint = false} : vector<1280x16xf32>, vector<16x384xf32>, vector<1280x384xf32> -> vector<1280x384xf32>
    %slice3A = vector.extract_strided_slice %dot_general3A_20 {offsets = [0, 0], sizes = [1280, 128], strides = [1, 1]} : vector<1280x384xf32> to vector<1280x128xf32>
    %swap3A = arith.constant 0 : index
    %swap3A_21 = arith.constant 0 : index
    %swap3A_22 = vector.load %arg3[%swap3A, %swap3A_21] : memref<1280x128xf32, #tpu.memory_space<vmem>>, vector<1280x128xf32>
    tpu.vector_store %arg3[%swap3A, %swap3A_21], %slice3A {strides = array<i32>} : memref<1280x128xf32, #tpu.memory_space<vmem>>, vector<1280x128xf32>,
    %slice3A_23 = vector.extract_strided_slice %dot_general3A_20 {offsets = [0, 128], sizes = [1280, 128], strides = [1, 1]} : vector<1280x384xf32> to vector<1280x128xf32>
    %swap3A_24 = arith.constant 0 : index
    %swap3A_25 = arith.constant 0 : index
    %swap3A_26 = vector.load %arg4[%swap3A_24, %swap3A_25] : memref<1280x128xf32, #tpu.memory_space<vmem>>, vector<1280x128xf32>
    tpu.vector_store %arg4[%swap3A_24, %swap3A_25], %slice3A_23 {strides = array<i32>} : memref<1280x128xf32, #tpu.memory_space<vmem>>, vector<1280x128xf32>,
    %slice3A_27 = vector.extract_strided_slice %dot_general3A_20 {offsets = [0, 256], sizes = [1280, 128], strides = [1, 1]} : vector<1280x384xf32> to vector<1280x128xf32>
    %swap3A_28 = arith.constant 0 : index
    %swap3A_29 = arith.constant 0 : index
    %swap3A_30 = vector.load %arg5[%swap3A_28, %swap3A_29] : memref<1280x128xf32, #tpu.memory_space<vmem>>, vector<1280x128xf32>
    tpu.vector_store %arg5[%swap3A_28, %swap3A_29], %slice3A_27 {strides = array<i32>} : memref<1280x128xf32, #tpu.memory_space<vmem>>, vector<1280x128xf32>,
    return
  }
  func.func @transform_0(%arg0: i32) -> (i32, i32) {
    %c0_i32 = arith.constant 0 : i32
    %c0_i32_0 = arith.constant 0 : i32
    return %arg0, %c0_i32 : i32, i32
  }
  func.func @transform_1(%arg0: i32) -> (i32, i32) {
    %c0_i32 = arith.constant 0 : i32
    %c0_i32_0 = arith.constant 0 : i32
    %c0_i32_1 = arith.constant 0 : i32
    return %c0_i32, %c0_i32_0 : i32, i32
  }
  func.func @transform_2(%arg0: i32) -> (i32, i32) {
    %c0_i32 = arith.constant 0 : i32
    %c0_i32_0 = arith.constant 0 : i32
    return %arg0, %c0_i32 : i32, i32
  }
  func.func @transform_3(%arg0: i32) -> (i32, i32) {
    %c0_i32 = arith.constant 0 : i32
    %c0_i32_0 = arith.constant 0 : i32
    return %arg0, %c0_i32 : i32, i32
  }
  func.func @transform_4(%arg0: i32) -> (i32, i32) {
    %c0_i32 = arith.constant 0 : i32
    %c0_i32_0 = arith.constant 0 : i32
    return %arg0, %c0_i32 : i32, i32
  }
}

module attributes {stable_mosaic.version = 14 : i64} {
  func.func @_mlp_body(%arg0: i32, %arg1: memref<1280x128xf32, #tpu.memory_space<vmem>>, %arg2: memref<1280x128xf32, #tpu.memory_space<vmem>>, %arg3: memref<1x1280x128xf32, #tpu.memory_space<vmem>>, %arg4: memref<1x1280x128xf32, #tpu.memory_space<vmem>>, %arg5: memref<1280x128xf32, #tpu.memory_space<vmem>>, %arg6: memref<1280x128xf32, #tpu.memory_space<vmem>>, %arg7: memref<1280x128xf32, #tpu.memory_space<vmem>>, %arg8: memref<1x1280x128xf32, #tpu.memory_space<vmem>>, %arg9: memref<1x1280x128xf32, #tpu.memory_space<vmem>>, %arg10: memref<16x384xf32, #tpu.memory_space<vmem>>, %arg11: memref<384xf32, #tpu.memory_space<vmem>>, %arg12: memref<384x768xf32, #tpu.memory_space<vmem>>, %arg13: memref<768xf32, #tpu.memory_space<vmem>>, %arg14: memref<768x384xf32, #tpu.memory_space<vmem>>, %arg15: memref<384xf32, #tpu.memory_space<vmem>>, %arg16: memref<1280x128xf32, #tpu.memory_space<vmem>>, %arg17: memref<1280x128xf32, #tpu.memory_space<vmem>>, %arg18: memref<1280x128xf32, #tpu.memory_space<vmem>>, %arg19: memref<1x2x384xf32, #tpu.memory_space<vmem>>) attributes {dimension_semantics = [#tpu.dimension_semantics<arbitrary>], iteration_bounds = array<i64: 8>, scalar_prefetch = 0 : i64, scratch_operands = 0 : i64, tpu.core_type = #tpu.core_type<tc>, window_params = [{transform_indices = @transform_0, window_bounds = array<i64: 1280, 128>}, {transform_indices = @transform_1, window_bounds = array<i64: 1280, 128>}, {transform_indices = @transform_2, window_bounds = array<i64: 1, 1280, 128>}, {transform_indices = @transform_3, window_bounds = array<i64: 1, 1280, 128>}, {transform_indices = @transform_4, window_bounds = array<i64: 1280, 128>}, {transform_indices = @transform_5, window_bounds = array<i64: 1280, 128>}, {transform_indices = @transform_6, window_bounds = array<i64: 1280, 128>}, {transform_indices = @transform_7, window_bounds = array<i64: 1, 1280, 128>}, {transform_indices = @transform_8, window_bounds = array<i64: 1, 1280, 128>}, {pipeline_mode = #tpu.pipeline_mode<synchronous>, transform_indices = @transform_9, window_bounds = array<i64: 16, 384>}, {pipeline_mode = #tpu.pipeline_mode<synchronous>, transform_indices = @transform_10, window_bounds = array<i64: 384>}, {pipeline_mode = #tpu.pipeline_mode<synchronous>, transform_indices = @transform_11, window_bounds = array<i64: 384, 768>}, {pipeline_mode = #tpu.pipeline_mode<synchronous>, transform_indices = @transform_12, window_bounds = array<i64: 768>}, {pipeline_mode = #tpu.pipeline_mode<synchronous>, transform_indices = @transform_13, window_bounds = array<i64: 768, 384>}, {pipeline_mode = #tpu.pipeline_mode<synchronous>, transform_indices = @transform_14, window_bounds = array<i64: 384>}, {transform_indices = @transform_15, window_bounds = array<i64: 1280, 128>}, {transform_indices = @transform_16, window_bounds = array<i64: 1280, 128>}, {transform_indices = @transform_17, window_bounds = array<i64: 1280, 128>}, {transform_indices = @transform_18, window_bounds = array<i64: 1, 2, 384>}]} {
    %get3A = arith.constant 0 : index
    %get3A_0 = arith.constant 0 : index
    %get3A_1 = vector.load %arg5[%get3A, %get3A_0] : memref<1280x128xf32, #tpu.memory_space<vmem>>, vector<1280x128xf32>
    %get3A_2 = arith.constant 0 : index
    %get3A_3 = arith.constant 0 : index
    %get3A_4 = vector.load %arg6[%get3A_2, %get3A_3] : memref<1280x128xf32, #tpu.memory_space<vmem>>, vector<1280x128xf32>
    %get3A_5 = arith.constant 0 : index
    %get3A_6 = arith.constant 0 : index
    %get3A_7 = vector.load %arg7[%get3A_5, %get3A_6] : memref<1280x128xf32, #tpu.memory_space<vmem>>, vector<1280x128xf32>
    %concatenate3A = tpu.concatenate %get3A_1, %get3A_4, %get3A_7 in 1 : vector<1280x128xf32>, vector<1280x128xf32>, vector<1280x128xf32> -> vector<1280x384xf32>
    %get3A_8 = arith.constant 0 : index
    %get3A_9 = arith.constant 0 : index
    %get3A_10 = vector.load %arg1[%get3A_8, %get3A_9] : memref<1280x128xf32, #tpu.memory_space<vmem>>, vector<1280x128xf32>
    %get3A_11 = arith.constant 0 : index
    %get3A_12 = arith.constant 0 : index
    %get3A_13 = vector.load %arg2[%get3A_11, %get3A_12] : memref<1280x128xf32, #tpu.memory_space<vmem>>, vector<1280x128xf32>
    %get3A_14 = arith.constant 0 : index
    %get3A_15 = arith.constant 0 : index
    %get3A_16 = arith.constant 0 : index
    %get3A_17 = vector.load %arg3[%get3A_14, %get3A_15, %get3A_16] : memref<1x1280x128xf32, #tpu.memory_space<vmem>>, vector<1x1280x128xf32>
    %get3A_18 = vector.shape_cast %get3A_17 : vector<1x1280x128xf32> to vector<1280x128xf32>
    %get3A_19 = arith.constant 0 : index
    %get3A_20 = arith.constant 0 : index
    %get3A_21 = arith.constant 0 : index
    %get3A_22 = vector.load %arg4[%get3A_19, %get3A_20, %get3A_21] : memref<1x1280x128xf32, #tpu.memory_space<vmem>>, vector<1x1280x128xf32>
    %get3A_23 = vector.shape_cast %get3A_22 : vector<1x1280x128xf32> to vector<1280x128xf32>
    %add3A = arith.addf %get3A_18, %get3A_23 : vector<1280x128xf32>
    %concatenate3A_24 = tpu.concatenate %get3A_10, %get3A_13, %add3A in 1 : vector<1280x128xf32>, vector<1280x128xf32>, vector<1280x128xf32> -> vector<1280x384xf32>
    %get3A_25 = arith.constant 0 : index
    %get3A_26 = arith.constant 0 : index
    %get3A_27 = arith.constant 0 : index
    %get3A_28 = vector.load %arg8[%get3A_25, %get3A_26, %get3A_27] : memref<1x1280x128xf32, #tpu.memory_space<vmem>>, vector<1x1280x128xf32>
    %get3A_29 = vector.shape_cast %get3A_28 : vector<1x1280x128xf32> to vector<1280x128xf32>
    %slice3A = vector.extract_strided_slice %get3A_29 {offsets = [0, 0], sizes = [1280, 16], strides = [1, 1]} : vector<1280x128xf32> to vector<1280x16xf32>
    %get3A_30 = arith.constant 0 : index
    %get3A_31 = arith.constant 0 : index
    %get3A_32 = arith.constant 0 : index
    %get3A_33 = vector.load %arg9[%get3A_30, %get3A_31, %get3A_32] : memref<1x1280x128xf32, #tpu.memory_space<vmem>>, vector<1x1280x128xf32>
    %get3A_34 = vector.shape_cast %get3A_33 : vector<1x1280x128xf32> to vector<1280x128xf32>
    %slice3A_35 = vector.extract_strided_slice %get3A_34 {offsets = [0, 0], sizes = [1280, 16], strides = [1, 1]} : vector<1280x128xf32> to vector<1280x16xf32>
    %add3A_36 = arith.addf %slice3A, %slice3A_35 : vector<1280x16xf32>
    %add3A_37 = arith.addf %concatenate3A, %concatenate3A_24 : vector<1280x384xf32>
    %get3A_38 = arith.constant 0 : index
    %get3A_39 = arith.constant 0 : index
    %get3A_40 = vector.load %arg10[%get3A_38, %get3A_39] : memref<16x384xf32, #tpu.memory_space<vmem>>, vector<16x384xf32>
    %dot_general3A = arith.constant dense<0.000000e+00> : vector<1280x384xf32>
    %dot_general3A_41 = tpu.matmul %add3A_36, %get3A_40, %dot_general3A {dimension_numbers = #tpu.dot_dimension_numbers<[1], [0], [0], [1], [0, 0, 1, 1], [], []>, precision = #tpu.contract_precision<fp32>, transpose_lhs_hint = false} : vector<1280x16xf32>, vector<16x384xf32>, vector<1280x384xf32> -> vector<1280x384xf32>
    %add3A_42 = arith.addf %add3A_37, %dot_general3A_41 : vector<1280x384xf32>
    %get3A_43 = arith.constant 0 : index
    %get3A_44 = vector.load %arg11[%get3A_43] : memref<384xf32, #tpu.memory_space<vmem>>, vector<384xf32>
    %broadcast_in_dim3A = vector.shape_cast %get3A_44 : vector<384xf32> to vector<1x384xf32>
    %add3A_45 = vector.broadcast %broadcast_in_dim3A : vector<1x384xf32> to vector<1280x384xf32>
    %add3A_46 = arith.addf %add3A_42, %add3A_45 : vector<1280x384xf32>
    %get3A_47 = arith.constant 0 : index
    %get3A_48 = arith.constant 0 : index
    %get3A_49 = vector.load %arg12[%get3A_47, %get3A_48] : memref<384x768xf32, #tpu.memory_space<vmem>>, vector<384x768xf32>
    %convert_element_type3A = arith.truncf %add3A_46 : vector<1280x384xf32> to vector<1280x384xbf16>
    %convert_element_type3A_50 = arith.truncf %get3A_49 : vector<384x768xf32> to vector<384x768xbf16>
    %dot_general3A_51 = arith.constant dense<0.000000e+00> : vector<1280x768xf32>
    %dot_general3A_52 = tpu.matmul %convert_element_type3A, %convert_element_type3A_50, %dot_general3A_51 {dimension_numbers = #tpu.dot_dimension_numbers<[1], [0], [0], [1], [0, 0, 1, 1], [], []>, transpose_lhs_hint = false} : vector<1280x384xbf16>, vector<384x768xbf16>, vector<1280x768xf32> -> vector<1280x768xf32>
    %get3A_53 = arith.constant 0 : index
    %get3A_54 = vector.load %arg13[%get3A_53] : memref<768xf32, #tpu.memory_space<vmem>>, vector<768xf32>
    %broadcast_in_dim3A_55 = vector.shape_cast %get3A_54 : vector<768xf32> to vector<1x768xf32>
    %add3A_56 = vector.broadcast %broadcast_in_dim3A_55 : vector<1x768xf32> to vector<1280x768xf32>
    %add3A_57 = arith.addf %dot_general3A_52, %add3A_56 : vector<1280x768xf32>
    %max3A = arith.constant 0.000000e+00 : f32
    %max3A_58 = vector.broadcast %max3A : f32 to vector<1280x768xf32>
    %max3A_59 = arith.maximumf %add3A_57, %max3A_58 : vector<1280x768xf32>
    %get3A_60 = arith.constant 0 : index
    %get3A_61 = arith.constant 0 : index
    %get3A_62 = vector.load %arg14[%get3A_60, %get3A_61] : memref<768x384xf32, #tpu.memory_space<vmem>>, vector<768x384xf32>
    %convert_element_type3A_63 = arith.truncf %max3A_59 : vector<1280x768xf32> to vector<1280x768xbf16>
    %convert_element_type3A_64 = arith.truncf %get3A_62 : vector<768x384xf32> to vector<768x384xbf16>
    %dot_general3A_65 = arith.constant dense<0.000000e+00> : vector<1280x384xf32>
    %dot_general3A_66 = tpu.matmul %convert_element_type3A_63, %convert_element_type3A_64, %dot_general3A_65 {dimension_numbers = #tpu.dot_dimension_numbers<[1], [0], [0], [1], [0, 0, 1, 1], [], []>, transpose_lhs_hint = false} : vector<1280x768xbf16>, vector<768x384xbf16>, vector<1280x384xf32> -> vector<1280x384xf32>
    %get3A_67 = arith.constant 0 : index
    %get3A_68 = vector.load %arg15[%get3A_67] : memref<384xf32, #tpu.memory_space<vmem>>, vector<384xf32>
    %broadcast_in_dim3A_69 = vector.shape_cast %get3A_68 : vector<384xf32> to vector<1x384xf32>
    %add3A_70 = vector.broadcast %broadcast_in_dim3A_69 : vector<1x384xf32> to vector<1280x384xf32>
    %add3A_71 = arith.addf %dot_general3A_66, %add3A_70 : vector<1280x384xf32>
    %mul3A = arith.constant 1280 : i32
    %mul3A_72 = arith.muli %arg0, %mul3A : i32
    %iota3A = tpu.iota {dimensions = array<i32: 0>} : vector<1280x1xi32>
    %add3A_73 = vector.broadcast %mul3A_72 : i32 to vector<1280x1xi32>
    %add3A_74 = arith.addi %add3A_73, %iota3A : vector<1280x1xi32>
    %lt3A = arith.constant 10000 : i32
    %lt3A_75 = vector.broadcast %lt3A : i32 to vector<1280x1xi32>
    %lt3A_76 = arith.cmpi slt, %add3A_74, %lt3A_75 : vector<1280x1xi32>
    %jit3A = arith.constant 0.000000e+00 : f32
    %broadcast_in_dim3A_77 = vector.shape_cast %lt3A_76 : vector<1280x1xi1> to vector<1280x1xi1>
    %broadcast_in_dim3A_78 = vector.broadcast %broadcast_in_dim3A_77 : vector<1280x1xi1> to vector<1280x384xi1>
    %broadcast_in_dim3A_79 = vector.broadcast %jit3A : f32 to vector<1280x384xf32>
    %select_n3A = arith.select %broadcast_in_dim3A_78, %add3A_71, %broadcast_in_dim3A_79 : vector<1280x384xi1>, vector<1280x384xf32>
    %reduce_sum3A = arith.constant dense<0.000000e+00> : vector<384xf32>
    %reduce_sum3A_80 = vector.multi_reduction <add>, %select_n3A, %reduce_sum3A [0] : vector<1280x384xf32> to vector<384xf32>
    %swap3A = arith.constant 0 : index
    %swap3A_81 = arith.constant 0 : index
    %swap3A_82 = arith.constant 0 : index
    %swap3A_83 = vector.load %arg19[%swap3A, %swap3A_81, %swap3A_82] : memref<1x2x384xf32, #tpu.memory_space<vmem>>, vector<1x1x384xf32>
    %swap3A_84 = vector.shape_cast %swap3A_83 : vector<1x1x384xf32> to vector<384xf32>
    %swap3A_85 = vector.shape_cast %reduce_sum3A_80 : vector<384xf32> to vector<1x1x384xf32>
    tpu.vector_store %arg19[%swap3A, %swap3A_81, %swap3A_82], %swap3A_85 {strides = array<i32>} : memref<1x2x384xf32, #tpu.memory_space<vmem>>, vector<1x1x384xf32>,
    %mul3A_86 = arith.mulf %select_n3A, %select_n3A : vector<1280x384xf32>
    %reduce_sum3A_87 = arith.constant dense<0.000000e+00> : vector<384xf32>
    %reduce_sum3A_88 = vector.multi_reduction <add>, %mul3A_86, %reduce_sum3A_87 [0] : vector<1280x384xf32> to vector<384xf32>
    %swap3A_89 = arith.constant 0 : index
    %swap3A_90 = arith.constant 1 : index
    %swap3A_91 = arith.constant 0 : index
    %swap3A_92 = vector.load %arg19[%swap3A_89, %swap3A_90, %swap3A_91] : memref<1x2x384xf32, #tpu.memory_space<vmem>>, vector<1x1x384xf32>
    %swap3A_93 = vector.shape_cast %swap3A_92 : vector<1x1x384xf32> to vector<384xf32>
    %swap3A_94 = vector.shape_cast %reduce_sum3A_88 : vector<384xf32> to vector<1x1x384xf32>
    tpu.vector_store %arg19[%swap3A_89, %swap3A_90, %swap3A_91], %swap3A_94 {strides = array<i32>} : memref<1x2x384xf32, #tpu.memory_space<vmem>>, vector<1x1x384xf32>,
    %slice3A_95 = vector.extract_strided_slice %add3A_71 {offsets = [0, 0], sizes = [1280, 128], strides = [1, 1]} : vector<1280x384xf32> to vector<1280x128xf32>
    %swap3A_96 = arith.constant 0 : index
    %swap3A_97 = arith.constant 0 : index
    %swap3A_98 = vector.load %arg16[%swap3A_96, %swap3A_97] : memref<1280x128xf32, #tpu.memory_space<vmem>>, vector<1280x128xf32>
    tpu.vector_store %arg16[%swap3A_96, %swap3A_97], %slice3A_95 {strides = array<i32>} : memref<1280x128xf32, #tpu.memory_space<vmem>>, vector<1280x128xf32>,
    %slice3A_99 = vector.extract_strided_slice %add3A_71 {offsets = [0, 128], sizes = [1280, 128], strides = [1, 1]} : vector<1280x384xf32> to vector<1280x128xf32>
    %swap3A_100 = arith.constant 0 : index
    %swap3A_101 = arith.constant 0 : index
    %swap3A_102 = vector.load %arg17[%swap3A_100, %swap3A_101] : memref<1280x128xf32, #tpu.memory_space<vmem>>, vector<1280x128xf32>
    tpu.vector_store %arg17[%swap3A_100, %swap3A_101], %slice3A_99 {strides = array<i32>} : memref<1280x128xf32, #tpu.memory_space<vmem>>, vector<1280x128xf32>,
    %slice3A_103 = vector.extract_strided_slice %add3A_71 {offsets = [0, 256], sizes = [1280, 128], strides = [1, 1]} : vector<1280x384xf32> to vector<1280x128xf32>
    %swap3A_104 = arith.constant 0 : index
    %swap3A_105 = arith.constant 0 : index
    %swap3A_106 = vector.load %arg18[%swap3A_104, %swap3A_105] : memref<1280x128xf32, #tpu.memory_space<vmem>>, vector<1280x128xf32>
    tpu.vector_store %arg18[%swap3A_104, %swap3A_105], %slice3A_103 {strides = array<i32>} : memref<1280x128xf32, #tpu.memory_space<vmem>>, vector<1280x128xf32>,
    return
  }
  func.func @transform_0(%arg0: i32) -> (i32, i32) {
    %c0_i32 = arith.constant 0 : i32
    %c0_i32_0 = arith.constant 0 : i32
    return %arg0, %c0_i32 : i32, i32
  }
  func.func @transform_1(%arg0: i32) -> (i32, i32) {
    %c0_i32 = arith.constant 0 : i32
    %c0_i32_0 = arith.constant 0 : i32
    return %arg0, %c0_i32 : i32, i32
  }
  func.func @transform_2(%arg0: i32) -> (i32, i32, i32) {
    %c0_i32 = arith.constant 0 : i32
    %c0_i32_0 = arith.constant 0 : i32
    %c0_i32_1 = arith.constant 0 : i32
    return %c0_i32, %arg0, %c0_i32_0 : i32, i32, i32
  }
  func.func @transform_3(%arg0: i32) -> (i32, i32, i32) {
    %c1_i32 = arith.constant 1 : i32
    %c0_i32 = arith.constant 0 : i32
    %c0_i32_0 = arith.constant 0 : i32
    return %c1_i32, %arg0, %c0_i32 : i32, i32, i32
  }
  func.func @transform_4(%arg0: i32) -> (i32, i32) {
    %c0_i32 = arith.constant 0 : i32
    %c0_i32_0 = arith.constant 0 : i32
    return %arg0, %c0_i32 : i32, i32
  }
  func.func @transform_5(%arg0: i32) -> (i32, i32) {
    %c0_i32 = arith.constant 0 : i32
    %c0_i32_0 = arith.constant 0 : i32
    return %arg0, %c0_i32 : i32, i32
  }
  func.func @transform_6(%arg0: i32) -> (i32, i32) {
    %c0_i32 = arith.constant 0 : i32
    %c0_i32_0 = arith.constant 0 : i32
    return %arg0, %c0_i32 : i32, i32
  }
  func.func @transform_7(%arg0: i32) -> (i32, i32, i32) {
    %c0_i32 = arith.constant 0 : i32
    %c0_i32_0 = arith.constant 0 : i32
    %c0_i32_1 = arith.constant 0 : i32
    return %c0_i32, %arg0, %c0_i32_0 : i32, i32, i32
  }
  func.func @transform_8(%arg0: i32) -> (i32, i32, i32) {
    %c1_i32 = arith.constant 1 : i32
    %c0_i32 = arith.constant 0 : i32
    %c0_i32_0 = arith.constant 0 : i32
    return %c1_i32, %arg0, %c0_i32 : i32, i32, i32
  }
  func.func @transform_9(%arg0: i32) -> (i32, i32) {
    %c0_i32 = arith.constant 0 : i32
    %c0_i32_0 = arith.constant 0 : i32
    %c0_i32_1 = arith.constant 0 : i32
    return %c0_i32, %c0_i32_0 : i32, i32
  }
  func.func @transform_10(%arg0: i32) -> i32 {
    %c0_i32 = arith.constant 0 : i32
    %c0_i32_0 = arith.constant 0 : i32
    return %c0_i32 : i32
  }
  func.func @transform_11(%arg0: i32) -> (i32, i32) {
    %c0_i32 = arith.constant 0 : i32
    %c0_i32_0 = arith.constant 0 : i32
    %c0_i32_1 = arith.constant 0 : i32
    return %c0_i32, %c0_i32_0 : i32, i32
  }
  func.func @transform_12(%arg0: i32) -> i32 {
    %c0_i32 = arith.constant 0 : i32
    %c0_i32_0 = arith.constant 0 : i32
    return %c0_i32 : i32
  }
  func.func @transform_13(%arg0: i32) -> (i32, i32) {
    %c0_i32 = arith.constant 0 : i32
    %c0_i32_0 = arith.constant 0 : i32
    %c0_i32_1 = arith.constant 0 : i32
    return %c0_i32, %c0_i32_0 : i32, i32
  }
  func.func @transform_14(%arg0: i32) -> i32 {
    %c0_i32 = arith.constant 0 : i32
    %c0_i32_0 = arith.constant 0 : i32
    return %c0_i32 : i32
  }
  func.func @transform_15(%arg0: i32) -> (i32, i32) {
    %c0_i32 = arith.constant 0 : i32
    %c0_i32_0 = arith.constant 0 : i32
    return %arg0, %c0_i32 : i32, i32
  }
  func.func @transform_16(%arg0: i32) -> (i32, i32) {
    %c0_i32 = arith.constant 0 : i32
    %c0_i32_0 = arith.constant 0 : i32
    return %arg0, %c0_i32 : i32, i32
  }
  func.func @transform_17(%arg0: i32) -> (i32, i32) {
    %c0_i32 = arith.constant 0 : i32
    %c0_i32_0 = arith.constant 0 : i32
    return %arg0, %c0_i32 : i32, i32
  }
  func.func @transform_18(%arg0: i32) -> (i32, i32, i32) {
    %c0_i32 = arith.constant 0 : i32
    %c0_i32_0 = arith.constant 0 : i32
    %c0_i32_1 = arith.constant 0 : i32
    return %arg0, %c0_i32, %c0_i32_0 : i32, i32, i32
  }
}

module attributes {stable_mosaic.version = 14 : i64} {
  func.func @_bn_body(%arg0: memref<10240x128xf32, #tpu.memory_space<vmem>>, %arg1: memref<10240x128xf32, #tpu.memory_space<vmem>>, %arg2: memref<10240x128xf32, #tpu.memory_space<vmem>>, %arg3: memref<8x2x384xf32, #tpu.memory_space<vmem>>, %arg4: memref<384xf32, #tpu.memory_space<vmem>>, %arg5: memref<384xf32, #tpu.memory_space<vmem>>, %arg6: memref<10240x128xf32, #tpu.memory_space<vmem>>, %arg7: memref<10240x128xf32, #tpu.memory_space<vmem>>, %arg8: memref<10240x128xf32, #tpu.memory_space<vmem>>) attributes {dimension_semantics = [], scalar_prefetch = 0 : i64, scratch_operands = 0 : i64, tpu.core_type = #tpu.core_type<tc>} {
    %get3A = arith.constant 0 : index
    %get3A_0 = arith.constant 0 : index
    %get3A_1 = arith.constant 0 : index
    %get3A_2 = vector.load %arg3[%get3A, %get3A_0, %get3A_1] : memref<8x2x384xf32, #tpu.memory_space<vmem>>, vector<8x1x384xf32>
    %get3A_3 = vector.shape_cast %get3A_2 : vector<8x1x384xf32> to vector<8x384xf32>
    %reduce_sum3A = arith.constant dense<0.000000e+00> : vector<384xf32>
    %reduce_sum3A_4 = vector.multi_reduction <add>, %get3A_3, %reduce_sum3A [0] : vector<8x384xf32> to vector<384xf32>
    %mul3A = arith.constant 9.99999974E-5 : f32
    %mul3A_5 = vector.broadcast %mul3A : f32 to vector<384xf32>
    %mul3A_6 = arith.mulf %reduce_sum3A_4, %mul3A_5 : vector<384xf32>
    %iota3A = tpu.iota {dimensions = array<i32: 0>} : vector<10240x1xi32>
    %lt3A = arith.constant 10000 : i32
    %lt3A_7 = vector.broadcast %lt3A : i32 to vector<10240x1xi32>
    %lt3A_8 = arith.cmpi slt, %iota3A, %lt3A_7 : vector<10240x1xi32>
    %get3A_9 = arith.constant 0 : index
    %get3A_10 = arith.constant 0 : index
    %get3A_11 = vector.load %arg0[%get3A_9, %get3A_10] : memref<10240x128xf32, #tpu.memory_space<vmem>>, vector<10240x128xf32>
    %slice3A = vector.extract_strided_slice %mul3A_6 {offsets = [0], sizes = [128], strides = [1]} : vector<384xf32> to vector<128xf32>
    %broadcast_in_dim3A = vector.shape_cast %slice3A : vector<128xf32> to vector<1x128xf32>
    %sub3A = vector.broadcast %broadcast_in_dim3A : vector<1x128xf32> to vector<10240x128xf32>
    %sub3A_12 = arith.subf %get3A_11, %sub3A : vector<10240x128xf32>
    %jit3A = arith.constant 0.000000e+00 : f32
    %broadcast_in_dim3A_13 = vector.shape_cast %lt3A_8 : vector<10240x1xi1> to vector<10240x1xi1>
    %broadcast_in_dim3A_14 = vector.broadcast %broadcast_in_dim3A_13 : vector<10240x1xi1> to vector<10240x128xi1>
    %broadcast_in_dim3A_15 = vector.broadcast %jit3A : f32 to vector<10240x128xf32>
    %select_n3A = arith.select %broadcast_in_dim3A_14, %sub3A_12, %broadcast_in_dim3A_15 : vector<10240x128xi1>, vector<10240x128xf32>
    %mul3A_16 = arith.mulf %select_n3A, %select_n3A : vector<10240x128xf32>
    %reduce_sum3A_17 = arith.constant dense<0.000000e+00> : vector<128xf32>
    %reduce_sum3A_18 = vector.multi_reduction <add>, %mul3A_16, %reduce_sum3A_17 [0] : vector<10240x128xf32> to vector<128xf32>
    %mul3A_19 = arith.constant 9.99999974E-5 : f32
    %mul3A_20 = vector.broadcast %mul3A_19 : f32 to vector<128xf32>
    %mul3A_21 = arith.mulf %reduce_sum3A_18, %mul3A_20 : vector<128xf32>
    %get3A_22 = arith.constant 0 : index
    %get3A_23 = vector.load %arg4[%get3A_22] : memref<384xf32, #tpu.memory_space<vmem>>, vector<128xf32>
    %add3A = arith.constant 9.99999974E-6 : f32
    %add3A_24 = vector.broadcast %add3A : f32 to vector<128xf32>
    %add3A_25 = arith.addf %mul3A_21, %add3A_24 : vector<128xf32>
    %sqrt3A = math.sqrt %add3A_25 : vector<128xf32>
    %div3A = arith.divf %get3A_23, %sqrt3A : vector<128xf32>
    %broadcast_in_dim3A_26 = vector.shape_cast %div3A : vector<128xf32> to vector<1x128xf32>
    %mul3A_27 = vector.broadcast %broadcast_in_dim3A_26 : vector<1x128xf32> to vector<10240x128xf32>
    %mul3A_28 = arith.mulf %select_n3A, %mul3A_27 : vector<10240x128xf32>
    %get3A_29 = arith.constant 0 : index
    %get3A_30 = vector.load %arg5[%get3A_29] : memref<384xf32, #tpu.memory_space<vmem>>, vector<128xf32>
    %broadcast_in_dim3A_31 = vector.shape_cast %get3A_30 : vector<128xf32> to vector<1x128xf32>
    %add3A_32 = vector.broadcast %broadcast_in_dim3A_31 : vector<1x128xf32> to vector<10240x128xf32>
    %add3A_33 = arith.addf %mul3A_28, %add3A_32 : vector<10240x128xf32>
    %max3A = arith.constant 0.000000e+00 : f32
    %max3A_34 = vector.broadcast %max3A : f32 to vector<10240x128xf32>
    %max3A_35 = arith.maximumf %add3A_33, %max3A_34 : vector<10240x128xf32>
    %swap3A = arith.constant 0 : index
    %swap3A_36 = arith.constant 0 : index
    %swap3A_37 = vector.load %arg6[%swap3A, %swap3A_36] : memref<10240x128xf32, #tpu.memory_space<vmem>>, vector<10240x128xf32>
    tpu.vector_store %arg6[%swap3A, %swap3A_36], %max3A_35 {strides = array<i32>} : memref<10240x128xf32, #tpu.memory_space<vmem>>, vector<10240x128xf32>,
    %get3A_38 = arith.constant 0 : index
    %get3A_39 = arith.constant 0 : index
    %get3A_40 = vector.load %arg1[%get3A_38, %get3A_39] : memref<10240x128xf32, #tpu.memory_space<vmem>>, vector<10240x128xf32>
    %slice3A_41 = vector.extract_strided_slice %mul3A_6 {offsets = [128], sizes = [128], strides = [1]} : vector<384xf32> to vector<128xf32>
    %broadcast_in_dim3A_42 = vector.shape_cast %slice3A_41 : vector<128xf32> to vector<1x128xf32>
    %sub3A_43 = vector.broadcast %broadcast_in_dim3A_42 : vector<1x128xf32> to vector<10240x128xf32>
    %sub3A_44 = arith.subf %get3A_40, %sub3A_43 : vector<10240x128xf32>
    %jit3A_45 = arith.constant 0.000000e+00 : f32
    %broadcast_in_dim3A_46 = vector.shape_cast %lt3A_8 : vector<10240x1xi1> to vector<10240x1xi1>
    %broadcast_in_dim3A_47 = vector.broadcast %broadcast_in_dim3A_46 : vector<10240x1xi1> to vector<10240x128xi1>
    %broadcast_in_dim3A_48 = vector.broadcast %jit3A_45 : f32 to vector<10240x128xf32>
    %select_n3A_49 = arith.select %broadcast_in_dim3A_47, %sub3A_44, %broadcast_in_dim3A_48 : vector<10240x128xi1>, vector<10240x128xf32>
    %mul3A_50 = arith.mulf %select_n3A_49, %select_n3A_49 : vector<10240x128xf32>
    %reduce_sum3A_51 = arith.constant dense<0.000000e+00> : vector<128xf32>
    %reduce_sum3A_52 = vector.multi_reduction <add>, %mul3A_50, %reduce_sum3A_51 [0] : vector<10240x128xf32> to vector<128xf32>
    %mul3A_53 = arith.constant 9.99999974E-5 : f32
    %mul3A_54 = vector.broadcast %mul3A_53 : f32 to vector<128xf32>
    %mul3A_55 = arith.mulf %reduce_sum3A_52, %mul3A_54 : vector<128xf32>
    %get3A_56 = arith.constant 128 : index
    %get3A_57 = vector.load %arg4[%get3A_56] : memref<384xf32, #tpu.memory_space<vmem>>, vector<128xf32>
    %add3A_58 = arith.constant 9.99999974E-6 : f32
    %add3A_59 = vector.broadcast %add3A_58 : f32 to vector<128xf32>
    %add3A_60 = arith.addf %mul3A_55, %add3A_59 : vector<128xf32>
    %sqrt3A_61 = math.sqrt %add3A_60 : vector<128xf32>
    %div3A_62 = arith.divf %get3A_57, %sqrt3A_61 : vector<128xf32>
    %broadcast_in_dim3A_63 = vector.shape_cast %div3A_62 : vector<128xf32> to vector<1x128xf32>
    %mul3A_64 = vector.broadcast %broadcast_in_dim3A_63 : vector<1x128xf32> to vector<10240x128xf32>
    %mul3A_65 = arith.mulf %select_n3A_49, %mul3A_64 : vector<10240x128xf32>
    %get3A_66 = arith.constant 128 : index
    %get3A_67 = vector.load %arg5[%get3A_66] : memref<384xf32, #tpu.memory_space<vmem>>, vector<128xf32>
    %broadcast_in_dim3A_68 = vector.shape_cast %get3A_67 : vector<128xf32> to vector<1x128xf32>
    %add3A_69 = vector.broadcast %broadcast_in_dim3A_68 : vector<1x128xf32> to vector<10240x128xf32>
    %add3A_70 = arith.addf %mul3A_65, %add3A_69 : vector<10240x128xf32>
    %max3A_71 = arith.constant 0.000000e+00 : f32
    %max3A_72 = vector.broadcast %max3A_71 : f32 to vector<10240x128xf32>
    %max3A_73 = arith.maximumf %add3A_70, %max3A_72 : vector<10240x128xf32>
    %swap3A_74 = arith.constant 0 : index
    %swap3A_75 = arith.constant 0 : index
    %swap3A_76 = vector.load %arg7[%swap3A_74, %swap3A_75] : memref<10240x128xf32, #tpu.memory_space<vmem>>, vector<10240x128xf32>
    tpu.vector_store %arg7[%swap3A_74, %swap3A_75], %max3A_73 {strides = array<i32>} : memref<10240x128xf32, #tpu.memory_space<vmem>>, vector<10240x128xf32>,
    %get3A_77 = arith.constant 0 : index
    %get3A_78 = arith.constant 0 : index
    %get3A_79 = vector.load %arg2[%get3A_77, %get3A_78] : memref<10240x128xf32, #tpu.memory_space<vmem>>, vector<10240x128xf32>
    %slice3A_80 = vector.extract_strided_slice %mul3A_6 {offsets = [256], sizes = [128], strides = [1]} : vector<384xf32> to vector<128xf32>
    %broadcast_in_dim3A_81 = vector.shape_cast %slice3A_80 : vector<128xf32> to vector<1x128xf32>
    %sub3A_82 = vector.broadcast %broadcast_in_dim3A_81 : vector<1x128xf32> to vector<10240x128xf32>
    %sub3A_83 = arith.subf %get3A_79, %sub3A_82 : vector<10240x128xf32>
    %jit3A_84 = arith.constant 0.000000e+00 : f32
    %broadcast_in_dim3A_85 = vector.shape_cast %lt3A_8 : vector<10240x1xi1> to vector<10240x1xi1>
    %broadcast_in_dim3A_86 = vector.broadcast %broadcast_in_dim3A_85 : vector<10240x1xi1> to vector<10240x128xi1>
    %broadcast_in_dim3A_87 = vector.broadcast %jit3A_84 : f32 to vector<10240x128xf32>
    %select_n3A_88 = arith.select %broadcast_in_dim3A_86, %sub3A_83, %broadcast_in_dim3A_87 : vector<10240x128xi1>, vector<10240x128xf32>
    %mul3A_89 = arith.mulf %select_n3A_88, %select_n3A_88 : vector<10240x128xf32>
    %reduce_sum3A_90 = arith.constant dense<0.000000e+00> : vector<128xf32>
    %reduce_sum3A_91 = vector.multi_reduction <add>, %mul3A_89, %reduce_sum3A_90 [0] : vector<10240x128xf32> to vector<128xf32>
    %mul3A_92 = arith.constant 9.99999974E-5 : f32
    %mul3A_93 = vector.broadcast %mul3A_92 : f32 to vector<128xf32>
    %mul3A_94 = arith.mulf %reduce_sum3A_91, %mul3A_93 : vector<128xf32>
    %get3A_95 = arith.constant 256 : index
    %get3A_96 = vector.load %arg4[%get3A_95] : memref<384xf32, #tpu.memory_space<vmem>>, vector<128xf32>
    %add3A_97 = arith.constant 9.99999974E-6 : f32
    %add3A_98 = vector.broadcast %add3A_97 : f32 to vector<128xf32>
    %add3A_99 = arith.addf %mul3A_94, %add3A_98 : vector<128xf32>
    %sqrt3A_100 = math.sqrt %add3A_99 : vector<128xf32>
    %div3A_101 = arith.divf %get3A_96, %sqrt3A_100 : vector<128xf32>
    %broadcast_in_dim3A_102 = vector.shape_cast %div3A_101 : vector<128xf32> to vector<1x128xf32>
    %mul3A_103 = vector.broadcast %broadcast_in_dim3A_102 : vector<1x128xf32> to vector<10240x128xf32>
    %mul3A_104 = arith.mulf %select_n3A_88, %mul3A_103 : vector<10240x128xf32>
    %get3A_105 = arith.constant 256 : index
    %get3A_106 = vector.load %arg5[%get3A_105] : memref<384xf32, #tpu.memory_space<vmem>>, vector<128xf32>
    %broadcast_in_dim3A_107 = vector.shape_cast %get3A_106 : vector<128xf32> to vector<1x128xf32>
    %add3A_108 = vector.broadcast %broadcast_in_dim3A_107 : vector<1x128xf32> to vector<10240x128xf32>
    %add3A_109 = arith.addf %mul3A_104, %add3A_108 : vector<10240x128xf32>
    %max3A_110 = arith.constant 0.000000e+00 : f32
    %max3A_111 = vector.broadcast %max3A_110 : f32 to vector<10240x128xf32>
    %max3A_112 = arith.maximumf %add3A_109, %max3A_111 : vector<10240x128xf32>
    %swap3A_113 = arith.constant 0 : index
    %swap3A_114 = arith.constant 0 : index
    %swap3A_115 = vector.load %arg8[%swap3A_113, %swap3A_114] : memref<10240x128xf32, #tpu.memory_space<vmem>>, vector<10240x128xf32>
    tpu.vector_store %arg8[%swap3A_113, %swap3A_114], %max3A_112 {strides = array<i32>} : memref<10240x128xf32, #tpu.memory_space<vmem>>, vector<10240x128xf32>,
    return
  }
}

module attributes {stable_mosaic.version = 14 : i64} {
  func.func @_bn_body(%arg0: memref<10240x128xf32, #tpu.memory_space<vmem>>, %arg1: memref<10240x128xf32, #tpu.memory_space<vmem>>, %arg2: memref<10240x128xf32, #tpu.memory_space<vmem>>, %arg3: memref<8x2x384xf32, #tpu.memory_space<vmem>>, %arg4: memref<384xf32, #tpu.memory_space<vmem>>, %arg5: memref<384xf32, #tpu.memory_space<vmem>>, %arg6: memref<10240x128xf32, #tpu.memory_space<vmem>>, %arg7: memref<10240x128xf32, #tpu.memory_space<vmem>>, %arg8: memref<10240x128xf32, #tpu.memory_space<vmem>>) attributes {dimension_semantics = [], scalar_prefetch = 0 : i64, scratch_operands = 0 : i64, tpu.core_type = #tpu.core_type<tc>} {
    %get3A = arith.constant 0 : index
    %get3A_0 = arith.constant 0 : index
    %get3A_1 = arith.constant 0 : index
    %get3A_2 = vector.load %arg3[%get3A, %get3A_0, %get3A_1] : memref<8x2x384xf32, #tpu.memory_space<vmem>>, vector<8x1x384xf32>
    %get3A_3 = vector.shape_cast %get3A_2 : vector<8x1x384xf32> to vector<8x384xf32>
    %reduce_sum3A = arith.constant dense<0.000000e+00> : vector<384xf32>
    %reduce_sum3A_4 = vector.multi_reduction <add>, %get3A_3, %reduce_sum3A [0] : vector<8x384xf32> to vector<384xf32>
    %mul3A = arith.constant 9.99999974E-5 : f32
    %mul3A_5 = vector.broadcast %mul3A : f32 to vector<384xf32>
    %mul3A_6 = arith.mulf %reduce_sum3A_4, %mul3A_5 : vector<384xf32>
    %iota3A = tpu.iota {dimensions = array<i32: 0>} : vector<10240x1xi32>
    %lt3A = arith.constant 10000 : i32
    %lt3A_7 = vector.broadcast %lt3A : i32 to vector<10240x1xi32>
    %lt3A_8 = arith.cmpi slt, %iota3A, %lt3A_7 : vector<10240x1xi32>
    %get3A_9 = arith.constant 0 : index
    %get3A_10 = arith.constant 0 : index
    %get3A_11 = vector.load %arg0[%get3A_9, %get3A_10] : memref<10240x128xf32, #tpu.memory_space<vmem>>, vector<10240x128xf32>
    %slice3A = vector.extract_strided_slice %mul3A_6 {offsets = [0], sizes = [128], strides = [1]} : vector<384xf32> to vector<128xf32>
    %broadcast_in_dim3A = vector.shape_cast %slice3A : vector<128xf32> to vector<1x128xf32>
    %sub3A = vector.broadcast %broadcast_in_dim3A : vector<1x128xf32> to vector<10240x128xf32>
    %sub3A_12 = arith.subf %get3A_11, %sub3A : vector<10240x128xf32>
    %jit3A = arith.constant 0.000000e+00 : f32
    %broadcast_in_dim3A_13 = vector.shape_cast %lt3A_8 : vector<10240x1xi1> to vector<10240x1xi1>
    %broadcast_in_dim3A_14 = vector.broadcast %broadcast_in_dim3A_13 : vector<10240x1xi1> to vector<10240x128xi1>
    %broadcast_in_dim3A_15 = vector.broadcast %jit3A : f32 to vector<10240x128xf32>
    %select_n3A = arith.select %broadcast_in_dim3A_14, %sub3A_12, %broadcast_in_dim3A_15 : vector<10240x128xi1>, vector<10240x128xf32>
    %mul3A_16 = arith.mulf %select_n3A, %select_n3A : vector<10240x128xf32>
    %reduce_sum3A_17 = arith.constant dense<0.000000e+00> : vector<128xf32>
    %reduce_sum3A_18 = vector.multi_reduction <add>, %mul3A_16, %reduce_sum3A_17 [0] : vector<10240x128xf32> to vector<128xf32>
    %mul3A_19 = arith.constant 9.99999974E-5 : f32
    %mul3A_20 = vector.broadcast %mul3A_19 : f32 to vector<128xf32>
    %mul3A_21 = arith.mulf %reduce_sum3A_18, %mul3A_20 : vector<128xf32>
    %get3A_22 = arith.constant 0 : index
    %get3A_23 = vector.load %arg4[%get3A_22] : memref<384xf32, #tpu.memory_space<vmem>>, vector<128xf32>
    %add3A = arith.constant 9.99999974E-6 : f32
    %add3A_24 = vector.broadcast %add3A : f32 to vector<128xf32>
    %add3A_25 = arith.addf %mul3A_21, %add3A_24 : vector<128xf32>
    %sqrt3A = math.sqrt %add3A_25 : vector<128xf32>
    %div3A = arith.divf %get3A_23, %sqrt3A : vector<128xf32>
    %broadcast_in_dim3A_26 = vector.shape_cast %div3A : vector<128xf32> to vector<1x128xf32>
    %mul3A_27 = vector.broadcast %broadcast_in_dim3A_26 : vector<1x128xf32> to vector<10240x128xf32>
    %mul3A_28 = arith.mulf %select_n3A, %mul3A_27 : vector<10240x128xf32>
    %get3A_29 = arith.constant 0 : index
    %get3A_30 = vector.load %arg5[%get3A_29] : memref<384xf32, #tpu.memory_space<vmem>>, vector<128xf32>
    %broadcast_in_dim3A_31 = vector.shape_cast %get3A_30 : vector<128xf32> to vector<1x128xf32>
    %add3A_32 = vector.broadcast %broadcast_in_dim3A_31 : vector<1x128xf32> to vector<10240x128xf32>
    %add3A_33 = arith.addf %mul3A_28, %add3A_32 : vector<10240x128xf32>
    %swap3A = arith.constant 0 : index
    %swap3A_34 = arith.constant 0 : index
    %swap3A_35 = vector.load %arg6[%swap3A, %swap3A_34] : memref<10240x128xf32, #tpu.memory_space<vmem>>, vector<10240x128xf32>
    tpu.vector_store %arg6[%swap3A, %swap3A_34], %add3A_33 {strides = array<i32>} : memref<10240x128xf32, #tpu.memory_space<vmem>>, vector<10240x128xf32>,
    %get3A_36 = arith.constant 0 : index
    %get3A_37 = arith.constant 0 : index
    %get3A_38 = vector.load %arg1[%get3A_36, %get3A_37] : memref<10240x128xf32, #tpu.memory_space<vmem>>, vector<10240x128xf32>
    %slice3A_39 = vector.extract_strided_slice %mul3A_6 {offsets = [128], sizes = [128], strides = [1]} : vector<384xf32> to vector<128xf32>
    %broadcast_in_dim3A_40 = vector.shape_cast %slice3A_39 : vector<128xf32> to vector<1x128xf32>
    %sub3A_41 = vector.broadcast %broadcast_in_dim3A_40 : vector<1x128xf32> to vector<10240x128xf32>
    %sub3A_42 = arith.subf %get3A_38, %sub3A_41 : vector<10240x128xf32>
    %jit3A_43 = arith.constant 0.000000e+00 : f32
    %broadcast_in_dim3A_44 = vector.shape_cast %lt3A_8 : vector<10240x1xi1> to vector<10240x1xi1>
    %broadcast_in_dim3A_45 = vector.broadcast %broadcast_in_dim3A_44 : vector<10240x1xi1> to vector<10240x128xi1>
    %broadcast_in_dim3A_46 = vector.broadcast %jit3A_43 : f32 to vector<10240x128xf32>
    %select_n3A_47 = arith.select %broadcast_in_dim3A_45, %sub3A_42, %broadcast_in_dim3A_46 : vector<10240x128xi1>, vector<10240x128xf32>
    %mul3A_48 = arith.mulf %select_n3A_47, %select_n3A_47 : vector<10240x128xf32>
    %reduce_sum3A_49 = arith.constant dense<0.000000e+00> : vector<128xf32>
    %reduce_sum3A_50 = vector.multi_reduction <add>, %mul3A_48, %reduce_sum3A_49 [0] : vector<10240x128xf32> to vector<128xf32>
    %mul3A_51 = arith.constant 9.99999974E-5 : f32
    %mul3A_52 = vector.broadcast %mul3A_51 : f32 to vector<128xf32>
    %mul3A_53 = arith.mulf %reduce_sum3A_50, %mul3A_52 : vector<128xf32>
    %get3A_54 = arith.constant 128 : index
    %get3A_55 = vector.load %arg4[%get3A_54] : memref<384xf32, #tpu.memory_space<vmem>>, vector<128xf32>
    %add3A_56 = arith.constant 9.99999974E-6 : f32
    %add3A_57 = vector.broadcast %add3A_56 : f32 to vector<128xf32>
    %add3A_58 = arith.addf %mul3A_53, %add3A_57 : vector<128xf32>
    %sqrt3A_59 = math.sqrt %add3A_58 : vector<128xf32>
    %div3A_60 = arith.divf %get3A_55, %sqrt3A_59 : vector<128xf32>
    %broadcast_in_dim3A_61 = vector.shape_cast %div3A_60 : vector<128xf32> to vector<1x128xf32>
    %mul3A_62 = vector.broadcast %broadcast_in_dim3A_61 : vector<1x128xf32> to vector<10240x128xf32>
    %mul3A_63 = arith.mulf %select_n3A_47, %mul3A_62 : vector<10240x128xf32>
    %get3A_64 = arith.constant 128 : index
    %get3A_65 = vector.load %arg5[%get3A_64] : memref<384xf32, #tpu.memory_space<vmem>>, vector<128xf32>
    %broadcast_in_dim3A_66 = vector.shape_cast %get3A_65 : vector<128xf32> to vector<1x128xf32>
    %add3A_67 = vector.broadcast %broadcast_in_dim3A_66 : vector<1x128xf32> to vector<10240x128xf32>
    %add3A_68 = arith.addf %mul3A_63, %add3A_67 : vector<10240x128xf32>
    %swap3A_69 = arith.constant 0 : index
    %swap3A_70 = arith.constant 0 : index
    %swap3A_71 = vector.load %arg7[%swap3A_69, %swap3A_70] : memref<10240x128xf32, #tpu.memory_space<vmem>>, vector<10240x128xf32>
    tpu.vector_store %arg7[%swap3A_69, %swap3A_70], %add3A_68 {strides = array<i32>} : memref<10240x128xf32, #tpu.memory_space<vmem>>, vector<10240x128xf32>,
    %get3A_72 = arith.constant 0 : index
    %get3A_73 = arith.constant 0 : index
    %get3A_74 = vector.load %arg2[%get3A_72, %get3A_73] : memref<10240x128xf32, #tpu.memory_space<vmem>>, vector<10240x128xf32>
    %slice3A_75 = vector.extract_strided_slice %mul3A_6 {offsets = [256], sizes = [128], strides = [1]} : vector<384xf32> to vector<128xf32>
    %broadcast_in_dim3A_76 = vector.shape_cast %slice3A_75 : vector<128xf32> to vector<1x128xf32>
    %sub3A_77 = vector.broadcast %broadcast_in_dim3A_76 : vector<1x128xf32> to vector<10240x128xf32>
    %sub3A_78 = arith.subf %get3A_74, %sub3A_77 : vector<10240x128xf32>
    %jit3A_79 = arith.constant 0.000000e+00 : f32
    %broadcast_in_dim3A_80 = vector.shape_cast %lt3A_8 : vector<10240x1xi1> to vector<10240x1xi1>
    %broadcast_in_dim3A_81 = vector.broadcast %broadcast_in_dim3A_80 : vector<10240x1xi1> to vector<10240x128xi1>
    %broadcast_in_dim3A_82 = vector.broadcast %jit3A_79 : f32 to vector<10240x128xf32>
    %select_n3A_83 = arith.select %broadcast_in_dim3A_81, %sub3A_78, %broadcast_in_dim3A_82 : vector<10240x128xi1>, vector<10240x128xf32>
    %mul3A_84 = arith.mulf %select_n3A_83, %select_n3A_83 : vector<10240x128xf32>
    %reduce_sum3A_85 = arith.constant dense<0.000000e+00> : vector<128xf32>
    %reduce_sum3A_86 = vector.multi_reduction <add>, %mul3A_84, %reduce_sum3A_85 [0] : vector<10240x128xf32> to vector<128xf32>
    %mul3A_87 = arith.constant 9.99999974E-5 : f32
    %mul3A_88 = vector.broadcast %mul3A_87 : f32 to vector<128xf32>
    %mul3A_89 = arith.mulf %reduce_sum3A_86, %mul3A_88 : vector<128xf32>
    %get3A_90 = arith.constant 256 : index
    %get3A_91 = vector.load %arg4[%get3A_90] : memref<384xf32, #tpu.memory_space<vmem>>, vector<128xf32>
    %add3A_92 = arith.constant 9.99999974E-6 : f32
    %add3A_93 = vector.broadcast %add3A_92 : f32 to vector<128xf32>
    %add3A_94 = arith.addf %mul3A_89, %add3A_93 : vector<128xf32>
    %sqrt3A_95 = math.sqrt %add3A_94 : vector<128xf32>
    %div3A_96 = arith.divf %get3A_91, %sqrt3A_95 : vector<128xf32>
    %broadcast_in_dim3A_97 = vector.shape_cast %div3A_96 : vector<128xf32> to vector<1x128xf32>
    %mul3A_98 = vector.broadcast %broadcast_in_dim3A_97 : vector<1x128xf32> to vector<10240x128xf32>
    %mul3A_99 = arith.mulf %select_n3A_83, %mul3A_98 : vector<10240x128xf32>
    %get3A_100 = arith.constant 256 : index
    %get3A_101 = vector.load %arg5[%get3A_100] : memref<384xf32, #tpu.memory_space<vmem>>, vector<128xf32>
    %broadcast_in_dim3A_102 = vector.shape_cast %get3A_101 : vector<128xf32> to vector<1x128xf32>
    %add3A_103 = vector.broadcast %broadcast_in_dim3A_102 : vector<1x128xf32> to vector<10240x128xf32>
    %add3A_104 = arith.addf %mul3A_99, %add3A_103 : vector<10240x128xf32>
    %swap3A_105 = arith.constant 0 : index
    %swap3A_106 = arith.constant 0 : index
    %swap3A_107 = vector.load %arg8[%swap3A_105, %swap3A_106] : memref<10240x128xf32, #tpu.memory_space<vmem>>, vector<10240x128xf32>
    tpu.vector_store %arg8[%swap3A_105, %swap3A_106], %add3A_104 {strides = array<i32>} : memref<10240x128xf32, #tpu.memory_space<vmem>>, vector<10240x128xf32>,
    return
  }
}

module attributes {stable_mosaic.version = 14 : i64} {
  func.func @_head_body(%arg0: i32, %arg1: memref<1280x128xf32, #tpu.memory_space<vmem>>, %arg2: memref<1280x128xf32, #tpu.memory_space<vmem>>, %arg3: memref<1280x128xf32, #tpu.memory_space<vmem>>, %arg4: memref<384x768xf32, #tpu.memory_space<vmem>>, %arg5: memref<768xf32, #tpu.memory_space<vmem>>, %arg6: memref<768x384xf32, #tpu.memory_space<vmem>>, %arg7: memref<384xf32, #tpu.memory_space<vmem>>, %arg8: memref<1280x128xf32, #tpu.memory_space<vmem>>, %arg9: memref<1280x128xf32, #tpu.memory_space<vmem>>, %arg10: memref<1280x128xf32, #tpu.memory_space<vmem>>) attributes {dimension_semantics = [#tpu.dimension_semantics<arbitrary>], iteration_bounds = array<i64: 8>, scalar_prefetch = 0 : i64, scratch_operands = 0 : i64, tpu.core_type = #tpu.core_type<tc>, window_params = [{transform_indices = @transform_0, window_bounds = array<i64: 1280, 128>}, {transform_indices = @transform_1, window_bounds = array<i64: 1280, 128>}, {transform_indices = @transform_2, window_bounds = array<i64: 1280, 128>}, {pipeline_mode = #tpu.pipeline_mode<synchronous>, transform_indices = @transform_3, window_bounds = array<i64: 384, 768>}, {pipeline_mode = #tpu.pipeline_mode<synchronous>, transform_indices = @transform_4, window_bounds = array<i64: 768>}, {pipeline_mode = #tpu.pipeline_mode<synchronous>, transform_indices = @transform_5, window_bounds = array<i64: 768, 384>}, {pipeline_mode = #tpu.pipeline_mode<synchronous>, transform_indices = @transform_6, window_bounds = array<i64: 384>}, {transform_indices = @transform_7, window_bounds = array<i64: 1280, 128>}, {transform_indices = @transform_8, window_bounds = array<i64: 1280, 128>}, {transform_indices = @transform_9, window_bounds = array<i64: 1280, 128>}]} {
    %get3A = arith.constant 0 : index
    %get3A_0 = arith.constant 0 : index
    %get3A_1 = vector.load %arg1[%get3A, %get3A_0] : memref<1280x128xf32, #tpu.memory_space<vmem>>, vector<1280x128xf32>
    %get3A_2 = arith.constant 0 : index
    %get3A_3 = arith.constant 0 : index
    %get3A_4 = vector.load %arg2[%get3A_2, %get3A_3] : memref<1280x128xf32, #tpu.memory_space<vmem>>, vector<1280x128xf32>
    %get3A_5 = arith.constant 0 : index
    %get3A_6 = arith.constant 0 : index
    %get3A_7 = vector.load %arg3[%get3A_5, %get3A_6] : memref<1280x128xf32, #tpu.memory_space<vmem>>, vector<1280x128xf32>
    %concatenate3A = tpu.concatenate %get3A_1, %get3A_4, %get3A_7 in 1 : vector<1280x128xf32>, vector<1280x128xf32>, vector<1280x128xf32> -> vector<1280x384xf32>
    %get3A_8 = arith.constant 0 : index
    %get3A_9 = arith.constant 0 : index
    %get3A_10 = vector.load %arg4[%get3A_8, %get3A_9] : memref<384x768xf32, #tpu.memory_space<vmem>>, vector<384x768xf32>
    %convert_element_type3A = arith.truncf %concatenate3A : vector<1280x384xf32> to vector<1280x384xbf16>
    %convert_element_type3A_11 = arith.truncf %get3A_10 : vector<384x768xf32> to vector<384x768xbf16>
    %dot_general3A = arith.constant dense<0.000000e+00> : vector<1280x768xf32>
    %dot_general3A_12 = tpu.matmul %convert_element_type3A, %convert_element_type3A_11, %dot_general3A {dimension_numbers = #tpu.dot_dimension_numbers<[1], [0], [0], [1], [0, 0, 1, 1], [], []>, transpose_lhs_hint = false} : vector<1280x384xbf16>, vector<384x768xbf16>, vector<1280x768xf32> -> vector<1280x768xf32>
    %get3A_13 = arith.constant 0 : index
    %get3A_14 = vector.load %arg5[%get3A_13] : memref<768xf32, #tpu.memory_space<vmem>>, vector<768xf32>
    %broadcast_in_dim3A = vector.shape_cast %get3A_14 : vector<768xf32> to vector<1x768xf32>
    %add3A = vector.broadcast %broadcast_in_dim3A : vector<1x768xf32> to vector<1280x768xf32>
    %add3A_15 = arith.addf %dot_general3A_12, %add3A : vector<1280x768xf32>
    %max3A = arith.constant 0.000000e+00 : f32
    %max3A_16 = vector.broadcast %max3A : f32 to vector<1280x768xf32>
    %max3A_17 = arith.maximumf %add3A_15, %max3A_16 : vector<1280x768xf32>
    %get3A_18 = arith.constant 0 : index
    %get3A_19 = arith.constant 0 : index
    %get3A_20 = vector.load %arg6[%get3A_18, %get3A_19] : memref<768x384xf32, #tpu.memory_space<vmem>>, vector<768x384xf32>
    %convert_element_type3A_21 = arith.truncf %max3A_17 : vector<1280x768xf32> to vector<1280x768xbf16>
    %convert_element_type3A_22 = arith.truncf %get3A_20 : vector<768x384xf32> to vector<768x384xbf16>
    %dot_general3A_23 = arith.constant dense<0.000000e+00> : vector<1280x384xf32>
    %dot_general3A_24 = tpu.matmul %convert_element_type3A_21, %convert_element_type3A_22, %dot_general3A_23 {dimension_numbers = #tpu.dot_dimension_numbers<[1], [0], [0], [1], [0, 0, 1, 1], [], []>, transpose_lhs_hint = false} : vector<1280x768xbf16>, vector<768x384xbf16>, vector<1280x384xf32> -> vector<1280x384xf32>
    %get3A_25 = arith.constant 0 : index
    %get3A_26 = vector.load %arg7[%get3A_25] : memref<384xf32, #tpu.memory_space<vmem>>, vector<384xf32>
    %broadcast_in_dim3A_27 = vector.shape_cast %get3A_26 : vector<384xf32> to vector<1x384xf32>
    %add3A_28 = vector.broadcast %broadcast_in_dim3A_27 : vector<1x384xf32> to vector<1280x384xf32>
    %add3A_29 = arith.addf %dot_general3A_24, %add3A_28 : vector<1280x384xf32>
    %slice3A = vector.extract_strided_slice %add3A_29 {offsets = [0, 0], sizes = [1280, 128], strides = [1, 1]} : vector<1280x384xf32> to vector<1280x128xf32>
    %swap3A = arith.constant 0 : index
    %swap3A_30 = arith.constant 0 : index
    %swap3A_31 = vector.load %arg8[%swap3A, %swap3A_30] : memref<1280x128xf32, #tpu.memory_space<vmem>>, vector<1280x128xf32>
    tpu.vector_store %arg8[%swap3A, %swap3A_30], %slice3A {strides = array<i32>} : memref<1280x128xf32, #tpu.memory_space<vmem>>, vector<1280x128xf32>,
    %slice3A_32 = vector.extract_strided_slice %add3A_29 {offsets = [0, 128], sizes = [1280, 128], strides = [1, 1]} : vector<1280x384xf32> to vector<1280x128xf32>
    %swap3A_33 = arith.constant 0 : index
    %swap3A_34 = arith.constant 0 : index
    %swap3A_35 = vector.load %arg9[%swap3A_33, %swap3A_34] : memref<1280x128xf32, #tpu.memory_space<vmem>>, vector<1280x128xf32>
    tpu.vector_store %arg9[%swap3A_33, %swap3A_34], %slice3A_32 {strides = array<i32>} : memref<1280x128xf32, #tpu.memory_space<vmem>>, vector<1280x128xf32>,
    %slice3A_36 = vector.extract_strided_slice %add3A_29 {offsets = [0, 256], sizes = [1280, 128], strides = [1, 1]} : vector<1280x384xf32> to vector<1280x128xf32>
    %swap3A_37 = arith.constant 0 : index
    %swap3A_38 = arith.constant 0 : index
    %swap3A_39 = vector.load %arg10[%swap3A_37, %swap3A_38] : memref<1280x128xf32, #tpu.memory_space<vmem>>, vector<1280x128xf32>
    tpu.vector_store %arg10[%swap3A_37, %swap3A_38], %slice3A_36 {strides = array<i32>} : memref<1280x128xf32, #tpu.memory_space<vmem>>, vector<1280x128xf32>,
    return
  }
  func.func @transform_0(%arg0: i32) -> (i32, i32) {
    %c0_i32 = arith.constant 0 : i32
    %c0_i32_0 = arith.constant 0 : i32
    return %arg0, %c0_i32 : i32, i32
  }
  func.func @transform_1(%arg0: i32) -> (i32, i32) {
    %c0_i32 = arith.constant 0 : i32
    %c0_i32_0 = arith.constant 0 : i32
    return %arg0, %c0_i32 : i32, i32
  }
  func.func @transform_2(%arg0: i32) -> (i32, i32) {
    %c0_i32 = arith.constant 0 : i32
    %c0_i32_0 = arith.constant 0 : i32
    return %arg0, %c0_i32 : i32, i32
  }
  func.func @transform_3(%arg0: i32) -> (i32, i32) {
    %c0_i32 = arith.constant 0 : i32
    %c0_i32_0 = arith.constant 0 : i32
    %c0_i32_1 = arith.constant 0 : i32
    return %c0_i32, %c0_i32_0 : i32, i32
  }
  func.func @transform_4(%arg0: i32) -> i32 {
    %c0_i32 = arith.constant 0 : i32
    %c0_i32_0 = arith.constant 0 : i32
    return %c0_i32 : i32
  }
  func.func @transform_5(%arg0: i32) -> (i32, i32) {
    %c0_i32 = arith.constant 0 : i32
    %c0_i32_0 = arith.constant 0 : i32
    %c0_i32_1 = arith.constant 0 : i32
    return %c0_i32, %c0_i32_0 : i32, i32
  }
  func.func @transform_6(%arg0: i32) -> i32 {
    %c0_i32 = arith.constant 0 : i32
    %c0_i32_0 = arith.constant 0 : i32
    return %c0_i32 : i32
  }
  func.func @transform_7(%arg0: i32) -> (i32, i32) {
    %c0_i32 = arith.constant 0 : i32
    %c0_i32_0 = arith.constant 0 : i32
    return %arg0, %c0_i32 : i32, i32
  }
  func.func @transform_8(%arg0: i32) -> (i32, i32) {
    %c0_i32 = arith.constant 0 : i32
    %c0_i32_0 = arith.constant 0 : i32
    return %arg0, %c0_i32 : i32, i32
  }
  func.func @transform_9(%arg0: i32) -> (i32, i32) {
    %c0_i32 = arith.constant 0 : i32
    %c0_i32_0 = arith.constant 0 : i32
    return %arg0, %c0_i32 : i32, i32
  }
}

module attributes {stable_mosaic.version = 14 : i64} {
  func.func @_pred_body(%arg0: i32, %arg1: memref<512x128xf32, #tpu.memory_space<vmem>>, %arg2: memref<512x128xf32, #tpu.memory_space<vmem>>, %arg3: memref<512x128xf32, #tpu.memory_space<vmem>>, %arg4: memref<512x128xf32, #tpu.memory_space<vmem>>, %arg5: memref<512x128xf32, #tpu.memory_space<vmem>>, %arg6: memref<512x128xf32, #tpu.memory_space<vmem>>, %arg7: memref<512x2xi32, #tpu.memory_space<vmem>>, %arg8: memref<16x384xf32, #tpu.memory_space<vmem>>, %arg9: memref<384x768xf32, #tpu.memory_space<vmem>>, %arg10: memref<768xf32, #tpu.memory_space<vmem>>, %arg11: memref<768x384xf32, #tpu.memory_space<vmem>>, %arg12: memref<384xf32, #tpu.memory_space<vmem>>, %arg13: memref<512x384xf32, #tpu.memory_space<vmem>>, %arg14: memref<512x384xf32, #tpu.memory_space<vmem>>) attributes {dimension_semantics = [#tpu.dimension_semantics<arbitrary>], iteration_bounds = array<i64: 8>, scalar_prefetch = 0 : i64, scratch_operands = 0 : i64, tpu.core_type = #tpu.core_type<tc>, window_params = [{transform_indices = @transform_0, window_bounds = array<i64: 512, 128>}, {transform_indices = @transform_1, window_bounds = array<i64: 512, 128>}, {transform_indices = @transform_2, window_bounds = array<i64: 512, 128>}, {transform_indices = @transform_3, window_bounds = array<i64: 512, 128>}, {transform_indices = @transform_4, window_bounds = array<i64: 512, 128>}, {transform_indices = @transform_5, window_bounds = array<i64: 512, 128>}, {transform_indices = @transform_6, window_bounds = array<i64: 512, 2>}, {pipeline_mode = #tpu.pipeline_mode<synchronous>, transform_indices = @transform_7, window_bounds = array<i64: 16, 384>}, {pipeline_mode = #tpu.pipeline_mode<synchronous>, transform_indices = @transform_8, window_bounds = array<i64: 384, 768>}, {pipeline_mode = #tpu.pipeline_mode<synchronous>, transform_indices = @transform_9, window_bounds = array<i64: 768>}, {pipeline_mode = #tpu.pipeline_mode<synchronous>, transform_indices = @transform_10, window_bounds = array<i64: 768, 384>}, {pipeline_mode = #tpu.pipeline_mode<synchronous>, transform_indices = @transform_11, window_bounds = array<i64: 384>}, {transform_indices = @transform_12, window_bounds = array<i64: 512, 384>}, {transform_indices = @transform_13, window_bounds = array<i64: 512, 384>}]} {
    %get3A = arith.constant 0 : index
    %get3A_0 = arith.constant 0 : index
    %get3A_1 = vector.load %arg1[%get3A, %get3A_0] : memref<512x128xf32, #tpu.memory_space<vmem>>, vector<512x128xf32>
    %get3A_2 = arith.constant 0 : index
    %get3A_3 = arith.constant 0 : index
    %get3A_4 = vector.load %arg2[%get3A_2, %get3A_3] : memref<512x128xf32, #tpu.memory_space<vmem>>, vector<512x128xf32>
    %get3A_5 = arith.constant 0 : index
    %get3A_6 = arith.constant 0 : index
    %get3A_7 = vector.load %arg3[%get3A_5, %get3A_6] : memref<512x128xf32, #tpu.memory_space<vmem>>, vector<512x128xf32>
    %concatenate3A = tpu.concatenate %get3A_1, %get3A_4, %get3A_7 in 1 : vector<512x128xf32>, vector<512x128xf32>, vector<512x128xf32> -> vector<512x384xf32>
    %get3A_8 = arith.constant 0 : index
    %get3A_9 = arith.constant 0 : index
    %get3A_10 = vector.load %arg4[%get3A_8, %get3A_9] : memref<512x128xf32, #tpu.memory_space<vmem>>, vector<512x128xf32>
    %get3A_11 = arith.constant 0 : index
    %get3A_12 = arith.constant 0 : index
    %get3A_13 = vector.load %arg5[%get3A_11, %get3A_12] : memref<512x128xf32, #tpu.memory_space<vmem>>, vector<512x128xf32>
    %get3A_14 = arith.constant 0 : index
    %get3A_15 = arith.constant 0 : index
    %get3A_16 = vector.load %arg6[%get3A_14, %get3A_15] : memref<512x128xf32, #tpu.memory_space<vmem>>, vector<512x128xf32>
    %concatenate3A_17 = tpu.concatenate %get3A_10, %get3A_13, %get3A_16 in 1 : vector<512x128xf32>, vector<512x128xf32>, vector<512x128xf32> -> vector<512x384xf32>
    %get3A_18 = arith.constant 0 : index
    %get3A_19 = arith.constant 0 : index
    %get3A_20 = vector.load %arg7[%get3A_18, %get3A_19] : memref<512x2xi32, #tpu.memory_space<vmem>>, vector<512x1xi32>
    %get3A_21 = vector.shape_cast %get3A_20 : vector<512x1xi32> to vector<512xi32>
    %get3A_22 = arith.constant 0 : index
    %get3A_23 = arith.constant 1 : index
    %get3A_24 = vector.load %arg7[%get3A_22, %get3A_23] : memref<512x2xi32, #tpu.memory_space<vmem>>, vector<512x1xi32>
    %get3A_25 = vector.shape_cast %get3A_24 : vector<512x1xi32> to vector<512xi32>
    %add3A = arith.constant 8 : i32
    %add3A_26 = vector.broadcast %add3A : i32 to vector<512xi32>
    %add3A_27 = arith.addi %get3A_25, %add3A_26 : vector<512xi32>
    %iota3A = tpu.iota {dimensions = array<i32: 1>} : vector<512x16xi32>
    %broadcast_in_dim3A = vector.shape_cast %get3A_21 : vector<512xi32> to vector<512x1xi32>
    %eq3A = vector.broadcast %broadcast_in_dim3A : vector<512x1xi32> to vector<512x16xi32>
    %eq3A_28 = arith.cmpi eq, %iota3A, %eq3A : vector<512x16xi32>
    %convert_element_type3A = arith.extui %eq3A_28 : vector<512x16xi1> to vector<512x16xi32>
    %convert_element_type3A_29 = arith.sitofp %convert_element_type3A : vector<512x16xi32> to vector<512x16xf32>
    %broadcast_in_dim3A_30 = vector.shape_cast %add3A_27 : vector<512xi32> to vector<512x1xi32>
    %eq3A_31 = vector.broadcast %broadcast_in_dim3A_30 : vector<512x1xi32> to vector<512x16xi32>
    %eq3A_32 = arith.cmpi eq, %iota3A, %eq3A_31 : vector<512x16xi32>
    %convert_element_type3A_33 = arith.extui %eq3A_32 : vector<512x16xi1> to vector<512x16xi32>
    %convert_element_type3A_34 = arith.sitofp %convert_element_type3A_33 : vector<512x16xi32> to vector<512x16xf32>
    %add3A_35 = arith.addf %convert_element_type3A_29, %convert_element_type3A_34 : vector<512x16xf32>
    %get3A_36 = arith.constant 0 : index
    %get3A_37 = arith.constant 0 : index
    %get3A_38 = vector.load %arg8[%get3A_36, %get3A_37] : memref<16x384xf32, #tpu.memory_space<vmem>>, vector<16x384xf32>
    %dot_general3A = arith.constant dense<0.000000e+00> : vector<512x384xf32>
    %dot_general3A_39 = tpu.matmul %add3A_35, %get3A_38, %dot_general3A {dimension_numbers = #tpu.dot_dimension_numbers<[1], [0], [0], [1], [0, 0, 1, 1], [], []>, precision = #tpu.contract_precision<fp32>, transpose_lhs_hint = false} : vector<512x16xf32>, vector<16x384xf32>, vector<512x384xf32> -> vector<512x384xf32>
    %add3A_40 = arith.addf %concatenate3A, %dot_general3A_39 : vector<512x384xf32>
    %get3A_41 = arith.constant 0 : index
    %get3A_42 = arith.constant 0 : index
    %get3A_43 = vector.load %arg9[%get3A_41, %get3A_42] : memref<384x768xf32, #tpu.memory_space<vmem>>, vector<384x768xf32>
    %convert_element_type3A_44 = arith.truncf %add3A_40 : vector<512x384xf32> to vector<512x384xbf16>
    %convert_element_type3A_45 = arith.truncf %get3A_43 : vector<384x768xf32> to vector<384x768xbf16>
    %dot_general3A_46 = arith.constant dense<0.000000e+00> : vector<512x768xf32>
    %dot_general3A_47 = tpu.matmul %convert_element_type3A_44, %convert_element_type3A_45, %dot_general3A_46 {dimension_numbers = #tpu.dot_dimension_numbers<[1], [0], [0], [1], [0, 0, 1, 1], [], []>, transpose_lhs_hint = false} : vector<512x384xbf16>, vector<384x768xbf16>, vector<512x768xf32> -> vector<512x768xf32>
    %get3A_48 = arith.constant 0 : index
    %get3A_49 = vector.load %arg10[%get3A_48] : memref<768xf32, #tpu.memory_space<vmem>>, vector<768xf32>
    %broadcast_in_dim3A_50 = vector.shape_cast %get3A_49 : vector<768xf32> to vector<1x768xf32>
    %add3A_51 = vector.broadcast %broadcast_in_dim3A_50 : vector<1x768xf32> to vector<512x768xf32>
    %add3A_52 = arith.addf %dot_general3A_47, %add3A_51 : vector<512x768xf32>
    %max3A = arith.constant 0.000000e+00 : f32
    %max3A_53 = vector.broadcast %max3A : f32 to vector<512x768xf32>
    %max3A_54 = arith.maximumf %add3A_52, %max3A_53 : vector<512x768xf32>
    %get3A_55 = arith.constant 0 : index
    %get3A_56 = arith.constant 0 : index
    %get3A_57 = vector.load %arg11[%get3A_55, %get3A_56] : memref<768x384xf32, #tpu.memory_space<vmem>>, vector<768x384xf32>
    %convert_element_type3A_58 = arith.truncf %max3A_54 : vector<512x768xf32> to vector<512x768xbf16>
    %convert_element_type3A_59 = arith.truncf %get3A_57 : vector<768x384xf32> to vector<768x384xbf16>
    %dot_general3A_60 = arith.constant dense<0.000000e+00> : vector<512x384xf32>
    %dot_general3A_61 = tpu.matmul %convert_element_type3A_58, %convert_element_type3A_59, %dot_general3A_60 {dimension_numbers = #tpu.dot_dimension_numbers<[1], [0], [0], [1], [0, 0, 1, 1], [], []>, transpose_lhs_hint = false} : vector<512x768xbf16>, vector<768x384xbf16>, vector<512x384xf32> -> vector<512x384xf32>
    %get3A_62 = arith.constant 0 : index
    %get3A_63 = vector.load %arg12[%get3A_62] : memref<384xf32, #tpu.memory_space<vmem>>, vector<384xf32>
    %broadcast_in_dim3A_64 = vector.shape_cast %get3A_63 : vector<384xf32> to vector<1x384xf32>
    %add3A_65 = vector.broadcast %broadcast_in_dim3A_64 : vector<1x384xf32> to vector<512x384xf32>
    %add3A_66 = arith.addf %dot_general3A_61, %add3A_65 : vector<512x384xf32>
    %mul3A = arith.mulf %add3A_66, %add3A_66 : vector<512x384xf32>
    %reduce_sum3A = arith.constant dense<0.000000e+00> : vector<512xf32>
    %reduce_sum3A_67 = vector.multi_reduction <add>, %mul3A, %reduce_sum3A [1] : vector<512x384xf32> to vector<512xf32>
    %broadcast_in_dim3A_68 = vector.shape_cast %reduce_sum3A_67 : vector<512xf32> to vector<512x1xf32>
    %sqrt3A = math.sqrt %broadcast_in_dim3A_68 : vector<512x1xf32>
    %max3A_69 = arith.constant 9.99999996E-13 : f32
    %max3A_70 = vector.broadcast %max3A_69 : f32 to vector<512x1xf32>
    %max3A_71 = arith.maximumf %sqrt3A, %max3A_70 : vector<512x1xf32>
    %div3A = vector.broadcast %max3A_71 : vector<512x1xf32> to vector<512x384xf32>
    %div3A_72 = arith.divf %add3A_66, %div3A : vector<512x384xf32>
    %swap3A = arith.constant 0 : index
    %swap3A_73 = arith.constant 0 : index
    %swap3A_74 = vector.load %arg13[%swap3A, %swap3A_73] : memref<512x384xf32, #tpu.memory_space<vmem>>, vector<512x384xf32>
    tpu.vector_store %arg13[%swap3A, %swap3A_73], %div3A_72 {strides = array<i32>} : memref<512x384xf32, #tpu.memory_space<vmem>>, vector<512x384xf32>,
    %mul3A_75 = arith.mulf %concatenate3A_17, %concatenate3A_17 : vector<512x384xf32>
    %reduce_sum3A_76 = arith.constant dense<0.000000e+00> : vector<512xf32>
    %reduce_sum3A_77 = vector.multi_reduction <add>, %mul3A_75, %reduce_sum3A_76 [1] : vector<512x384xf32> to vector<512xf32>
    %broadcast_in_dim3A_78 = vector.shape_cast %reduce_sum3A_77 : vector<512xf32> to vector<512x1xf32>
    %sqrt3A_79 = math.sqrt %broadcast_in_dim3A_78 : vector<512x1xf32>
    %max3A_80 = arith.constant 9.99999996E-13 : f32
    %max3A_81 = vector.broadcast %max3A_80 : f32 to vector<512x1xf32>
    %max3A_82 = arith.maximumf %sqrt3A_79, %max3A_81 : vector<512x1xf32>
    %div3A_83 = vector.broadcast %max3A_82 : vector<512x1xf32> to vector<512x384xf32>
    %div3A_84 = arith.divf %concatenate3A_17, %div3A_83 : vector<512x384xf32>
    %swap3A_85 = arith.constant 0 : index
    %swap3A_86 = arith.constant 0 : index
    %swap3A_87 = vector.load %arg14[%swap3A_85, %swap3A_86] : memref<512x384xf32, #tpu.memory_space<vmem>>, vector<512x384xf32>
    tpu.vector_store %arg14[%swap3A_85, %swap3A_86], %div3A_84 {strides = array<i32>} : memref<512x384xf32, #tpu.memory_space<vmem>>, vector<512x384xf32>,
    return
  }
  func.func @transform_0(%arg0: i32) -> (i32, i32) {
    %c0_i32 = arith.constant 0 : i32
    %c0_i32_0 = arith.constant 0 : i32
    return %arg0, %c0_i32 : i32, i32
  }
  func.func @transform_1(%arg0: i32) -> (i32, i32) {
    %c0_i32 = arith.constant 0 : i32
    %c0_i32_0 = arith.constant 0 : i32
    return %arg0, %c0_i32 : i32, i32
  }
  func.func @transform_2(%arg0: i32) -> (i32, i32) {
    %c0_i32 = arith.constant 0 : i32
    %c0_i32_0 = arith.constant 0 : i32
    return %arg0, %c0_i32 : i32, i32
  }
  func.func @transform_3(%arg0: i32) -> (i32, i32) {
    %add3A = arith.constant 8 : i32
    %add3A_0 = arith.addi %arg0, %add3A : i32
    %c0_i32 = arith.constant 0 : i32
    %c0_i32_1 = arith.constant 0 : i32
    return %add3A_0, %c0_i32 : i32, i32
  }
  func.func @transform_4(%arg0: i32) -> (i32, i32) {
    %add3A = arith.constant 8 : i32
    %add3A_0 = arith.addi %arg0, %add3A : i32
    %c0_i32 = arith.constant 0 : i32
    %c0_i32_1 = arith.constant 0 : i32
    return %add3A_0, %c0_i32 : i32, i32
  }
  func.func @transform_5(%arg0: i32) -> (i32, i32) {
    %add3A = arith.constant 8 : i32
    %add3A_0 = arith.addi %arg0, %add3A : i32
    %c0_i32 = arith.constant 0 : i32
    %c0_i32_1 = arith.constant 0 : i32
    return %add3A_0, %c0_i32 : i32, i32
  }
  func.func @transform_6(%arg0: i32) -> (i32, i32) {
    %c0_i32 = arith.constant 0 : i32
    %c0_i32_0 = arith.constant 0 : i32
    return %arg0, %c0_i32 : i32, i32
  }
  func.func @transform_7(%arg0: i32) -> (i32, i32) {
    %c0_i32 = arith.constant 0 : i32
    %c0_i32_0 = arith.constant 0 : i32
    %c0_i32_1 = arith.constant 0 : i32
    return %c0_i32, %c0_i32_0 : i32, i32
  }
  func.func @transform_8(%arg0: i32) -> (i32, i32) {
    %c0_i32 = arith.constant 0 : i32
    %c0_i32_0 = arith.constant 0 : i32
    %c0_i32_1 = arith.constant 0 : i32
    return %c0_i32, %c0_i32_0 : i32, i32
  }
  func.func @transform_9(%arg0: i32) -> i32 {
    %c0_i32 = arith.constant 0 : i32
    %c0_i32_0 = arith.constant 0 : i32
    return %c0_i32 : i32
  }
  func.func @transform_10(%arg0: i32) -> (i32, i32) {
    %c0_i32 = arith.constant 0 : i32
    %c0_i32_0 = arith.constant 0 : i32
    %c0_i32_1 = arith.constant 0 : i32
    return %c0_i32, %c0_i32_0 : i32, i32
  }
  func.func @transform_11(%arg0: i32) -> i32 {
    %c0_i32 = arith.constant 0 : i32
    %c0_i32_0 = arith.constant 0 : i32
    return %c0_i32 : i32
  }
  func.func @transform_12(%arg0: i32) -> (i32, i32) {
    %c0_i32 = arith.constant 0 : i32
    %c0_i32_0 = arith.constant 0 : i32
    return %arg0, %c0_i32 : i32, i32
  }
  func.func @transform_13(%arg0: i32) -> (i32, i32) {
    %c0_i32 = arith.constant 0 : i32
    %c0_i32_0 = arith.constant 0 : i32
    return %arg0, %c0_i32 : i32, i32
  }
}

module attributes {stable_mosaic.version = 14 : i64} {
  func.func @_logits_body(%arg0: i32, %arg1: memref<512x384xf32, #tpu.memory_space<vmem>>, %arg2: memref<4096x384xf32, #tpu.memory_space<vmem>>, %arg3: memref<512x4096xf32, #tpu.memory_space<vmem>>) attributes {dimension_semantics = [#tpu.dimension_semantics<arbitrary>], iteration_bounds = array<i64: 8>, scalar_prefetch = 0 : i64, scratch_operands = 0 : i64, tpu.core_type = #tpu.core_type<tc>, window_params = [{transform_indices = @transform_0, window_bounds = array<i64: 512, 384>}, {pipeline_mode = #tpu.pipeline_mode<synchronous>, transform_indices = @transform_1, window_bounds = array<i64: 4096, 384>}, {transform_indices = @transform_2, window_bounds = array<i64: 512, 4096>}]} {
    %get3A = arith.constant 0 : index
    %get3A_0 = arith.constant 0 : index
    %get3A_1 = vector.load %arg1[%get3A, %get3A_0] : memref<512x384xf32, #tpu.memory_space<vmem>>, vector<512x384xf32>
    %convert_element_type3A = arith.truncf %get3A_1 : vector<512x384xf32> to vector<512x384xbf16>
    %get3A_2 = arith.constant 0 : index
    %get3A_3 = arith.constant 0 : index
    %get3A_4 = vector.load %arg2[%get3A_2, %get3A_3] : memref<4096x384xf32, #tpu.memory_space<vmem>>, vector<4096x384xf32>
    %convert_element_type3A_5 = arith.truncf %get3A_4 : vector<4096x384xf32> to vector<4096x384xbf16>
    %dot_general3A = arith.constant dense<0.000000e+00> : vector<512x4096xf32>
    %dot_general3A_6 = tpu.matmul %convert_element_type3A, %convert_element_type3A_5, %dot_general3A {dimension_numbers = #tpu.dot_dimension_numbers<[1], [1], [0], [0], [0, 0, 1, 0], [], []>, transpose_lhs_hint = false} : vector<512x384xbf16>, vector<4096x384xbf16>, vector<512x4096xf32> -> vector<512x4096xf32>
    %mul3A = arith.constant 2.500000e+01 : f32
    %mul3A_7 = vector.broadcast %mul3A : f32 to vector<512x4096xf32>
    %mul3A_8 = arith.mulf %dot_general3A_6, %mul3A_7 : vector<512x4096xf32>
    %swap3A = arith.constant 0 : index
    %swap3A_9 = arith.constant 0 : index
    %swap3A_10 = vector.load %arg3[%swap3A, %swap3A_9] : memref<512x4096xf32, #tpu.memory_space<vmem>>, vector<512x4096xf32>
    tpu.vector_store %arg3[%swap3A, %swap3A_9], %mul3A_8 {strides = array<i32>} : memref<512x4096xf32, #tpu.memory_space<vmem>>, vector<512x4096xf32>,
    return
  }
  func.func @transform_0(%arg0: i32) -> (i32, i32) {
    %c0_i32 = arith.constant 0 : i32
    %c0_i32_0 = arith.constant 0 : i32
    return %arg0, %c0_i32 : i32, i32
  }
  func.func @transform_1(%arg0: i32) -> (i32, i32) {
    %c0_i32 = arith.constant 0 : i32
    %c0_i32_0 = arith.constant 0 : i32
    %c0_i32_1 = arith.constant 0 : i32
    return %c0_i32, %c0_i32_0 : i32, i32
  }
  func.func @transform_2(%arg0: i32) -> (i32, i32) {
    %c0_i32 = arith.constant 0 : i32
    %c0_i32_0 = arith.constant 0 : i32
    return %arg0, %c0_i32 : i32, i32
  }
}

</mosaic_0001>

<sc_bundles>
// kernel: kernel.23.cloned.1.call-start
scs
__scs_entry_jumppad:
0x0: {  	(pc) =	sbr.rel $0x88, $3  }
0x1: {  	(tag) =	ssettag $0x0;
	lr =	simm.s32 $0x1  }
0x2: {  	[smem:$0x3F64] =	sst lr;
	_ =	strace $0xD0000000  }
0x3: {  	_ = 	snop  }
0x4: {  	_ = 	snop  }
0x5: {  	_ = 	snop  }
0x6: {  	_ = 	snop  }
0x7: {  	_ = 	snop  }
__scs_overlays_trampoline_lowered:
0x8: {  	[smem:$0x3F73] =	sst s0  }
0x9: {  	[smem:$0x3F74] =	sst s1  }
0xa: {  	[smem:$0x3F75] =	sst s2  }
0xb: {  	[smem:$0x3F76] =	sst s3  }
0xc: {  	[smem:$0x3F77] =	sst s4  }
0xd: {  	[smem:$0x3F78] =	sst s5  }
0xe: {  	[smem:$0x3F79] =	sst s6  }
0xf: {  	[smem:$0x3F7A] =	sst s7  }
0x10: {  	[smem:$0x3F7B] =	sst s8  }
0x11: {  	[smem:$0x3F7C] =	sst s9;
	s0 =	simm.s32 @!p0 $0x0  }
0x12: {  	s1 =	sld [smem:$0x3F62];
	s0 =	simm.s32 @p0 $0x1  }
0x13: {  	[smem:$0x3F7D] =	sst s0;
	s0 =	simm.s32 @!p1 $0x0  }
0x14: {  	s2 =	sld [smem:$0x3F61];
	s0 =	simm.s32 @p1 $0x1  }
0x15: {  	[smem:$0x3F7E] =	sst s0;
	s0 =	simm.s32 @!p2 $0x0  }
0x16: {  	s3 =	sld [smem:$0x3FDB];
	s0 =	simm.s32 @p2 $0x1  }
0x17: {  	s4 =	simm.s32 $0x1BF5;
	[smem:$0x3F80] =	sst s0  }
0x18: {  	s0 =	sld [smem:$0x3F63];
	_ =	swait.ge [sflag:s4], $0x0  }
0x19: {  	s7 =	sld [smem:$0x3F64]  }
0x1a: {  	s8 =	sadd.s32 $0xFFFFE003, lr  }
0x1b: {  	s9 =	sadd.s32 $0xFFFFFEF7, lr;
	s5 =	simm.s32 $0xFFFFFFFF;
	p2 =	slt.u32 s8, $0xFFFFF086  }
0x1c: {  	p1 =	slt.u32 s9, $0xF7A;
	s5 =	simm.s32 @!p2 $0x0  }
0x1d: {  	s5 =	simm.s32 @p1 $0x1;
	p0 =	seq.s32 s7, s2  }
0x1e: {  	s7 =	smul.u32 @!p0 $0xF7A, s2;
	p2 =	seq.s32 @!p0 s5, $0x0  }
0x1f: {  	s9 =	smul.u32 $0xF7A, s1;
	s8 =	simm.s32 @!p0 $0x1BF5;
	p2 =	por !p2, p0  }
0x20: {  	[sflag:s8] =	ssyncset.s32 @!p0 $0xFFFFF086;
	s6 =	sadd.s32 @!p0 s3, s7;
	s7 =	simm.s32 @!p0 $0x108  }
0x21: {  	s3 =	sadd.s32 s3, s9;
	s6 =	sadd.s32 @!p0 $0x88, s6;
	s7 =	simm.s32 @p2 $0x1082  }
0x22: {  	[simem:s7], [sflag:s8] =	dma.local @!p0 [hbm:s6], $0xF7A  }
0x23: {  	s9 =	sor.u32 $0xD0000000, s2;
	s6 =	simm.s32 $0x108;
	_ =	swait.ge @!p0 [sflag:s8], $0x0  }
0x24: {  	s3 =	sadd.s32 $0x88, s3;
	s6 =	simm.s32 @!p1 $0x1082;
	[sflag:s4] =	ssyncset.s32 $0xFFFFF086  }
0x25: {  	[simem:s6], [sflag:s4] =	dma.local [hbm:s3], $0xF7A  }
0x26: {  	[smem:$0x3F64] =	sst s1;
	(tag) =	ssettag s2;
	_ =	strace s9  }
0x27: {  	s1 =	sld [smem:$0x3F74]  }
0x28: {  	s2 =	sld [smem:$0x3F75]  }
0x29: {  	s4 =	sld [smem:$0x3F77]  }
0x2a: {  	p0 =	seq.s32 s5, $0x0;
	s5 =	sld [smem:$0x3F78]  }
0x2b: {  	s6 =	sld [smem:$0x3F79]  }
0x2c: {  	s7 =	sld [smem:$0x3F7A]  }
0x2d: {  	s3 =	simm.s32 $0x108;
	s8 =	sld [smem:$0x3F7B]  }
0x2e: {  	s3 =	simm.s32 @!p0 $0x1082;
	s9 =	sld [smem:$0x3F7C]  }
0x2f: {  	lr =	sadd.s32 s0, s3;
	s0 =	sld [smem:$0x3F73]  }
0x30: {  	s3 =	sld [smem:$0x3F76]  }
0x31: {  	[smem:$0x3F7F] =	sst s10  }
0x32: {  	s10 =	sld [smem:$0x3F7D];
	_ =	sdelay $0x3  }
0x33: {  	p0 =	seq.s32 s10, $0x1;
	s10 =	sld [smem:$0x3F7F];
	_ =	sdelay $0x3  }
0x34: {  	[smem:$0x3F7F] =	sst s10  }
0x35: {  	s10 =	sld [smem:$0x3F7E];
	_ =	sdelay $0x3  }
0x36: {  	p1 =	seq.s32 s10, $0x1;
	s10 =	sld [smem:$0x3F7F];
	_ =	sdelay $0x3  }
0x37: {  	[smem:$0x3F7F] =	sst s10  }
0x38: {  	s10 =	sld [smem:$0x3F80]  }
0x39: {  	_ = 	snop;
	(pc) =	sbr.ind lr, $3  }
0x3a: {  	_ = 	snop  }
0x3b: {  	_ = 	snop  }
0x3c: {  	p2 =	seq.s32 s10, $0x1;
	s10 =	sld [smem:$0x3F7F]  }
0x3d: {  	_ =	shalt  }
0x3e: {  	_ =	shalt  }
0x3f: {  	_ =	shalt  }
0x40: {  	_ =	shalt  }
0x41: {  	_ =	shalt  }
0x42: {  	_ =	shalt  }
0x43: {  	_ =	shalt  }
0x44: {  	_ =	shalt  }
0x45: {  	_ =	shalt  }
0x46: {  	_ =	shalt  }
0x47: {  	_ =	shalt  }
0x48: {  	_ =	shalt  }
0x49: {  	_ =	shalt  }
0x4a: {  	_ =	shalt  }
0x4b: {  	_ =	shalt  }
0x4c: {  	_ =	shalt  }
0x4d: {  	_ =	shalt  }
0x4e: {  	_ =	shalt  }
0x4f: {  	_ =	shalt  }
0x50: {  	_ =	shalt  }
0x51: {  	_ =	shalt  }
0x52: {  	_ =	shalt  }
0x53: {  	_ =	shalt  }
0x54: {  	_ =	shalt  }
0x55: {  	_ =	shalt  }
0x56: {  	_ =	shalt  }
0x57: {  	_ =	shalt  }
0x58: {  	_ =	shalt  }
0x59: {  	_ =	shalt  }
0x5a: {  	_ =	shalt  }
0x5b: {  	_ =	shalt  }
0x5c: {  	_ =	shalt  }
0x5d: {  	_ =	shalt  }
0x5e: {  	_ =	shalt  }
0x5f: {  	_ =	shalt  }
0x60: {  	_ =	shalt  }
0x61: {  	_ =	shalt  }
0x62: {  	_ =	shalt  }
0x63: {  	_ =	shalt  }
0x64: {  	_ =	shalt  }
0x65: {  	_ =	shalt  }
0x66: {  	_ =	shalt  }
0x67: {  	_ =	shalt  }
0x68: {  	_ =	shalt  }
0x69: {  	_ =	shalt  }
0x6a: {  	_ =	shalt  }
0x6b: {  	_ =	shalt  }
0x6c: {  	_ =	shalt  }
0x6d: {  	_ =	shalt  }
0x6e: {  	_ =	shalt  }
0x6f: {  	_ =	shalt  }
0x70: {  	_ =	shalt  }
0x71: {  	_ =	shalt  }
0x72: {  	_ =	shalt  }
0x73: {  	_ =	shalt  }
0x74: {  	_ =	shalt  }
0x75: {  	_ =	shalt  }
0x76: {  	_ =	shalt  }
0x77: {  	_ =	shalt  }
0x78: {  	_ =	shalt  }
0x79: {  	_ =	shalt  }
0x7a: {  	_ =	shalt  }
0x7b: {  	_ =	shalt  }
0x7c: {  	_ =	shalt  }
0x7d: {  	_ =	shalt  }
0x7e: {  	_ =	shalt  }
0x7f: {  	_ =	shalt  }
0x80: {  	_ =	shalt  }
0x81: {  	_ =	shalt  }
0x82: {  	_ =	shalt  }
0x83: {  	_ =	shalt  }
0x84: {  	_ =	shalt  }
0x85: {  	_ =	shalt  }
0x86: {  	_ =	shalt  }
0x87: {  	_ =	shalt  }
.Lfunc_end0:
.L_simem_size_0:
called_computation_lowered:
.L_overlay_start_0:
0x88: {  	s2 =	sld [smem:$0x3FD9]  }
0x89: {  	s3 =	sld [smem:$0x3FFE];
	_ =	sdelay $0x1  }
0x8a: {  	s1 =	srdreg.scid  }
0x8b: {  	s0 =	sand.u32 $0x1, s1  }
0x8c: {  	s15 =	sshll.u32 s0, $0xA;
	s2 =	sadd.s32 s3, s2  }
0x8d: {  	s2 =	sadd.s32 s2, s15  }
0x8e: {  	[smem:$0x3F8B] =	sst s2  }
0x8f: {  	_ = 	snop  }
0x90: {  	s2 =	sld [smem:$0x3FD0];
	_ =	sdelay $0x2  }
0x91: {  	s16 =	simm.s32 $0xB;
	s4 =	simm.s32 $0x10  }
0x92: {  	[smem:s4], [sflag:s16] =	dma.local [hbm:s2], $0x1  }
0x93: {  	_ =	swait.eq [sflag:s16], $0x1  }
0x94: {  	[sflag:s16] =	ssyncset.done $0x0  }
0x95: {  	[sflag:s16] =	ssyncadd.s32 $0xFFFFFFFF  }
0x96: {  	s17 =	sld [smem:$0x11];
	(tm) =	ssettm $0x1  }
0x97: {  	s18 =	sld [smem:$0x3FFB];
	_ =	sdelay $0x3  }
0x98: {  	_ =	strace s18  }
0x99: {  	s2 =	sld [smem:$0x3FFC];
	_ =	sdelay $0x3  }
0x9a: {  	_ =	strace s2  }
0x9b: {  	s2 =	sld [smem:$0x3FFD];
	_ =	sdelay $0x3  }
0x9c: {  	_ =	strace s2  }
0x9d: {  	_ =	strace $0x8FFFFFFF  }
0x9e: {  	s19 =	sld [smem:$0x3FDB];
	_ =	sdelay $0x1  }
0x9f: {  	s20 =	simm.s32 $_scs_section_size  }
0xa0: {  	s5 =	simm.s32 $_size__tile_overlayer_lowered;
	s6 =	simm.s32 $_tile_overlayer_lowered  }
0xa1: {  	s7 =	simm.s32 $0x1BFF;
	s21 =	sshll.u32 s6, $0x1;
	s4 =	sadd.s32 s20, s19  }
0xa2: {  	s22 =	simm.s32 $0x0;
	s5 =	sshll.u32 s5, $0x1;
	s6 =	sadd.s32 s21, s4  }
0xa3: {  	[timem:s22], [sflag:s7] =	dma.local [hbm:s6], s5  }
0xa4: {  	_ =	swait.ge [sflag:s7], s5  }
0xa5: {  	s5 =	ssub.s32 $0x0, s5;
	[sflag:s7] =	ssyncset.done $0x0  }
0xa6: {  	[sflag:s7] =	ssyncadd.s32 s5;
	_ =	sdelay $0x1  }
0xa7: {  	s23 =	simm.s32 $0x1B8B  }
0xa8: {  	_ =	swait.ge [sflag:s23], $0x1  }
0xa9: {  	[sflag:s23] =	ssyncset.done $0x0  }
0xaa: {  	[sflag:s23] =	ssyncadd.s32 $0xFFFFFFFF  }
0xab: {  	s5 =	sld [smem:$0x0]  }
0xac: {  	s6 =	sand.u32 $0xFFFFFFFE, s1  }
0xad: {  	p0 =	sne.s32 s1, s6  }
0xae: {  	s6 =	sshll.u32 @p0 s6, $0xE  }
0xaf: {  	s6 =	sadd.s32 @p0 $0x11B8D, s6;
	s7 =	sshll.u32 @p0 s5, $0x11  }
0xb0: {  	s6 =	sor.u32 @p0 s7, s6  }
0xb1: {  	[sflag:s6] =	ssyncadd.remote.s32 @p0 $0x1;
	_ =	sdelay $0x1  }
0xb2: {  	s6 =	simm.s32 @p0 $0x1B8D  }
0xb3: {  	_ =	swait.eq @p0 [sflag:s6], $0x1  }
0xb4: {  	[sflag:s6] =	ssyncadd.s32 @p0 $0xFFFFFFFF  }
0xb5: {  	s7 =	sshll.u32 @!p0 s1, $0xE  }
0xb6: {  	s7 =	sor.u32 @!p0 $0x4000, s7;
	s6 =	simm.s32 @!p0 $0x1B8D  }
0xb7: {  	s5 =	sshll.u32 @!p0 s5, $0x11;
	s7 =	sadd.s32 @!p0 $0x11B8D, s7;
	_ =	swait.eq @!p0 [sflag:s6], $0x1  }
0xb8: {  	s5 =	sor.u32 @!p0 s5, s7;
	[sflag:s6] =	ssyncadd.s32 @!p0 $0xFFFFFFFF  }
0xb9: {  	s25 =	simm.s32 $0x1B8E;
	s24 =	sld [smem:$0x3FFE];
	[sflag:s5] =	ssyncadd.remote.s32 @!p0 $0x1  }
0xba: {  	s26 =	simm.s32 $execute0_lowered;
	[smem:$0x3FD2] =	sst s25  }
0xbb: {  	s6 =	sshll.u32 s26, $0x1;
	_ =	strace $0x80000049;
	[dreg:$0x1] =	wrdreg $0xFFFFFFFF  }
0xbc: {  	s28 =	simm.s32 $_size_execute0_lowered;
	s4 =	sadd.s32 s4, s6;
	[dreg:$0x0] =	wrdreg $0x0  }
0xbd: {  	s6 =	sshll.u32 s28, $0x1;
	[dreg:$0x2] =	wrdreg s4  }
0xbe: {  	[dreg:$0x3] =	wrdreg s6  }
0xbf: {  	[dreg:$0x4] =	wrdreg $0xC0  }
0xc0: {  	_ =	task [dreg:s22], $0x5FFFF  }
0xc1: {  	[dreg:$0x1] =	wrdreg $0xFFFFFFFF  }
0xc2: {  	[dreg:$0x0] =	wrdreg $0x60  }
0xc3: {  	[dreg:$0x2] =	wrdreg s17  }
0xc4: {  	[dreg:$0x3] =	wrdreg s24  }
0xc5: {  	[dreg:$0x4] =	wrdreg $0x68000  }
0xc6: {  	[dreg:$0x5] =	wrdreg $0x9  }
0xc7: {  	_ =	task.clear_ibuf [dreg:s22], $0x6FFFF;
	_ =	strace $0x90000049  }
0xc8: {  	s29 =	simm.s32 $0x9;
	_ =	strace $0x8000004B  }
0xc9: {  	_ =	swait.ge [sflag:s29], $0x1  }
0xca: {  	[sflag:s29] =	ssyncadd.s32 $0xFFFFFFFF  }
0xcb: {  	_ =	strace $0x9000004B  }
0xcc: {  	_ =	sfence  }
0xcd: {  	s30 =	sld [smem:$0x0];
	_ =	sdelay $0x2  }
0xce: {  	s31 =	sshll.u32 s1, $0xD;
	s1 =	sshrl.u32 s1, $0x2  }
0xcf: {  	s4 =	sand.u32 $0x4000, s31;
	s1 =	sadd.s32 s1, s30  }
0xd0: {  	s0 =	sor.u32 s4, s0;
	s1 =	sshll.u32 s1, $0x11  }
0xd1: {  	s0 =	sor.u32 s1, s0  }
0xd2: {  	s0 =	sadd.s32 $0x8F2B, s0  }
0xd3: {  	[sflag:s0] =	ssyncadd.remote.s32 $0x1  }
0xd4: {  	_ =	sfence.sel $0xFFFF  }
0xd5: {  	[dreg:$0x0] =	wrdreg $0xFFFFFFFF;
	(pc) =	sbr.abs _section_cstart, $3  }
0xd6: {  	[dreg:$0x1] =	wrdreg $0xFFFFFFFF  }
0xd7: {  	_ =	task.clear_ibuf [dreg:s22], $0x2FFFF;
	_ =	strace $0x9FFFFFFF  }
0xd8: {  	(tm) =	ssettm $0x7FFFFFFF  }
0xd9: {  	_ =	shalt  }
tec
execute0_lowered:
.L_overlay_start_1:
0x0: {  	(tag) =	ssettag $0x1  }
0x1: {  	s0 =	srdreg.scid;
	s1 =	rddreg [dreg:$0x0]  }
0x2: {  	s7 =	rddreg [dreg:$0x1];
	s6 =	sand.u32 $0x1, s0  }
0x3: {  	s3 =	rddreg [dreg:$0x2];
	s5 =	smul.u32 $0x2800, s6  }
0x4: {  	s15 =	simm.s32 $0x1;
	s0 =	stileid.u32;
	s9 =	smul.u32 $0x28000, s6  }
0x5: {  	s2 =	sshll.u32 s6, $0x3;
	s4 =	sshrl.u32 s0, $0x1;
	s11 =	smul.u32 $0x50000, s0  }
0x6: {  	s6 =	ssub.s32 $0x2, s6;
	s31 =	sshll.u32 s0, $0x6;
	s13 =	smul.u32 $0x280, s0  }
0x7: {  	s12 =	sand.u32 $0x1, s0;
	s17 =	smul.u32 $0x2800, s0;
	s8 =	sor.u32 s4, s2  }
0x8: {  	s2 =	rddreg [dreg:$0x3];
	s4 =	simm.s32 $0x0;
	s30 =	sshrl.u32 s6, $0x1  }
0x9: {  	p0 =	seq.s32 s12, $0x1;
	s12 =	simm.s32 $0x280;
	s8 =	smul.u32 $0x500, s8  }
0xa: {  	[smem:$0x7FF] =	sst s4;
	s10 =	sadd.s32 s5, s7;
	s5 =	sadd.s32 $0x90E00, s7  }
0xb: {  	s11 =	sshrl.u32 s11, $0x2;
	s12 =	simm.s32 @!p0 $0x0;
	_ =	strace $0x8000004A  }
0xc: {  	s11 =	sadd.s32 s11, s3;
	s10 =	sadd.s32 $0xE3600, s10;
	s8 =	sadd.s32 s8, s7  }
0xd: {  	s7 =	sadd.s32 s9, s7;
	s9 =	ssub.s32 s6, s30;
	s6 =	sor.u32 $0x1C02, s31  }
0xe: {  	s10 =	sadd.s32 s13, s10;
	s13 =	simm.s32 $0x80;
	s14 =	sadd.s32 $0xEE00, s8  }
0xf: {  	s16 =	sadd.s32 $0xE8600, s7;
	s7 =	smax.u32 s9, $0x1;
	s8 =	sshrl.u32 s11, $0x3  }
0x10: {  	s9 =	simm.s32 $0x2;
	s11 =	sadd.s32 s12, s14;
	s12 =	simm.s32 $0x1400  }
0x11: {  	s14 =	simm.s32 $0x2800;
	s16 =	sadd.s32 s17, s16;
	s17 =	simm.s32 $0x0  }
.LBB2_1:
0x12: {  	[spmem:s8], [sflag:s6] =	dma.local [hbm:s5], $0x2800  }
0x13: {  	_ =	swait.ge [sflag:s9], $0x2800  }
0x14: {  	[sflag:s9] =	ssyncset.done $0x0  }
0x15: {  	[sflag:s9] =	ssyncadd.s32 $0xFFFFD800  }
0x16: {  	[tilespmem:s4], [sflag:$0x2] =	stream.linear.gather [hbm4b:s10+s4], $0x1400, $0x38;
	[tilespmem:$0x1A800] =	vst v63  }
0x17: {  	_ =	swait.ge [sflag:s9], $0x1400  }
0x18: {  	[sflag:s9] =	ssyncset.done $0x0  }
0x19: {  	[sflag:s9] =	ssyncadd.s32 $0xFFFFEC00  }
0x1a: {  	[tilespmem:s12], [sflag:$0x2] =	stream.linear.gather [hbm4b:s11+s4], $0x1400, $0x38;
	[tilespmem:$0x1A800] =	vst v63  }
0x1b: {  	_ =	swait.ge [sflag:s9], $0x1400  }
0x1c: {  	[sflag:s9] =	ssyncset.done $0x0  }
0x1d: {  	[sflag:s9] =	ssyncadd.s32 $0xFFFFEC00  }
0x1e: {  	s18 =	simm.s32 $0x0;
	[bflag:$0x0] =	sbarrier.arrive $0xFFFF  }
0x1f: {  	[tilespmem:s14], [sflag:$0x1] =	stream.indirect.gather [hbm4b:s1+s13], $0x80, s18, s13, $0xb8;
	[tilespmem:$0x1A800] =	vst v63  }
0x20: {  	_ =	swait.ge [sflag:s15], $0x4000  }
0x21: {  	[sflag:s15] =	ssyncset.done $0x0  }
0x22: {  	s31 =	simm.s32 $0x1400;
	[sflag:s15] =	ssyncadd.s32 $0xFFFFC000  }
0x23: {  	[spmem:s3] =	stream.indirect.scatter.add.f32 [tilespmem:s14], [sflag:$0x2], $0x80, s31, s13, $0xb8;
	[tilespmem:$0x1A800] =	vst v63  }
0x24: {  	_ =	swait.ge [sflag:s9], $0x4000  }
0x25: {  	s19 =	simm.s32 $0x400;
	s18 =	simm.s32 $0x200;
	[sflag:s9] =	ssyncset.done $0x0  }
.LBB2_2:
0x26: {  	s20 =	sshra.s32 s18, $0x2  }
0x27: {  	[sflag:s9] =	ssyncadd.s32 $0xFFFFC000;
	s18 =	smov.u32 s19;
	s21 =	sadd.s32 $0x200, s19  }
0x28: {  	[tilespmem:s14], [sflag:$0x1] =	stream.indirect.gather [hbm4b:s1+s13], $0x80, s20, s13, $0xb8;
	[tilespmem:$0x1A800] =	vst v63  }
0x29: {  	p0 =	sne.s32 s19, $0x4E00;
	_ =	swait.ge [sflag:s15], $0x4000  }
.Ltmp0:
0x2a: {  	[sflag:s15] =	ssyncset.done $0x0;
	(pc) =	sbr.rel @p0 .LBB2_2-.Ltmp0, $4  }
0x2b: {  	s19 =	sadd.s32 $0x1400, s20;
	[sflag:s15] =	ssyncadd.s32 $0xFFFFC000  }
0x2c: {  	[spmem:s3] =	stream.indirect.scatter.add.f32 [tilespmem:s14], [sflag:$0x2], $0x80, s19, s13, $0xb8;
	[tilespmem:$0x1A800] =	vst v63  }
0x2d: {  	_ =	swait.ge [sflag:s9], $0x4000  }
0x2e: {  	s19 =	smov.u32 s21;
	[sflag:s9] =	ssyncset.done $0x0  }
0x2f: {  	s18 =	sshra.s32 s18, $0x2;
	[sflag:s9] =	ssyncadd.s32 $0xFFFFC000  }
0x30: {  	[tilespmem:s14], [sflag:$0x1] =	stream.indirect.gather [hbm4b:s1+s13], $0x80, s18, s13, $0xb8;
	[tilespmem:$0x1A800] =	vst v63  }
0x31: {  	_ =	swait.ge [sflag:s15], $0x4000  }
0x32: {  	[sflag:s15] =	ssyncset.done $0x0  }
0x33: {  	s18 =	sadd.s32 $0x1400, s18;
	[sflag:s15] =	ssyncadd.s32 $0xFFFFC000  }
0x34: {  	[spmem:s3] =	stream.indirect.scatter.add.f32 [tilespmem:s14], [sflag:$0x2], $0x80, s18, s13, $0xb8;
	[tilespmem:$0x1A800] =	vst v63  }
0x35: {  	_ =	swait.ge [sflag:s9], $0x4000  }
0x36: {  	s17 =	sadd.s32 $0x1, s17;
	[sflag:s9] =	ssyncset.done $0x0  }
0x37: {  	p0 =	sne.s32 s17, s7;
	[sflag:s9] =	ssyncadd.s32 $0xFFFFC000  }
.Ltmp1:
0x38: {  	[bflag:$0x0] =	sbarrier.arrive $0xFFFF;
	(pc) =	sbr.rel @p0 .LBB2_1-.Ltmp1, $4  }
0x39: {  	[hbm:s16], [sflag:s6] =	dma.local [spmem:s8], $0x2800  }
0x3a: {  	_ =	swait.ge [sflag:s9], $0x2800  }
0x3b: {  	[sflag:s9] =	ssyncset.done $0x0  }
0x3c: {  	[sflag:s9] =	ssyncadd.s32 $0xFFFFD800  }
0x3d: {  	_ =	sfence.sel $0x180000  }
0x3e: {  	[bflag:$0x0] =	sbarrier.arrive $0xFFFF  }
0x3f: {  	p0 =	sne.s32 s0, $0x0;
	_ =	strace $0x9000004A  }
0x40: {  	s0 =	sadd.s32 @!p0 $0x100000, s2;
	[bflag:$0x2] =	sbarrier.arrive $0xFFFF  }
0x41: {  	[sflag:s0] =	ssyncadd.tile.s32 @!p0 $0x1;
	_ =	shalt  }
.Lfunc_end2:
_tile_overlayer_lowered:
.L_overlay_start_2:
0x42: {  	(tag) =	ssettag $0x2  }
0x43: {  	s0 =	rddreg [dreg:$0x0];
	s2 =	stileid.u32  }
0x44: {  	s1 =	rddreg [dreg:$0x1];
	p0 =	sne.s32 s2, $0x0  }
0x45: {  	s3 =	rddreg [dreg:$0x2];
	[bflag:$0x3] =	sbarrier.arrive $0xFFFF;
	s2 =	simm.s32 @!p0 $0x1C02  }
0x46: {  	[timem:s3], [sflag:s2] =	dma.local @!p0 [hbm:s0], s1  }
0x47: {  	s0 =	simm.s32 @!p0 $0x2  }
0x48: {  	_ =	swait.ge @!p0 [sflag:s0], s1  }
0x49: {  	s1 =	ssub.s32 @!p0 $0x0, s1;
	[sflag:s0] =	ssyncset.done @!p0 $0x0  }
0x4a: {  	[sflag:s0] =	ssyncadd.s32 @!p0 s1  }
0x4b: {  	[bflag:$0x3] =	sbarrier.arrive $0xFFFF  }
0x4c: {  	_ =	shalt  }

// kernel: kernel.26.cloned.1.call-start
scs
__scs_entry_jumppad:
0x0: {  	(pc) =	sbr.rel $0x88, $3  }
0x1: {  	(tag) =	ssettag $0x0;
	lr =	simm.s32 $0x1  }
0x2: {  	[smem:$0x3F64] =	sst lr;
	_ =	strace $0xD0000000  }
0x3: {  	_ = 	snop  }
0x4: {  	_ = 	snop  }
0x5: {  	_ = 	snop  }
0x6: {  	_ = 	snop  }
0x7: {  	_ = 	snop  }
__scs_overlays_trampoline_lowered:
0x8: {  	[smem:$0x3F73] =	sst s0  }
0x9: {  	[smem:$0x3F74] =	sst s1  }
0xa: {  	[smem:$0x3F75] =	sst s2  }
0xb: {  	[smem:$0x3F76] =	sst s3  }
0xc: {  	[smem:$0x3F77] =	sst s4  }
0xd: {  	[smem:$0x3F78] =	sst s5  }
0xe: {  	[smem:$0x3F79] =	sst s6  }
0xf: {  	[smem:$0x3F7A] =	sst s7  }
0x10: {  	[smem:$0x3F7B] =	sst s8  }
0x11: {  	[smem:$0x3F7C] =	sst s9;
	s0 =	simm.s32 @!p0 $0x0  }
0x12: {  	s1 =	sld [smem:$0x3F62];
	s0 =	simm.s32 @p0 $0x1  }
0x13: {  	[smem:$0x3F7D] =	sst s0;
	s0 =	simm.s32 @!p1 $0x0  }
0x14: {  	s2 =	sld [smem:$0x3F61];
	s0 =	simm.s32 @p1 $0x1  }
0x15: {  	[smem:$0x3F7E] =	sst s0;
	s0 =	simm.s32 @!p2 $0x0  }
0x16: {  	s3 =	sld [smem:$0x3FDB];
	s0 =	simm.s32 @p2 $0x1  }
0x17: {  	s4 =	simm.s32 $0x1BF5;
	[smem:$0x3F80] =	sst s0  }
0x18: {  	s0 =	sld [smem:$0x3F63];
	_ =	swait.ge [sflag:s4], $0x0  }
0x19: {  	s7 =	sld [smem:$0x3F64]  }
0x1a: {  	s8 =	sadd.s32 $0xFFFFE003, lr  }
0x1b: {  	s9 =	sadd.s32 $0xFFFFFEF7, lr;
	s5 =	simm.s32 $0xFFFFFFFF;
	p2 =	slt.u32 s8, $0xFFFFF086  }
0x1c: {  	p1 =	slt.u32 s9, $0xF7A;
	s5 =	simm.s32 @!p2 $0x0  }
0x1d: {  	s5 =	simm.s32 @p1 $0x1;
	p0 =	seq.s32 s7, s2  }
0x1e: {  	s7 =	smul.u32 @!p0 $0xF7A, s2;
	p2 =	seq.s32 @!p0 s5, $0x0  }
0x1f: {  	s9 =	smul.u32 $0xF7A, s1;
	s8 =	simm.s32 @!p0 $0x1BF5;
	p2 =	por !p2, p0  }
0x20: {  	[sflag:s8] =	ssyncset.s32 @!p0 $0xFFFFF086;
	s6 =	sadd.s32 @!p0 s3, s7;
	s7 =	simm.s32 @!p0 $0x108  }
0x21: {  	s3 =	sadd.s32 s3, s9;
	s6 =	sadd.s32 @!p0 $0x88, s6;
	s7 =	simm.s32 @p2 $0x1082  }
0x22: {  	[simem:s7], [sflag:s8] =	dma.local @!p0 [hbm:s6], $0xF7A  }
0x23: {  	s9 =	sor.u32 $0xD0000000, s2;
	s6 =	simm.s32 $0x108;
	_ =	swait.ge @!p0 [sflag:s8], $0x0  }
0x24: {  	s3 =	sadd.s32 $0x88, s3;
	s6 =	simm.s32 @!p1 $0x1082;
	[sflag:s4] =	ssyncset.s32 $0xFFFFF086  }
0x25: {  	[simem:s6], [sflag:s4] =	dma.local [hbm:s3], $0xF7A  }
0x26: {  	[smem:$0x3F64] =	sst s1;
	(tag) =	ssettag s2;
	_ =	strace s9  }
0x27: {  	s1 =	sld [smem:$0x3F74]  }
0x28: {  	s2 =	sld [smem:$0x3F75]  }
0x29: {  	s4 =	sld [smem:$0x3F77]  }
0x2a: {  	p0 =	seq.s32 s5, $0x0;
	s5 =	sld [smem:$0x3F78]  }
0x2b: {  	s6 =	sld [smem:$0x3F79]  }
0x2c: {  	s7 =	sld [smem:$0x3F7A]  }
0x2d: {  	s3 =	simm.s32 $0x108;
	s8 =	sld [smem:$0x3F7B]  }
0x2e: {  	s3 =	simm.s32 @!p0 $0x1082;
	s9 =	sld [smem:$0x3F7C]  }
0x2f: {  	lr =	sadd.s32 s0, s3;
	s0 =	sld [smem:$0x3F73]  }
0x30: {  	s3 =	sld [smem:$0x3F76]  }
0x31: {  	[smem:$0x3F7F] =	sst s10  }
0x32: {  	s10 =	sld [smem:$0x3F7D];
	_ =	sdelay $0x3  }
0x33: {  	p0 =	seq.s32 s10, $0x1;
	s10 =	sld [smem:$0x3F7F];
	_ =	sdelay $0x3  }
0x34: {  	[smem:$0x3F7F] =	sst s10  }
0x35: {  	s10 =	sld [smem:$0x3F7E];
	_ =	sdelay $0x3  }
0x36: {  	p1 =	seq.s32 s10, $0x1;
	s10 =	sld [smem:$0x3F7F];
	_ =	sdelay $0x3  }
0x37: {  	[smem:$0x3F7F] =	sst s10  }
0x38: {  	s10 =	sld [smem:$0x3F80]  }
0x39: {  	_ = 	snop;
	(pc) =	sbr.ind lr, $3  }
0x3a: {  	_ = 	snop  }
0x3b: {  	_ = 	snop  }
0x3c: {  	p2 =	seq.s32 s10, $0x1;
	s10 =	sld [smem:$0x3F7F]  }
0x3d: {  	_ =	shalt  }
0x3e: {  	_ =	shalt  }
0x3f: {  	_ =	shalt  }
0x40: {  	_ =	shalt  }
0x41: {  	_ =	shalt  }
0x42: {  	_ =	shalt  }
0x43: {  	_ =	shalt  }
0x44: {  	_ =	shalt  }
0x45: {  	_ =	shalt  }
0x46: {  	_ =	shalt  }
0x47: {  	_ =	shalt  }
0x48: {  	_ =	shalt  }
0x49: {  	_ =	shalt  }
0x4a: {  	_ =	shalt  }
0x4b: {  	_ =	shalt  }
0x4c: {  	_ =	shalt  }
0x4d: {  	_ =	shalt  }
0x4e: {  	_ =	shalt  }
0x4f: {  	_ =	shalt  }
0x50: {  	_ =	shalt  }
0x51: {  	_ =	shalt  }
0x52: {  	_ =	shalt  }
0x53: {  	_ =	shalt  }
0x54: {  	_ =	shalt  }
0x55: {  	_ =	shalt  }
0x56: {  	_ =	shalt  }
0x57: {  	_ =	shalt  }
0x58: {  	_ =	shalt  }
0x59: {  	_ =	shalt  }
0x5a: {  	_ =	shalt  }
0x5b: {  	_ =	shalt  }
0x5c: {  	_ =	shalt  }
0x5d: {  	_ =	shalt  }
0x5e: {  	_ =	shalt  }
0x5f: {  	_ =	shalt  }
0x60: {  	_ =	shalt  }
0x61: {  	_ =	shalt  }
0x62: {  	_ =	shalt  }
0x63: {  	_ =	shalt  }
0x64: {  	_ =	shalt  }
0x65: {  	_ =	shalt  }
0x66: {  	_ =	shalt  }
0x67: {  	_ =	shalt  }
0x68: {  	_ =	shalt  }
0x69: {  	_ =	shalt  }
0x6a: {  	_ =	shalt  }
0x6b: {  	_ =	shalt  }
0x6c: {  	_ =	shalt  }
0x6d: {  	_ =	shalt  }
0x6e: {  	_ =	shalt  }
0x6f: {  	_ =	shalt  }
0x70: {  	_ =	shalt  }
0x71: {  	_ =	shalt  }
0x72: {  	_ =	shalt  }
0x73: {  	_ =	shalt  }
0x74: {  	_ =	shalt  }
0x75: {  	_ =	shalt  }
0x76: {  	_ =	shalt  }
0x77: {  	_ =	shalt  }
0x78: {  	_ =	shalt  }
0x79: {  	_ =	shalt  }
0x7a: {  	_ =	shalt  }
0x7b: {  	_ =	shalt  }
0x7c: {  	_ =	shalt  }
0x7d: {  	_ =	shalt  }
0x7e: {  	_ =	shalt  }
0x7f: {  	_ =	shalt  }
0x80: {  	_ =	shalt  }
0x81: {  	_ =	shalt  }
0x82: {  	_ =	shalt  }
0x83: {  	_ =	shalt  }
0x84: {  	_ =	shalt  }
0x85: {  	_ =	shalt  }
0x86: {  	_ =	shalt  }
0x87: {  	_ =	shalt  }
.Lfunc_end0:
.L_simem_size_0:
called_computation.1_lowered:
.L_overlay_start_0:
0x88: {  	s2 =	sld [smem:$0x3FD9]  }
0x89: {  	s3 =	sld [smem:$0x3FFE];
	_ =	sdelay $0x1  }
0x8a: {  	s1 =	srdreg.scid  }
0x8b: {  	s0 =	sand.u32 $0x1, s1  }
0x8c: {  	s14 =	sshll.u32 s0, $0xA;
	s2 =	sadd.s32 s3, s2  }
0x8d: {  	s2 =	sadd.s32 s2, s14  }
0x8e: {  	[smem:$0x3F8B] =	sst s2  }
0x8f: {  	_ = 	snop  }
0x90: {  	s2 =	sld [smem:$0x3FD0];
	_ =	sdelay $0x2  }
0x91: {  	s15 =	simm.s32 $0xB;
	s4 =	simm.s32 $0x10  }
0x92: {  	[smem:s4], [sflag:s15] =	dma.local [hbm:s2], $0x1  }
0x93: {  	_ =	swait.eq [sflag:s15], $0x1  }
0x94: {  	[sflag:s15] =	ssyncset.done $0x0  }
0x95: {  	[sflag:s15] =	ssyncadd.s32 $0xFFFFFFFF  }
0x96: {  	s16 =	sld [smem:$0x10];
	(tm) =	ssettm $0x1  }
0x97: {  	s17 =	sld [smem:$0x3FFB];
	_ =	sdelay $0x3  }
0x98: {  	_ =	strace s17  }
0x99: {  	s3 =	sld [smem:$0x3FFC];
	_ =	sdelay $0x3  }
0x9a: {  	_ =	strace s3  }
0x9b: {  	s3 =	sld [smem:$0x3FFD];
	_ =	sdelay $0x3  }
0x9c: {  	_ =	strace s3  }
0x9d: {  	_ =	strace $0x8FFFFFFF  }
0x9e: {  	s18 =	sld [smem:$0x3FDB];
	_ =	sdelay $0x1  }
0x9f: {  	s19 =	simm.s32 $_scs_section_size  }
0xa0: {  	s5 =	simm.s32 $_size__tile_overlayer_lowered;
	s6 =	simm.s32 $_tile_overlayer_lowered  }
0xa1: {  	s22 =	simm.s32 $0x1BFF;
	s21 =	sshll.u32 s6, $0x1;
	s3 =	sadd.s32 s19, s18  }
0xa2: {  	s7 =	simm.s32 $0x0;
	s20 =	sshll.u32 s5, $0x1;
	s5 =	sadd.s32 s21, s3  }
0xa3: {  	[timem:s7], [sflag:s22] =	dma.local [hbm:s5], s20  }
0xa4: {  	_ =	swait.ge [sflag:s22], s20  }
0xa5: {  	s4 =	ssub.s32 $0x0, s20;
	[sflag:s22] =	ssyncset.done $0x0  }
0xa6: {  	[sflag:s22] =	ssyncadd.s32 s4;
	_ =	sdelay $0x1  }
0xa7: {  	s23 =	simm.s32 $0x1B8B  }
0xa8: {  	_ =	swait.ge [sflag:s23], $0x1  }
0xa9: {  	[sflag:s23] =	ssyncset.done $0x0  }
0xaa: {  	s25 =	simm.s32 $0x1B8E;
	s24 =	sld [smem:$0x3FFE];
	[sflag:s23] =	ssyncadd.s32 $0xFFFFFFFF  }
0xab: {  	s26 =	simm.s32 $execute0_lowered;
	[smem:$0x3FD2] =	sst s25  }
0xac: {  	s5 =	sshll.u32 s26, $0x1;
	_ =	strace $0x80000046;
	[dreg:$0x1] =	wrdreg $0xFFFFFFFF  }
0xad: {  	s28 =	simm.s32 $_size_execute0_lowered;
	s3 =	sadd.s32 s3, s5;
	[dreg:$0x0] =	wrdreg $0x0  }
0xae: {  	s5 =	sshll.u32 s28, $0x1;
	[dreg:$0x2] =	wrdreg s3  }
0xaf: {  	[dreg:$0x3] =	wrdreg s5  }
0xb0: {  	[dreg:$0x4] =	wrdreg $0xC0  }
0xb1: {  	_ =	task [dreg:s7], $0x5FFFF  }
0xb2: {  	[dreg:$0x1] =	wrdreg $0xFFFFFFFF  }
0xb3: {  	[dreg:$0x0] =	wrdreg $0x60  }
0xb4: {  	[dreg:$0x2] =	wrdreg s24  }
0xb5: {  	[dreg:$0x3] =	wrdreg s16  }
0xb6: {  	[dreg:$0x4] =	wrdreg $0xB8000  }
0xb7: {  	[dreg:$0x5] =	wrdreg $0xA  }
0xb8: {  	_ =	task.clear_ibuf [dreg:s7], $0x6FFFF;
	_ =	strace $0x90000046  }
0xb9: {  	s29 =	simm.s32 $0xA;
	_ =	strace $0x80000048  }
0xba: {  	_ =	swait.ge [sflag:s29], $0x1  }
0xbb: {  	[sflag:s29] =	ssyncadd.s32 $0xFFFFFFFF  }
0xbc: {  	_ =	strace $0x90000048  }
0xbd: {  	_ =	sfence  }
0xbe: {  	s30 =	sld [smem:$0x0];
	_ =	sdelay $0x2  }
0xbf: {  	s31 =	sshll.u32 s1, $0xD;
	s1 =	sshrl.u32 s1, $0x2  }
0xc0: {  	s3 =	sand.u32 $0x4000, s31;
	s1 =	sadd.s32 s1, s30  }
0xc1: {  	s0 =	sor.u32 s3, s0;
	s1 =	sshll.u32 s1, $0x11  }
0xc2: {  	s0 =	sor.u32 s1, s0  }
0xc3: {  	s0 =	sadd.s32 $0x8F2B, s0  }
0xc4: {  	[sflag:s0] =	ssyncadd.remote.s32 $0x1  }
0xc5: {  	_ =	sfence.sel $0xFFFF  }
0xc6: {  	[dreg:$0x0] =	wrdreg $0xFFFFFFFF;
	(pc) =	sbr.abs _section_cstart, $3  }
0xc7: {  	[dreg:$0x1] =	wrdreg $0xFFFFFFFF  }
0xc8: {  	_ =	task.clear_ibuf [dreg:s7], $0x2FFFF;
	_ =	strace $0x9FFFFFFF  }
0xc9: {  	(tm) =	ssettm $0x7FFFFFFF  }
tec
execute0_lowered:
.L_overlay_start_1:
0x0: {  	(tag) =	ssettag $0x1  }
0x1: {  	s9 =	rddreg [dreg:$0x0]  }
0x2: {  	s14 =	rddreg [dreg:$0x1]  }
0x3: {  	s1 =	rddreg [dreg:$0x2];
	s2 =	simm.s32 $0x0  }
0x4: {  	s7 =	srdreg.scid;
	s4 =	stileid.u32;
	s23 =	simm.s32 $0x7800  }
0x5: {  	s24 =	simm.s32 $0x1;
	[smem:$0x7FF] =	sst s2;
	s3 =	sadd.s32 $0x18E00, s9  }
0x6: {  	s5 =	sadd.s32 $0x40E00, s9;
	s6 =	sadd.s32 $0x68E00, s9;
	s13 =	sadd.s32 $0x13E00, s9  }
0x7: {  	s15 =	sand.u32 $0x1, s7;
	s16 =	sadd.s32 $0xEE00, s9;
	s11 =	smul.u32 $0x50000, s4  }
0x8: {  	s7 =	sadd.s32 $0x90E00, s9;
	s8 =	sadd.s32 $0x93600, s9;
	s9 =	sadd.s32 $0xBB600, s9  }
0x9: {  	s29 =	sshrl.u32 s4, $0x1;
	s30 =	sshll.u32 s4, $0x6;
	s19 =	smul.u32 $0x500, s4  }
0xa: {  	s20 =	sand.u32 $0x1, s4;
	_ =	strace $0x80000047;
	s10 =	ssub.s32 $0x2, s15  }
0xb: {  	s28 =	sshll.u32 s15, $0x3;
	p0 =	seq.s32 s20, $0x1;
	s20 =	simm.s32 $0x280  }
0xc: {  	s22 =	smul.u32 $0x28000, s15;
	s12 =	sshrl.u32 s10, $0x1;
	s26 =	sshrl.u32 s11, $0x2  }
0xd: {  	s11 =	sor.u32 s29, s28;
	s20 =	simm.s32 @!p0 $0x0;
	p0 =	sne.s32 s15, $0x0  }
0xe: {  	s17 =	ssub.s32 s10, s12;
	s18 =	sadd.s32 s26, s1;
	s10 =	sor.u32 $0x1C02, s30  }
0xf: {  	s21 =	smul.u32 $0x500, s11;
	s11 =	sadd.s32 s13, s19;
	s12 =	sadd.s32 s16, s19  }
0x10: {  	s25 =	sadd.s32 s14, s22;
	s19 =	simm.s32 $0x5000;
	s22 =	simm.s32 $0x80  }
0x11: {  	s26 =	simm.s32 $0x0;
	s14 =	smax.u32 s17, $0x1;
	s15 =	sshrl.u32 s18, $0x3  }
0x12: {  	s17 =	simm.s32 $0x2800;
	s31 =	sadd.s32 s13, s21;
	s13 =	smul.u32 $0x2800, s4  }
0x13: {  	s21 =	sadd.s32 s16, s21;
	s16 =	simm.s32 $0x2;
	s18 =	sadd.s32 s20, s31  }
0x14: {  	s20 =	sadd.s32 s20, s21;
	s21 =	simm.s32 $0x6400;
	s25 =	sadd.s32 s13, s25  }
.LBB2_1:
0x15: {  	[spmem:s15], [sflag:s10] =	dma.local [hbm:s7], $0x2800  }
0x16: {  	_ =	swait.ge [sflag:s16], $0x2800  }
0x17: {  	[sflag:s16] =	ssyncset.done $0x0  }
0x18: {  	[sflag:s16] =	ssyncadd.s32 $0xFFFFD800  }
0x19: {  	[tilespmem:s2], [sflag:$0x2] =	stream.linear.gather [hbm4b:s11+s2], $0x2800, $0x38;
	[tilespmem:$0x1F800] =	vst v63  }
0x1a: {  	_ =	swait.ge [sflag:s16], $0x2800  }
0x1b: {  	[sflag:s16] =	ssyncset.done $0x0  }
0x1c: {  	[sflag:s16] =	ssyncadd.s32 $0xFFFFD800  }
0x1d: {  	[tilespmem:s17], [sflag:$0x2] =	stream.linear.gather [hbm4b:s12+s2], $0x2800, $0x38;
	[tilespmem:$0x1F800] =	vst v63  }
0x1e: {  	_ =	swait.ge [sflag:s16], $0x2800  }
0x1f: {  	[sflag:s16] =	ssyncset.done $0x0  }
0x20: {  	[sflag:s16] =	ssyncadd.s32 $0xFFFFD800  }
0x21: {  	[tilespmem:s19], [sflag:$0x2] =	stream.linear.gather [hbm4b:s18+s2], $0x1400, $0x38;
	[tilespmem:$0x1F800] =	vst v63  }
0x22: {  	_ =	swait.ge [sflag:s16], $0x1400  }
0x23: {  	[sflag:s16] =	ssyncset.done $0x0  }
0x24: {  	[sflag:s16] =	ssyncadd.s32 $0xFFFFEC00  }
0x25: {  	[tilespmem:s21], [sflag:$0x2] =	stream.linear.gather [hbm4b:s20+s2], $0x1400, $0x38;
	[tilespmem:$0x1F800] =	vst v63  }
.Ltmp0:
0x26: {  	_ =	swait.ge [sflag:s16], $0x1400;
	(pc) =	sbr.rel @p0 .LBB2_5-.Ltmp0, $4  }
0x27: {  	[sflag:s16] =	ssyncset.done $0x0  }
0x28: {  	[sflag:s16] =	ssyncadd.s32 $0xFFFFEC00  }
0x29: {  	[bflag:$0x0] =	sbarrier.arrive $0xFFFF  }
0x2a: {  	s28 =	simm.s32 $0x0  }
0x2b: {  	[tilespmem:s23], [sflag:$0x1] =	stream.indirect.gather [hbm4b:s3+s22], $0x80, s28, s22, $0xb8;
	[tilespmem:$0x1F800] =	vst v63  }
0x2c: {  	_ =	swait.ge [sflag:s24], $0x4000  }
0x2d: {  	[sflag:s24] =	ssyncset.done $0x0  }
0x2e: {  	s28 =	simm.s32 $0x2800;
	[sflag:s24] =	ssyncadd.s32 $0xFFFFC000  }
0x2f: {  	[spmem:s1] =	stream.indirect.scatter.add.f32 [tilespmem:s23], [sflag:$0x2], $0x80, s28, s22, $0xb8;
	[tilespmem:$0x1F800] =	vst v63  }
0x30: {  	_ =	swait.ge [sflag:s16], $0x4000  }
0x31: {  	s29 =	simm.s32 $0x400;
	s28 =	simm.s32 $0x200;
	[sflag:s16] =	ssyncset.done $0x0  }
.LBB2_3:
0x32: {  	s30 =	sshra.s32 s28, $0x2  }
0x33: {  	[sflag:s16] =	ssyncadd.s32 $0xFFFFC000;
	s28 =	smov.u32 s29;
	s31 =	sadd.s32 $0x200, s29  }
0x34: {  	[tilespmem:s23], [sflag:$0x1] =	stream.indirect.gather [hbm4b:s3+s22], $0x80, s30, s22, $0xb8;
	[tilespmem:$0x1F800] =	vst v63  }
0x35: {  	p1 =	seq.s32 s29, $0x9E00;
	_ =	swait.ge [sflag:s24], $0x4000  }
.Ltmp1:
0x36: {  	[sflag:s24] =	ssyncset.done $0x0;
	(pc) =	sbr.rel @!p1 .LBB2_3-.Ltmp1, $4  }
0x37: {  	s29 =	sadd.s32 $0x2800, s30;
	[sflag:s24] =	ssyncadd.s32 $0xFFFFC000  }
0x38: {  	[spmem:s1] =	stream.indirect.scatter.add.f32 [tilespmem:s23], [sflag:$0x2], $0x80, s29, s22, $0xb8;
	[tilespmem:$0x1F800] =	vst v63  }
0x39: {  	_ =	swait.ge [sflag:s16], $0x4000  }
0x3a: {  	s29 =	smov.u32 s31;
	[sflag:s16] =	ssyncset.done $0x0  }
0x3b: {  	s28 =	sshra.s32 s28, $0x2;
	[sflag:s16] =	ssyncadd.s32 $0xFFFFC000  }
0x3c: {  	[tilespmem:s23], [sflag:$0x1] =	stream.indirect.gather [hbm4b:s3+s22], $0x80, s28, s22, $0xb8;
	[tilespmem:$0x1F800] =	vst v63  }
0x3d: {  	_ =	swait.ge [sflag:s24], $0x4000  }
0x3e: {  	[sflag:s24] =	ssyncset.done $0x0  }
.Ltmp2:
0x3f: {  	s28 =	sadd.s32 $0x2800, s28;
	[sflag:s24] =	ssyncadd.s32 $0xFFFFC000;
	(pc) =	sbr.rel .LBB2_8-.Ltmp2, $4  }
0x40: {  	[spmem:s1] =	stream.indirect.scatter.add.f32 [tilespmem:s23], [sflag:$0x2], $0x80, s28, s22, $0xb8;
	[tilespmem:$0x1F800] =	vst v63  }
0x41: {  	_ =	swait.ge [sflag:s16], $0x4000  }
0x42: {  	[sflag:s16] =	ssyncset.done $0x0  }
0x43: {  	s28 =	smov.u32 s8;
	[sflag:s16] =	ssyncadd.s32 $0xFFFFC000  }
.LBB2_5:
0x44: {  	[tilespmem:s23], [sflag:$0x1] =	stream.indirect.gather [hbm4b:s5+s22], $0x80, s28, s22, $0xb8;
	[tilespmem:$0x1F800] =	vst v63  }
0x45: {  	_ =	swait.ge [sflag:s24], $0x4000  }
0x46: {  	[sflag:s24] =	ssyncset.done $0x0  }
0x47: {  	s28 =	simm.s32 $0x2800;
	[sflag:s24] =	ssyncadd.s32 $0xFFFFC000  }
0x48: {  	[spmem:s1] =	stream.indirect.scatter.add.f32 [tilespmem:s23], [sflag:$0x2], $0x80, s28, s22, $0xb8;
	[tilespmem:$0x1F800] =	vst v63  }
0x49: {  	_ =	swait.ge [sflag:s16], $0x4000  }
0x4a: {  	s29 =	simm.s32 $0x400;
	s28 =	simm.s32 $0x200;
	[sflag:s16] =	ssyncset.done $0x0  }
.LBB2_6:
0x4b: {  	s30 =	sshra.s32 s28, $0x2  }
0x4c: {  	[sflag:s16] =	ssyncadd.s32 $0xFFFFC000;
	s28 =	smov.u32 s29;
	s31 =	sadd.s32 $0x200, s29  }
0x4d: {  	[tilespmem:s23], [sflag:$0x1] =	stream.indirect.gather [hbm4b:s5+s22], $0x80, s30, s22, $0xb8;
	[tilespmem:$0x1F800] =	vst v63  }
0x4e: {  	p1 =	sne.s32 s29, $0x9E00;
	_ =	swait.ge [sflag:s24], $0x4000  }
.Ltmp3:
0x4f: {  	[sflag:s24] =	ssyncset.done $0x0;
	(pc) =	sbr.rel @p1 .LBB2_6-.Ltmp3, $4  }
0x50: {  	s29 =	sadd.s32 $0x2800, s30;
	[sflag:s24] =	ssyncadd.s32 $0xFFFFC000  }
0x51: {  	[spmem:s1] =	stream.indirect.scatter.add.f32 [tilespmem:s23], [sflag:$0x2], $0x80, s29, s22, $0xb8;
	[tilespmem:$0x1F800] =	vst v63  }
0x52: {  	_ =	swait.ge [sflag:s16], $0x4000  }
0x53: {  	s29 =	smov.u32 s31;
	[sflag:s16] =	ssyncset.done $0x0  }
0x54: {  	s28 =	sshra.s32 s28, $0x2;
	[sflag:s16] =	ssyncadd.s32 $0xFFFFC000  }
0x55: {  	[tilespmem:s23], [sflag:$0x1] =	stream.indirect.gather [hbm4b:s5+s22], $0x80, s28, s22, $0xb8;
	[tilespmem:$0x1F800] =	vst v63  }
0x56: {  	_ =	swait.ge [sflag:s24], $0x4000  }
0x57: {  	[sflag:s24] =	ssyncset.done $0x0  }
0x58: {  	s28 =	sadd.s32 $0x2800, s28;
	[sflag:s24] =	ssyncadd.s32 $0xFFFFC000  }
0x59: {  	[spmem:s1] =	stream.indirect.scatter.add.f32 [tilespmem:s23], [sflag:$0x2], $0x80, s28, s22, $0xb8;
	[tilespmem:$0x1F800] =	vst v63  }
0x5a: {  	_ =	swait.ge [sflag:s16], $0x4000  }
0x5b: {  	[sflag:s16] =	ssyncset.done $0x0  }
0x5c: {  	s28 =	smov.u32 s9;
	[sflag:s16] =	ssyncadd.s32 $0xFFFFC000  }
.LBB2_8:
0x5d: {  	s28 =	sadd.s32 s28, s13;
	[bflag:$0x0] =	sbarrier.arrive $0xFFFF  }
0x5e: {  	[hbm:s28], [sflag:s10] =	dma.local [spmem:s15], $0x2800  }
0x5f: {  	_ =	swait.ge [sflag:s16], $0x2800  }
0x60: {  	[sflag:s16] =	ssyncset.done $0x0  }
0x61: {  	[sflag:s16] =	ssyncadd.s32 $0xFFFFD800  }
0x62: {  	[spmem:s15], [sflag:s10] =	dma.local [hbm:s7], $0x2800  }
0x63: {  	_ =	swait.ge [sflag:s16], $0x2800  }
0x64: {  	[sflag:s16] =	ssyncset.done $0x0  }
0x65: {  	[sflag:s16] =	ssyncadd.s32 $0xFFFFD800  }
0x66: {  	s28 =	simm.s32 $0x5000;
	[bflag:$0x0] =	sbarrier.arrive $0xFFFF  }
0x67: {  	[tilespmem:s23], [sflag:$0x1] =	stream.indirect.gather [hbm4b:s6+s22], $0x80, s28, s22, $0xb8;
	[tilespmem:$0x1F800] =	vst v63  }
0x68: {  	_ =	swait.ge [sflag:s24], $0x4000  }
0x69: {  	[sflag:s24] =	ssyncset.done $0x0  }
0x6a: {  	s28 =	simm.s32 $0x6400;
	[sflag:s24] =	ssyncadd.s32 $0xFFFFC000  }
0x6b: {  	[spmem:s1] =	stream.indirect.scatter.add.f32 [tilespmem:s23], [sflag:$0x2], $0x80, s28, s22, $0xb8;
	[tilespmem:$0x1F800] =	vst v63  }
0x6c: {  	_ =	swait.ge [sflag:s16], $0x4000  }
0x6d: {  	s29 =	simm.s32 $0x400;
	s28 =	simm.s32 $0x80;
	[sflag:s16] =	ssyncset.done $0x0  }
.LBB2_9:
0x6e: {  	s30 =	sadd.s32 $0x5000, s28  }
0x6f: {  	[sflag:s16] =	ssyncadd.s32 $0xFFFFC000;
	s31 =	smov.u32 s29;
	s0 =	sadd.s32 $0x200, s29  }
0x70: {  	[tilespmem:s23], [sflag:$0x1] =	stream.indirect.gather [hbm4b:s6+s22], $0x80, s30, s22, $0xb8;
	[tilespmem:$0x1F800] =	vst v63  }
0x71: {  	p1 =	sne.s32 s29, $0x4E00;
	_ =	swait.ge [sflag:s24], $0x4000  }
.Ltmp4:
0x72: {  	[sflag:s24] =	ssyncset.done $0x0;
	(pc) =	sbr.rel @p1 .LBB2_9-.Ltmp4, $4  }
0x73: {  	s28 =	sadd.s32 $0x6400, s28;
	[sflag:s24] =	ssyncadd.s32 $0xFFFFC000  }
0x74: {  	[spmem:s1] =	stream.indirect.scatter.add.f32 [tilespmem:s23], [sflag:$0x2], $0x80, s28, s22, $0xb8;
	[tilespmem:$0x1F800] =	vst v63  }
0x75: {  	_ =	swait.ge [sflag:s16], $0x4000  }
0x76: {  	s29 =	smov.u32 s0;
	s28 =	sshra.s32 s31, $0x2;
	[sflag:s16] =	ssyncset.done $0x0  }
0x77: {  	s0 =	sadd.s32 $0x5000, s28;
	[sflag:s16] =	ssyncadd.s32 $0xFFFFC000  }
0x78: {  	[tilespmem:s23], [sflag:$0x1] =	stream.indirect.gather [hbm4b:s6+s22], $0x80, s0, s22, $0xb8;
	[tilespmem:$0x1F800] =	vst v63  }
0x79: {  	_ =	swait.ge [sflag:s24], $0x4000  }
0x7a: {  	[sflag:s24] =	ssyncset.done $0x0  }
0x7b: {  	s31 =	sadd.s32 $0x6400, s28;
	[sflag:s24] =	ssyncadd.s32 $0xFFFFC000  }
0x7c: {  	[spmem:s1] =	stream.indirect.scatter.add.f32 [tilespmem:s23], [sflag:$0x2], $0x80, s31, s22, $0xb8;
	[tilespmem:$0x1F800] =	vst v63  }
0x7d: {  	_ =	swait.ge [sflag:s16], $0x4000  }
0x7e: {  	s26 =	sadd.s32 $0x1, s26;
	[sflag:s16] =	ssyncset.done $0x0  }
0x7f: {  	p1 =	sne.s32 s26, s14;
	[sflag:s16] =	ssyncadd.s32 $0xFFFFC000  }
.Ltmp5:
0x80: {  	[bflag:$0x0] =	sbarrier.arrive $0xFFFF;
	(pc) =	sbr.rel @p1 .LBB2_1-.Ltmp5, $4  }
0x81: {  	[hbm:s25], [sflag:s10] =	dma.local [spmem:s15], $0x2800  }
0x82: {  	_ =	swait.ge [sflag:s16], $0x2800  }
0x83: {  	[sflag:s16] =	ssyncset.done $0x0  }
0x84: {  	[sflag:s16] =	ssyncadd.s32 $0xFFFFD800  }
0x85: {  	_ =	sfence.sel $0x180000  }
0x86: {  	[bflag:$0x0] =	sbarrier.arrive $0xFFFF  }
0x87: {  	_ =	strace $0x90000047  }
0x88: {  	[bflag:$0x2] =	sbarrier.arrive $0xFFFF  }
0x89: {  	p0 =	sne.s32 s4, $0x0;
	s0 =	rddreg [dreg:$0x3]  }
0x8a: {  	s0 =	sadd.s32 @!p0 $0x100000, s0  }
0x8b: {  	[sflag:s0] =	ssyncadd.tile.s32 @!p0 $0x1;
	_ =	shalt  }
.Lfunc_end2:
_tile_overlayer_lowered:
.L_overlay_start_2:
0x8c: {  	(tag) =	ssettag $0x2  }
0x8d: {  	s0 =	rddreg [dreg:$0x0];
	s2 =	stileid.u32  }
0x8e: {  	s1 =	rddreg [dreg:$0x1];
	p0 =	sne.s32 s2, $0x0  }
0x8f: {  	s3 =	rddreg [dreg:$0x2];
	[bflag:$0x3] =	sbarrier.arrive $0xFFFF;
	s2 =	simm.s32 @!p0 $0x1C02  }
0x90: {  	[timem:s3], [sflag:s2] =	dma.local @!p0 [hbm:s0], s1  }
0x91: {  	s0 =	simm.s32 @!p0 $0x2  }
0x92: {  	_ =	swait.ge @!p0 [sflag:s0], s1  }
0x93: {  	s1 =	ssub.s32 @!p0 $0x0, s1;
	[sflag:s0] =	ssyncset.done @!p0 $0x0  }
0x94: {  	[sflag:s0] =	ssyncadd.s32 @!p0 s1  }
0x95: {  	[bflag:$0x3] =	sbarrier.arrive $0xFFFF  }
0x96: {  	_ =	shalt  }

// kernel: kernel.29.cloned.1.call-start
scs
__scs_entry_jumppad:
0x0: {  	(pc) =	sbr.rel $0x88, $3  }
0x1: {  	(tag) =	ssettag $0x0;
	lr =	simm.s32 $0x1  }
0x2: {  	[smem:$0x3F64] =	sst lr;
	_ =	strace $0xD0000000  }
0x3: {  	_ = 	snop  }
0x4: {  	_ = 	snop  }
0x5: {  	_ = 	snop  }
0x6: {  	_ = 	snop  }
0x7: {  	_ = 	snop  }
__scs_overlays_trampoline_lowered:
0x8: {  	[smem:$0x3F73] =	sst s0  }
0x9: {  	[smem:$0x3F74] =	sst s1  }
0xa: {  	[smem:$0x3F75] =	sst s2  }
0xb: {  	[smem:$0x3F76] =	sst s3  }
0xc: {  	[smem:$0x3F77] =	sst s4  }
0xd: {  	[smem:$0x3F78] =	sst s5  }
0xe: {  	[smem:$0x3F79] =	sst s6  }
0xf: {  	[smem:$0x3F7A] =	sst s7  }
0x10: {  	[smem:$0x3F7B] =	sst s8  }
0x11: {  	[smem:$0x3F7C] =	sst s9;
	s0 =	simm.s32 @!p0 $0x0  }
0x12: {  	s1 =	sld [smem:$0x3F62];
	s0 =	simm.s32 @p0 $0x1  }
0x13: {  	[smem:$0x3F7D] =	sst s0;
	s0 =	simm.s32 @!p1 $0x0  }
0x14: {  	s2 =	sld [smem:$0x3F61];
	s0 =	simm.s32 @p1 $0x1  }
0x15: {  	[smem:$0x3F7E] =	sst s0;
	s0 =	simm.s32 @!p2 $0x0  }
0x16: {  	s3 =	sld [smem:$0x3FDB];
	s0 =	simm.s32 @p2 $0x1  }
0x17: {  	s4 =	simm.s32 $0x1BF5;
	[smem:$0x3F80] =	sst s0  }
0x18: {  	s0 =	sld [smem:$0x3F63];
	_ =	swait.ge [sflag:s4], $0x0  }
0x19: {  	s7 =	sld [smem:$0x3F64]  }
0x1a: {  	s8 =	sadd.s32 $0xFFFFE003, lr  }
0x1b: {  	s9 =	sadd.s32 $0xFFFFFEF7, lr;
	s5 =	simm.s32 $0xFFFFFFFF;
	p2 =	slt.u32 s8, $0xFFFFF086  }
0x1c: {  	p1 =	slt.u32 s9, $0xF7A;
	s5 =	simm.s32 @!p2 $0x0  }
0x1d: {  	s5 =	simm.s32 @p1 $0x1;
	p0 =	seq.s32 s7, s2  }
0x1e: {  	s7 =	smul.u32 @!p0 $0xF7A, s2;
	p2 =	seq.s32 @!p0 s5, $0x0  }
0x1f: {  	s9 =	smul.u32 $0xF7A, s1;
	s8 =	simm.s32 @!p0 $0x1BF5;
	p2 =	por !p2, p0  }
0x20: {  	[sflag:s8] =	ssyncset.s32 @!p0 $0xFFFFF086;
	s6 =	sadd.s32 @!p0 s3, s7;
	s7 =	simm.s32 @!p0 $0x108  }
0x21: {  	s3 =	sadd.s32 s3, s9;
	s6 =	sadd.s32 @!p0 $0x88, s6;
	s7 =	simm.s32 @p2 $0x1082  }
0x22: {  	[simem:s7], [sflag:s8] =	dma.local @!p0 [hbm:s6], $0xF7A  }
0x23: {  	s9 =	sor.u32 $0xD0000000, s2;
	s6 =	simm.s32 $0x108;
	_ =	swait.ge @!p0 [sflag:s8], $0x0  }
0x24: {  	s3 =	sadd.s32 $0x88, s3;
	s6 =	simm.s32 @!p1 $0x1082;
	[sflag:s4] =	ssyncset.s32 $0xFFFFF086  }
0x25: {  	[simem:s6], [sflag:s4] =	dma.local [hbm:s3], $0xF7A  }
0x26: {  	[smem:$0x3F64] =	sst s1;
	(tag) =	ssettag s2;
	_ =	strace s9  }
0x27: {  	s1 =	sld [smem:$0x3F74]  }
0x28: {  	s2 =	sld [smem:$0x3F75]  }
0x29: {  	s4 =	sld [smem:$0x3F77]  }
0x2a: {  	p0 =	seq.s32 s5, $0x0;
	s5 =	sld [smem:$0x3F78]  }
0x2b: {  	s6 =	sld [smem:$0x3F79]  }
0x2c: {  	s7 =	sld [smem:$0x3F7A]  }
0x2d: {  	s3 =	simm.s32 $0x108;
	s8 =	sld [smem:$0x3F7B]  }
0x2e: {  	s3 =	simm.s32 @!p0 $0x1082;
	s9 =	sld [smem:$0x3F7C]  }
0x2f: {  	lr =	sadd.s32 s0, s3;
	s0 =	sld [smem:$0x3F73]  }
0x30: {  	s3 =	sld [smem:$0x3F76]  }
0x31: {  	[smem:$0x3F7F] =	sst s10  }
0x32: {  	s10 =	sld [smem:$0x3F7D];
	_ =	sdelay $0x3  }
0x33: {  	p0 =	seq.s32 s10, $0x1;
	s10 =	sld [smem:$0x3F7F];
	_ =	sdelay $0x3  }
0x34: {  	[smem:$0x3F7F] =	sst s10  }
0x35: {  	s10 =	sld [smem:$0x3F7E];
	_ =	sdelay $0x3  }
0x36: {  	p1 =	seq.s32 s10, $0x1;
	s10 =	sld [smem:$0x3F7F];
	_ =	sdelay $0x3  }
0x37: {  	[smem:$0x3F7F] =	sst s10  }
0x38: {  	s10 =	sld [smem:$0x3F80]  }
0x39: {  	_ = 	snop;
	(pc) =	sbr.ind lr, $3  }
0x3a: {  	_ = 	snop  }
0x3b: {  	_ = 	snop  }
0x3c: {  	p2 =	seq.s32 s10, $0x1;
	s10 =	sld [smem:$0x3F7F]  }
0x3d: {  	_ =	shalt  }
0x3e: {  	_ =	shalt  }
0x3f: {  	_ =	shalt  }
0x40: {  	_ =	shalt  }
0x41: {  	_ =	shalt  }
0x42: {  	_ =	shalt  }
0x43: {  	_ =	shalt  }
0x44: {  	_ =	shalt  }
0x45: {  	_ =	shalt  }
0x46: {  	_ =	shalt  }
0x47: {  	_ =	shalt  }
0x48: {  	_ =	shalt  }
0x49: {  	_ =	shalt  }
0x4a: {  	_ =	shalt  }
0x4b: {  	_ =	shalt  }
0x4c: {  	_ =	shalt  }
0x4d: {  	_ =	shalt  }
0x4e: {  	_ =	shalt  }
0x4f: {  	_ =	shalt  }
0x50: {  	_ =	shalt  }
0x51: {  	_ =	shalt  }
0x52: {  	_ =	shalt  }
0x53: {  	_ =	shalt  }
0x54: {  	_ =	shalt  }
0x55: {  	_ =	shalt  }
0x56: {  	_ =	shalt  }
0x57: {  	_ =	shalt  }
0x58: {  	_ =	shalt  }
0x59: {  	_ =	shalt  }
0x5a: {  	_ =	shalt  }
0x5b: {  	_ =	shalt  }
0x5c: {  	_ =	shalt  }
0x5d: {  	_ =	shalt  }
0x5e: {  	_ =	shalt  }
0x5f: {  	_ =	shalt  }
0x60: {  	_ =	shalt  }
0x61: {  	_ =	shalt  }
0x62: {  	_ =	shalt  }
0x63: {  	_ =	shalt  }
0x64: {  	_ =	shalt  }
0x65: {  	_ =	shalt  }
0x66: {  	_ =	shalt  }
0x67: {  	_ =	shalt  }
0x68: {  	_ =	shalt  }
0x69: {  	_ =	shalt  }
0x6a: {  	_ =	shalt  }
0x6b: {  	_ =	shalt  }
0x6c: {  	_ =	shalt  }
0x6d: {  	_ =	shalt  }
0x6e: {  	_ =	shalt  }
0x6f: {  	_ =	shalt  }
0x70: {  	_ =	shalt  }
0x71: {  	_ =	shalt  }
0x72: {  	_ =	shalt  }
0x73: {  	_ =	shalt  }
0x74: {  	_ =	shalt  }
0x75: {  	_ =	shalt  }
0x76: {  	_ =	shalt  }
0x77: {  	_ =	shalt  }
0x78: {  	_ =	shalt  }
0x79: {  	_ =	shalt  }
0x7a: {  	_ =	shalt  }
0x7b: {  	_ =	shalt  }
0x7c: {  	_ =	shalt  }
0x7d: {  	_ =	shalt  }
0x7e: {  	_ =	shalt  }
0x7f: {  	_ =	shalt  }
0x80: {  	_ =	shalt  }
0x81: {  	_ =	shalt  }
0x82: {  	_ =	shalt  }
0x83: {  	_ =	shalt  }
0x84: {  	_ =	shalt  }
0x85: {  	_ =	shalt  }
0x86: {  	_ =	shalt  }
0x87: {  	_ =	shalt  }
.Lfunc_end0:
.L_simem_size_0:
called_computation.2_lowered:
.L_overlay_start_0:
0x88: {  	s2 =	sld [smem:$0x3FD9]  }
0x89: {  	s3 =	sld [smem:$0x3FFE];
	_ =	sdelay $0x1  }
0x8a: {  	s1 =	srdreg.scid  }
0x8b: {  	s0 =	sand.u32 $0x1, s1  }
0x8c: {  	s14 =	sshll.u32 s0, $0xA;
	s2 =	sadd.s32 s3, s2  }
0x8d: {  	s2 =	sadd.s32 s2, s14  }
0x8e: {  	[smem:$0x3F8B] =	sst s2  }
0x8f: {  	_ = 	snop  }
0x90: {  	s2 =	sld [smem:$0x3FD0];
	_ =	sdelay $0x2  }
0x91: {  	s15 =	simm.s32 $0xB;
	s4 =	simm.s32 $0x10  }
0x92: {  	[smem:s4], [sflag:s15] =	dma.local [hbm:s2], $0x1  }
0x93: {  	_ =	swait.eq [sflag:s15], $0x1  }
0x94: {  	[sflag:s15] =	ssyncset.done $0x0  }
0x95: {  	[sflag:s15] =	ssyncadd.s32 $0xFFFFFFFF  }
0x96: {  	s16 =	sld [smem:$0x10];
	(tm) =	ssettm $0x1  }
0x97: {  	s17 =	sld [smem:$0x3FFB];
	_ =	sdelay $0x3  }
0x98: {  	_ =	strace s17  }
0x99: {  	s3 =	sld [smem:$0x3FFC];
	_ =	sdelay $0x3  }
0x9a: {  	_ =	strace s3  }
0x9b: {  	s3 =	sld [smem:$0x3FFD];
	_ =	sdelay $0x3  }
0x9c: {  	_ =	strace s3  }
0x9d: {  	_ =	strace $0x8FFFFFFF  }
0x9e: {  	s18 =	sld [smem:$0x3FDB];
	_ =	sdelay $0x1  }
0x9f: {  	s19 =	simm.s32 $_scs_section_size  }
0xa0: {  	s5 =	simm.s32 $_size__tile_overlayer_lowered;
	s6 =	simm.s32 $_tile_overlayer_lowered  }
0xa1: {  	s22 =	simm.s32 $0x1BFF;
	s21 =	sshll.u32 s6, $0x1;
	s3 =	sadd.s32 s19, s18  }
0xa2: {  	s7 =	simm.s32 $0x0;
	s20 =	sshll.u32 s5, $0x1;
	s5 =	sadd.s32 s21, s3  }
0xa3: {  	[timem:s7], [sflag:s22] =	dma.local [hbm:s5], s20  }
0xa4: {  	_ =	swait.ge [sflag:s22], s20  }
0xa5: {  	s4 =	ssub.s32 $0x0, s20;
	[sflag:s22] =	ssyncset.done $0x0  }
0xa6: {  	[sflag:s22] =	ssyncadd.s32 s4;
	_ =	sdelay $0x1  }
0xa7: {  	s23 =	simm.s32 $0x1B8B  }
0xa8: {  	_ =	swait.ge [sflag:s23], $0x1  }
0xa9: {  	[sflag:s23] =	ssyncset.done $0x0  }
0xaa: {  	s25 =	simm.s32 $0x1B8E;
	s24 =	sld [smem:$0x3FFE];
	[sflag:s23] =	ssyncadd.s32 $0xFFFFFFFF  }
0xab: {  	s26 =	simm.s32 $execute0_lowered;
	[smem:$0x3FD2] =	sst s25  }
0xac: {  	s5 =	sshll.u32 s26, $0x1;
	_ =	strace $0x8000004C;
	[dreg:$0x1] =	wrdreg $0xFFFFFFFF  }
0xad: {  	s28 =	simm.s32 $_size_execute0_lowered;
	s3 =	sadd.s32 s3, s5;
	[dreg:$0x0] =	wrdreg $0x0  }
0xae: {  	s5 =	sshll.u32 s28, $0x1;
	[dreg:$0x2] =	wrdreg s3  }
0xaf: {  	[dreg:$0x3] =	wrdreg s5  }
0xb0: {  	[dreg:$0x4] =	wrdreg $0xC0  }
0xb1: {  	_ =	task [dreg:s7], $0x5FFFF  }
0xb2: {  	[dreg:$0x1] =	wrdreg $0xFFFFFFFF  }
0xb3: {  	[dreg:$0x0] =	wrdreg $0x60  }
0xb4: {  	[dreg:$0x2] =	wrdreg s24  }
0xb5: {  	[dreg:$0x3] =	wrdreg s16  }
0xb6: {  	[dreg:$0x4] =	wrdreg $0xB8000  }
0xb7: {  	[dreg:$0x5] =	wrdreg $0x9  }
0xb8: {  	_ =	task.clear_ibuf [dreg:s7], $0x6FFFF;
	_ =	strace $0x9000004C  }
0xb9: {  	s29 =	simm.s32 $0x9;
	_ =	strace $0x8000004E  }
0xba: {  	_ =	swait.ge [sflag:s29], $0x1  }
0xbb: {  	[sflag:s29] =	ssyncadd.s32 $0xFFFFFFFF  }
0xbc: {  	_ =	strace $0x9000004E  }
0xbd: {  	_ =	sfence  }
0xbe: {  	s30 =	sld [smem:$0x0];
	_ =	sdelay $0x2  }
0xbf: {  	s31 =	sshll.u32 s1, $0xD;
	s1 =	sshrl.u32 s1, $0x2  }
0xc0: {  	s3 =	sand.u32 $0x4000, s31;
	s1 =	sadd.s32 s1, s30  }
0xc1: {  	s0 =	sor.u32 s3, s0;
	s1 =	sshll.u32 s1, $0x11  }
0xc2: {  	s0 =	sor.u32 s1, s0  }
0xc3: {  	s0 =	sadd.s32 $0x8F2B, s0  }
0xc4: {  	[sflag:s0] =	ssyncadd.remote.s32 $0x1  }
0xc5: {  	_ =	sfence.sel $0xFFFF  }
0xc6: {  	[dreg:$0x0] =	wrdreg $0xFFFFFFFF;
	(pc) =	sbr.abs _section_cstart, $3  }
0xc7: {  	[dreg:$0x1] =	wrdreg $0xFFFFFFFF  }
0xc8: {  	_ =	task.clear_ibuf [dreg:s7], $0x2FFFF;
	_ =	strace $0x9FFFFFFF  }
0xc9: {  	(tm) =	ssettm $0x7FFFFFFF  }
tec
execute0_lowered:
.L_overlay_start_1:
0x0: {  	(tag) =	ssettag $0x1  }
0x1: {  	s9 =	rddreg [dreg:$0x0]  }
0x2: {  	s14 =	rddreg [dreg:$0x1]  }
0x3: {  	s1 =	rddreg [dreg:$0x2];
	s2 =	simm.s32 $0x0  }
0x4: {  	s7 =	srdreg.scid;
	s4 =	stileid.u32;
	s23 =	simm.s32 $0x7800  }
0x5: {  	s24 =	simm.s32 $0x1;
	[smem:$0x7FF] =	sst s2;
	s3 =	sadd.s32 $0x93600, s9  }
0x6: {  	s5 =	sadd.s32 $0xBB600, s9;
	s6 =	sadd.s32 $0x18E00, s9;
	s13 =	sadd.s32 $0x13E00, s9  }
0x7: {  	s15 =	sand.u32 $0x1, s7;
	s16 =	sadd.s32 $0xEE00, s9;
	s11 =	smul.u32 $0x50000, s4  }
0x8: {  	s7 =	sadd.s32 $0x90E00, s9;
	s8 =	sadd.s32 $0x40E00, s9;
	s9 =	sadd.s32 $0x68E00, s9  }
0x9: {  	s29 =	sshrl.u32 s4, $0x1;
	s30 =	sshll.u32 s4, $0x6;
	s19 =	smul.u32 $0x500, s4  }
0xa: {  	s20 =	sand.u32 $0x1, s4;
	_ =	strace $0x8000004D;
	s10 =	ssub.s32 $0x2, s15  }
0xb: {  	s28 =	sshll.u32 s15, $0x3;
	p0 =	seq.s32 s20, $0x1;
	s20 =	simm.s32 $0x280  }
0xc: {  	s22 =	smul.u32 $0x28000, s15;
	s12 =	sshrl.u32 s10, $0x1;
	s26 =	sshrl.u32 s11, $0x2  }
0xd: {  	s11 =	sor.u32 s29, s28;
	s20 =	simm.s32 @!p0 $0x0;
	p0 =	sne.s32 s15, $0x0  }
0xe: {  	s17 =	ssub.s32 s10, s12;
	s18 =	sadd.s32 s26, s1;
	s10 =	sor.u32 $0x1C02, s30  }
0xf: {  	s21 =	smul.u32 $0x500, s11;
	s11 =	sadd.s32 s13, s19;
	s12 =	sadd.s32 s16, s19  }
0x10: {  	s25 =	sadd.s32 s14, s22;
	s19 =	simm.s32 $0x5000;
	s22 =	simm.s32 $0x80  }
0x11: {  	s26 =	simm.s32 $0x0;
	s14 =	smax.u32 s17, $0x1;
	s15 =	sshrl.u32 s18, $0x3  }
0x12: {  	s17 =	simm.s32 $0x2800;
	s31 =	sadd.s32 s13, s21;
	s13 =	smul.u32 $0x2800, s4  }
0x13: {  	s21 =	sadd.s32 s16, s21;
	s16 =	simm.s32 $0x2;
	s18 =	sadd.s32 s20, s31  }
0x14: {  	s20 =	sadd.s32 s20, s21;
	s21 =	simm.s32 $0x6400;
	s25 =	sadd.s32 s13, s25  }
.LBB2_1:
0x15: {  	[spmem:s15], [sflag:s10] =	dma.local [hbm:s7], $0x2800  }
0x16: {  	_ =	swait.ge [sflag:s16], $0x2800  }
0x17: {  	[sflag:s16] =	ssyncset.done $0x0  }
0x18: {  	[sflag:s16] =	ssyncadd.s32 $0xFFFFD800  }
0x19: {  	[tilespmem:s2], [sflag:$0x2] =	stream.linear.gather [hbm4b:s11+s2], $0x2800, $0x38;
	[tilespmem:$0x1F800] =	vst v63  }
0x1a: {  	_ =	swait.ge [sflag:s16], $0x2800  }
0x1b: {  	[sflag:s16] =	ssyncset.done $0x0  }
0x1c: {  	[sflag:s16] =	ssyncadd.s32 $0xFFFFD800  }
0x1d: {  	[tilespmem:s17], [sflag:$0x2] =	stream.linear.gather [hbm4b:s12+s2], $0x2800, $0x38;
	[tilespmem:$0x1F800] =	vst v63  }
0x1e: {  	_ =	swait.ge [sflag:s16], $0x2800  }
0x1f: {  	[sflag:s16] =	ssyncset.done $0x0  }
0x20: {  	[sflag:s16] =	ssyncadd.s32 $0xFFFFD800  }
0x21: {  	[tilespmem:s19], [sflag:$0x2] =	stream.linear.gather [hbm4b:s18+s2], $0x1400, $0x38;
	[tilespmem:$0x1F800] =	vst v63  }
0x22: {  	_ =	swait.ge [sflag:s16], $0x1400  }
0x23: {  	[sflag:s16] =	ssyncset.done $0x0  }
0x24: {  	[sflag:s16] =	ssyncadd.s32 $0xFFFFEC00  }
0x25: {  	[tilespmem:s21], [sflag:$0x2] =	stream.linear.gather [hbm4b:s20+s2], $0x1400, $0x38;
	[tilespmem:$0x1F800] =	vst v63  }
.Ltmp0:
0x26: {  	_ =	swait.ge [sflag:s16], $0x1400;
	(pc) =	sbr.rel @p0 .LBB2_5-.Ltmp0, $4  }
0x27: {  	[sflag:s16] =	ssyncset.done $0x0  }
0x28: {  	[sflag:s16] =	ssyncadd.s32 $0xFFFFEC00  }
0x29: {  	[bflag:$0x0] =	sbarrier.arrive $0xFFFF  }
0x2a: {  	s28 =	simm.s32 $0x0  }
0x2b: {  	[tilespmem:s23], [sflag:$0x1] =	stream.indirect.gather [hbm4b:s3+s22], $0x80, s28, s22, $0xb8;
	[tilespmem:$0x1F800] =	vst v63  }
0x2c: {  	_ =	swait.ge [sflag:s24], $0x4000  }
0x2d: {  	[sflag:s24] =	ssyncset.done $0x0  }
0x2e: {  	s28 =	simm.s32 $0x2800;
	[sflag:s24] =	ssyncadd.s32 $0xFFFFC000  }
0x2f: {  	[spmem:s1] =	stream.indirect.scatter.add.f32 [tilespmem:s23], [sflag:$0x2], $0x80, s28, s22, $0xb8;
	[tilespmem:$0x1F800] =	vst v63  }
0x30: {  	_ =	swait.ge [sflag:s16], $0x4000  }
0x31: {  	s29 =	simm.s32 $0x400;
	s28 =	simm.s32 $0x200;
	[sflag:s16] =	ssyncset.done $0x0  }
.LBB2_3:
0x32: {  	s30 =	sshra.s32 s28, $0x2  }
0x33: {  	[sflag:s16] =	ssyncadd.s32 $0xFFFFC000;
	s28 =	smov.u32 s29;
	s31 =	sadd.s32 $0x200, s29  }
0x34: {  	[tilespmem:s23], [sflag:$0x1] =	stream.indirect.gather [hbm4b:s3+s22], $0x80, s30, s22, $0xb8;
	[tilespmem:$0x1F800] =	vst v63  }
0x35: {  	p1 =	seq.s32 s29, $0x9E00;
	_ =	swait.ge [sflag:s24], $0x4000  }
.Ltmp1:
0x36: {  	[sflag:s24] =	ssyncset.done $0x0;
	(pc) =	sbr.rel @!p1 .LBB2_3-.Ltmp1, $4  }
0x37: {  	s29 =	sadd.s32 $0x2800, s30;
	[sflag:s24] =	ssyncadd.s32 $0xFFFFC000  }
0x38: {  	[spmem:s1] =	stream.indirect.scatter.add.f32 [tilespmem:s23], [sflag:$0x2], $0x80, s29, s22, $0xb8;
	[tilespmem:$0x1F800] =	vst v63  }
0x39: {  	_ =	swait.ge [sflag:s16], $0x4000  }
0x3a: {  	s29 =	smov.u32 s31;
	[sflag:s16] =	ssyncset.done $0x0  }
0x3b: {  	s28 =	sshra.s32 s28, $0x2;
	[sflag:s16] =	ssyncadd.s32 $0xFFFFC000  }
0x3c: {  	[tilespmem:s23], [sflag:$0x1] =	stream.indirect.gather [hbm4b:s3+s22], $0x80, s28, s22, $0xb8;
	[tilespmem:$0x1F800] =	vst v63  }
0x3d: {  	_ =	swait.ge [sflag:s24], $0x4000  }
0x3e: {  	[sflag:s24] =	ssyncset.done $0x0  }
.Ltmp2:
0x3f: {  	s28 =	sadd.s32 $0x2800, s28;
	[sflag:s24] =	ssyncadd.s32 $0xFFFFC000;
	(pc) =	sbr.rel .LBB2_8-.Ltmp2, $4  }
0x40: {  	[spmem:s1] =	stream.indirect.scatter.add.f32 [tilespmem:s23], [sflag:$0x2], $0x80, s28, s22, $0xb8;
	[tilespmem:$0x1F800] =	vst v63  }
0x41: {  	_ =	swait.ge [sflag:s16], $0x4000  }
0x42: {  	[sflag:s16] =	ssyncset.done $0x0  }
0x43: {  	s28 =	smov.u32 s8;
	[sflag:s16] =	ssyncadd.s32 $0xFFFFC000  }
.LBB2_5:
0x44: {  	[tilespmem:s23], [sflag:$0x1] =	stream.indirect.gather [hbm4b:s5+s22], $0x80, s28, s22, $0xb8;
	[tilespmem:$0x1F800] =	vst v63  }
0x45: {  	_ =	swait.ge [sflag:s24], $0x4000  }
0x46: {  	[sflag:s24] =	ssyncset.done $0x0  }
0x47: {  	s28 =	simm.s32 $0x2800;
	[sflag:s24] =	ssyncadd.s32 $0xFFFFC000  }
0x48: {  	[spmem:s1] =	stream.indirect.scatter.add.f32 [tilespmem:s23], [sflag:$0x2], $0x80, s28, s22, $0xb8;
	[tilespmem:$0x1F800] =	vst v63  }
0x49: {  	_ =	swait.ge [sflag:s16], $0x4000  }
0x4a: {  	s29 =	simm.s32 $0x400;
	s28 =	simm.s32 $0x200;
	[sflag:s16] =	ssyncset.done $0x0  }
.LBB2_6:
0x4b: {  	s30 =	sshra.s32 s28, $0x2  }
0x4c: {  	[sflag:s16] =	ssyncadd.s32 $0xFFFFC000;
	s28 =	smov.u32 s29;
	s31 =	sadd.s32 $0x200, s29  }
0x4d: {  	[tilespmem:s23], [sflag:$0x1] =	stream.indirect.gather [hbm4b:s5+s22], $0x80, s30, s22, $0xb8;
	[tilespmem:$0x1F800] =	vst v63  }
0x4e: {  	p1 =	sne.s32 s29, $0x9E00;
	_ =	swait.ge [sflag:s24], $0x4000  }
.Ltmp3:
0x4f: {  	[sflag:s24] =	ssyncset.done $0x0;
	(pc) =	sbr.rel @p1 .LBB2_6-.Ltmp3, $4  }
0x50: {  	s29 =	sadd.s32 $0x2800, s30;
	[sflag:s24] =	ssyncadd.s32 $0xFFFFC000  }
0x51: {  	[spmem:s1] =	stream.indirect.scatter.add.f32 [tilespmem:s23], [sflag:$0x2], $0x80, s29, s22, $0xb8;
	[tilespmem:$0x1F800] =	vst v63  }
0x52: {  	_ =	swait.ge [sflag:s16], $0x4000  }
0x53: {  	s29 =	smov.u32 s31;
	[sflag:s16] =	ssyncset.done $0x0  }
0x54: {  	s28 =	sshra.s32 s28, $0x2;
	[sflag:s16] =	ssyncadd.s32 $0xFFFFC000  }
0x55: {  	[tilespmem:s23], [sflag:$0x1] =	stream.indirect.gather [hbm4b:s5+s22], $0x80, s28, s22, $0xb8;
	[tilespmem:$0x1F800] =	vst v63  }
0x56: {  	_ =	swait.ge [sflag:s24], $0x4000  }
0x57: {  	[sflag:s24] =	ssyncset.done $0x0  }
0x58: {  	s28 =	sadd.s32 $0x2800, s28;
	[sflag:s24] =	ssyncadd.s32 $0xFFFFC000  }
0x59: {  	[spmem:s1] =	stream.indirect.scatter.add.f32 [tilespmem:s23], [sflag:$0x2], $0x80, s28, s22, $0xb8;
	[tilespmem:$0x1F800] =	vst v63  }
0x5a: {  	_ =	swait.ge [sflag:s16], $0x4000  }
0x5b: {  	[sflag:s16] =	ssyncset.done $0x0  }
0x5c: {  	s28 =	smov.u32 s9;
	[sflag:s16] =	ssyncadd.s32 $0xFFFFC000  }
.LBB2_8:
0x5d: {  	s28 =	sadd.s32 s28, s13;
	[bflag:$0x0] =	sbarrier.arrive $0xFFFF  }
0x5e: {  	[hbm:s28], [sflag:s10] =	dma.local [spmem:s15], $0x2800  }
0x5f: {  	_ =	swait.ge [sflag:s16], $0x2800  }
0x60: {  	[sflag:s16] =	ssyncset.done $0x0  }
0x61: {  	[sflag:s16] =	ssyncadd.s32 $0xFFFFD800  }
0x62: {  	[spmem:s15], [sflag:s10] =	dma.local [hbm:s7], $0x2800  }
0x63: {  	_ =	swait.ge [sflag:s16], $0x2800  }
0x64: {  	[sflag:s16] =	ssyncset.done $0x0  }
0x65: {  	[sflag:s16] =	ssyncadd.s32 $0xFFFFD800  }
0x66: {  	s28 =	simm.s32 $0x5000;
	[bflag:$0x0] =	sbarrier.arrive $0xFFFF  }
0x67: {  	[tilespmem:s23], [sflag:$0x1] =	stream.indirect.gather [hbm4b:s6+s22], $0x80, s28, s22, $0xb8;
	[tilespmem:$0x1F800] =	vst v63  }
0x68: {  	_ =	swait.ge [sflag:s24], $0x4000  }
0x69: {  	[sflag:s24] =	ssyncset.done $0x0  }
0x6a: {  	s28 =	simm.s32 $0x6400;
	[sflag:s24] =	ssyncadd.s32 $0xFFFFC000  }
0x6b: {  	[spmem:s1] =	stream.indirect.scatter.add.f32 [tilespmem:s23], [sflag:$0x2], $0x80, s28, s22, $0xb8;
	[tilespmem:$0x1F800] =	vst v63  }
0x6c: {  	_ =	swait.ge [sflag:s16], $0x4000  }
0x6d: {  	s29 =	simm.s32 $0x400;
	s28 =	simm.s32 $0x80;
	[sflag:s16] =	ssyncset.done $0x0  }
.LBB2_9:
0x6e: {  	s30 =	sadd.s32 $0x5000, s28  }
0x6f: {  	[sflag:s16] =	ssyncadd.s32 $0xFFFFC000;
	s31 =	smov.u32 s29;
	s0 =	sadd.s32 $0x200, s29  }
0x70: {  	[tilespmem:s23], [sflag:$0x1] =	stream.indirect.gather [hbm4b:s6+s22], $0x80, s30, s22, $0xb8;
	[tilespmem:$0x1F800] =	vst v63  }
0x71: {  	p1 =	sne.s32 s29, $0x4E00;
	_ =	swait.ge [sflag:s24], $0x4000  }
.Ltmp4:
0x72: {  	[sflag:s24] =	ssyncset.done $0x0;
	(pc) =	sbr.rel @p1 .LBB2_9-.Ltmp4, $4  }
0x73: {  	s28 =	sadd.s32 $0x6400, s28;
	[sflag:s24] =	ssyncadd.s32 $0xFFFFC000  }
0x74: {  	[spmem:s1] =	stream.indirect.scatter.add.f32 [tilespmem:s23], [sflag:$0x2], $0x80, s28, s22, $0xb8;
	[tilespmem:$0x1F800] =	vst v63  }
0x75: {  	_ =	swait.ge [sflag:s16], $0x4000  }
0x76: {  	s29 =	smov.u32 s0;
	s28 =	sshra.s32 s31, $0x2;
	[sflag:s16] =	ssyncset.done $0x0  }
0x77: {  	s0 =	sadd.s32 $0x5000, s28;
	[sflag:s16] =	ssyncadd.s32 $0xFFFFC000  }
0x78: {  	[tilespmem:s23], [sflag:$0x1] =	stream.indirect.gather [hbm4b:s6+s22], $0x80, s0, s22, $0xb8;
	[tilespmem:$0x1F800] =	vst v63  }
0x79: {  	_ =	swait.ge [sflag:s24], $0x4000  }
0x7a: {  	[sflag:s24] =	ssyncset.done $0x0  }
0x7b: {  	s31 =	sadd.s32 $0x6400, s28;
	[sflag:s24] =	ssyncadd.s32 $0xFFFFC000  }
0x7c: {  	[spmem:s1] =	stream.indirect.scatter.add.f32 [tilespmem:s23], [sflag:$0x2], $0x80, s31, s22, $0xb8;
	[tilespmem:$0x1F800] =	vst v63  }
0x7d: {  	_ =	swait.ge [sflag:s16], $0x4000  }
0x7e: {  	s26 =	sadd.s32 $0x1, s26;
	[sflag:s16] =	ssyncset.done $0x0  }
0x7f: {  	p1 =	sne.s32 s26, s14;
	[sflag:s16] =	ssyncadd.s32 $0xFFFFC000  }
.Ltmp5:
0x80: {  	[bflag:$0x0] =	sbarrier.arrive $0xFFFF;
	(pc) =	sbr.rel @p1 .LBB2_1-.Ltmp5, $4  }
0x81: {  	[hbm:s25], [sflag:s10] =	dma.local [spmem:s15], $0x2800  }
0x82: {  	_ =	swait.ge [sflag:s16], $0x2800  }
0x83: {  	[sflag:s16] =	ssyncset.done $0x0  }
0x84: {  	[sflag:s16] =	ssyncadd.s32 $0xFFFFD800  }
0x85: {  	_ =	sfence.sel $0x180000  }
0x86: {  	[bflag:$0x0] =	sbarrier.arrive $0xFFFF  }
0x87: {  	_ =	strace $0x9000004D  }
0x88: {  	[bflag:$0x2] =	sbarrier.arrive $0xFFFF  }
0x89: {  	p0 =	sne.s32 s4, $0x0;
	s0 =	rddreg [dreg:$0x3]  }
0x8a: {  	s0 =	sadd.s32 @!p0 $0x100000, s0  }
0x8b: {  	[sflag:s0] =	ssyncadd.tile.s32 @!p0 $0x1;
	_ =	shalt  }
.Lfunc_end2:
_tile_overlayer_lowered:
.L_overlay_start_2:
0x8c: {  	(tag) =	ssettag $0x2  }
0x8d: {  	s0 =	rddreg [dreg:$0x0];
	s2 =	stileid.u32  }
0x8e: {  	s1 =	rddreg [dreg:$0x1];
	p0 =	sne.s32 s2, $0x0  }
0x8f: {  	s3 =	rddreg [dreg:$0x2];
	[bflag:$0x3] =	sbarrier.arrive $0xFFFF;
	s2 =	simm.s32 @!p0 $0x1C02  }
0x90: {  	[timem:s3], [sflag:s2] =	dma.local @!p0 [hbm:s0], s1  }
0x91: {  	s0 =	simm.s32 @!p0 $0x2  }
0x92: {  	_ =	swait.ge @!p0 [sflag:s0], s1  }
0x93: {  	s1 =	ssub.s32 @!p0 $0x0, s1;
	[sflag:s0] =	ssyncset.done @!p0 $0x0  }
0x94: {  	[sflag:s0] =	ssyncadd.s32 @!p0 s1  }
0x95: {  	[bflag:$0x3] =	sbarrier.arrive $0xFFFF  }
0x96: {  	_ =	shalt  }

// kernel: kernel.32.cloned.1.call-start
scs
__scs_entry_jumppad:
0x0: {  	(pc) =	sbr.rel $0x88, $3  }
0x1: {  	(tag) =	ssettag $0x0;
	lr =	simm.s32 $0x1  }
0x2: {  	[smem:$0x3F64] =	sst lr;
	_ =	strace $0xD0000000  }
0x3: {  	_ = 	snop  }
0x4: {  	_ = 	snop  }
0x5: {  	_ = 	snop  }
0x6: {  	_ = 	snop  }
0x7: {  	_ = 	snop  }
__scs_overlays_trampoline_lowered:
0x8: {  	[smem:$0x3F73] =	sst s0  }
0x9: {  	[smem:$0x3F74] =	sst s1  }
0xa: {  	[smem:$0x3F75] =	sst s2  }
0xb: {  	[smem:$0x3F76] =	sst s3  }
0xc: {  	[smem:$0x3F77] =	sst s4  }
0xd: {  	[smem:$0x3F78] =	sst s5  }
0xe: {  	[smem:$0x3F79] =	sst s6  }
0xf: {  	[smem:$0x3F7A] =	sst s7  }
0x10: {  	[smem:$0x3F7B] =	sst s8  }
0x11: {  	[smem:$0x3F7C] =	sst s9;
	s0 =	simm.s32 @!p0 $0x0  }
0x12: {  	s1 =	sld [smem:$0x3F62];
	s0 =	simm.s32 @p0 $0x1  }
0x13: {  	[smem:$0x3F7D] =	sst s0;
	s0 =	simm.s32 @!p1 $0x0  }
0x14: {  	s2 =	sld [smem:$0x3F61];
	s0 =	simm.s32 @p1 $0x1  }
0x15: {  	[smem:$0x3F7E] =	sst s0;
	s0 =	simm.s32 @!p2 $0x0  }
0x16: {  	s3 =	sld [smem:$0x3FDB];
	s0 =	simm.s32 @p2 $0x1  }
0x17: {  	s4 =	simm.s32 $0x1BF5;
	[smem:$0x3F80] =	sst s0  }
0x18: {  	s0 =	sld [smem:$0x3F63];
	_ =	swait.ge [sflag:s4], $0x0  }
0x19: {  	s7 =	sld [smem:$0x3F64]  }
0x1a: {  	s8 =	sadd.s32 $0xFFFFE003, lr  }
0x1b: {  	s9 =	sadd.s32 $0xFFFFFEF7, lr;
	s5 =	simm.s32 $0xFFFFFFFF;
	p2 =	slt.u32 s8, $0xFFFFF086  }
0x1c: {  	p1 =	slt.u32 s9, $0xF7A;
	s5 =	simm.s32 @!p2 $0x0  }
0x1d: {  	s5 =	simm.s32 @p1 $0x1;
	p0 =	seq.s32 s7, s2  }
0x1e: {  	s7 =	smul.u32 @!p0 $0xF7A, s2;
	p2 =	seq.s32 @!p0 s5, $0x0  }
0x1f: {  	s9 =	smul.u32 $0xF7A, s1;
	s8 =	simm.s32 @!p0 $0x1BF5;
	p2 =	por !p2, p0  }
0x20: {  	[sflag:s8] =	ssyncset.s32 @!p0 $0xFFFFF086;
	s6 =	sadd.s32 @!p0 s3, s7;
	s7 =	simm.s32 @!p0 $0x108  }
0x21: {  	s3 =	sadd.s32 s3, s9;
	s6 =	sadd.s32 @!p0 $0x88, s6;
	s7 =	simm.s32 @p2 $0x1082  }
0x22: {  	[simem:s7], [sflag:s8] =	dma.local @!p0 [hbm:s6], $0xF7A  }
0x23: {  	s9 =	sor.u32 $0xD0000000, s2;
	s6 =	simm.s32 $0x108;
	_ =	swait.ge @!p0 [sflag:s8], $0x0  }
0x24: {  	s3 =	sadd.s32 $0x88, s3;
	s6 =	simm.s32 @!p1 $0x1082;
	[sflag:s4] =	ssyncset.s32 $0xFFFFF086  }
0x25: {  	[simem:s6], [sflag:s4] =	dma.local [hbm:s3], $0xF7A  }
0x26: {  	[smem:$0x3F64] =	sst s1;
	(tag) =	ssettag s2;
	_ =	strace s9  }
0x27: {  	s1 =	sld [smem:$0x3F74]  }
0x28: {  	s2 =	sld [smem:$0x3F75]  }
0x29: {  	s4 =	sld [smem:$0x3F77]  }
0x2a: {  	p0 =	seq.s32 s5, $0x0;
	s5 =	sld [smem:$0x3F78]  }
0x2b: {  	s6 =	sld [smem:$0x3F79]  }
0x2c: {  	s7 =	sld [smem:$0x3F7A]  }
0x2d: {  	s3 =	simm.s32 $0x108;
	s8 =	sld [smem:$0x3F7B]  }
0x2e: {  	s3 =	simm.s32 @!p0 $0x1082;
	s9 =	sld [smem:$0x3F7C]  }
0x2f: {  	lr =	sadd.s32 s0, s3;
	s0 =	sld [smem:$0x3F73]  }
0x30: {  	s3 =	sld [smem:$0x3F76]  }
0x31: {  	[smem:$0x3F7F] =	sst s10  }
0x32: {  	s10 =	sld [smem:$0x3F7D];
	_ =	sdelay $0x3  }
0x33: {  	p0 =	seq.s32 s10, $0x1;
	s10 =	sld [smem:$0x3F7F];
	_ =	sdelay $0x3  }
0x34: {  	[smem:$0x3F7F] =	sst s10  }
0x35: {  	s10 =	sld [smem:$0x3F7E];
	_ =	sdelay $0x3  }
0x36: {  	p1 =	seq.s32 s10, $0x1;
	s10 =	sld [smem:$0x3F7F];
	_ =	sdelay $0x3  }
0x37: {  	[smem:$0x3F7F] =	sst s10  }
0x38: {  	s10 =	sld [smem:$0x3F80]  }
0x39: {  	_ = 	snop;
	(pc) =	sbr.ind lr, $3  }
0x3a: {  	_ = 	snop  }
0x3b: {  	_ = 	snop  }
0x3c: {  	p2 =	seq.s32 s10, $0x1;
	s10 =	sld [smem:$0x3F7F]  }
0x3d: {  	_ =	shalt  }
0x3e: {  	_ =	shalt  }
0x3f: {  	_ =	shalt  }
0x40: {  	_ =	shalt  }
0x41: {  	_ =	shalt  }
0x42: {  	_ =	shalt  }
0x43: {  	_ =	shalt  }
0x44: {  	_ =	shalt  }
0x45: {  	_ =	shalt  }
0x46: {  	_ =	shalt  }
0x47: {  	_ =	shalt  }
0x48: {  	_ =	shalt  }
0x49: {  	_ =	shalt  }
0x4a: {  	_ =	shalt  }
0x4b: {  	_ =	shalt  }
0x4c: {  	_ =	shalt  }
0x4d: {  	_ =	shalt  }
0x4e: {  	_ =	shalt  }
0x4f: {  	_ =	shalt  }
0x50: {  	_ =	shalt  }
0x51: {  	_ =	shalt  }
0x52: {  	_ =	shalt  }
0x53: {  	_ =	shalt  }
0x54: {  	_ =	shalt  }
0x55: {  	_ =	shalt  }
0x56: {  	_ =	shalt  }
0x57: {  	_ =	shalt  }
0x58: {  	_ =	shalt  }
0x59: {  	_ =	shalt  }
0x5a: {  	_ =	shalt  }
0x5b: {  	_ =	shalt  }
0x5c: {  	_ =	shalt  }
0x5d: {  	_ =	shalt  }
0x5e: {  	_ =	shalt  }
0x5f: {  	_ =	shalt  }
0x60: {  	_ =	shalt  }
0x61: {  	_ =	shalt  }
0x62: {  	_ =	shalt  }
0x63: {  	_ =	shalt  }
0x64: {  	_ =	shalt  }
0x65: {  	_ =	shalt  }
0x66: {  	_ =	shalt  }
0x67: {  	_ =	shalt  }
0x68: {  	_ =	shalt  }
0x69: {  	_ =	shalt  }
0x6a: {  	_ =	shalt  }
0x6b: {  	_ =	shalt  }
0x6c: {  	_ =	shalt  }
0x6d: {  	_ =	shalt  }
0x6e: {  	_ =	shalt  }
0x6f: {  	_ =	shalt  }
0x70: {  	_ =	shalt  }
0x71: {  	_ =	shalt  }
0x72: {  	_ =	shalt  }
0x73: {  	_ =	shalt  }
0x74: {  	_ =	shalt  }
0x75: {  	_ =	shalt  }
0x76: {  	_ =	shalt  }
0x77: {  	_ =	shalt  }
0x78: {  	_ =	shalt  }
0x79: {  	_ =	shalt  }
0x7a: {  	_ =	shalt  }
0x7b: {  	_ =	shalt  }
0x7c: {  	_ =	shalt  }
0x7d: {  	_ =	shalt  }
0x7e: {  	_ =	shalt  }
0x7f: {  	_ =	shalt  }
0x80: {  	_ =	shalt  }
0x81: {  	_ =	shalt  }
0x82: {  	_ =	shalt  }
0x83: {  	_ =	shalt  }
0x84: {  	_ =	shalt  }
0x85: {  	_ =	shalt  }
0x86: {  	_ =	shalt  }
0x87: {  	_ =	shalt  }
.Lfunc_end0:
.L_simem_size_0:
called_computation.3_lowered:
.L_overlay_start_0:
0x88: {  	s2 =	sld [smem:$0x3FD9]  }
0x89: {  	s3 =	sld [smem:$0x3FFE];
	_ =	sdelay $0x1  }
0x8a: {  	s1 =	srdreg.scid  }
0x8b: {  	s0 =	sand.u32 $0x1, s1  }
0x8c: {  	s14 =	sshll.u32 s0, $0xA;
	s2 =	sadd.s32 s3, s2  }
0x8d: {  	s2 =	sadd.s32 s2, s14  }
0x8e: {  	[smem:$0x3F8B] =	sst s2  }
0x8f: {  	_ = 	snop  }
0x90: {  	s2 =	sld [smem:$0x3FD0];
	_ =	sdelay $0x2  }
0x91: {  	s15 =	simm.s32 $0xB;
	s4 =	simm.s32 $0x10  }
0x92: {  	[smem:s4], [sflag:s15] =	dma.local [hbm:s2], $0x1  }
0x93: {  	_ =	swait.eq [sflag:s15], $0x1  }
0x94: {  	[sflag:s15] =	ssyncset.done $0x0  }
0x95: {  	[sflag:s15] =	ssyncadd.s32 $0xFFFFFFFF  }
0x96: {  	s16 =	sld [smem:$0x10];
	(tm) =	ssettm $0x1  }
0x97: {  	s17 =	sld [smem:$0x3FFB];
	_ =	sdelay $0x3  }
0x98: {  	_ =	strace s17  }
0x99: {  	s3 =	sld [smem:$0x3FFC];
	_ =	sdelay $0x3  }
0x9a: {  	_ =	strace s3  }
0x9b: {  	s3 =	sld [smem:$0x3FFD];
	_ =	sdelay $0x3  }
0x9c: {  	_ =	strace s3  }
0x9d: {  	_ =	strace $0x8FFFFFFF  }
0x9e: {  	s18 =	sld [smem:$0x3FDB];
	_ =	sdelay $0x1  }
0x9f: {  	s19 =	simm.s32 $_scs_section_size  }
0xa0: {  	s5 =	simm.s32 $_size__tile_overlayer_lowered;
	s6 =	simm.s32 $_tile_overlayer_lowered  }
0xa1: {  	s22 =	simm.s32 $0x1BFF;
	s21 =	sshll.u32 s6, $0x1;
	s3 =	sadd.s32 s19, s18  }
0xa2: {  	s7 =	simm.s32 $0x0;
	s20 =	sshll.u32 s5, $0x1;
	s5 =	sadd.s32 s21, s3  }
0xa3: {  	[timem:s7], [sflag:s22] =	dma.local [hbm:s5], s20  }
0xa4: {  	_ =	swait.ge [sflag:s22], s20  }
0xa5: {  	s4 =	ssub.s32 $0x0, s20;
	[sflag:s22] =	ssyncset.done $0x0  }
0xa6: {  	[sflag:s22] =	ssyncadd.s32 s4;
	_ =	sdelay $0x1  }
0xa7: {  	s23 =	simm.s32 $0x1B8B  }
0xa8: {  	_ =	swait.ge [sflag:s23], $0x1  }
0xa9: {  	[sflag:s23] =	ssyncset.done $0x0  }
0xaa: {  	s25 =	simm.s32 $0x1B8E;
	s24 =	sld [smem:$0x3FFE];
	[sflag:s23] =	ssyncadd.s32 $0xFFFFFFFF  }
0xab: {  	s26 =	simm.s32 $execute0_lowered;
	[smem:$0x3FD2] =	sst s25  }
0xac: {  	s5 =	sshll.u32 s26, $0x1;
	_ =	strace $0x8000004F;
	[dreg:$0x1] =	wrdreg $0xFFFFFFFF  }
0xad: {  	s28 =	simm.s32 $_size_execute0_lowered;
	s3 =	sadd.s32 s3, s5;
	[dreg:$0x0] =	wrdreg $0x0  }
0xae: {  	s5 =	sshll.u32 s28, $0x1;
	[dreg:$0x2] =	wrdreg s3  }
0xaf: {  	[dreg:$0x3] =	wrdreg s5  }
0xb0: {  	[dreg:$0x4] =	wrdreg $0xC0  }
0xb1: {  	_ =	task [dreg:s7], $0x5FFFF  }
0xb2: {  	[dreg:$0x1] =	wrdreg $0xFFFFFFFF  }
0xb3: {  	[dreg:$0x0] =	wrdreg $0x60  }
0xb4: {  	[dreg:$0x2] =	wrdreg s24  }
0xb5: {  	[dreg:$0x3] =	wrdreg s16  }
0xb6: {  	[dreg:$0x4] =	wrdreg $0xB8000  }
0xb7: {  	[dreg:$0x5] =	wrdreg $0x9  }
0xb8: {  	_ =	task.clear_ibuf [dreg:s7], $0x6FFFF;
	_ =	strace $0x9000004F  }
0xb9: {  	s29 =	simm.s32 $0x9;
	_ =	strace $0x80000051  }
0xba: {  	_ =	swait.ge [sflag:s29], $0x1  }
0xbb: {  	[sflag:s29] =	ssyncadd.s32 $0xFFFFFFFF  }
0xbc: {  	_ =	strace $0x90000051  }
0xbd: {  	_ =	sfence  }
0xbe: {  	s30 =	sld [smem:$0x0];
	_ =	sdelay $0x2  }
0xbf: {  	s31 =	sshll.u32 s1, $0xD;
	s1 =	sshrl.u32 s1, $0x2  }
0xc0: {  	s3 =	sand.u32 $0x4000, s31;
	s1 =	sadd.s32 s1, s30  }
0xc1: {  	s0 =	sor.u32 s3, s0;
	s1 =	sshll.u32 s1, $0x11  }
0xc2: {  	s0 =	sor.u32 s1, s0  }
0xc3: {  	s0 =	sadd.s32 $0x8F2B, s0  }
0xc4: {  	[sflag:s0] =	ssyncadd.remote.s32 $0x1  }
0xc5: {  	_ =	sfence.sel $0xFFFF  }
0xc6: {  	[dreg:$0x0] =	wrdreg $0xFFFFFFFF;
	(pc) =	sbr.abs _section_cstart, $3  }
0xc7: {  	[dreg:$0x1] =	wrdreg $0xFFFFFFFF  }
0xc8: {  	_ =	task.clear_ibuf [dreg:s7], $0x2FFFF;
	_ =	strace $0x9FFFFFFF  }
0xc9: {  	(tm) =	ssettm $0x7FFFFFFF  }
tec
execute0_lowered:
.L_overlay_start_1:
0x0: {  	(tag) =	ssettag $0x1  }
0x1: {  	s9 =	rddreg [dreg:$0x0]  }
0x2: {  	s14 =	rddreg [dreg:$0x1]  }
0x3: {  	s1 =	rddreg [dreg:$0x2];
	s2 =	simm.s32 $0x0  }
0x4: {  	s7 =	srdreg.scid;
	s4 =	stileid.u32;
	s23 =	simm.s32 $0x7800  }
0x5: {  	s24 =	simm.s32 $0x1;
	[smem:$0x7FF] =	sst s2;
	s3 =	sadd.s32 $0x93600, s9  }
0x6: {  	s5 =	sadd.s32 $0xBB600, s9;
	s6 =	sadd.s32 $0x18E00, s9;
	s13 =	sadd.s32 $0x13E00, s9  }
0x7: {  	s15 =	sand.u32 $0x1, s7;
	s16 =	sadd.s32 $0xEE00, s9;
	s11 =	smul.u32 $0x50000, s4  }
0x8: {  	s7 =	sadd.s32 $0x90E00, s9;
	s8 =	sadd.s32 $0x40E00, s9;
	s9 =	sadd.s32 $0x68E00, s9  }
0x9: {  	s29 =	sshrl.u32 s4, $0x1;
	s30 =	sshll.u32 s4, $0x6;
	s19 =	smul.u32 $0x500, s4  }
0xa: {  	s20 =	sand.u32 $0x1, s4;
	_ =	strace $0x80000050;
	s10 =	ssub.s32 $0x2, s15  }
0xb: {  	s28 =	sshll.u32 s15, $0x3;
	p0 =	seq.s32 s20, $0x1;
	s20 =	simm.s32 $0x280  }
0xc: {  	s22 =	smul.u32 $0x28000, s15;
	s12 =	sshrl.u32 s10, $0x1;
	s26 =	sshrl.u32 s11, $0x2  }
0xd: {  	s11 =	sor.u32 s29, s28;
	s20 =	simm.s32 @!p0 $0x0;
	p0 =	sne.s32 s15, $0x0  }
0xe: {  	s17 =	ssub.s32 s10, s12;
	s18 =	sadd.s32 s26, s1;
	s10 =	sor.u32 $0x1C02, s30  }
0xf: {  	s21 =	smul.u32 $0x500, s11;
	s11 =	sadd.s32 s13, s19;
	s12 =	sadd.s32 s16, s19  }
0x10: {  	s25 =	sadd.s32 s14, s22;
	s19 =	simm.s32 $0x5000;
	s22 =	simm.s32 $0x80  }
0x11: {  	s26 =	simm.s32 $0x0;
	s14 =	smax.u32 s17, $0x1;
	s15 =	sshrl.u32 s18, $0x3  }
0x12: {  	s17 =	simm.s32 $0x2800;
	s31 =	sadd.s32 s13, s21;
	s13 =	smul.u32 $0x2800, s4  }
0x13: {  	s21 =	sadd.s32 s16, s21;
	s16 =	simm.s32 $0x2;
	s18 =	sadd.s32 s20, s31  }
0x14: {  	s20 =	sadd.s32 s20, s21;
	s21 =	simm.s32 $0x6400;
	s25 =	sadd.s32 s13, s25  }
.LBB2_1:
0x15: {  	[spmem:s15], [sflag:s10] =	dma.local [hbm:s7], $0x2800  }
0x16: {  	_ =	swait.ge [sflag:s16], $0x2800  }
0x17: {  	[sflag:s16] =	ssyncset.done $0x0  }
0x18: {  	[sflag:s16] =	ssyncadd.s32 $0xFFFFD800  }
0x19: {  	[tilespmem:s2], [sflag:$0x2] =	stream.linear.gather [hbm4b:s11+s2], $0x2800, $0x38;
	[tilespmem:$0x1F800] =	vst v63  }
0x1a: {  	_ =	swait.ge [sflag:s16], $0x2800  }
0x1b: {  	[sflag:s16] =	ssyncset.done $0x0  }
0x1c: {  	[sflag:s16] =	ssyncadd.s32 $0xFFFFD800  }
0x1d: {  	[tilespmem:s17], [sflag:$0x2] =	stream.linear.gather [hbm4b:s12+s2], $0x2800, $0x38;
	[tilespmem:$0x1F800] =	vst v63  }
0x1e: {  	_ =	swait.ge [sflag:s16], $0x2800  }
0x1f: {  	[sflag:s16] =	ssyncset.done $0x0  }
0x20: {  	[sflag:s16] =	ssyncadd.s32 $0xFFFFD800  }
0x21: {  	[tilespmem:s19], [sflag:$0x2] =	stream.linear.gather [hbm4b:s18+s2], $0x1400, $0x38;
	[tilespmem:$0x1F800] =	vst v63  }
0x22: {  	_ =	swait.ge [sflag:s16], $0x1400  }
0x23: {  	[sflag:s16] =	ssyncset.done $0x0  }
0x24: {  	[sflag:s16] =	ssyncadd.s32 $0xFFFFEC00  }
0x25: {  	[tilespmem:s21], [sflag:$0x2] =	stream.linear.gather [hbm4b:s20+s2], $0x1400, $0x38;
	[tilespmem:$0x1F800] =	vst v63  }
.Ltmp0:
0x26: {  	_ =	swait.ge [sflag:s16], $0x1400;
	(pc) =	sbr.rel @p0 .LBB2_5-.Ltmp0, $4  }
0x27: {  	[sflag:s16] =	ssyncset.done $0x0  }
0x28: {  	[sflag:s16] =	ssyncadd.s32 $0xFFFFEC00  }
0x29: {  	[bflag:$0x0] =	sbarrier.arrive $0xFFFF  }
0x2a: {  	s28 =	simm.s32 $0x0  }
0x2b: {  	[tilespmem:s23], [sflag:$0x1] =	stream.indirect.gather [hbm4b:s3+s22], $0x80, s28, s22, $0xb8;
	[tilespmem:$0x1F800] =	vst v63  }
0x2c: {  	_ =	swait.ge [sflag:s24], $0x4000  }
0x2d: {  	[sflag:s24] =	ssyncset.done $0x0  }
0x2e: {  	s28 =	simm.s32 $0x2800;
	[sflag:s24] =	ssyncadd.s32 $0xFFFFC000  }
0x2f: {  	[spmem:s1] =	stream.indirect.scatter.add.f32 [tilespmem:s23], [sflag:$0x2], $0x80, s28, s22, $0xb8;
	[tilespmem:$0x1F800] =	vst v63  }
0x30: {  	_ =	swait.ge [sflag:s16], $0x4000  }
0x31: {  	s29 =	simm.s32 $0x400;
	s28 =	simm.s32 $0x200;
	[sflag:s16] =	ssyncset.done $0x0  }
.LBB2_3:
0x32: {  	s30 =	sshra.s32 s28, $0x2  }
0x33: {  	[sflag:s16] =	ssyncadd.s32 $0xFFFFC000;
	s28 =	smov.u32 s29;
	s31 =	sadd.s32 $0x200, s29  }
0x34: {  	[tilespmem:s23], [sflag:$0x1] =	stream.indirect.gather [hbm4b:s3+s22], $0x80, s30, s22, $0xb8;
	[tilespmem:$0x1F800] =	vst v63  }
0x35: {  	p1 =	seq.s32 s29, $0x9E00;
	_ =	swait.ge [sflag:s24], $0x4000  }
.Ltmp1:
0x36: {  	[sflag:s24] =	ssyncset.done $0x0;
	(pc) =	sbr.rel @!p1 .LBB2_3-.Ltmp1, $4  }
0x37: {  	s29 =	sadd.s32 $0x2800, s30;
	[sflag:s24] =	ssyncadd.s32 $0xFFFFC000  }
0x38: {  	[spmem:s1] =	stream.indirect.scatter.add.f32 [tilespmem:s23], [sflag:$0x2], $0x80, s29, s22, $0xb8;
	[tilespmem:$0x1F800] =	vst v63  }
0x39: {  	_ =	swait.ge [sflag:s16], $0x4000  }
0x3a: {  	s29 =	smov.u32 s31;
	[sflag:s16] =	ssyncset.done $0x0  }
0x3b: {  	s28 =	sshra.s32 s28, $0x2;
	[sflag:s16] =	ssyncadd.s32 $0xFFFFC000  }
0x3c: {  	[tilespmem:s23], [sflag:$0x1] =	stream.indirect.gather [hbm4b:s3+s22], $0x80, s28, s22, $0xb8;
	[tilespmem:$0x1F800] =	vst v63  }
0x3d: {  	_ =	swait.ge [sflag:s24], $0x4000  }
0x3e: {  	[sflag:s24] =	ssyncset.done $0x0  }
.Ltmp2:
0x3f: {  	s28 =	sadd.s32 $0x2800, s28;
	[sflag:s24] =	ssyncadd.s32 $0xFFFFC000;
	(pc) =	sbr.rel .LBB2_8-.Ltmp2, $4  }
0x40: {  	[spmem:s1] =	stream.indirect.scatter.add.f32 [tilespmem:s23], [sflag:$0x2], $0x80, s28, s22, $0xb8;
	[tilespmem:$0x1F800] =	vst v63  }
0x41: {  	_ =	swait.ge [sflag:s16], $0x4000  }
0x42: {  	[sflag:s16] =	ssyncset.done $0x0  }
0x43: {  	s28 =	smov.u32 s8;
	[sflag:s16] =	ssyncadd.s32 $0xFFFFC000  }
.LBB2_5:
0x44: {  	[tilespmem:s23], [sflag:$0x1] =	stream.indirect.gather [hbm4b:s5+s22], $0x80, s28, s22, $0xb8;
	[tilespmem:$0x1F800] =	vst v63  }
0x45: {  	_ =	swait.ge [sflag:s24], $0x4000  }
0x46: {  	[sflag:s24] =	ssyncset.done $0x0  }
0x47: {  	s28 =	simm.s32 $0x2800;
	[sflag:s24] =	ssyncadd.s32 $0xFFFFC000  }
0x48: {  	[spmem:s1] =	stream.indirect.scatter.add.f32 [tilespmem:s23], [sflag:$0x2], $0x80, s28, s22, $0xb8;
	[tilespmem:$0x1F800] =	vst v63  }
0x49: {  	_ =	swait.ge [sflag:s16], $0x4000  }
0x4a: {  	s29 =	simm.s32 $0x400;
	s28 =	simm.s32 $0x200;
	[sflag:s16] =	ssyncset.done $0x0  }
.LBB2_6:
0x4b: {  	s30 =	sshra.s32 s28, $0x2  }
0x4c: {  	[sflag:s16] =	ssyncadd.s32 $0xFFFFC000;
	s28 =	smov.u32 s29;
	s31 =	sadd.s32 $0x200, s29  }
0x4d: {  	[tilespmem:s23], [sflag:$0x1] =	stream.indirect.gather [hbm4b:s5+s22], $0x80, s30, s22, $0xb8;
	[tilespmem:$0x1F800] =	vst v63  }
0x4e: {  	p1 =	sne.s32 s29, $0x9E00;
	_ =	swait.ge [sflag:s24], $0x4000  }
.Ltmp3:
0x4f: {  	[sflag:s24] =	ssyncset.done $0x0;
	(pc) =	sbr.rel @p1 .LBB2_6-.Ltmp3, $4  }
0x50: {  	s29 =	sadd.s32 $0x2800, s30;
	[sflag:s24] =	ssyncadd.s32 $0xFFFFC000  }
0x51: {  	[spmem:s1] =	stream.indirect.scatter.add.f32 [tilespmem:s23], [sflag:$0x2], $0x80, s29, s22, $0xb8;
	[tilespmem:$0x1F800] =	vst v63  }
0x52: {  	_ =	swait.ge [sflag:s16], $0x4000  }
0x53: {  	s29 =	smov.u32 s31;
	[sflag:s16] =	ssyncset.done $0x0  }
0x54: {  	s28 =	sshra.s32 s28, $0x2;
	[sflag:s16] =	ssyncadd.s32 $0xFFFFC000  }
0x55: {  	[tilespmem:s23], [sflag:$0x1] =	stream.indirect.gather [hbm4b:s5+s22], $0x80, s28, s22, $0xb8;
	[tilespmem:$0x1F800] =	vst v63  }
0x56: {  	_ =	swait.ge [sflag:s24], $0x4000  }
0x57: {  	[sflag:s24] =	ssyncset.done $0x0  }
0x58: {  	s28 =	sadd.s32 $0x2800, s28;
	[sflag:s24] =	ssyncadd.s32 $0xFFFFC000  }
0x59: {  	[spmem:s1] =	stream.indirect.scatter.add.f32 [tilespmem:s23], [sflag:$0x2], $0x80, s28, s22, $0xb8;
	[tilespmem:$0x1F800] =	vst v63  }
0x5a: {  	_ =	swait.ge [sflag:s16], $0x4000  }
0x5b: {  	[sflag:s16] =	ssyncset.done $0x0  }
0x5c: {  	s28 =	smov.u32 s9;
	[sflag:s16] =	ssyncadd.s32 $0xFFFFC000  }
.LBB2_8:
0x5d: {  	s28 =	sadd.s32 s28, s13;
	[bflag:$0x0] =	sbarrier.arrive $0xFFFF  }
0x5e: {  	[hbm:s28], [sflag:s10] =	dma.local [spmem:s15], $0x2800  }
0x5f: {  	_ =	swait.ge [sflag:s16], $0x2800  }
0x60: {  	[sflag:s16] =	ssyncset.done $0x0  }
0x61: {  	[sflag:s16] =	ssyncadd.s32 $0xFFFFD800  }
0x62: {  	[spmem:s15], [sflag:s10] =	dma.local [hbm:s7], $0x2800  }
0x63: {  	_ =	swait.ge [sflag:s16], $0x2800  }
0x64: {  	[sflag:s16] =	ssyncset.done $0x0  }
0x65: {  	[sflag:s16] =	ssyncadd.s32 $0xFFFFD800  }
0x66: {  	s28 =	simm.s32 $0x5000;
	[bflag:$0x0] =	sbarrier.arrive $0xFFFF  }
0x67: {  	[tilespmem:s23], [sflag:$0x1] =	stream.indirect.gather [hbm4b:s6+s22], $0x80, s28, s22, $0xb8;
	[tilespmem:$0x1F800] =	vst v63  }
0x68: {  	_ =	swait.ge [sflag:s24], $0x4000  }
0x69: {  	[sflag:s24] =	ssyncset.done $0x0  }
0x6a: {  	s28 =	simm.s32 $0x6400;
	[sflag:s24] =	ssyncadd.s32 $0xFFFFC000  }
0x6b: {  	[spmem:s1] =	stream.indirect.scatter.add.f32 [tilespmem:s23], [sflag:$0x2], $0x80, s28, s22, $0xb8;
	[tilespmem:$0x1F800] =	vst v63  }
0x6c: {  	_ =	swait.ge [sflag:s16], $0x4000  }
0x6d: {  	s29 =	simm.s32 $0x400;
	s28 =	simm.s32 $0x80;
	[sflag:s16] =	ssyncset.done $0x0  }
.LBB2_9:
0x6e: {  	s30 =	sadd.s32 $0x5000, s28  }
0x6f: {  	[sflag:s16] =	ssyncadd.s32 $0xFFFFC000;
	s31 =	smov.u32 s29;
	s0 =	sadd.s32 $0x200, s29  }
0x70: {  	[tilespmem:s23], [sflag:$0x1] =	stream.indirect.gather [hbm4b:s6+s22], $0x80, s30, s22, $0xb8;
	[tilespmem:$0x1F800] =	vst v63  }
0x71: {  	p1 =	sne.s32 s29, $0x4E00;
	_ =	swait.ge [sflag:s24], $0x4000  }
.Ltmp4:
0x72: {  	[sflag:s24] =	ssyncset.done $0x0;
	(pc) =	sbr.rel @p1 .LBB2_9-.Ltmp4, $4  }
0x73: {  	s28 =	sadd.s32 $0x6400, s28;
	[sflag:s24] =	ssyncadd.s32 $0xFFFFC000  }
0x74: {  	[spmem:s1] =	stream.indirect.scatter.add.f32 [tilespmem:s23], [sflag:$0x2], $0x80, s28, s22, $0xb8;
	[tilespmem:$0x1F800] =	vst v63  }
0x75: {  	_ =	swait.ge [sflag:s16], $0x4000  }
0x76: {  	s29 =	smov.u32 s0;
	s28 =	sshra.s32 s31, $0x2;
	[sflag:s16] =	ssyncset.done $0x0  }
0x77: {  	s0 =	sadd.s32 $0x5000, s28;
	[sflag:s16] =	ssyncadd.s32 $0xFFFFC000  }
0x78: {  	[tilespmem:s23], [sflag:$0x1] =	stream.indirect.gather [hbm4b:s6+s22], $0x80, s0, s22, $0xb8;
	[tilespmem:$0x1F800] =	vst v63  }
0x79: {  	_ =	swait.ge [sflag:s24], $0x4000  }
0x7a: {  	[sflag:s24] =	ssyncset.done $0x0  }
0x7b: {  	s31 =	sadd.s32 $0x6400, s28;
	[sflag:s24] =	ssyncadd.s32 $0xFFFFC000  }
0x7c: {  	[spmem:s1] =	stream.indirect.scatter.add.f32 [tilespmem:s23], [sflag:$0x2], $0x80, s31, s22, $0xb8;
	[tilespmem:$0x1F800] =	vst v63  }
0x7d: {  	_ =	swait.ge [sflag:s16], $0x4000  }
0x7e: {  	s26 =	sadd.s32 $0x1, s26;
	[sflag:s16] =	ssyncset.done $0x0  }
0x7f: {  	p1 =	sne.s32 s26, s14;
	[sflag:s16] =	ssyncadd.s32 $0xFFFFC000  }
.Ltmp5:
0x80: {  	[bflag:$0x0] =	sbarrier.arrive $0xFFFF;
	(pc) =	sbr.rel @p1 .LBB2_1-.Ltmp5, $4  }
0x81: {  	[hbm:s25], [sflag:s10] =	dma.local [spmem:s15], $0x2800  }
0x82: {  	_ =	swait.ge [sflag:s16], $0x2800  }
0x83: {  	[sflag:s16] =	ssyncset.done $0x0  }
0x84: {  	[sflag:s16] =	ssyncadd.s32 $0xFFFFD800  }
0x85: {  	_ =	sfence.sel $0x180000  }
0x86: {  	[bflag:$0x0] =	sbarrier.arrive $0xFFFF  }
0x87: {  	_ =	strace $0x90000050  }
0x88: {  	[bflag:$0x2] =	sbarrier.arrive $0xFFFF  }
0x89: {  	p0 =	sne.s32 s4, $0x0;
	s0 =	rddreg [dreg:$0x3]  }
0x8a: {  	s0 =	sadd.s32 @!p0 $0x100000, s0  }
0x8b: {  	[sflag:s0] =	ssyncadd.tile.s32 @!p0 $0x1;
	_ =	shalt  }
.Lfunc_end2:
_tile_overlayer_lowered:
.L_overlay_start_2:
0x8c: {  	(tag) =	ssettag $0x2  }
0x8d: {  	s0 =	rddreg [dreg:$0x0];
	s2 =	stileid.u32  }
0x8e: {  	s1 =	rddreg [dreg:$0x1];
	p0 =	sne.s32 s2, $0x0  }
0x8f: {  	s3 =	rddreg [dreg:$0x2];
	[bflag:$0x3] =	sbarrier.arrive $0xFFFF;
	s2 =	simm.s32 @!p0 $0x1C02  }
0x90: {  	[timem:s3], [sflag:s2] =	dma.local @!p0 [hbm:s0], s1  }
0x91: {  	s0 =	simm.s32 @!p0 $0x2  }
0x92: {  	_ =	swait.ge @!p0 [sflag:s0], s1  }
0x93: {  	s1 =	ssub.s32 @!p0 $0x0, s1;
	[sflag:s0] =	ssyncset.done @!p0 $0x0  }
0x94: {  	[sflag:s0] =	ssyncadd.s32 @!p0 s1  }
0x95: {  	[bflag:$0x3] =	sbarrier.arrive $0xFFFF  }
0x96: {  	_ =	shalt  }

// kernel: kernel.35.cloned.1.call-start
scs
__scs_entry_jumppad:
0x0: {  	(pc) =	sbr.rel $0x88, $3  }
0x1: {  	(tag) =	ssettag $0x0;
	lr =	simm.s32 $0x1  }
0x2: {  	[smem:$0x3F64] =	sst lr;
	_ =	strace $0xD0000000  }
0x3: {  	_ = 	snop  }
0x4: {  	_ = 	snop  }
0x5: {  	_ = 	snop  }
0x6: {  	_ = 	snop  }
0x7: {  	_ = 	snop  }
__scs_overlays_trampoline_lowered:
0x8: {  	[smem:$0x3F73] =	sst s0  }
0x9: {  	[smem:$0x3F74] =	sst s1  }
0xa: {  	[smem:$0x3F75] =	sst s2  }
0xb: {  	[smem:$0x3F76] =	sst s3  }
0xc: {  	[smem:$0x3F77] =	sst s4  }
0xd: {  	[smem:$0x3F78] =	sst s5  }
0xe: {  	[smem:$0x3F79] =	sst s6  }
0xf: {  	[smem:$0x3F7A] =	sst s7  }
0x10: {  	[smem:$0x3F7B] =	sst s8  }
0x11: {  	[smem:$0x3F7C] =	sst s9;
	s0 =	simm.s32 @!p0 $0x0  }
0x12: {  	s1 =	sld [smem:$0x3F62];
	s0 =	simm.s32 @p0 $0x1  }
0x13: {  	[smem:$0x3F7D] =	sst s0;
	s0 =	simm.s32 @!p1 $0x0  }
0x14: {  	s2 =	sld [smem:$0x3F61];
	s0 =	simm.s32 @p1 $0x1  }
0x15: {  	[smem:$0x3F7E] =	sst s0;
	s0 =	simm.s32 @!p2 $0x0  }
0x16: {  	s3 =	sld [smem:$0x3FDB];
	s0 =	simm.s32 @p2 $0x1  }
0x17: {  	s4 =	simm.s32 $0x1BF5;
	[smem:$0x3F80] =	sst s0  }
0x18: {  	s0 =	sld [smem:$0x3F63];
	_ =	swait.ge [sflag:s4], $0x0  }
0x19: {  	s7 =	sld [smem:$0x3F64]  }
0x1a: {  	s8 =	sadd.s32 $0xFFFFE003, lr  }
0x1b: {  	s9 =	sadd.s32 $0xFFFFFEF7, lr;
	s5 =	simm.s32 $0xFFFFFFFF;
	p2 =	slt.u32 s8, $0xFFFFF086  }
0x1c: {  	p1 =	slt.u32 s9, $0xF7A;
	s5 =	simm.s32 @!p2 $0x0  }
0x1d: {  	s5 =	simm.s32 @p1 $0x1;
	p0 =	seq.s32 s7, s2  }
0x1e: {  	s7 =	smul.u32 @!p0 $0xF7A, s2;
	p2 =	seq.s32 @!p0 s5, $0x0  }
0x1f: {  	s9 =	smul.u32 $0xF7A, s1;
	s8 =	simm.s32 @!p0 $0x1BF5;
	p2 =	por !p2, p0  }
0x20: {  	[sflag:s8] =	ssyncset.s32 @!p0 $0xFFFFF086;
	s6 =	sadd.s32 @!p0 s3, s7;
	s7 =	simm.s32 @!p0 $0x108  }
0x21: {  	s3 =	sadd.s32 s3, s9;
	s6 =	sadd.s32 @!p0 $0x88, s6;
	s7 =	simm.s32 @p2 $0x1082  }
0x22: {  	[simem:s7], [sflag:s8] =	dma.local @!p0 [hbm:s6], $0xF7A  }
0x23: {  	s9 =	sor.u32 $0xD0000000, s2;
	s6 =	simm.s32 $0x108;
	_ =	swait.ge @!p0 [sflag:s8], $0x0  }
0x24: {  	s3 =	sadd.s32 $0x88, s3;
	s6 =	simm.s32 @!p1 $0x1082;
	[sflag:s4] =	ssyncset.s32 $0xFFFFF086  }
0x25: {  	[simem:s6], [sflag:s4] =	dma.local [hbm:s3], $0xF7A  }
0x26: {  	[smem:$0x3F64] =	sst s1;
	(tag) =	ssettag s2;
	_ =	strace s9  }
0x27: {  	s1 =	sld [smem:$0x3F74]  }
0x28: {  	s2 =	sld [smem:$0x3F75]  }
0x29: {  	s4 =	sld [smem:$0x3F77]  }
0x2a: {  	p0 =	seq.s32 s5, $0x0;
	s5 =	sld [smem:$0x3F78]  }
0x2b: {  	s6 =	sld [smem:$0x3F79]  }
0x2c: {  	s7 =	sld [smem:$0x3F7A]  }
0x2d: {  	s3 =	simm.s32 $0x108;
	s8 =	sld [smem:$0x3F7B]  }
0x2e: {  	s3 =	simm.s32 @!p0 $0x1082;
	s9 =	sld [smem:$0x3F7C]  }
0x2f: {  	lr =	sadd.s32 s0, s3;
	s0 =	sld [smem:$0x3F73]  }
0x30: {  	s3 =	sld [smem:$0x3F76]  }
0x31: {  	[smem:$0x3F7F] =	sst s10  }
0x32: {  	s10 =	sld [smem:$0x3F7D];
	_ =	sdelay $0x3  }
0x33: {  	p0 =	seq.s32 s10, $0x1;
	s10 =	sld [smem:$0x3F7F];
	_ =	sdelay $0x3  }
0x34: {  	[smem:$0x3F7F] =	sst s10  }
0x35: {  	s10 =	sld [smem:$0x3F7E];
	_ =	sdelay $0x3  }
0x36: {  	p1 =	seq.s32 s10, $0x1;
	s10 =	sld [smem:$0x3F7F];
	_ =	sdelay $0x3  }
0x37: {  	[smem:$0x3F7F] =	sst s10  }
0x38: {  	s10 =	sld [smem:$0x3F80]  }
0x39: {  	_ = 	snop;
	(pc) =	sbr.ind lr, $3  }
0x3a: {  	_ = 	snop  }
0x3b: {  	_ = 	snop  }
0x3c: {  	p2 =	seq.s32 s10, $0x1;
	s10 =	sld [smem:$0x3F7F]  }
0x3d: {  	_ =	shalt  }
0x3e: {  	_ =	shalt  }
0x3f: {  	_ =	shalt  }
0x40: {  	_ =	shalt  }
0x41: {  	_ =	shalt  }
0x42: {  	_ =	shalt  }
0x43: {  	_ =	shalt  }
0x44: {  	_ =	shalt  }
0x45: {  	_ =	shalt  }
0x46: {  	_ =	shalt  }
0x47: {  	_ =	shalt  }
0x48: {  	_ =	shalt  }
0x49: {  	_ =	shalt  }
0x4a: {  	_ =	shalt  }
0x4b: {  	_ =	shalt  }
0x4c: {  	_ =	shalt  }
0x4d: {  	_ =	shalt  }
0x4e: {  	_ =	shalt  }
0x4f: {  	_ =	shalt  }
0x50: {  	_ =	shalt  }
0x51: {  	_ =	shalt  }
0x52: {  	_ =	shalt  }
0x53: {  	_ =	shalt  }
0x54: {  	_ =	shalt  }
0x55: {  	_ =	shalt  }
0x56: {  	_ =	shalt  }
0x57: {  	_ =	shalt  }
0x58: {  	_ =	shalt  }
0x59: {  	_ =	shalt  }
0x5a: {  	_ =	shalt  }
0x5b: {  	_ =	shalt  }
0x5c: {  	_ =	shalt  }
0x5d: {  	_ =	shalt  }
0x5e: {  	_ =	shalt  }
0x5f: {  	_ =	shalt  }
0x60: {  	_ =	shalt  }
0x61: {  	_ =	shalt  }
0x62: {  	_ =	shalt  }
0x63: {  	_ =	shalt  }
0x64: {  	_ =	shalt  }
0x65: {  	_ =	shalt  }
0x66: {  	_ =	shalt  }
0x67: {  	_ =	shalt  }
0x68: {  	_ =	shalt  }
0x69: {  	_ =	shalt  }
0x6a: {  	_ =	shalt  }
0x6b: {  	_ =	shalt  }
0x6c: {  	_ =	shalt  }
0x6d: {  	_ =	shalt  }
0x6e: {  	_ =	shalt  }
0x6f: {  	_ =	shalt  }
0x70: {  	_ =	shalt  }
0x71: {  	_ =	shalt  }
0x72: {  	_ =	shalt  }
0x73: {  	_ =	shalt  }
0x74: {  	_ =	shalt  }
0x75: {  	_ =	shalt  }
0x76: {  	_ =	shalt  }
0x77: {  	_ =	shalt  }
0x78: {  	_ =	shalt  }
0x79: {  	_ =	shalt  }
0x7a: {  	_ =	shalt  }
0x7b: {  	_ =	shalt  }
0x7c: {  	_ =	shalt  }
0x7d: {  	_ =	shalt  }
0x7e: {  	_ =	shalt  }
0x7f: {  	_ =	shalt  }
0x80: {  	_ =	shalt  }
0x81: {  	_ =	shalt  }
0x82: {  	_ =	shalt  }
0x83: {  	_ =	shalt  }
0x84: {  	_ =	shalt  }
0x85: {  	_ =	shalt  }
0x86: {  	_ =	shalt  }
0x87: {  	_ =	shalt  }
.Lfunc_end0:
.L_simem_size_0:
called_computation.4_lowered:
.L_overlay_start_0:
0x88: {  	s2 =	sld [smem:$0x3FD9]  }
0x89: {  	s3 =	sld [smem:$0x3FFE];
	_ =	sdelay $0x1  }
0x8a: {  	s1 =	srdreg.scid  }
0x8b: {  	s0 =	sand.u32 $0x1, s1  }
0x8c: {  	s14 =	sshll.u32 s0, $0xA;
	s2 =	sadd.s32 s3, s2  }
0x8d: {  	s2 =	sadd.s32 s2, s14  }
0x8e: {  	[smem:$0x3F8B] =	sst s2  }
0x8f: {  	_ = 	snop  }
0x90: {  	s2 =	sld [smem:$0x3FD0];
	_ =	sdelay $0x2  }
0x91: {  	s15 =	simm.s32 $0xB;
	s4 =	simm.s32 $0x10  }
0x92: {  	[smem:s4], [sflag:s15] =	dma.local [hbm:s2], $0x1  }
0x93: {  	_ =	swait.eq [sflag:s15], $0x1  }
0x94: {  	[sflag:s15] =	ssyncset.done $0x0  }
0x95: {  	[sflag:s15] =	ssyncadd.s32 $0xFFFFFFFF  }
0x96: {  	s16 =	sld [smem:$0x10];
	(tm) =	ssettm $0x1  }
0x97: {  	s17 =	sld [smem:$0x3FFB];
	_ =	sdelay $0x3  }
0x98: {  	_ =	strace s17  }
0x99: {  	s3 =	sld [smem:$0x3FFC];
	_ =	sdelay $0x3  }
0x9a: {  	_ =	strace s3  }
0x9b: {  	s3 =	sld [smem:$0x3FFD];
	_ =	sdelay $0x3  }
0x9c: {  	_ =	strace s3  }
0x9d: {  	_ =	strace $0x8FFFFFFF  }
0x9e: {  	s18 =	sld [smem:$0x3FDB];
	_ =	sdelay $0x1  }
0x9f: {  	s19 =	simm.s32 $_scs_section_size  }
0xa0: {  	s5 =	simm.s32 $_size__tile_overlayer_lowered;
	s6 =	simm.s32 $_tile_overlayer_lowered  }
0xa1: {  	s22 =	simm.s32 $0x1BFF;
	s21 =	sshll.u32 s6, $0x1;
	s3 =	sadd.s32 s19, s18  }
0xa2: {  	s7 =	simm.s32 $0x0;
	s20 =	sshll.u32 s5, $0x1;
	s5 =	sadd.s32 s21, s3  }
0xa3: {  	[timem:s7], [sflag:s22] =	dma.local [hbm:s5], s20  }
0xa4: {  	_ =	swait.ge [sflag:s22], s20  }
0xa5: {  	s4 =	ssub.s32 $0x0, s20;
	[sflag:s22] =	ssyncset.done $0x0  }
0xa6: {  	[sflag:s22] =	ssyncadd.s32 s4;
	_ =	sdelay $0x1  }
0xa7: {  	s23 =	simm.s32 $0x1B8B  }
0xa8: {  	_ =	swait.ge [sflag:s23], $0x1  }
0xa9: {  	[sflag:s23] =	ssyncset.done $0x0  }
0xaa: {  	s25 =	simm.s32 $0x1B8E;
	s24 =	sld [smem:$0x3FFE];
	[sflag:s23] =	ssyncadd.s32 $0xFFFFFFFF  }
0xab: {  	s26 =	simm.s32 $execute0_lowered;
	[smem:$0x3FD2] =	sst s25  }
0xac: {  	s5 =	sshll.u32 s26, $0x1;
	_ =	strace $0x80000052;
	[dreg:$0x1] =	wrdreg $0xFFFFFFFF  }
0xad: {  	s28 =	simm.s32 $_size_execute0_lowered;
	s3 =	sadd.s32 s3, s5;
	[dreg:$0x0] =	wrdreg $0x0  }
0xae: {  	s5 =	sshll.u32 s28, $0x1;
	[dreg:$0x2] =	wrdreg s3  }
0xaf: {  	[dreg:$0x3] =	wrdreg s5  }
0xb0: {  	[dreg:$0x4] =	wrdreg $0xC0  }
0xb1: {  	_ =	task [dreg:s7], $0x5FFFF  }
0xb2: {  	[dreg:$0x1] =	wrdreg $0xFFFFFFFF  }
0xb3: {  	[dreg:$0x0] =	wrdreg $0x60  }
0xb4: {  	[dreg:$0x2] =	wrdreg s24  }
0xb5: {  	[dreg:$0x3] =	wrdreg s16  }
0xb6: {  	[dreg:$0x4] =	wrdreg $0xB8000  }
0xb7: {  	[dreg:$0x5] =	wrdreg $0x9  }
0xb8: {  	_ =	task.clear_ibuf [dreg:s7], $0x6FFFF;
	_ =	strace $0x90000052  }
0xb9: {  	s29 =	simm.s32 $0x9;
	_ =	strace $0x80000054  }
0xba: {  	_ =	swait.ge [sflag:s29], $0x1  }
0xbb: {  	[sflag:s29] =	ssyncadd.s32 $0xFFFFFFFF  }
0xbc: {  	_ =	strace $0x90000054  }
0xbd: {  	_ =	sfence  }
0xbe: {  	s30 =	sld [smem:$0x0];
	_ =	sdelay $0x2  }
0xbf: {  	s31 =	sshll.u32 s1, $0xD;
	s1 =	sshrl.u32 s1, $0x2  }
0xc0: {  	s3 =	sand.u32 $0x4000, s31;
	s1 =	sadd.s32 s1, s30  }
0xc1: {  	s0 =	sor.u32 s3, s0;
	s1 =	sshll.u32 s1, $0x11  }
0xc2: {  	s0 =	sor.u32 s1, s0  }
0xc3: {  	s0 =	sadd.s32 $0x8F2B, s0  }
0xc4: {  	[sflag:s0] =	ssyncadd.remote.s32 $0x1  }
0xc5: {  	_ =	sfence.sel $0xFFFF  }
0xc6: {  	[dreg:$0x0] =	wrdreg $0xFFFFFFFF;
	(pc) =	sbr.abs _section_cstart, $3  }
0xc7: {  	[dreg:$0x1] =	wrdreg $0xFFFFFFFF  }
0xc8: {  	_ =	task.clear_ibuf [dreg:s7], $0x2FFFF;
	_ =	strace $0x9FFFFFFF  }
0xc9: {  	(tm) =	ssettm $0x7FFFFFFF  }
tec
execute0_lowered:
.L_overlay_start_1:
0x0: {  	(tag) =	ssettag $0x1  }
0x1: {  	s9 =	rddreg [dreg:$0x0]  }
0x2: {  	s14 =	rddreg [dreg:$0x1]  }
0x3: {  	s1 =	rddreg [dreg:$0x2];
	s2 =	simm.s32 $0x0  }
0x4: {  	s7 =	srdreg.scid;
	s4 =	stileid.u32;
	s23 =	simm.s32 $0x7800  }
0x5: {  	s24 =	simm.s32 $0x1;
	[smem:$0x7FF] =	sst s2;
	s3 =	sadd.s32 $0x93600, s9  }
0x6: {  	s5 =	sadd.s32 $0xBB600, s9;
	s6 =	sadd.s32 $0x18E00, s9;
	s13 =	sadd.s32 $0x13E00, s9  }
0x7: {  	s15 =	sand.u32 $0x1, s7;
	s16 =	sadd.s32 $0xEE00, s9;
	s11 =	smul.u32 $0x50000, s4  }
0x8: {  	s7 =	sadd.s32 $0x90E00, s9;
	s8 =	sadd.s32 $0x40E00, s9;
	s9 =	sadd.s32 $0x68E00, s9  }
0x9: {  	s29 =	sshrl.u32 s4, $0x1;
	s30 =	sshll.u32 s4, $0x6;
	s19 =	smul.u32 $0x500, s4  }
0xa: {  	s20 =	sand.u32 $0x1, s4;
	_ =	strace $0x80000053;
	s10 =	ssub.s32 $0x2, s15  }
0xb: {  	s28 =	sshll.u32 s15, $0x3;
	p0 =	seq.s32 s20, $0x1;
	s20 =	simm.s32 $0x280  }
0xc: {  	s22 =	smul.u32 $0x28000, s15;
	s12 =	sshrl.u32 s10, $0x1;
	s26 =	sshrl.u32 s11, $0x2  }
0xd: {  	s11 =	sor.u32 s29, s28;
	s20 =	simm.s32 @!p0 $0x0;
	p0 =	sne.s32 s15, $0x0  }
0xe: {  	s17 =	ssub.s32 s10, s12;
	s18 =	sadd.s32 s26, s1;
	s10 =	sor.u32 $0x1C02, s30  }
0xf: {  	s21 =	smul.u32 $0x500, s11;
	s11 =	sadd.s32 s13, s19;
	s12 =	sadd.s32 s16, s19  }
0x10: {  	s25 =	sadd.s32 s14, s22;
	s19 =	simm.s32 $0x5000;
	s22 =	simm.s32 $0x80  }
0x11: {  	s26 =	simm.s32 $0x0;
	s14 =	smax.u32 s17, $0x1;
	s15 =	sshrl.u32 s18, $0x3  }
0x12: {  	s17 =	simm.s32 $0x2800;
	s31 =	sadd.s32 s13, s21;
	s13 =	smul.u32 $0x2800, s4  }
0x13: {  	s21 =	sadd.s32 s16, s21;
	s16 =	simm.s32 $0x2;
	s18 =	sadd.s32 s20, s31  }
0x14: {  	s20 =	sadd.s32 s20, s21;
	s21 =	simm.s32 $0x6400;
	s25 =	sadd.s32 s13, s25  }
.LBB2_1:
0x15: {  	[spmem:s15], [sflag:s10] =	dma.local [hbm:s7], $0x2800  }
0x16: {  	_ =	swait.ge [sflag:s16], $0x2800  }
0x17: {  	[sflag:s16] =	ssyncset.done $0x0  }
0x18: {  	[sflag:s16] =	ssyncadd.s32 $0xFFFFD800  }
0x19: {  	[tilespmem:s2], [sflag:$0x2] =	stream.linear.gather [hbm4b:s11+s2], $0x2800, $0x38;
	[tilespmem:$0x1F800] =	vst v63  }
0x1a: {  	_ =	swait.ge [sflag:s16], $0x2800  }
0x1b: {  	[sflag:s16] =	ssyncset.done $0x0  }
0x1c: {  	[sflag:s16] =	ssyncadd.s32 $0xFFFFD800  }
0x1d: {  	[tilespmem:s17], [sflag:$0x2] =	stream.linear.gather [hbm4b:s12+s2], $0x2800, $0x38;
	[tilespmem:$0x1F800] =	vst v63  }
0x1e: {  	_ =	swait.ge [sflag:s16], $0x2800  }
0x1f: {  	[sflag:s16] =	ssyncset.done $0x0  }
0x20: {  	[sflag:s16] =	ssyncadd.s32 $0xFFFFD800  }
0x21: {  	[tilespmem:s19], [sflag:$0x2] =	stream.linear.gather [hbm4b:s18+s2], $0x1400, $0x38;
	[tilespmem:$0x1F800] =	vst v63  }
0x22: {  	_ =	swait.ge [sflag:s16], $0x1400  }
0x23: {  	[sflag:s16] =	ssyncset.done $0x0  }
0x24: {  	[sflag:s16] =	ssyncadd.s32 $0xFFFFEC00  }
0x25: {  	[tilespmem:s21], [sflag:$0x2] =	stream.linear.gather [hbm4b:s20+s2], $0x1400, $0x38;
	[tilespmem:$0x1F800] =	vst v63  }
.Ltmp0:
0x26: {  	_ =	swait.ge [sflag:s16], $0x1400;
	(pc) =	sbr.rel @p0 .LBB2_5-.Ltmp0, $4  }
0x27: {  	[sflag:s16] =	ssyncset.done $0x0  }
0x28: {  	[sflag:s16] =	ssyncadd.s32 $0xFFFFEC00  }
0x29: {  	[bflag:$0x0] =	sbarrier.arrive $0xFFFF  }
0x2a: {  	s28 =	simm.s32 $0x0  }
0x2b: {  	[tilespmem:s23], [sflag:$0x1] =	stream.indirect.gather [hbm4b:s3+s22], $0x80, s28, s22, $0xb8;
	[tilespmem:$0x1F800] =	vst v63  }
0x2c: {  	_ =	swait.ge [sflag:s24], $0x4000  }
0x2d: {  	[sflag:s24] =	ssyncset.done $0x0  }
0x2e: {  	s28 =	simm.s32 $0x2800;
	[sflag:s24] =	ssyncadd.s32 $0xFFFFC000  }
0x2f: {  	[spmem:s1] =	stream.indirect.scatter.add.f32 [tilespmem:s23], [sflag:$0x2], $0x80, s28, s22, $0xb8;
	[tilespmem:$0x1F800] =	vst v63  }
0x30: {  	_ =	swait.ge [sflag:s16], $0x4000  }
0x31: {  	s29 =	simm.s32 $0x400;
	s28 =	simm.s32 $0x200;
	[sflag:s16] =	ssyncset.done $0x0  }
.LBB2_3:
0x32: {  	s30 =	sshra.s32 s28, $0x2  }
0x33: {  	[sflag:s16] =	ssyncadd.s32 $0xFFFFC000;
	s28 =	smov.u32 s29;
	s31 =	sadd.s32 $0x200, s29  }
0x34: {  	[tilespmem:s23], [sflag:$0x1] =	stream.indirect.gather [hbm4b:s3+s22], $0x80, s30, s22, $0xb8;
	[tilespmem:$0x1F800] =	vst v63  }
0x35: {  	p1 =	seq.s32 s29, $0x9E00;
	_ =	swait.ge [sflag:s24], $0x4000  }
.Ltmp1:
0x36: {  	[sflag:s24] =	ssyncset.done $0x0;
	(pc) =	sbr.rel @!p1 .LBB2_3-.Ltmp1, $4  }
0x37: {  	s29 =	sadd.s32 $0x2800, s30;
	[sflag:s24] =	ssyncadd.s32 $0xFFFFC000  }
0x38: {  	[spmem:s1] =	stream.indirect.scatter.add.f32 [tilespmem:s23], [sflag:$0x2], $0x80, s29, s22, $0xb8;
	[tilespmem:$0x1F800] =	vst v63  }
0x39: {  	_ =	swait.ge [sflag:s16], $0x4000  }
0x3a: {  	s29 =	smov.u32 s31;
	[sflag:s16] =	ssyncset.done $0x0  }
0x3b: {  	s28 =	sshra.s32 s28, $0x2;
	[sflag:s16] =	ssyncadd.s32 $0xFFFFC000  }
0x3c: {  	[tilespmem:s23], [sflag:$0x1] =	stream.indirect.gather [hbm4b:s3+s22], $0x80, s28, s22, $0xb8;
	[tilespmem:$0x1F800] =	vst v63  }
0x3d: {  	_ =	swait.ge [sflag:s24], $0x4000  }
0x3e: {  	[sflag:s24] =	ssyncset.done $0x0  }
.Ltmp2:
0x3f: {  	s28 =	sadd.s32 $0x2800, s28;
	[sflag:s24] =	ssyncadd.s32 $0xFFFFC000;
	(pc) =	sbr.rel .LBB2_8-.Ltmp2, $4  }
0x40: {  	[spmem:s1] =	stream.indirect.scatter.add.f32 [tilespmem:s23], [sflag:$0x2], $0x80, s28, s22, $0xb8;
	[tilespmem:$0x1F800] =	vst v63  }
0x41: {  	_ =	swait.ge [sflag:s16], $0x4000  }
0x42: {  	[sflag:s16] =	ssyncset.done $0x0  }
0x43: {  	s28 =	smov.u32 s8;
	[sflag:s16] =	ssyncadd.s32 $0xFFFFC000  }
.LBB2_5:
0x44: {  	[tilespmem:s23], [sflag:$0x1] =	stream.indirect.gather [hbm4b:s5+s22], $0x80, s28, s22, $0xb8;
	[tilespmem:$0x1F800] =	vst v63  }
0x45: {  	_ =	swait.ge [sflag:s24], $0x4000  }
0x46: {  	[sflag:s24] =	ssyncset.done $0x0  }
0x47: {  	s28 =	simm.s32 $0x2800;
	[sflag:s24] =	ssyncadd.s32 $0xFFFFC000  }
0x48: {  	[spmem:s1] =	stream.indirect.scatter.add.f32 [tilespmem:s23], [sflag:$0x2], $0x80, s28, s22, $0xb8;
	[tilespmem:$0x1F800] =	vst v63  }
0x49: {  	_ =	swait.ge [sflag:s16], $0x4000  }
0x4a: {  	s29 =	simm.s32 $0x400;
	s28 =	simm.s32 $0x200;
	[sflag:s16] =	ssyncset.done $0x0  }
.LBB2_6:
0x4b: {  	s30 =	sshra.s32 s28, $0x2  }
0x4c: {  	[sflag:s16] =	ssyncadd.s32 $0xFFFFC000;
	s28 =	smov.u32 s29;
	s31 =	sadd.s32 $0x200, s29  }
0x4d: {  	[tilespmem:s23], [sflag:$0x1] =	stream.indirect.gather [hbm4b:s5+s22], $0x80, s30, s22, $0xb8;
	[tilespmem:$0x1F800] =	vst v63  }
0x4e: {  	p1 =	sne.s32 s29, $0x9E00;
	_ =	swait.ge [sflag:s24], $0x4000  }
.Ltmp3:
0x4f: {  	[sflag:s24] =	ssyncset.done $0x0;
	(pc) =	sbr.rel @p1 .LBB2_6-.Ltmp3, $4  }
0x50: {  	s29 =	sadd.s32 $0x2800, s30;
	[sflag:s24] =	ssyncadd.s32 $0xFFFFC000  }
0x51: {  	[spmem:s1] =	stream.indirect.scatter.add.f32 [tilespmem:s23], [sflag:$0x2], $0x80, s29, s22, $0xb8;
	[tilespmem:$0x1F800] =	vst v63  }
0x52: {  	_ =	swait.ge [sflag:s16], $0x4000  }
0x53: {  	s29 =	smov.u32 s31;
	[sflag:s16] =	ssyncset.done $0x0  }
0x54: {  	s28 =	sshra.s32 s28, $0x2;
	[sflag:s16] =	ssyncadd.s32 $0xFFFFC000  }
0x55: {  	[tilespmem:s23], [sflag:$0x1] =	stream.indirect.gather [hbm4b:s5+s22], $0x80, s28, s22, $0xb8;
	[tilespmem:$0x1F800] =	vst v63  }
0x56: {  	_ =	swait.ge [sflag:s24], $0x4000  }
0x57: {  	[sflag:s24] =	ssyncset.done $0x0  }
0x58: {  	s28 =	sadd.s32 $0x2800, s28;
	[sflag:s24] =	ssyncadd.s32 $0xFFFFC000  }
0x59: {  	[spmem:s1] =	stream.indirect.scatter.add.f32 [tilespmem:s23], [sflag:$0x2], $0x80, s28, s22, $0xb8;
	[tilespmem:$0x1F800] =	vst v63  }
0x5a: {  	_ =	swait.ge [sflag:s16], $0x4000  }
0x5b: {  	[sflag:s16] =	ssyncset.done $0x0  }
0x5c: {  	s28 =	smov.u32 s9;
	[sflag:s16] =	ssyncadd.s32 $0xFFFFC000  }
.LBB2_8:
0x5d: {  	s28 =	sadd.s32 s28, s13;
	[bflag:$0x0] =	sbarrier.arrive $0xFFFF  }
0x5e: {  	[hbm:s28], [sflag:s10] =	dma.local [spmem:s15], $0x2800  }
0x5f: {  	_ =	swait.ge [sflag:s16], $0x2800  }
0x60: {  	[sflag:s16] =	ssyncset.done $0x0  }
0x61: {  	[sflag:s16] =	ssyncadd.s32 $0xFFFFD800  }
0x62: {  	[spmem:s15], [sflag:s10] =	dma.local [hbm:s7], $0x2800  }
0x63: {  	_ =	swait.ge [sflag:s16], $0x2800  }
0x64: {  	[sflag:s16] =	ssyncset.done $0x0  }
0x65: {  	[sflag:s16] =	ssyncadd.s32 $0xFFFFD800  }
0x66: {  	s28 =	simm.s32 $0x5000;
	[bflag:$0x0] =	sbarrier.arrive $0xFFFF  }
0x67: {  	[tilespmem:s23], [sflag:$0x1] =	stream.indirect.gather [hbm4b:s6+s22], $0x80, s28, s22, $0xb8;
	[tilespmem:$0x1F800] =	vst v63  }
0x68: {  	_ =	swait.ge [sflag:s24], $0x4000  }
0x69: {  	[sflag:s24] =	ssyncset.done $0x0  }
0x6a: {  	s28 =	simm.s32 $0x6400;
	[sflag:s24] =	ssyncadd.s32 $0xFFFFC000  }
0x6b: {  	[spmem:s1] =	stream.indirect.scatter.add.f32 [tilespmem:s23], [sflag:$0x2], $0x80, s28, s22, $0xb8;
	[tilespmem:$0x1F800] =	vst v63  }
0x6c: {  	_ =	swait.ge [sflag:s16], $0x4000  }
0x6d: {  	s29 =	simm.s32 $0x400;
	s28 =	simm.s32 $0x80;
	[sflag:s16] =	ssyncset.done $0x0  }
.LBB2_9:
0x6e: {  	s30 =	sadd.s32 $0x5000, s28  }
0x6f: {  	[sflag:s16] =	ssyncadd.s32 $0xFFFFC000;
	s31 =	smov.u32 s29;
	s0 =	sadd.s32 $0x200, s29  }
0x70: {  	[tilespmem:s23], [sflag:$0x1] =	stream.indirect.gather [hbm4b:s6+s22], $0x80, s30, s22, $0xb8;
	[tilespmem:$0x1F800] =	vst v63  }
0x71: {  	p1 =	sne.s32 s29, $0x4E00;
	_ =	swait.ge [sflag:s24], $0x4000  }
.Ltmp4:
0x72: {  	[sflag:s24] =	ssyncset.done $0x0;
	(pc) =	sbr.rel @p1 .LBB2_9-.Ltmp4, $4  }
0x73: {  	s28 =	sadd.s32 $0x6400, s28;
	[sflag:s24] =	ssyncadd.s32 $0xFFFFC000  }
0x74: {  	[spmem:s1] =	stream.indirect.scatter.add.f32 [tilespmem:s23], [sflag:$0x2], $0x80, s28, s22, $0xb8;
	[tilespmem:$0x1F800] =	vst v63  }
0x75: {  	_ =	swait.ge [sflag:s16], $0x4000  }
0x76: {  	s29 =	smov.u32 s0;
	s28 =	sshra.s32 s31, $0x2;
	[sflag:s16] =	ssyncset.done $0x0  }
0x77: {  	s0 =	sadd.s32 $0x5000, s28;
	[sflag:s16] =	ssyncadd.s32 $0xFFFFC000  }
0x78: {  	[tilespmem:s23], [sflag:$0x1] =	stream.indirect.gather [hbm4b:s6+s22], $0x80, s0, s22, $0xb8;
	[tilespmem:$0x1F800] =	vst v63  }
0x79: {  	_ =	swait.ge [sflag:s24], $0x4000  }
0x7a: {  	[sflag:s24] =	ssyncset.done $0x0  }
0x7b: {  	s31 =	sadd.s32 $0x6400, s28;
	[sflag:s24] =	ssyncadd.s32 $0xFFFFC000  }
0x7c: {  	[spmem:s1] =	stream.indirect.scatter.add.f32 [tilespmem:s23], [sflag:$0x2], $0x80, s31, s22, $0xb8;
	[tilespmem:$0x1F800] =	vst v63  }
0x7d: {  	_ =	swait.ge [sflag:s16], $0x4000  }
0x7e: {  	s26 =	sadd.s32 $0x1, s26;
	[sflag:s16] =	ssyncset.done $0x0  }
0x7f: {  	p1 =	sne.s32 s26, s14;
	[sflag:s16] =	ssyncadd.s32 $0xFFFFC000  }
.Ltmp5:
0x80: {  	[bflag:$0x0] =	sbarrier.arrive $0xFFFF;
	(pc) =	sbr.rel @p1 .LBB2_1-.Ltmp5, $4  }
0x81: {  	[hbm:s25], [sflag:s10] =	dma.local [spmem:s15], $0x2800  }
0x82: {  	_ =	swait.ge [sflag:s16], $0x2800  }
0x83: {  	[sflag:s16] =	ssyncset.done $0x0  }
0x84: {  	[sflag:s16] =	ssyncadd.s32 $0xFFFFD800  }
0x85: {  	_ =	sfence.sel $0x180000  }
0x86: {  	[bflag:$0x0] =	sbarrier.arrive $0xFFFF  }
0x87: {  	_ =	strace $0x90000053  }
0x88: {  	[bflag:$0x2] =	sbarrier.arrive $0xFFFF  }
0x89: {  	p0 =	sne.s32 s4, $0x0;
	s0 =	rddreg [dreg:$0x3]  }
0x8a: {  	s0 =	sadd.s32 @!p0 $0x100000, s0  }
0x8b: {  	[sflag:s0] =	ssyncadd.tile.s32 @!p0 $0x1;
	_ =	shalt  }
.Lfunc_end2:
_tile_overlayer_lowered:
.L_overlay_start_2:
0x8c: {  	(tag) =	ssettag $0x2  }
0x8d: {  	s0 =	rddreg [dreg:$0x0];
	s2 =	stileid.u32  }
0x8e: {  	s1 =	rddreg [dreg:$0x1];
	p0 =	sne.s32 s2, $0x0  }
0x8f: {  	s3 =	rddreg [dreg:$0x2];
	[bflag:$0x3] =	sbarrier.arrive $0xFFFF;
	s2 =	simm.s32 @!p0 $0x1C02  }
0x90: {  	[timem:s3], [sflag:s2] =	dma.local @!p0 [hbm:s0], s1  }
0x91: {  	s0 =	simm.s32 @!p0 $0x2  }
0x92: {  	_ =	swait.ge @!p0 [sflag:s0], s1  }
0x93: {  	s1 =	ssub.s32 @!p0 $0x0, s1;
	[sflag:s0] =	ssyncset.done @!p0 $0x0  }
0x94: {  	[sflag:s0] =	ssyncadd.s32 @!p0 s1  }
0x95: {  	[bflag:$0x3] =	sbarrier.arrive $0xFFFF  }
0x96: {  	_ =	shalt  }

// kernel: kernel.38.cloned.1.call-start
scs
__scs_entry_jumppad:
0x0: {  	(pc) =	sbr.rel $0x88, $3  }
0x1: {  	(tag) =	ssettag $0x0;
	lr =	simm.s32 $0x1  }
0x2: {  	[smem:$0x3F64] =	sst lr;
	_ =	strace $0xD0000000  }
0x3: {  	_ = 	snop  }
0x4: {  	_ = 	snop  }
0x5: {  	_ = 	snop  }
0x6: {  	_ = 	snop  }
0x7: {  	_ = 	snop  }
__scs_overlays_trampoline_lowered:
0x8: {  	[smem:$0x3F73] =	sst s0  }
0x9: {  	[smem:$0x3F74] =	sst s1  }
0xa: {  	[smem:$0x3F75] =	sst s2  }
0xb: {  	[smem:$0x3F76] =	sst s3  }
0xc: {  	[smem:$0x3F77] =	sst s4  }
0xd: {  	[smem:$0x3F78] =	sst s5  }
0xe: {  	[smem:$0x3F79] =	sst s6  }
0xf: {  	[smem:$0x3F7A] =	sst s7  }
0x10: {  	[smem:$0x3F7B] =	sst s8  }
0x11: {  	[smem:$0x3F7C] =	sst s9;
	s0 =	simm.s32 @!p0 $0x0  }
0x12: {  	s1 =	sld [smem:$0x3F62];
	s0 =	simm.s32 @p0 $0x1  }
0x13: {  	[smem:$0x3F7D] =	sst s0;
	s0 =	simm.s32 @!p1 $0x0  }
0x14: {  	s2 =	sld [smem:$0x3F61];
	s0 =	simm.s32 @p1 $0x1  }
0x15: {  	[smem:$0x3F7E] =	sst s0;
	s0 =	simm.s32 @!p2 $0x0  }
0x16: {  	s3 =	sld [smem:$0x3FDB];
	s0 =	simm.s32 @p2 $0x1  }
0x17: {  	s4 =	simm.s32 $0x1BF5;
	[smem:$0x3F80] =	sst s0  }
0x18: {  	s0 =	sld [smem:$0x3F63];
	_ =	swait.ge [sflag:s4], $0x0  }
0x19: {  	s7 =	sld [smem:$0x3F64]  }
0x1a: {  	s8 =	sadd.s32 $0xFFFFE003, lr  }
0x1b: {  	s9 =	sadd.s32 $0xFFFFFEF7, lr;
	s5 =	simm.s32 $0xFFFFFFFF;
	p2 =	slt.u32 s8, $0xFFFFF086  }
0x1c: {  	p1 =	slt.u32 s9, $0xF7A;
	s5 =	simm.s32 @!p2 $0x0  }
0x1d: {  	s5 =	simm.s32 @p1 $0x1;
	p0 =	seq.s32 s7, s2  }
0x1e: {  	s7 =	smul.u32 @!p0 $0xF7A, s2;
	p2 =	seq.s32 @!p0 s5, $0x0  }
0x1f: {  	s9 =	smul.u32 $0xF7A, s1;
	s8 =	simm.s32 @!p0 $0x1BF5;
	p2 =	por !p2, p0  }
0x20: {  	[sflag:s8] =	ssyncset.s32 @!p0 $0xFFFFF086;
	s6 =	sadd.s32 @!p0 s3, s7;
	s7 =	simm.s32 @!p0 $0x108  }
0x21: {  	s3 =	sadd.s32 s3, s9;
	s6 =	sadd.s32 @!p0 $0x88, s6;
	s7 =	simm.s32 @p2 $0x1082  }
0x22: {  	[simem:s7], [sflag:s8] =	dma.local @!p0 [hbm:s6], $0xF7A  }
0x23: {  	s9 =	sor.u32 $0xD0000000, s2;
	s6 =	simm.s32 $0x108;
	_ =	swait.ge @!p0 [sflag:s8], $0x0  }
0x24: {  	s3 =	sadd.s32 $0x88, s3;
	s6 =	simm.s32 @!p1 $0x1082;
	[sflag:s4] =	ssyncset.s32 $0xFFFFF086  }
0x25: {  	[simem:s6], [sflag:s4] =	dma.local [hbm:s3], $0xF7A  }
0x26: {  	[smem:$0x3F64] =	sst s1;
	(tag) =	ssettag s2;
	_ =	strace s9  }
0x27: {  	s1 =	sld [smem:$0x3F74]  }
0x28: {  	s2 =	sld [smem:$0x3F75]  }
0x29: {  	s4 =	sld [smem:$0x3F77]  }
0x2a: {  	p0 =	seq.s32 s5, $0x0;
	s5 =	sld [smem:$0x3F78]  }
0x2b: {  	s6 =	sld [smem:$0x3F79]  }
0x2c: {  	s7 =	sld [smem:$0x3F7A]  }
0x2d: {  	s3 =	simm.s32 $0x108;
	s8 =	sld [smem:$0x3F7B]  }
0x2e: {  	s3 =	simm.s32 @!p0 $0x1082;
	s9 =	sld [smem:$0x3F7C]  }
0x2f: {  	lr =	sadd.s32 s0, s3;
	s0 =	sld [smem:$0x3F73]  }
0x30: {  	s3 =	sld [smem:$0x3F76]  }
0x31: {  	[smem:$0x3F7F] =	sst s10  }
0x32: {  	s10 =	sld [smem:$0x3F7D];
	_ =	sdelay $0x3  }
0x33: {  	p0 =	seq.s32 s10, $0x1;
	s10 =	sld [smem:$0x3F7F];
	_ =	sdelay $0x3  }
0x34: {  	[smem:$0x3F7F] =	sst s10  }
0x35: {  	s10 =	sld [smem:$0x3F7E];
	_ =	sdelay $0x3  }
0x36: {  	p1 =	seq.s32 s10, $0x1;
	s10 =	sld [smem:$0x3F7F];
	_ =	sdelay $0x3  }
0x37: {  	[smem:$0x3F7F] =	sst s10  }
0x38: {  	s10 =	sld [smem:$0x3F80]  }
0x39: {  	_ = 	snop;
	(pc) =	sbr.ind lr, $3  }
0x3a: {  	_ = 	snop  }
0x3b: {  	_ = 	snop  }
0x3c: {  	p2 =	seq.s32 s10, $0x1;
	s10 =	sld [smem:$0x3F7F]  }
0x3d: {  	_ =	shalt  }
0x3e: {  	_ =	shalt  }
0x3f: {  	_ =	shalt  }
0x40: {  	_ =	shalt  }
0x41: {  	_ =	shalt  }
0x42: {  	_ =	shalt  }
0x43: {  	_ =	shalt  }
0x44: {  	_ =	shalt  }
0x45: {  	_ =	shalt  }
0x46: {  	_ =	shalt  }
0x47: {  	_ =	shalt  }
0x48: {  	_ =	shalt  }
0x49: {  	_ =	shalt  }
0x4a: {  	_ =	shalt  }
0x4b: {  	_ =	shalt  }
0x4c: {  	_ =	shalt  }
0x4d: {  	_ =	shalt  }
0x4e: {  	_ =	shalt  }
0x4f: {  	_ =	shalt  }
0x50: {  	_ =	shalt  }
0x51: {  	_ =	shalt  }
0x52: {  	_ =	shalt  }
0x53: {  	_ =	shalt  }
0x54: {  	_ =	shalt  }
0x55: {  	_ =	shalt  }
0x56: {  	_ =	shalt  }
0x57: {  	_ =	shalt  }
0x58: {  	_ =	shalt  }
0x59: {  	_ =	shalt  }
0x5a: {  	_ =	shalt  }
0x5b: {  	_ =	shalt  }
0x5c: {  	_ =	shalt  }
0x5d: {  	_ =	shalt  }
0x5e: {  	_ =	shalt  }
0x5f: {  	_ =	shalt  }
0x60: {  	_ =	shalt  }
0x61: {  	_ =	shalt  }
0x62: {  	_ =	shalt  }
0x63: {  	_ =	shalt  }
0x64: {  	_ =	shalt  }
0x65: {  	_ =	shalt  }
0x66: {  	_ =	shalt  }
0x67: {  	_ =	shalt  }
0x68: {  	_ =	shalt  }
0x69: {  	_ =	shalt  }
0x6a: {  	_ =	shalt  }
0x6b: {  	_ =	shalt  }
0x6c: {  	_ =	shalt  }
0x6d: {  	_ =	shalt  }
0x6e: {  	_ =	shalt  }
0x6f: {  	_ =	shalt  }
0x70: {  	_ =	shalt  }
0x71: {  	_ =	shalt  }
0x72: {  	_ =	shalt  }
0x73: {  	_ =	shalt  }
0x74: {  	_ =	shalt  }
0x75: {  	_ =	shalt  }
0x76: {  	_ =	shalt  }
0x77: {  	_ =	shalt  }
0x78: {  	_ =	shalt  }
0x79: {  	_ =	shalt  }
0x7a: {  	_ =	shalt  }
0x7b: {  	_ =	shalt  }
0x7c: {  	_ =	shalt  }
0x7d: {  	_ =	shalt  }
0x7e: {  	_ =	shalt  }
0x7f: {  	_ =	shalt  }
0x80: {  	_ =	shalt  }
0x81: {  	_ =	shalt  }
0x82: {  	_ =	shalt  }
0x83: {  	_ =	shalt  }
0x84: {  	_ =	shalt  }
0x85: {  	_ =	shalt  }
0x86: {  	_ =	shalt  }
0x87: {  	_ =	shalt  }
.Lfunc_end0:
.L_simem_size_0:
called_computation.5_lowered:
.L_overlay_start_0:
0x88: {  	s2 =	sld [smem:$0x3FD9]  }
0x89: {  	s3 =	sld [smem:$0x3FFE];
	_ =	sdelay $0x1  }
0x8a: {  	s1 =	srdreg.scid  }
0x8b: {  	s0 =	sand.u32 $0x1, s1  }
0x8c: {  	s14 =	sshll.u32 s0, $0xA;
	s2 =	sadd.s32 s3, s2  }
0x8d: {  	s2 =	sadd.s32 s2, s14  }
0x8e: {  	[smem:$0x3F8B] =	sst s2  }
0x8f: {  	_ = 	snop  }
0x90: {  	s2 =	sld [smem:$0x3FD0];
	_ =	sdelay $0x2  }
0x91: {  	s15 =	simm.s32 $0xB;
	s4 =	simm.s32 $0x10  }
0x92: {  	[smem:s4], [sflag:s15] =	dma.local [hbm:s2], $0x1  }
0x93: {  	_ =	swait.eq [sflag:s15], $0x1  }
0x94: {  	[sflag:s15] =	ssyncset.done $0x0  }
0x95: {  	[sflag:s15] =	ssyncadd.s32 $0xFFFFFFFF  }
0x96: {  	s16 =	sld [smem:$0x10];
	(tm) =	ssettm $0x1  }
0x97: {  	s17 =	sld [smem:$0x3FFB];
	_ =	sdelay $0x3  }
0x98: {  	_ =	strace s17  }
0x99: {  	s3 =	sld [smem:$0x3FFC];
	_ =	sdelay $0x3  }
0x9a: {  	_ =	strace s3  }
0x9b: {  	s3 =	sld [smem:$0x3FFD];
	_ =	sdelay $0x3  }
0x9c: {  	_ =	strace s3  }
0x9d: {  	_ =	strace $0x8FFFFFFF  }
0x9e: {  	s18 =	sld [smem:$0x3FDB];
	_ =	sdelay $0x1  }
0x9f: {  	s19 =	simm.s32 $_scs_section_size  }
0xa0: {  	s5 =	simm.s32 $_size__tile_overlayer_lowered;
	s6 =	simm.s32 $_tile_overlayer_lowered  }
0xa1: {  	s22 =	simm.s32 $0x1BFF;
	s21 =	sshll.u32 s6, $0x1;
	s3 =	sadd.s32 s19, s18  }
0xa2: {  	s7 =	simm.s32 $0x0;
	s20 =	sshll.u32 s5, $0x1;
	s5 =	sadd.s32 s21, s3  }
0xa3: {  	[timem:s7], [sflag:s22] =	dma.local [hbm:s5], s20  }
0xa4: {  	_ =	swait.ge [sflag:s22], s20  }
0xa5: {  	s4 =	ssub.s32 $0x0, s20;
	[sflag:s22] =	ssyncset.done $0x0  }
0xa6: {  	[sflag:s22] =	ssyncadd.s32 s4;
	_ =	sdelay $0x1  }
0xa7: {  	s23 =	simm.s32 $0x1B8B  }
0xa8: {  	_ =	swait.ge [sflag:s23], $0x1  }
0xa9: {  	[sflag:s23] =	ssyncset.done $0x0  }
0xaa: {  	s25 =	simm.s32 $0x1B8E;
	s24 =	sld [smem:$0x3FFE];
	[sflag:s23] =	ssyncadd.s32 $0xFFFFFFFF  }
0xab: {  	s26 =	simm.s32 $execute0_lowered;
	[smem:$0x3FD2] =	sst s25  }
0xac: {  	s5 =	sshll.u32 s26, $0x1;
	_ =	strace $0x80000055;
	[dreg:$0x1] =	wrdreg $0xFFFFFFFF  }
0xad: {  	s28 =	simm.s32 $_size_execute0_lowered;
	s3 =	sadd.s32 s3, s5;
	[dreg:$0x0] =	wrdreg $0x0  }
0xae: {  	s5 =	sshll.u32 s28, $0x1;
	[dreg:$0x2] =	wrdreg s3  }
0xaf: {  	[dreg:$0x3] =	wrdreg s5  }
0xb0: {  	[dreg:$0x4] =	wrdreg $0xC0  }
0xb1: {  	_ =	task [dreg:s7], $0x5FFFF  }
0xb2: {  	[dreg:$0x1] =	wrdreg $0xFFFFFFFF  }
0xb3: {  	[dreg:$0x0] =	wrdreg $0x60  }
0xb4: {  	[dreg:$0x2] =	wrdreg s24  }
0xb5: {  	[dreg:$0x3] =	wrdreg s16  }
0xb6: {  	[dreg:$0x4] =	wrdreg $0xB8000  }
0xb7: {  	[dreg:$0x5] =	wrdreg $0x9  }
0xb8: {  	_ =	task.clear_ibuf [dreg:s7], $0x6FFFF;
	_ =	strace $0x90000055  }
0xb9: {  	s29 =	simm.s32 $0x9;
	_ =	strace $0x80000057  }
0xba: {  	_ =	swait.ge [sflag:s29], $0x1  }
0xbb: {  	[sflag:s29] =	ssyncadd.s32 $0xFFFFFFFF  }
0xbc: {  	_ =	strace $0x90000057  }
0xbd: {  	_ =	sfence  }
0xbe: {  	s30 =	sld [smem:$0x0];
	_ =	sdelay $0x2  }
0xbf: {  	s31 =	sshll.u32 s1, $0xD;
	s1 =	sshrl.u32 s1, $0x2  }
0xc0: {  	s3 =	sand.u32 $0x4000, s31;
	s1 =	sadd.s32 s1, s30  }
0xc1: {  	s0 =	sor.u32 s3, s0;
	s1 =	sshll.u32 s1, $0x11  }
0xc2: {  	s0 =	sor.u32 s1, s0  }
0xc3: {  	s0 =	sadd.s32 $0x8F2B, s0  }
0xc4: {  	[sflag:s0] =	ssyncadd.remote.s32 $0x1  }
0xc5: {  	_ =	sfence.sel $0xFFFF  }
0xc6: {  	[dreg:$0x0] =	wrdreg $0xFFFFFFFF;
	(pc) =	sbr.abs _section_cstart, $3  }
0xc7: {  	[dreg:$0x1] =	wrdreg $0xFFFFFFFF  }
0xc8: {  	_ =	task.clear_ibuf [dreg:s7], $0x2FFFF;
	_ =	strace $0x9FFFFFFF  }
0xc9: {  	(tm) =	ssettm $0x7FFFFFFF  }
tec
execute0_lowered:
.L_overlay_start_1:
0x0: {  	(tag) =	ssettag $0x1  }
0x1: {  	s9 =	rddreg [dreg:$0x0]  }
0x2: {  	s14 =	rddreg [dreg:$0x1]  }
0x3: {  	s1 =	rddreg [dreg:$0x2];
	s2 =	simm.s32 $0x0  }
0x4: {  	s7 =	srdreg.scid;
	s4 =	stileid.u32;
	s23 =	simm.s32 $0x7800  }
0x5: {  	s24 =	simm.s32 $0x1;
	[smem:$0x7FF] =	sst s2;
	s3 =	sadd.s32 $0x93600, s9  }
0x6: {  	s5 =	sadd.s32 $0xBB600, s9;
	s6 =	sadd.s32 $0x18E00, s9;
	s13 =	sadd.s32 $0x13E00, s9  }
0x7: {  	s15 =	sand.u32 $0x1, s7;
	s16 =	sadd.s32 $0xEE00, s9;
	s11 =	smul.u32 $0x50000, s4  }
0x8: {  	s7 =	sadd.s32 $0x90E00, s9;
	s8 =	sadd.s32 $0x40E00, s9;
	s9 =	sadd.s32 $0x68E00, s9  }
0x9: {  	s29 =	sshrl.u32 s4, $0x1;
	s30 =	sshll.u32 s4, $0x6;
	s19 =	smul.u32 $0x500, s4  }
0xa: {  	s20 =	sand.u32 $0x1, s4;
	_ =	strace $0x80000056;
	s10 =	ssub.s32 $0x2, s15  }
0xb: {  	s28 =	sshll.u32 s15, $0x3;
	p0 =	seq.s32 s20, $0x1;
	s20 =	simm.s32 $0x280  }
0xc: {  	s22 =	smul.u32 $0x28000, s15;
	s12 =	sshrl.u32 s10, $0x1;
	s26 =	sshrl.u32 s11, $0x2  }
0xd: {  	s11 =	sor.u32 s29, s28;
	s20 =	simm.s32 @!p0 $0x0;
	p0 =	sne.s32 s15, $0x0  }
0xe: {  	s17 =	ssub.s32 s10, s12;
	s18 =	sadd.s32 s26, s1;
	s10 =	sor.u32 $0x1C02, s30  }
0xf: {  	s21 =	smul.u32 $0x500, s11;
	s11 =	sadd.s32 s13, s19;
	s12 =	sadd.s32 s16, s19  }
0x10: {  	s25 =	sadd.s32 s14, s22;
	s19 =	simm.s32 $0x5000;
	s22 =	simm.s32 $0x80  }
0x11: {  	s26 =	simm.s32 $0x0;
	s14 =	smax.u32 s17, $0x1;
	s15 =	sshrl.u32 s18, $0x3  }
0x12: {  	s17 =	simm.s32 $0x2800;
	s31 =	sadd.s32 s13, s21;
	s13 =	smul.u32 $0x2800, s4  }
0x13: {  	s21 =	sadd.s32 s16, s21;
	s16 =	simm.s32 $0x2;
	s18 =	sadd.s32 s20, s31  }
0x14: {  	s20 =	sadd.s32 s20, s21;
	s21 =	simm.s32 $0x6400;
	s25 =	sadd.s32 s13, s25  }
.LBB2_1:
0x15: {  	[spmem:s15], [sflag:s10] =	dma.local [hbm:s7], $0x2800  }
0x16: {  	_ =	swait.ge [sflag:s16], $0x2800  }
0x17: {  	[sflag:s16] =	ssyncset.done $0x0  }
0x18: {  	[sflag:s16] =	ssyncadd.s32 $0xFFFFD800  }
0x19: {  	[tilespmem:s2], [sflag:$0x2] =	stream.linear.gather [hbm4b:s11+s2], $0x2800, $0x38;
	[tilespmem:$0x1F800] =	vst v63  }
0x1a: {  	_ =	swait.ge [sflag:s16], $0x2800  }
0x1b: {  	[sflag:s16] =	ssyncset.done $0x0  }
0x1c: {  	[sflag:s16] =	ssyncadd.s32 $0xFFFFD800  }
0x1d: {  	[tilespmem:s17], [sflag:$0x2] =	stream.linear.gather [hbm4b:s12+s2], $0x2800, $0x38;
	[tilespmem:$0x1F800] =	vst v63  }
0x1e: {  	_ =	swait.ge [sflag:s16], $0x2800  }
0x1f: {  	[sflag:s16] =	ssyncset.done $0x0  }
0x20: {  	[sflag:s16] =	ssyncadd.s32 $0xFFFFD800  }
0x21: {  	[tilespmem:s19], [sflag:$0x2] =	stream.linear.gather [hbm4b:s18+s2], $0x1400, $0x38;
	[tilespmem:$0x1F800] =	vst v63  }
0x22: {  	_ =	swait.ge [sflag:s16], $0x1400  }
0x23: {  	[sflag:s16] =	ssyncset.done $0x0  }
0x24: {  	[sflag:s16] =	ssyncadd.s32 $0xFFFFEC00  }
0x25: {  	[tilespmem:s21], [sflag:$0x2] =	stream.linear.gather [hbm4b:s20+s2], $0x1400, $0x38;
	[tilespmem:$0x1F800] =	vst v63  }
.Ltmp0:
0x26: {  	_ =	swait.ge [sflag:s16], $0x1400;
	(pc) =	sbr.rel @p0 .LBB2_5-.Ltmp0, $4  }
0x27: {  	[sflag:s16] =	ssyncset.done $0x0  }
0x28: {  	[sflag:s16] =	ssyncadd.s32 $0xFFFFEC00  }
0x29: {  	[bflag:$0x0] =	sbarrier.arrive $0xFFFF  }
0x2a: {  	s28 =	simm.s32 $0x0  }
0x2b: {  	[tilespmem:s23], [sflag:$0x1] =	stream.indirect.gather [hbm4b:s3+s22], $0x80, s28, s22, $0xb8;
	[tilespmem:$0x1F800] =	vst v63  }
0x2c: {  	_ =	swait.ge [sflag:s24], $0x4000  }
0x2d: {  	[sflag:s24] =	ssyncset.done $0x0  }
0x2e: {  	s28 =	simm.s32 $0x2800;
	[sflag:s24] =	ssyncadd.s32 $0xFFFFC000  }
0x2f: {  	[spmem:s1] =	stream.indirect.scatter.add.f32 [tilespmem:s23], [sflag:$0x2], $0x80, s28, s22, $0xb8;
	[tilespmem:$0x1F800] =	vst v63  }
0x30: {  	_ =	swait.ge [sflag:s16], $0x4000  }
0x31: {  	s29 =	simm.s32 $0x400;
	s28 =	simm.s32 $0x200;
	[sflag:s16] =	ssyncset.done $0x0  }
.LBB2_3:
0x32: {  	s30 =	sshra.s32 s28, $0x2  }
0x33: {  	[sflag:s16] =	ssyncadd.s32 $0xFFFFC000;
	s28 =	smov.u32 s29;
	s31 =	sadd.s32 $0x200, s29  }
0x34: {  	[tilespmem:s23], [sflag:$0x1] =	stream.indirect.gather [hbm4b:s3+s22], $0x80, s30, s22, $0xb8;
	[tilespmem:$0x1F800] =	vst v63  }
0x35: {  	p1 =	seq.s32 s29, $0x9E00;
	_ =	swait.ge [sflag:s24], $0x4000  }
.Ltmp1:
0x36: {  	[sflag:s24] =	ssyncset.done $0x0;
	(pc) =	sbr.rel @!p1 .LBB2_3-.Ltmp1, $4  }
0x37: {  	s29 =	sadd.s32 $0x2800, s30;
	[sflag:s24] =	ssyncadd.s32 $0xFFFFC000  }
0x38: {  	[spmem:s1] =	stream.indirect.scatter.add.f32 [tilespmem:s23], [sflag:$0x2], $0x80, s29, s22, $0xb8;
	[tilespmem:$0x1F800] =	vst v63  }
0x39: {  	_ =	swait.ge [sflag:s16], $0x4000  }
0x3a: {  	s29 =	smov.u32 s31;
	[sflag:s16] =	ssyncset.done $0x0  }
0x3b: {  	s28 =	sshra.s32 s28, $0x2;
	[sflag:s16] =	ssyncadd.s32 $0xFFFFC000  }
0x3c: {  	[tilespmem:s23], [sflag:$0x1] =	stream.indirect.gather [hbm4b:s3+s22], $0x80, s28, s22, $0xb8;
	[tilespmem:$0x1F800] =	vst v63  }
0x3d: {  	_ =	swait.ge [sflag:s24], $0x4000  }
0x3e: {  	[sflag:s24] =	ssyncset.done $0x0  }
.Ltmp2:
0x3f: {  	s28 =	sadd.s32 $0x2800, s28;
	[sflag:s24] =	ssyncadd.s32 $0xFFFFC000;
	(pc) =	sbr.rel .LBB2_8-.Ltmp2, $4  }
0x40: {  	[spmem:s1] =	stream.indirect.scatter.add.f32 [tilespmem:s23], [sflag:$0x2], $0x80, s28, s22, $0xb8;
	[tilespmem:$0x1F800] =	vst v63  }
0x41: {  	_ =	swait.ge [sflag:s16], $0x4000  }
0x42: {  	[sflag:s16] =	ssyncset.done $0x0  }
0x43: {  	s28 =	smov.u32 s8;
	[sflag:s16] =	ssyncadd.s32 $0xFFFFC000  }
.LBB2_5:
0x44: {  	[tilespmem:s23], [sflag:$0x1] =	stream.indirect.gather [hbm4b:s5+s22], $0x80, s28, s22, $0xb8;
	[tilespmem:$0x1F800] =	vst v63  }
0x45: {  	_ =	swait.ge [sflag:s24], $0x4000  }
0x46: {  	[sflag:s24] =	ssyncset.done $0x0  }
0x47: {  	s28 =	simm.s32 $0x2800;
	[sflag:s24] =	ssyncadd.s32 $0xFFFFC000  }
0x48: {  	[spmem:s1] =	stream.indirect.scatter.add.f32 [tilespmem:s23], [sflag:$0x2], $0x80, s28, s22, $0xb8;
	[tilespmem:$0x1F800] =	vst v63  }
0x49: {  	_ =	swait.ge [sflag:s16], $0x4000  }
0x4a: {  	s29 =	simm.s32 $0x400;
	s28 =	simm.s32 $0x200;
	[sflag:s16] =	ssyncset.done $0x0  }
.LBB2_6:
0x4b: {  	s30 =	sshra.s32 s28, $0x2  }
0x4c: {  	[sflag:s16] =	ssyncadd.s32 $0xFFFFC000;
	s28 =	smov.u32 s29;
	s31 =	sadd.s32 $0x200, s29  }
0x4d: {  	[tilespmem:s23], [sflag:$0x1] =	stream.indirect.gather [hbm4b:s5+s22], $0x80, s30, s22, $0xb8;
	[tilespmem:$0x1F800] =	vst v63  }
0x4e: {  	p1 =	sne.s32 s29, $0x9E00;
	_ =	swait.ge [sflag:s24], $0x4000  }
.Ltmp3:
0x4f: {  	[sflag:s24] =	ssyncset.done $0x0;
	(pc) =	sbr.rel @p1 .LBB2_6-.Ltmp3, $4  }
0x50: {  	s29 =	sadd.s32 $0x2800, s30;
	[sflag:s24] =	ssyncadd.s32 $0xFFFFC000  }
0x51: {  	[spmem:s1] =	stream.indirect.scatter.add.f32 [tilespmem:s23], [sflag:$0x2], $0x80, s29, s22, $0xb8;
	[tilespmem:$0x1F800] =	vst v63  }
0x52: {  	_ =	swait.ge [sflag:s16], $0x4000  }
0x53: {  	s29 =	smov.u32 s31;
	[sflag:s16] =	ssyncset.done $0x0  }
0x54: {  	s28 =	sshra.s32 s28, $0x2;
	[sflag:s16] =	ssyncadd.s32 $0xFFFFC000  }
0x55: {  	[tilespmem:s23], [sflag:$0x1] =	stream.indirect.gather [hbm4b:s5+s22], $0x80, s28, s22, $0xb8;
	[tilespmem:$0x1F800] =	vst v63  }
0x56: {  	_ =	swait.ge [sflag:s24], $0x4000  }
0x57: {  	[sflag:s24] =	ssyncset.done $0x0  }
0x58: {  	s28 =	sadd.s32 $0x2800, s28;
	[sflag:s24] =	ssyncadd.s32 $0xFFFFC000  }
0x59: {  	[spmem:s1] =	stream.indirect.scatter.add.f32 [tilespmem:s23], [sflag:$0x2], $0x80, s28, s22, $0xb8;
	[tilespmem:$0x1F800] =	vst v63  }
0x5a: {  	_ =	swait.ge [sflag:s16], $0x4000  }
0x5b: {  	[sflag:s16] =	ssyncset.done $0x0  }
0x5c: {  	s28 =	smov.u32 s9;
	[sflag:s16] =	ssyncadd.s32 $0xFFFFC000  }
.LBB2_8:
0x5d: {  	s28 =	sadd.s32 s28, s13;
	[bflag:$0x0] =	sbarrier.arrive $0xFFFF  }
0x5e: {  	[hbm:s28], [sflag:s10] =	dma.local [spmem:s15], $0x2800  }
0x5f: {  	_ =	swait.ge [sflag:s16], $0x2800  }
0x60: {  	[sflag:s16] =	ssyncset.done $0x0  }
0x61: {  	[sflag:s16] =	ssyncadd.s32 $0xFFFFD800  }
0x62: {  	[spmem:s15], [sflag:s10] =	dma.local [hbm:s7], $0x2800  }
0x63: {  	_ =	swait.ge [sflag:s16], $0x2800  }
0x64: {  	[sflag:s16] =	ssyncset.done $0x0  }
0x65: {  	[sflag:s16] =	ssyncadd.s32 $0xFFFFD800  }
0x66: {  	s28 =	simm.s32 $0x5000;
	[bflag:$0x0] =	sbarrier.arrive $0xFFFF  }
0x67: {  	[tilespmem:s23], [sflag:$0x1] =	stream.indirect.gather [hbm4b:s6+s22], $0x80, s28, s22, $0xb8;
	[tilespmem:$0x1F800] =	vst v63  }
0x68: {  	_ =	swait.ge [sflag:s24], $0x4000  }
0x69: {  	[sflag:s24] =	ssyncset.done $0x0  }
0x6a: {  	s28 =	simm.s32 $0x6400;
	[sflag:s24] =	ssyncadd.s32 $0xFFFFC000  }
0x6b: {  	[spmem:s1] =	stream.indirect.scatter.add.f32 [tilespmem:s23], [sflag:$0x2], $0x80, s28, s22, $0xb8;
	[tilespmem:$0x1F800] =	vst v63  }
0x6c: {  	_ =	swait.ge [sflag:s16], $0x4000  }
0x6d: {  	s29 =	simm.s32 $0x400;
	s28 =	simm.s32 $0x80;
	[sflag:s16] =	ssyncset.done $0x0  }
.LBB2_9:
0x6e: {  	s30 =	sadd.s32 $0x5000, s28  }
0x6f: {  	[sflag:s16] =	ssyncadd.s32 $0xFFFFC000;
	s31 =	smov.u32 s29;
	s0 =	sadd.s32 $0x200, s29  }
0x70: {  	[tilespmem:s23], [sflag:$0x1] =	stream.indirect.gather [hbm4b:s6+s22], $0x80, s30, s22, $0xb8;
	[tilespmem:$0x1F800] =	vst v63  }
0x71: {  	p1 =	sne.s32 s29, $0x4E00;
	_ =	swait.ge [sflag:s24], $0x4000  }
.Ltmp4:
0x72: {  	[sflag:s24] =	ssyncset.done $0x0;
	(pc) =	sbr.rel @p1 .LBB2_9-.Ltmp4, $4  }
0x73: {  	s28 =	sadd.s32 $0x6400, s28;
	[sflag:s24] =	ssyncadd.s32 $0xFFFFC000  }
0x74: {  	[spmem:s1] =	stream.indirect.scatter.add.f32 [tilespmem:s23], [sflag:$0x2], $0x80, s28, s22, $0xb8;
	[tilespmem:$0x1F800] =	vst v63  }
0x75: {  	_ =	swait.ge [sflag:s16], $0x4000  }
0x76: {  	s29 =	smov.u32 s0;
	s28 =	sshra.s32 s31, $0x2;
	[sflag:s16] =	ssyncset.done $0x0  }
0x77: {  	s0 =	sadd.s32 $0x5000, s28;
	[sflag:s16] =	ssyncadd.s32 $0xFFFFC000  }
0x78: {  	[tilespmem:s23], [sflag:$0x1] =	stream.indirect.gather [hbm4b:s6+s22], $0x80, s0, s22, $0xb8;
	[tilespmem:$0x1F800] =	vst v63  }
0x79: {  	_ =	swait.ge [sflag:s24], $0x4000  }
0x7a: {  	[sflag:s24] =	ssyncset.done $0x0  }
0x7b: {  	s31 =	sadd.s32 $0x6400, s28;
	[sflag:s24] =	ssyncadd.s32 $0xFFFFC000  }
0x7c: {  	[spmem:s1] =	stream.indirect.scatter.add.f32 [tilespmem:s23], [sflag:$0x2], $0x80, s31, s22, $0xb8;
	[tilespmem:$0x1F800] =	vst v63  }
0x7d: {  	_ =	swait.ge [sflag:s16], $0x4000  }
0x7e: {  	s26 =	sadd.s32 $0x1, s26;
	[sflag:s16] =	ssyncset.done $0x0  }
0x7f: {  	p1 =	sne.s32 s26, s14;
	[sflag:s16] =	ssyncadd.s32 $0xFFFFC000  }
.Ltmp5:
0x80: {  	[bflag:$0x0] =	sbarrier.arrive $0xFFFF;
	(pc) =	sbr.rel @p1 .LBB2_1-.Ltmp5, $4  }
0x81: {  	[hbm:s25], [sflag:s10] =	dma.local [spmem:s15], $0x2800  }
0x82: {  	_ =	swait.ge [sflag:s16], $0x2800  }
0x83: {  	[sflag:s16] =	ssyncset.done $0x0  }
0x84: {  	[sflag:s16] =	ssyncadd.s32 $0xFFFFD800  }
0x85: {  	_ =	sfence.sel $0x180000  }
0x86: {  	[bflag:$0x0] =	sbarrier.arrive $0xFFFF  }
0x87: {  	_ =	strace $0x90000056  }
0x88: {  	[bflag:$0x2] =	sbarrier.arrive $0xFFFF  }
0x89: {  	p0 =	sne.s32 s4, $0x0;
	s0 =	rddreg [dreg:$0x3]  }
0x8a: {  	s0 =	sadd.s32 @!p0 $0x100000, s0  }
0x8b: {  	[sflag:s0] =	ssyncadd.tile.s32 @!p0 $0x1;
	_ =	shalt  }
.Lfunc_end2:
_tile_overlayer_lowered:
.L_overlay_start_2:
0x8c: {  	(tag) =	ssettag $0x2  }
0x8d: {  	s0 =	rddreg [dreg:$0x0];
	s2 =	stileid.u32  }
0x8e: {  	s1 =	rddreg [dreg:$0x1];
	p0 =	sne.s32 s2, $0x0  }
0x8f: {  	s3 =	rddreg [dreg:$0x2];
	[bflag:$0x3] =	sbarrier.arrive $0xFFFF;
	s2 =	simm.s32 @!p0 $0x1C02  }
0x90: {  	[timem:s3], [sflag:s2] =	dma.local @!p0 [hbm:s0], s1  }
0x91: {  	s0 =	simm.s32 @!p0 $0x2  }
0x92: {  	_ =	swait.ge @!p0 [sflag:s0], s1  }
0x93: {  	s1 =	ssub.s32 @!p0 $0x0, s1;
	[sflag:s0] =	ssyncset.done @!p0 $0x0  }
0x94: {  	[sflag:s0] =	ssyncadd.s32 @!p0 s1  }
0x95: {  	[bflag:$0x3] =	sbarrier.arrive $0xFFFF  }
0x96: {  	_ =	shalt  }

// kernel: kernel.41.cloned.1.call-start
scs
__scs_entry_jumppad:
0x0: {  	(pc) =	sbr.rel $0x88, $3  }
0x1: {  	(tag) =	ssettag $0x0;
	lr =	simm.s32 $0x1  }
0x2: {  	[smem:$0x3F64] =	sst lr;
	_ =	strace $0xD0000000  }
0x3: {  	_ = 	snop  }
0x4: {  	_ = 	snop  }
0x5: {  	_ = 	snop  }
0x6: {  	_ = 	snop  }
0x7: {  	_ = 	snop  }
__scs_overlays_trampoline_lowered:
0x8: {  	[smem:$0x3F73] =	sst s0  }
0x9: {  	[smem:$0x3F74] =	sst s1  }
0xa: {  	[smem:$0x3F75] =	sst s2  }
0xb: {  	[smem:$0x3F76] =	sst s3  }
0xc: {  	[smem:$0x3F77] =	sst s4  }
0xd: {  	[smem:$0x3F78] =	sst s5  }
0xe: {  	[smem:$0x3F79] =	sst s6  }
0xf: {  	[smem:$0x3F7A] =	sst s7  }
0x10: {  	[smem:$0x3F7B] =	sst s8  }
0x11: {  	[smem:$0x3F7C] =	sst s9;
	s0 =	simm.s32 @!p0 $0x0  }
0x12: {  	s1 =	sld [smem:$0x3F62];
	s0 =	simm.s32 @p0 $0x1  }
0x13: {  	[smem:$0x3F7D] =	sst s0;
	s0 =	simm.s32 @!p1 $0x0  }
0x14: {  	s2 =	sld [smem:$0x3F61];
	s0 =	simm.s32 @p1 $0x1  }
0x15: {  	[smem:$0x3F7E] =	sst s0;
	s0 =	simm.s32 @!p2 $0x0  }
0x16: {  	s3 =	sld [smem:$0x3FDB];
	s0 =	simm.s32 @p2 $0x1  }
0x17: {  	s4 =	simm.s32 $0x1BF5;
	[smem:$0x3F80] =	sst s0  }
0x18: {  	s0 =	sld [smem:$0x3F63];
	_ =	swait.ge [sflag:s4], $0x0  }
0x19: {  	s7 =	sld [smem:$0x3F64]  }
0x1a: {  	s8 =	sadd.s32 $0xFFFFE003, lr  }
0x1b: {  	s9 =	sadd.s32 $0xFFFFFEF7, lr;
	s5 =	simm.s32 $0xFFFFFFFF;
	p2 =	slt.u32 s8, $0xFFFFF086  }
0x1c: {  	p1 =	slt.u32 s9, $0xF7A;
	s5 =	simm.s32 @!p2 $0x0  }
0x1d: {  	s5 =	simm.s32 @p1 $0x1;
	p0 =	seq.s32 s7, s2  }
0x1e: {  	s7 =	smul.u32 @!p0 $0xF7A, s2;
	p2 =	seq.s32 @!p0 s5, $0x0  }
0x1f: {  	s9 =	smul.u32 $0xF7A, s1;
	s8 =	simm.s32 @!p0 $0x1BF5;
	p2 =	por !p2, p0  }
0x20: {  	[sflag:s8] =	ssyncset.s32 @!p0 $0xFFFFF086;
	s6 =	sadd.s32 @!p0 s3, s7;
	s7 =	simm.s32 @!p0 $0x108  }
0x21: {  	s3 =	sadd.s32 s3, s9;
	s6 =	sadd.s32 @!p0 $0x88, s6;
	s7 =	simm.s32 @p2 $0x1082  }
0x22: {  	[simem:s7], [sflag:s8] =	dma.local @!p0 [hbm:s6], $0xF7A  }
0x23: {  	s9 =	sor.u32 $0xD0000000, s2;
	s6 =	simm.s32 $0x108;
	_ =	swait.ge @!p0 [sflag:s8], $0x0  }
0x24: {  	s3 =	sadd.s32 $0x88, s3;
	s6 =	simm.s32 @!p1 $0x1082;
	[sflag:s4] =	ssyncset.s32 $0xFFFFF086  }
0x25: {  	[simem:s6], [sflag:s4] =	dma.local [hbm:s3], $0xF7A  }
0x26: {  	[smem:$0x3F64] =	sst s1;
	(tag) =	ssettag s2;
	_ =	strace s9  }
0x27: {  	s1 =	sld [smem:$0x3F74]  }
0x28: {  	s2 =	sld [smem:$0x3F75]  }
0x29: {  	s4 =	sld [smem:$0x3F77]  }
0x2a: {  	p0 =	seq.s32 s5, $0x0;
	s5 =	sld [smem:$0x3F78]  }
0x2b: {  	s6 =	sld [smem:$0x3F79]  }
0x2c: {  	s7 =	sld [smem:$0x3F7A]  }
0x2d: {  	s3 =	simm.s32 $0x108;
	s8 =	sld [smem:$0x3F7B]  }
0x2e: {  	s3 =	simm.s32 @!p0 $0x1082;
	s9 =	sld [smem:$0x3F7C]  }
0x2f: {  	lr =	sadd.s32 s0, s3;
	s0 =	sld [smem:$0x3F73]  }
0x30: {  	s3 =	sld [smem:$0x3F76]  }
0x31: {  	[smem:$0x3F7F] =	sst s10  }
0x32: {  	s10 =	sld [smem:$0x3F7D];
	_ =	sdelay $0x3  }
0x33: {  	p0 =	seq.s32 s10, $0x1;
	s10 =	sld [smem:$0x3F7F];
	_ =	sdelay $0x3  }
0x34: {  	[smem:$0x3F7F] =	sst s10  }
0x35: {  	s10 =	sld [smem:$0x3F7E];
	_ =	sdelay $0x3  }
0x36: {  	p1 =	seq.s32 s10, $0x1;
	s10 =	sld [smem:$0x3F7F];
	_ =	sdelay $0x3  }
0x37: {  	[smem:$0x3F7F] =	sst s10  }
0x38: {  	s10 =	sld [smem:$0x3F80]  }
0x39: {  	_ = 	snop;
	(pc) =	sbr.ind lr, $3  }
0x3a: {  	_ = 	snop  }
0x3b: {  	_ = 	snop  }
0x3c: {  	p2 =	seq.s32 s10, $0x1;
	s10 =	sld [smem:$0x3F7F]  }
0x3d: {  	_ =	shalt  }
0x3e: {  	_ =	shalt  }
0x3f: {  	_ =	shalt  }
0x40: {  	_ =	shalt  }
0x41: {  	_ =	shalt  }
0x42: {  	_ =	shalt  }
0x43: {  	_ =	shalt  }
0x44: {  	_ =	shalt  }
0x45: {  	_ =	shalt  }
0x46: {  	_ =	shalt  }
0x47: {  	_ =	shalt  }
0x48: {  	_ =	shalt  }
0x49: {  	_ =	shalt  }
0x4a: {  	_ =	shalt  }
0x4b: {  	_ =	shalt  }
0x4c: {  	_ =	shalt  }
0x4d: {  	_ =	shalt  }
0x4e: {  	_ =	shalt  }
0x4f: {  	_ =	shalt  }
0x50: {  	_ =	shalt  }
0x51: {  	_ =	shalt  }
0x52: {  	_ =	shalt  }
0x53: {  	_ =	shalt  }
0x54: {  	_ =	shalt  }
0x55: {  	_ =	shalt  }
0x56: {  	_ =	shalt  }
0x57: {  	_ =	shalt  }
0x58: {  	_ =	shalt  }
0x59: {  	_ =	shalt  }
0x5a: {  	_ =	shalt  }
0x5b: {  	_ =	shalt  }
0x5c: {  	_ =	shalt  }
0x5d: {  	_ =	shalt  }
0x5e: {  	_ =	shalt  }
0x5f: {  	_ =	shalt  }
0x60: {  	_ =	shalt  }
0x61: {  	_ =	shalt  }
0x62: {  	_ =	shalt  }
0x63: {  	_ =	shalt  }
0x64: {  	_ =	shalt  }
0x65: {  	_ =	shalt  }
0x66: {  	_ =	shalt  }
0x67: {  	_ =	shalt  }
0x68: {  	_ =	shalt  }
0x69: {  	_ =	shalt  }
0x6a: {  	_ =	shalt  }
0x6b: {  	_ =	shalt  }
0x6c: {  	_ =	shalt  }
0x6d: {  	_ =	shalt  }
0x6e: {  	_ =	shalt  }
0x6f: {  	_ =	shalt  }
0x70: {  	_ =	shalt  }
0x71: {  	_ =	shalt  }
0x72: {  	_ =	shalt  }
0x73: {  	_ =	shalt  }
0x74: {  	_ =	shalt  }
0x75: {  	_ =	shalt  }
0x76: {  	_ =	shalt  }
0x77: {  	_ =	shalt  }
0x78: {  	_ =	shalt  }
0x79: {  	_ =	shalt  }
0x7a: {  	_ =	shalt  }
0x7b: {  	_ =	shalt  }
0x7c: {  	_ =	shalt  }
0x7d: {  	_ =	shalt  }
0x7e: {  	_ =	shalt  }
0x7f: {  	_ =	shalt  }
0x80: {  	_ =	shalt  }
0x81: {  	_ =	shalt  }
0x82: {  	_ =	shalt  }
0x83: {  	_ =	shalt  }
0x84: {  	_ =	shalt  }
0x85: {  	_ =	shalt  }
0x86: {  	_ =	shalt  }
0x87: {  	_ =	shalt  }
.Lfunc_end0:
.L_simem_size_0:
called_computation.6_lowered:
.L_overlay_start_0:
0x88: {  	s2 =	sld [smem:$0x3FD9]  }
0x89: {  	s3 =	sld [smem:$0x3FFE];
	_ =	sdelay $0x1  }
0x8a: {  	s1 =	srdreg.scid  }
0x8b: {  	s0 =	sand.u32 $0x1, s1  }
0x8c: {  	s14 =	sshll.u32 s0, $0xA;
	s2 =	sadd.s32 s3, s2  }
0x8d: {  	s2 =	sadd.s32 s2, s14  }
0x8e: {  	[smem:$0x3F8B] =	sst s2  }
0x8f: {  	_ = 	snop  }
0x90: {  	s2 =	sld [smem:$0x3FD0];
	_ =	sdelay $0x2  }
0x91: {  	s15 =	simm.s32 $0xB;
	s4 =	simm.s32 $0x10  }
0x92: {  	[smem:s4], [sflag:s15] =	dma.local [hbm:s2], $0x1  }
0x93: {  	_ =	swait.eq [sflag:s15], $0x1  }
0x94: {  	[sflag:s15] =	ssyncset.done $0x0  }
0x95: {  	[sflag:s15] =	ssyncadd.s32 $0xFFFFFFFF  }
0x96: {  	s16 =	sld [smem:$0x10];
	(tm) =	ssettm $0x1  }
0x97: {  	s17 =	sld [smem:$0x3FFB];
	_ =	sdelay $0x3  }
0x98: {  	_ =	strace s17  }
0x99: {  	s3 =	sld [smem:$0x3FFC];
	_ =	sdelay $0x3  }
0x9a: {  	_ =	strace s3  }
0x9b: {  	s3 =	sld [smem:$0x3FFD];
	_ =	sdelay $0x3  }
0x9c: {  	_ =	strace s3  }
0x9d: {  	_ =	strace $0x8FFFFFFF  }
0x9e: {  	s18 =	sld [smem:$0x3FDB];
	_ =	sdelay $0x1  }
0x9f: {  	s19 =	simm.s32 $_scs_section_size  }
0xa0: {  	s5 =	simm.s32 $_size__tile_overlayer_lowered;
	s6 =	simm.s32 $_tile_overlayer_lowered  }
0xa1: {  	s22 =	simm.s32 $0x1BFF;
	s21 =	sshll.u32 s6, $0x1;
	s3 =	sadd.s32 s19, s18  }
0xa2: {  	s7 =	simm.s32 $0x0;
	s20 =	sshll.u32 s5, $0x1;
	s5 =	sadd.s32 s21, s3  }
0xa3: {  	[timem:s7], [sflag:s22] =	dma.local [hbm:s5], s20  }
0xa4: {  	_ =	swait.ge [sflag:s22], s20  }
0xa5: {  	s4 =	ssub.s32 $0x0, s20;
	[sflag:s22] =	ssyncset.done $0x0  }
0xa6: {  	[sflag:s22] =	ssyncadd.s32 s4;
	_ =	sdelay $0x1  }
0xa7: {  	s23 =	simm.s32 $0x1B8B  }
0xa8: {  	_ =	swait.ge [sflag:s23], $0x1  }
0xa9: {  	[sflag:s23] =	ssyncset.done $0x0  }
0xaa: {  	s25 =	simm.s32 $0x1B8E;
	s24 =	sld [smem:$0x3FFE];
	[sflag:s23] =	ssyncadd.s32 $0xFFFFFFFF  }
0xab: {  	s26 =	simm.s32 $execute0_lowered;
	[smem:$0x3FD2] =	sst s25  }
0xac: {  	s5 =	sshll.u32 s26, $0x1;
	_ =	strace $0x80000058;
	[dreg:$0x1] =	wrdreg $0xFFFFFFFF  }
0xad: {  	s28 =	simm.s32 $_size_execute0_lowered;
	s3 =	sadd.s32 s3, s5;
	[dreg:$0x0] =	wrdreg $0x0  }
0xae: {  	s5 =	sshll.u32 s28, $0x1;
	[dreg:$0x2] =	wrdreg s3  }
0xaf: {  	[dreg:$0x3] =	wrdreg s5  }
0xb0: {  	[dreg:$0x4] =	wrdreg $0xC0  }
0xb1: {  	_ =	task [dreg:s7], $0x5FFFF  }
0xb2: {  	[dreg:$0x1] =	wrdreg $0xFFFFFFFF  }
0xb3: {  	[dreg:$0x0] =	wrdreg $0x60  }
0xb4: {  	[dreg:$0x2] =	wrdreg s16  }
0xb5: {  	[dreg:$0x3] =	wrdreg s24  }
0xb6: {  	[dreg:$0x4] =	wrdreg $0x9  }
0xb7: {  	_ =	task.clear_ibuf [dreg:s7], $0x5FFFF;
	_ =	strace $0x90000058  }
0xb8: {  	s29 =	simm.s32 $0x9;
	_ =	strace $0x8000005A  }
0xb9: {  	_ =	swait.ge [sflag:s29], $0x1  }
0xba: {  	[sflag:s29] =	ssyncadd.s32 $0xFFFFFFFF  }
0xbb: {  	_ =	strace $0x9000005A  }
0xbc: {  	_ =	sfence  }
0xbd: {  	s30 =	sld [smem:$0x0];
	_ =	sdelay $0x2  }
0xbe: {  	s31 =	sshll.u32 s1, $0xD;
	s1 =	sshrl.u32 s1, $0x2  }
0xbf: {  	s3 =	sand.u32 $0x4000, s31;
	s1 =	sadd.s32 s1, s30  }
0xc0: {  	s0 =	sor.u32 s3, s0;
	s1 =	sshll.u32 s1, $0x11  }
0xc1: {  	s0 =	sor.u32 s1, s0  }
0xc2: {  	s0 =	sadd.s32 $0x8F2B, s0  }
0xc3: {  	[sflag:s0] =	ssyncadd.remote.s32 $0x1  }
0xc4: {  	_ =	sfence.sel $0xFFFF  }
0xc5: {  	[dreg:$0x0] =	wrdreg $0xFFFFFFFF;
	(pc) =	sbr.abs _section_cstart, $3  }
0xc6: {  	[dreg:$0x1] =	wrdreg $0xFFFFFFFF  }
0xc7: {  	_ =	task.clear_ibuf [dreg:s7], $0x2FFFF;
	_ =	strace $0x9FFFFFFF  }
0xc8: {  	(tm) =	ssettm $0x7FFFFFFF  }
0xc9: {  	_ =	shalt  }
tec
execute0_lowered:
.L_overlay_start_1:
0x0: {  	(tag) =	ssettag $0x1  }
0x1: {  	s1 =	rddreg [dreg:$0x0];
	s0 =	srdreg.scid  }
0x2: {  	s15 =	rddreg [dreg:$0x1];
	s16 =	sand.u32 $0x1, s0  }
0x3: {  	s2 =	stileid.u32;
	s3 =	simm.s32 $0x0;
	s4 =	sshll.u32 s16, $0x9  }
0x4: {  	s0 =	rddreg [dreg:$0x2];
	s5 =	sshll.u32 s2, $0x5;
	s4 =	sadd.s32 s4, s15  }
0x5: {  	[smem:$0x7FF] =	sst s3;
	s4 =	sadd.s32 s5, s4  }
0x6: {  	_ =	strace $0x80000059;
	s5 =	sadd.s32 $0xE3600, s4;
	s4 =	simm.s32 $0x2  }
0x7: {  	[tilespmem:s3], [sflag:$0x2] =	stream.linear.gather [hbm4b:s5+s3], $0x100, $0x38;
	[tilespmem:$0x4100] =	vst v63  }
0x8: {  	_ =	swait.ge [sflag:s4], $0x100  }
0x9: {  	s6 =	simm.s32 $0x80;
	[sflag:s4] =	ssyncset.done $0x0  }
0xa: {  	s7 =	simm.s32 $0x100;
	s8 =	simm.s32 $0x1;
	[sflag:s4] =	ssyncadd.s32 $0xFFFFFF00  }
0xb: {  	[tilespmem:s7], [sflag:$0x1] =	stream.indirect.gather [hbm4b:s1+s6], $0x80, s3, s6, $0xb8;
	[tilespmem:$0x4100] =	vst v63  }
0xc: {  	s10 =	sshll.u32 s2, $0xC;
	s9 =	sshll.u32 s16, $0x10;
	_ =	swait.ge [sflag:s8], $0x4000  }
0xd: {  	s11 =	sadd.s32 $0x5EE00, s15;
	s17 =	sor.u32 s10, s9;
	[sflag:s8] =	ssyncset.done $0x0  }
0xe: {  	s9 =	sadd.s32 s11, s17;
	[sflag:s8] =	ssyncadd.s32 $0xFFFFC000  }
0xf: {  	[hbm4b:s9+s3] =	stream.linear.scatter [tilespmem:s7], [sflag:$0x2], $0x4000, $0x38;
	[tilespmem:$0x4100] =	vst v63  }
0x10: {  	_ =	swait.ge [sflag:s4], $0x4000  }
0x11: {  	[sflag:s4] =	ssyncset.done $0x0  }
0x12: {  	[sflag:s4] =	ssyncadd.s32 $0xFFFFC000  }
0x13: {  	[tilespmem:s7], [sflag:$0x1] =	stream.indirect.gather [hbm4b:s1+s6], $0x80, s6, s6, $0xb8;
	[tilespmem:$0x4100] =	vst v63  }
0x14: {  	_ =	swait.ge [sflag:s8], $0x4000  }
0x15: {  	s18 =	sor.u32 $0x800, s17;
	[sflag:s8] =	ssyncset.done $0x0  }
0x16: {  	s10 =	sadd.s32 s11, s18;
	[sflag:s8] =	ssyncadd.s32 $0xFFFFC000  }
0x17: {  	[hbm4b:s10+s3] =	stream.linear.scatter [tilespmem:s7], [sflag:$0x2], $0x4000, $0x38;
	[tilespmem:$0x4100] =	vst v63  }
0x18: {  	_ =	swait.ge [sflag:s4], $0x4000  }
0x19: {  	[sflag:s4] =	ssyncset.done $0x0  }
0x1a: {  	s11 =	sadd.s32 $0xEE00, s15;
	[sflag:s4] =	ssyncadd.s32 $0xFFFFC000  }
0x1b: {  	[tilespmem:s7], [sflag:$0x1] =	stream.indirect.gather [hbm4b:s11+s6], $0x80, s3, s6, $0xb8;
	[tilespmem:$0x4100] =	vst v63  }
0x1c: {  	_ =	swait.ge [sflag:s8], $0x4000  }
0x1d: {  	s13 =	sadd.s32 $0x7EE00, s15;
	[sflag:s8] =	ssyncset.done $0x0  }
0x1e: {  	s12 =	sadd.s32 s13, s17;
	[sflag:s8] =	ssyncadd.s32 $0xFFFFC000  }
0x1f: {  	[hbm4b:s12+s3] =	stream.linear.scatter [tilespmem:s7], [sflag:$0x2], $0x4000, $0x38;
	[tilespmem:$0x4100] =	vst v63  }
0x20: {  	_ =	swait.ge [sflag:s4], $0x4000  }
0x21: {  	[sflag:s4] =	ssyncset.done $0x0  }
0x22: {  	[sflag:s4] =	ssyncadd.s32 $0xFFFFC000  }
0x23: {  	[tilespmem:s7], [sflag:$0x1] =	stream.indirect.gather [hbm4b:s11+s6], $0x80, s6, s6, $0xb8;
	[tilespmem:$0x4100] =	vst v63  }
0x24: {  	_ =	swait.ge [sflag:s8], $0x4000  }
0x25: {  	[sflag:s8] =	ssyncset.done $0x0  }
0x26: {  	s13 =	sadd.s32 s13, s18;
	[sflag:s8] =	ssyncadd.s32 $0xFFFFC000  }
0x27: {  	[hbm4b:s13+s3] =	stream.linear.scatter [tilespmem:s7], [sflag:$0x2], $0x4000, $0x38;
	[tilespmem:$0x4100] =	vst v63  }
0x28: {  	_ =	swait.ge [sflag:s4], $0x4000  }
0x29: {  	[sflag:s4] =	ssyncset.done $0x0  }
0x2a: {  	s14 =	sadd.s32 $0x36E00, s15;
	[sflag:s4] =	ssyncadd.s32 $0xFFFFC000  }
0x2b: {  	[tilespmem:s7], [sflag:$0x1] =	stream.indirect.gather [hbm4b:s14+s6], $0x80, s3, s6, $0xb8;
	[tilespmem:$0x4100] =	vst v63  }
0x2c: {  	_ =	swait.ge [sflag:s8], $0x4000  }
0x2d: {  	s19 =	sadd.s32 $0x9EE00, s15;
	[sflag:s8] =	ssyncset.done $0x0  }
0x2e: {  	s16 =	ssub.s32 $0x2, s16;
	s15 =	sadd.s32 s19, s17;
	[sflag:s8] =	ssyncadd.s32 $0xFFFFC000  }
0x2f: {  	[hbm4b:s15+s3] =	stream.linear.scatter [tilespmem:s7], [sflag:$0x2], $0x4000, $0x38;
	[tilespmem:$0x4100] =	vst v63  }
0x30: {  	s31 =	sshrl.u32 s16, $0x1;
	_ =	swait.ge [sflag:s4], $0x4000  }
0x31: {  	s17 =	ssub.s32 s16, s31;
	[sflag:s4] =	ssyncset.done $0x0  }
0x32: {  	s17 =	smax.u32 s17, $0x1;
	[sflag:s4] =	ssyncadd.s32 $0xFFFFC000  }
0x33: {  	[tilespmem:s7], [sflag:$0x1] =	stream.indirect.gather [hbm4b:s14+s6], $0x80, s6, s6, $0xb8;
	[tilespmem:$0x4100] =	vst v63  }
0x34: {  	p0 =	sne.s32 s17, $0x1;
	_ =	swait.ge [sflag:s8], $0x4000  }
.Ltmp0:
0x35: {  	[sflag:s8] =	ssyncset.done $0x0;
	(pc) =	sbr.rel @!p0 .LBB2_2-.Ltmp0, $4  }
0x36: {  	s16 =	sadd.s32 s19, s18;
	[sflag:s8] =	ssyncadd.s32 $0xFFFFC000  }
0x37: {  	[hbm4b:s16+s3] =	stream.linear.scatter [tilespmem:s7], [sflag:$0x2], $0x4000, $0x38;
	[tilespmem:$0x4100] =	vst v63  }
0x38: {  	_ =	swait.ge [sflag:s4], $0x4000  }
0x39: {  	s17 =	sadd.s32 $0xFFFFFFFF, s17;
	[sflag:s4] =	ssyncset.done $0x0  }
.LBB2_1:
0x3a: {  	p0 =	sne.s32 s17, $0x1;
	s17 =	sadd.s32 $0xFFFFFFFF, s17;
	[sflag:s4] =	ssyncadd.s32 $0xFFFFC000  }
0x3b: {  	[tilespmem:s3], [sflag:$0x2] =	stream.linear.gather [hbm4b:s5+s3], $0x100, $0x38;
	[tilespmem:$0x4100] =	vst v63  }
0x3c: {  	_ =	swait.ge [sflag:s4], $0x100  }
0x3d: {  	[sflag:s4] =	ssyncset.done $0x0  }
0x3e: {  	[sflag:s4] =	ssyncadd.s32 $0xFFFFFF00  }
0x3f: {  	[tilespmem:s7], [sflag:$0x1] =	stream.indirect.gather [hbm4b:s1+s6], $0x80, s3, s6, $0xb8;
	[tilespmem:$0x4100] =	vst v63  }
0x40: {  	_ =	swait.ge [sflag:s8], $0x4000  }
0x41: {  	[sflag:s8] =	ssyncset.done $0x0  }
0x42: {  	[sflag:s8] =	ssyncadd.s32 $0xFFFFC000  }
0x43: {  	[hbm4b:s9+s3] =	stream.linear.scatter [tilespmem:s7], [sflag:$0x2], $0x4000, $0x38;
	[tilespmem:$0x4100] =	vst v63  }
0x44: {  	_ =	swait.ge [sflag:s4], $0x4000  }
0x45: {  	[sflag:s4] =	ssyncset.done $0x0  }
0x46: {  	[sflag:s4] =	ssyncadd.s32 $0xFFFFC000  }
0x47: {  	[tilespmem:s7], [sflag:$0x1] =	stream.indirect.gather [hbm4b:s1+s6], $0x80, s6, s6, $0xb8;
	[tilespmem:$0x4100] =	vst v63  }
0x48: {  	_ =	swait.ge [sflag:s8], $0x4000  }
0x49: {  	[sflag:s8] =	ssyncset.done $0x0  }
0x4a: {  	[sflag:s8] =	ssyncadd.s32 $0xFFFFC000  }
0x4b: {  	[hbm4b:s10+s3] =	stream.linear.scatter [tilespmem:s7], [sflag:$0x2], $0x4000, $0x38;
	[tilespmem:$0x4100] =	vst v63  }
0x4c: {  	_ =	swait.ge [sflag:s4], $0x4000  }
0x4d: {  	[sflag:s4] =	ssyncset.done $0x0  }
0x4e: {  	[sflag:s4] =	ssyncadd.s32 $0xFFFFC000  }
0x4f: {  	[tilespmem:s7], [sflag:$0x1] =	stream.indirect.gather [hbm4b:s11+s6], $0x80, s3, s6, $0xb8;
	[tilespmem:$0x4100] =	vst v63  }
0x50: {  	_ =	swait.ge [sflag:s8], $0x4000  }
0x51: {  	[sflag:s8] =	ssyncset.done $0x0  }
0x52: {  	[sflag:s8] =	ssyncadd.s32 $0xFFFFC000  }
0x53: {  	[hbm4b:s12+s3] =	stream.linear.scatter [tilespmem:s7], [sflag:$0x2], $0x4000, $0x38;
	[tilespmem:$0x4100] =	vst v63  }
0x54: {  	_ =	swait.ge [sflag:s4], $0x4000  }
0x55: {  	[sflag:s4] =	ssyncset.done $0x0  }
0x56: {  	[sflag:s4] =	ssyncadd.s32 $0xFFFFC000  }
0x57: {  	[tilespmem:s7], [sflag:$0x1] =	stream.indirect.gather [hbm4b:s11+s6], $0x80, s6, s6, $0xb8;
	[tilespmem:$0x4100] =	vst v63  }
0x58: {  	_ =	swait.ge [sflag:s8], $0x4000  }
0x59: {  	[sflag:s8] =	ssyncset.done $0x0  }
0x5a: {  	[sflag:s8] =	ssyncadd.s32 $0xFFFFC000  }
0x5b: {  	[hbm4b:s13+s3] =	stream.linear.scatter [tilespmem:s7], [sflag:$0x2], $0x4000, $0x38;
	[tilespmem:$0x4100] =	vst v63  }
0x5c: {  	_ =	swait.ge [sflag:s4], $0x4000  }
0x5d: {  	[sflag:s4] =	ssyncset.done $0x0  }
0x5e: {  	[sflag:s4] =	ssyncadd.s32 $0xFFFFC000  }
0x5f: {  	[tilespmem:s7], [sflag:$0x1] =	stream.indirect.gather [hbm4b:s14+s6], $0x80, s3, s6, $0xb8;
	[tilespmem:$0x4100] =	vst v63  }
0x60: {  	_ =	swait.ge [sflag:s8], $0x4000  }
0x61: {  	[sflag:s8] =	ssyncset.done $0x0  }
0x62: {  	[sflag:s8] =	ssyncadd.s32 $0xFFFFC000  }
0x63: {  	[hbm4b:s15+s3] =	stream.linear.scatter [tilespmem:s7], [sflag:$0x2], $0x4000, $0x38;
	[tilespmem:$0x4100] =	vst v63  }
0x64: {  	_ =	swait.ge [sflag:s4], $0x4000  }
0x65: {  	[sflag:s4] =	ssyncset.done $0x0  }
0x66: {  	[sflag:s4] =	ssyncadd.s32 $0xFFFFC000  }
0x67: {  	[tilespmem:s7], [sflag:$0x1] =	stream.indirect.gather [hbm4b:s14+s6], $0x80, s6, s6, $0xb8;
	[tilespmem:$0x4100] =	vst v63  }
0x68: {  	_ =	swait.ge [sflag:s8], $0x4000  }
.Ltmp1:
0x69: {  	[sflag:s8] =	ssyncset.done $0x0;
	(pc) =	sbr.rel @p0 .LBB2_1-.Ltmp1, $4  }
0x6a: {  	[sflag:s8] =	ssyncadd.s32 $0xFFFFC000  }
0x6b: {  	[hbm4b:s16+s3] =	stream.linear.scatter [tilespmem:s7], [sflag:$0x2], $0x4000, $0x38;
	[tilespmem:$0x4100] =	vst v63  }
0x6c: {  	_ =	swait.ge [sflag:s4], $0x4000  }
0x6d: {  	[sflag:s4] =	ssyncset.done $0x0  }
.LBB2_2:
0x6e: {  	[sflag:s4] =	ssyncadd.s32 $0xFFFFC000  }
0x6f: {  	_ =	sfence.sel $0x180000  }
0x70: {  	[bflag:$0x0] =	sbarrier.arrive $0xFFFF  }
0x71: {  	p0 =	sne.s32 s2, $0x0;
	_ =	strace $0x90000059  }
0x72: {  	s0 =	sadd.s32 @!p0 $0x100000, s0;
	[bflag:$0x2] =	sbarrier.arrive $0xFFFF  }
0x73: {  	[sflag:s0] =	ssyncadd.tile.s32 @!p0 $0x1;
	_ =	shalt  }
.Lfunc_end2:
_tile_overlayer_lowered:
.L_overlay_start_2:
0x74: {  	(tag) =	ssettag $0x2  }
0x75: {  	s0 =	rddreg [dreg:$0x0];
	s2 =	stileid.u32  }
0x76: {  	s1 =	rddreg [dreg:$0x1];
	p0 =	sne.s32 s2, $0x0  }
0x77: {  	s3 =	rddreg [dreg:$0x2];
	[bflag:$0x3] =	sbarrier.arrive $0xFFFF;
	s2 =	simm.s32 @!p0 $0x1C02  }
0x78: {  	[timem:s3], [sflag:s2] =	dma.local @!p0 [hbm:s0], s1  }
0x79: {  	s0 =	simm.s32 @!p0 $0x2  }
0x7a: {  	_ =	swait.ge @!p0 [sflag:s0], s1  }
0x7b: {  	s1 =	ssub.s32 @!p0 $0x0, s1;
	[sflag:s0] =	ssyncset.done @!p0 $0x0  }
0x7c: {  	[sflag:s0] =	ssyncadd.s32 @!p0 s1  }
0x7d: {  	[bflag:$0x3] =	sbarrier.arrive $0xFFFF  }
0x7e: {  	_ =	shalt  }

</sc_bundles>
